<compile_context>
chip_gen: v7x
topology: tpu7x:2x2x1
jax: 0.10.2.dev20260603
libtpu: 0.0.44.dev20260713+nightly
codegen_flags: <defaults>
</compile_context>

<pallas_src>
import functools

import jax
import jax.numpy as jnp
from jax import lax
from jax.experimental import pallas as pl
from jax.experimental.pallas import tpu as pltpu
from jax.experimental.pallas import tpu_sc as plsc

E = 8
KTOP = 2
RB = 256
CHUNK = 256
NW = 32
GCH = 32



def _router_plan_kernel(hs_ref, gw_ref, seg_ref,
                        logits_ref, w01_ref, pos0_ref, pos1_ref, be_ref,
                        sgate_ref, r0_ref, oh0_ref, r1_ref, oh1_ref):
    T = hs_ref.shape[0]
    nch = T // CHUNK
    nb = be_ref.shape[1]

    tri = (lax.broadcasted_iota(jnp.int32, (CHUNK, CHUNK), 0)
           > lax.broadcasted_iota(jnp.int32, (CHUNK, CHUNK), 1)
           ).astype(jnp.float32)
    eio = lax.broadcasted_iota(jnp.int32, (CHUNK, E), 1)

    def pass1(c, carry):
        c0, c1 = carry
        sl = pl.ds(c * CHUNK, CHUNK)
        x = hs_ref[sl, :]
        logits = lax.dot_general(x, gw_ref[...], (((1,), (1,)), ((), ())),
                                 preferred_element_type=jnp.float32)
        logits_ref[sl, :] = logits
        sgate_ref[sl, :] = lax.logistic(
            lax.dot_general(x, seg_ref[...], (((1,), (1,)), ((), ())),
                            preferred_element_type=jnp.float32))
        m = jnp.max(logits, axis=1, keepdims=True)
        p = jnp.exp(logits - m)
        p = p / jnp.sum(p, axis=1, keepdims=True)

        top0 = jnp.max(p, axis=1, keepdims=True)
        e0 = jnp.min(jnp.where(p == top0, eio, E), axis=1, keepdims=True)
        oh0 = (eio == e0).astype(jnp.float32)
        pm = jnp.where(oh0 > 0, -1.0, p)
        top1 = jnp.max(pm, axis=1, keepdims=True)
        e1 = jnp.min(jnp.where(pm == top1, eio, E), axis=1, keepdims=True)
        oh1 = (eio == e1).astype(jnp.float32)
        s = top0 + top1
        w01_ref[sl, :] = jnp.concatenate([top0 / s, top1 / s], axis=1)

        cum0 = lax.dot_general(tri, oh0, (((1,), (0,)), ((), ())),
                               preferred_element_type=jnp.float32,
                               precision=lax.Precision.HIGHEST) + c0
        cum1 = lax.dot_general(tri, oh1, (((1,), (0,)), ((), ())),
                               preferred_element_type=jnp.float32,
                               precision=lax.Precision.HIGHEST) + c1
        r0_ref[sl, :] = cum0 * oh0
        oh0_ref[sl, :] = oh0
        r1_ref[sl, :] = cum1 * oh1
        oh1_ref[sl, :] = oh1
        c0 = c0 + jnp.sum(oh0, axis=0, keepdims=True)
        c1 = c1 + jnp.sum(oh1, axis=0, keepdims=True)
        return (c0, c1)

    z = jnp.zeros((1, E), jnp.float32)
    c0, c1 = lax.fori_loop(0, nch, pass1, (z, z))

    counts = c0 + c1
    pc = jnp.ceil(counts / RB) * RB
    trie = (lax.broadcasted_iota(jnp.int32, (E, E), 0)
            < lax.broadcasted_iota(jnp.int32, (E, E), 1)).astype(jnp.float32)
    off = lax.dot_general(pc, trie, (((1,), (0,)), ((), ())),
                          preferred_element_type=jnp.float32,
                          precision=lax.Precision.HIGHEST)

    jio = lax.broadcasted_iota(jnp.int32, (1, nb), 1).astype(jnp.float32)
    be = jnp.zeros((1, nb), jnp.float32)
    for e in range(E):
        start = off[0, e] / RB
        nblk = pc[0, e] / RB
        be = be + e * jnp.where((jio >= start) & (jio < start + nblk), 1.0, 0.0)
    be_ref[...] = be.astype(jnp.int32)

    def pass2(c, _):
        sl = pl.ds(c * CHUNK, CHUNK)
        pos0 = jnp.sum(oh0_ref[sl, :] * off + r0_ref[sl, :],
                       axis=1, keepdims=True)
        pos1 = jnp.sum(oh1_ref[sl, :] * (off + c0) + r1_ref[sl, :],
                       axis=1, keepdims=True)
        pos0_ref[sl, :] = pos0.astype(jnp.int32)
        pos1_ref[sl, :] = pos1.astype(jnp.int32)
        return 0

    lax.fori_loop(0, nch, pass2, 0)


def _router_plan(hs, gate_w, segw, nb):
    T = hs.shape[0]
    out_shapes = (
        jax.ShapeDtypeStruct((T, E), jnp.float32),
        jax.ShapeDtypeStruct((T, KTOP), jnp.float32),
        jax.ShapeDtypeStruct((T, 1), jnp.int32),
        jax.ShapeDtypeStruct((T, 1), jnp.int32),
        jax.ShapeDtypeStruct((1, nb), jnp.int32),
        jax.ShapeDtypeStruct((T, 1), jnp.float32),
    )
    return pl.pallas_call(
        _router_plan_kernel,
        out_shape=out_shapes,
        scratch_shapes=[pltpu.VMEM((T, E), jnp.float32)] * 4,
    )(hs, gate_w, segw)



def _dispatch_body(hs_hbm, pos_hbm, out_hbm, idx_v, rows_v, s0, s1):
    n = pos_hbm.shape[0]
    t = hs_hbm.shape[0]
    per_w = n // NW
    nch = per_w // GCH
    wid = lax.axis_index("s") * 2 + lax.axis_index("c")
    base = wid * per_w
    sems = (s0, s1)

    sdesc = [None, None]
    for c in range(nch):
        cur = c % 2
        b = base + c * GCH
        srow = b - jnp.where(b >= t, t, 0)
        if sdesc[cur] is not None:
            sdesc[cur].wait()
        pltpu.sync_copy(pos_hbm.at[pl.ds(b, GCH)], idx_v.at[cur])
        pltpu.sync_copy(hs_hbm.at[pl.ds(srow, GCH)], rows_v.at[cur])
        sdesc[cur] = pltpu.async_copy(rows_v.at[cur], out_hbm.at[idx_v.at[cur]],
                                      sems[cur])
    for d_ in sdesc:
        if d_ is not None:
            d_.wait()


def _sc_dispatch(hs, pos_flat, p_rows):
    d = hs.shape[1]
    k = pl.kernel(
        _dispatch_body,
        out_type=jax.ShapeDtypeStruct((p_rows, d), hs.dtype),
        mesh=plsc.VectorSubcoreMesh(core_axis_name="c", subcore_axis_name="s"),
        scratch_types=[
            pltpu.VMEM((2, GCH), jnp.int32),
            pltpu.VMEM((2, GCH, d), hs.dtype),
            pltpu.SemaphoreType.DMA,
            pltpu.SemaphoreType.DMA,
        ],
    )
    return k(hs, pos_flat)



def _gather_body(table_hbm, idx_hbm, out_hbm, idx_v, rows_v, g0, g1, o0, o1):
    n = out_hbm.shape[0]
    rows_per_w = n // NW
    nch = rows_per_w // GCH
    wid = lax.axis_index("s") * 2 + lax.axis_index("c")
    base = wid * rows_per_w
    gsem = (g0, g1)
    osem = (o0, o1)

    def start_gather(c):
        b = base + c * GCH
        pltpu.sync_copy(idx_hbm.at[pl.ds(b, GCH)], idx_v.at[c % 2])
        return pltpu.async_copy(table_hbm.at[idx_v.at[c % 2]],
                                rows_v.at[c % 2], gsem[c % 2])

    gdesc = [None, None]
    odesc = [None, None]
    gdesc[0] = start_gather(0)
    for c in range(nch):
        cur = c % 2
        nxt = (c + 1) % 2
        if c + 1 < nch:
            if odesc[nxt] is not None:
                odesc[nxt].wait()
                odesc[nxt] = None
            gdesc[nxt] = start_gather(c + 1)
        gdesc[cur].wait()
        odesc[cur] = pltpu.async_copy(
            rows_v.at[cur], out_hbm.at[pl.ds(base + c * GCH, GCH)], osem[cur])
    for d_ in odesc:
        if d_ is not None:
            d_.wait()


def _sc_gather_rows(table, idx, n_rows):
    d = table.shape[1]
    k = pl.kernel(
        _gather_body,
        out_type=jax.ShapeDtypeStruct((n_rows, d), table.dtype),
        mesh=plsc.VectorSubcoreMesh(core_axis_name="c", subcore_axis_name="s"),
        scratch_types=[
            pltpu.VMEM((2, GCH), jnp.int32),
            pltpu.VMEM((2, GCH, d), table.dtype),
            pltpu.SemaphoreType.DMA,
            pltpu.SemaphoreType.DMA,
            pltpu.SemaphoreType.DMA,
            pltpu.SemaphoreType.DMA,
        ],
    )
    return k(table, idx)



def _expert_mlp_kernel(be_ref, xs_ref, gw_ref, uw_ref, dw_ref, y_ref):
    x = xs_ref[...].astype(jnp.bfloat16)
    g = lax.dot_general(x, gw_ref[0], (((1,), (1,)), ((), ())),
                        preferred_element_type=jnp.float32)
    u = lax.dot_general(x, uw_ref[0], (((1,), (1,)), ((), ())),
                        preferred_element_type=jnp.float32)
    h = (g * lax.logistic(g) * u).astype(jnp.bfloat16)
    y_ref[...] = lax.dot_general(h, dw_ref[0], (((1,), (1,)), ((), ())),
                                 preferred_element_type=jnp.float32)


def _expert_mlp(be, x_sorted, egw, euw, edw):
    p_rows, d = x_sorted.shape
    ff = egw.shape[1]
    nb = p_rows // RB
    grid_spec = pltpu.PrefetchScalarGridSpec(
        num_scalar_prefetch=1,
        grid=(nb,),
        in_specs=[
            pl.BlockSpec((RB, d), lambda i, be: (i, 0)),
            pl.BlockSpec((1, ff, d), lambda i, be: (be[i], 0, 0)),
            pl.BlockSpec((1, ff, d), lambda i, be: (be[i], 0, 0)),
            pl.BlockSpec((1, d, ff), lambda i, be: (be[i], 0, 0)),
        ],
        out_specs=pl.BlockSpec((RB, d), lambda i, be: (i, 0)),
    )
    return pl.pallas_call(
        _expert_mlp_kernel,
        grid_spec=grid_spec,
        out_shape=jax.ShapeDtypeStruct((p_rows, d), jnp.float32),
        compiler_params=pltpu.CompilerParams(vmem_limit_bytes=128 * 1024 * 1024),
    )(be, x_sorted, egw, euw, edw)



def _shared_combine_kernel(hs_ref, y0_ref, y1_ref, w_ref, sgate_ref,
                           sg_ref, su_ref, sd_ref, out_ref):
    x16 = hs_ref[...].astype(jnp.bfloat16)
    g = lax.dot_general(x16, sg_ref[...], (((1,), (1,)), ((), ())),
                        preferred_element_type=jnp.float32)
    u = lax.dot_general(x16, su_ref[...], (((1,), (1,)), ((), ())),
                        preferred_element_type=jnp.float32)
    h = (g * lax.logistic(g) * u).astype(jnp.bfloat16)
    s = lax.dot_general(h, sd_ref[...], (((1,), (1,)), ((), ())),
                        preferred_element_type=jnp.float32)
    w = w_ref[...]
    out_ref[...] = (w[:, 0:1] * y0_ref[...] + w[:, 1:2] * y1_ref[...]
                    + sgate_ref[...] * s)


def _shared_combine(hs, yg, w01, sgate, sgw, suw, sdw):
    T, d = hs.shape
    ff = sgw.shape[0]
    nch = T // CHUNK
    return pl.pallas_call(
        _shared_combine_kernel,
        grid=(nch,),
        in_specs=[
            pl.BlockSpec((CHUNK, d), lambda i: (i, 0)),
            pl.BlockSpec((CHUNK, d), lambda i: (i, 0)),
            pl.BlockSpec((CHUNK, d), lambda i: (i + nch, 0)),
            pl.BlockSpec((CHUNK, KTOP), lambda i: (i, 0)),
            pl.BlockSpec((CHUNK, 1), lambda i: (i, 0)),
            pl.BlockSpec((ff, d), lambda i: (0, 0)),
            pl.BlockSpec((ff, d), lambda i: (0, 0)),
            pl.BlockSpec((d, ff), lambda i: (0, 0)),
        ],
        out_specs=pl.BlockSpec((CHUNK, d), lambda i: (i, 0)),
        out_shape=jax.ShapeDtypeStruct((T, d), jnp.float32),
        compiler_params=pltpu.CompilerParams(vmem_limit_bytes=128 * 1024 * 1024),
    )(hs, yg, yg, w01, sgate, sgw, suw, sdw)



def kernel(hidden_states, gate_w, expert_gate_w, expert_up_w, expert_down_w,
           shared_gate_w, shared_up_w, shared_down_w, shared_expert_gate_w):
    B, S, Dm = hidden_states.shape
    hs = hidden_states.reshape(-1, Dm)
    T = hs.shape[0]
    nb = (KTOP * T + E * RB) // RB
    p_rows = nb * RB

    logits, w01, pos0, pos1, be, sgate = _router_plan(
        hs, gate_w, shared_expert_gate_w, nb)

    pos_flat = jnp.concatenate([pos0[:, 0], pos1[:, 0]])

    x_sorted = _sc_dispatch(hs, pos_flat, p_rows)
    y_sorted = _expert_mlp(be.reshape(nb), x_sorted,
                           expert_gate_w.astype(jnp.bfloat16),
                           expert_up_w.astype(jnp.bfloat16),
                           expert_down_w.astype(jnp.bfloat16))
    yg = _sc_gather_rows(y_sorted, pos_flat, KTOP * T)
    final = _shared_combine(hs, yg, w01, sgate,
                            shared_gate_w.astype(jnp.bfloat16),
                            shared_up_w.astype(jnp.bfloat16),
                            shared_down_w.astype(jnp.bfloat16))
    return final.reshape(B, S, Dm), logits

# --- scband reference (transcript-rebuilt; emitter-appended) ---
"""Pipeline reference for scband-quant-moe-block-38689065402897 (READ-ONLY COPY).

The authoritative reference and input builder live on the scoring server;
editing this copy changes nothing except your own understanding.
"""

import jax, jax.numpy as jnp
import numpy as np

E = 8
K = 2
D = 1024
FF = 2816


def setup_inputs(seed: int = 0) -> dict:
    key = jax.random.key(seed)
    ks = jax.random.split(key, 9)
    inp = {
        "hidden_states": jax.random.normal(ks[0], (2, 2048, D), dtype=jnp.float32),
        "gate_w": jax.random.normal(ks[1], (E, D), dtype=jnp.float32) * 0.02,
        "expert_gate_w": jax.random.normal(ks[2], (E, FF, D), dtype=jnp.float32) * 0.02,
        "expert_up_w": jax.random.normal(ks[3], (E, FF, D), dtype=jnp.float32) * 0.02,
        "expert_down_w": jax.random.normal(ks[4], (E, D, FF), dtype=jnp.float32) * 0.02,
        "shared_gate_w": jax.random.normal(ks[5], (FF, D), dtype=jnp.float32) * 0.02,
        "shared_up_w": jax.random.normal(ks[6], (FF, D), dtype=jnp.float32) * 0.02,
        "shared_down_w": jax.random.normal(ks[7], (D, FF), dtype=jnp.float32) * 0.02,
        "shared_expert_gate_w": jax.random.normal(ks[8], (1, D), dtype=jnp.float32) * 0.02,
    }
    return inp


def _mlp(x, gw, uw, dw):
    # down_proj(silu(gate_proj(x)) * up_proj(x))
    gate = x @ gw.T
    up = x @ uw.T
    return (jax.nn.silu(gate) * up) @ dw.T


def reference(hidden_states, gate_w, expert_gate_w, expert_up_w, expert_down_w,
              shared_gate_w, shared_up_w, shared_down_w, shared_expert_gate_w):
    B, S, Dm = hidden_states.shape
    hs = hidden_states.reshape(-1, Dm)
    T = hs.shape[0]

    router_logits = hs @ gate_w.T  # [T, E]
    routing_weights = jax.nn.softmax(router_logits.astype(jnp.float32), axis=1)
    topw, selected_experts = jax.lax.top_k(routing_weights, K)
    # norm_topk_prob = True
    topw = topw / jnp.sum(topw, axis=-1, keepdims=True)
    topw = topw.astype(hs.dtype)

    # combined per-token per-expert weight (equivalent to one_hot/scatter path)
    w_full = jnp.zeros((T, E), dtype=hs.dtype).at[jnp.arange(T)[:, None], selected_experts].add(topw)

    final = jnp.zeros((T, Dm), dtype=hs.dtype)
    for e in range(E):
        out_e = _mlp(hs, expert_gate_w[e], expert_up_w[e], expert_down_w[e])
        final = final + out_e * w_full[:, e:e + 1]

    shared_out = _mlp(hs, shared_gate_w, shared_up_w, shared_down_w)
    shared_out = jax.nn.sigmoid(hs @ shared_expert_gate_w.T) * shared_out
    final = final + shared_out

    final = final.reshape(B, S, Dm)
    return final, router_logits

if __name__ == "__main__":
    import jax
    _d = setup_inputs()
    print(jax.jit(kernel)(*tuple(_d.values())))

</pallas_src>

<mosaic_0001>
#map = affine_map<(d0, d1) -> (0, 0)>
#map1 = affine_map<(d0, d1) -> (0)>
module attributes {stable_mosaic.version = 14 : i64} {
  func.func @_gather_body(%arg0: i32, %arg1: i32, %arg2: memref<10240x1024xf32, #tpu.memory_space<hbm>>, %arg3: memref<8192xi32, #tpu.memory_space<hbm>>, %arg4: memref<8192x1024xf32, #tpu.memory_space<hbm>>, %arg5: memref<2x32xi32, #tpu.memory_space<vmem>>, %arg6: memref<2x32x1024xf32, #tpu.memory_space<vmem>>, %arg7: memref<!tpu.dma_semaphore, #tpu.memory_space<semaphore_mem>>, %arg8: memref<!tpu.dma_semaphore, #tpu.memory_space<semaphore_mem>>, %arg9: memref<!tpu.dma_semaphore, #tpu.memory_space<semaphore_mem>>, %arg10: memref<!tpu.dma_semaphore, #tpu.memory_space<semaphore_mem>>) attributes {dimension_semantics = [#tpu.dimension_semantics<core_parallel>, #tpu.dimension_semantics<subcore_parallel>], iteration_bounds = array<i64: 2, 16>, scalar_prefetch = 0 : i64, scratch_operands = 6 : i64, tpu.core_type = #tpu.core_type<sc_vector_subcore>, window_params = [{transform_indices = #map}, {transform_indices = #map1}, {transform_indices = #map}]} {
    %mul3A = arith.constant 2 : i32
    %mul3A_0 = arith.muli %arg1, %mul3A : i32
    %add3A = arith.addi %mul3A_0, %arg0 : i32
    %mul3A_1 = arith.constant 256 : i32
    %mul3A_2 = arith.muli %add3A, %mul3A_1 : i32
    %add3A_3 = arith.constant 0 : i32
    %add3A_4 = arith.addi %mul3A_2, %add3A_3 : i32
    %run_scoped3A = arith.constant 0 : i32
    "tpu.region"() ({
      %run_scoped3A_440 = tpu.sem_alloc : memref<!tpu.dma_semaphore, #tpu.memory_space<semaphore_mem>>
      %dma_start3A_441 = arith.constant 0 : i32
      %dma_start3A_442 = tpu.memref_slice %arg5[%run_scoped3A, %dma_start3A_441] : memref<2x32xi32, #tpu.memory_space<vmem>> -> memref<1x32xi32, #tpu.memory_space<vmem>>
      %dma_start3A_443 = tpu.memref_squeeze %dma_start3A_442 : memref<1x32xi32, #tpu.memory_space<vmem>> -> memref<32xi32, #tpu.memory_space<vmem>>
      %dma_start3A_444 = tpu.memref_slice %arg3[%add3A_4] : memref<8192xi32, #tpu.memory_space<hbm>> -> memref<32xi32, #tpu.memory_space<hbm>>
      %dma_start3A_445 = arith.constant 0 : i32
      %dma_start3A_446 = tpu.memref_slice %arg5[%run_scoped3A, %dma_start3A_445] : memref<2x32xi32, #tpu.memory_space<vmem>> -> memref<1x32xi32, #tpu.memory_space<vmem>>
      %dma_start3A_447 = tpu.memref_squeeze %dma_start3A_446 : memref<1x32xi32, #tpu.memory_space<vmem>> -> memref<32xi32, #tpu.memory_space<vmem>>
      %dma_start3A_448 = tpu.memref_slice %arg3[%add3A_4] : memref<8192xi32, #tpu.memory_space<hbm>> -> memref<32xi32, #tpu.memory_space<hbm>>
      tpu.enqueue_dma source(%dma_start3A_448 : memref<32xi32, #tpu.memory_space<hbm>>) target(%dma_start3A_447 : memref<32xi32, #tpu.memory_space<vmem>>) target_semaphore(%run_scoped3A_440 : memref<!tpu.dma_semaphore, #tpu.memory_space<semaphore_mem>>)
      %dma_wait3A_449 = arith.constant 0 : i32
      %dma_wait3A_450 = tpu.memref_slice %arg5[%run_scoped3A, %dma_wait3A_449] : memref<2x32xi32, #tpu.memory_space<vmem>> -> memref<1x32xi32, #tpu.memory_space<vmem>>
      %dma_wait3A_451 = tpu.memref_squeeze %dma_wait3A_450 : memref<1x32xi32, #tpu.memory_space<vmem>> -> memref<32xi32, #tpu.memory_space<vmem>>
      %dma_wait3A_452 = tpu.memref_slice %arg3[%add3A_4] : memref<8192xi32, #tpu.memory_space<hbm>> -> memref<32xi32, #tpu.memory_space<hbm>>
      %dma_wait3A_453 = arith.constant 0 : i32
      %dma_wait3A_454 = tpu.memref_slice %arg5[%run_scoped3A, %dma_wait3A_453] : memref<2x32xi32, #tpu.memory_space<vmem>> -> memref<1x32xi32, #tpu.memory_space<vmem>>
      %dma_wait3A_455 = tpu.memref_squeeze %dma_wait3A_454 : memref<1x32xi32, #tpu.memory_space<vmem>> -> memref<32xi32, #tpu.memory_space<vmem>>
      %dma_wait3A_456 = tpu.memref_slice %arg3[%add3A_4] : memref<8192xi32, #tpu.memory_space<hbm>> -> memref<32xi32, #tpu.memory_space<hbm>>
      tpu.wait_dma2 semaphore(%run_scoped3A_440 : memref<!tpu.dma_semaphore, #tpu.memory_space<semaphore_mem>>) src(%dma_wait3A_456 : memref<32xi32, #tpu.memory_space<hbm>>) dst(%dma_wait3A_455 : memref<32xi32, #tpu.memory_space<vmem>>)
      tpu.yield
    }) : () -> ()
    %dma_start3A = arith.constant 0 : i32
    %dma_start3A_5 = arith.constant 0 : i32
    %dma_start3A_6 = arith.constant 0 : i32
    %dma_start3A_7 = arith.constant 0 : i32
    %dma_start3A_8 = tpu.memref_slice %arg6[%dma_start3A_5, %dma_start3A_6, %dma_start3A_7] : memref<2x32x1024xf32, #tpu.memory_space<vmem>> -> memref<1x32x1024xf32, #tpu.memory_space<vmem>>
    %dma_start3A_9 = tpu.memref_squeeze %dma_start3A_8 : memref<1x32x1024xf32, #tpu.memory_space<vmem>> -> memref<32x1024xf32, #tpu.memory_space<vmem>>
    %dma_start3A_10 = arith.constant 0 : i32
    %dma_start3A_11 = tpu.memref_slice %arg5[%dma_start3A, %dma_start3A_10] : memref<2x32xi32, #tpu.memory_space<vmem>> -> memref<1x32xi32, #tpu.memory_space<vmem>>
    %dma_start3A_12 = tpu.memref_squeeze %dma_start3A_11 : memref<1x32xi32, #tpu.memory_space<vmem>> -> memref<32xi32, #tpu.memory_space<vmem>>
    %dma_start3A_13 = arith.constant 0 : i32
    %dma_start3A_14 = arith.constant 0 : i32
    %dma_start3A_15 = tpu.memref_slice %arg2[%dma_start3A_13, %dma_start3A_14] : memref<10240x1024xf32, #tpu.memory_space<hbm>> -> memref<10240x1024xf32, #tpu.memory_space<hbm>>
    tpu.enqueue_indirect_dma source(%dma_start3A_15 : memref<10240x1024xf32, #tpu.memory_space<hbm>>) target(%dma_start3A_9 : memref<32x1024xf32, #tpu.memory_space<vmem>>) offsets(%dma_start3A_12 : memref<32xi32, #tpu.memory_space<vmem>>) semaphore(%arg7 : memref<!tpu.dma_semaphore, #tpu.memory_space<semaphore_mem>>)
    %add3A_16 = arith.constant 32 : i32
    %add3A_17 = arith.addi %mul3A_2, %add3A_16 : i32
    %run_scoped3A_18 = arith.constant 1 : i32
    "tpu.region"() ({
      %run_scoped3A_440 = tpu.sem_alloc : memref<!tpu.dma_semaphore, #tpu.memory_space<semaphore_mem>>
      %dma_start3A_441 = arith.constant 0 : i32
      %dma_start3A_442 = tpu.memref_slice %arg5[%run_scoped3A_18, %dma_start3A_441] : memref<2x32xi32, #tpu.memory_space<vmem>> -> memref<1x32xi32, #tpu.memory_space<vmem>>
      %dma_start3A_443 = tpu.memref_squeeze %dma_start3A_442 : memref<1x32xi32, #tpu.memory_space<vmem>> -> memref<32xi32, #tpu.memory_space<vmem>>
      %dma_start3A_444 = tpu.memref_slice %arg3[%add3A_17] : memref<8192xi32, #tpu.memory_space<hbm>> -> memref<32xi32, #tpu.memory_space<hbm>>
      %dma_start3A_445 = arith.constant 0 : i32
      %dma_start3A_446 = tpu.memref_slice %arg5[%run_scoped3A_18, %dma_start3A_445] : memref<2x32xi32, #tpu.memory_space<vmem>> -> memref<1x32xi32, #tpu.memory_space<vmem>>
      %dma_start3A_447 = tpu.memref_squeeze %dma_start3A_446 : memref<1x32xi32, #tpu.memory_space<vmem>> -> memref<32xi32, #tpu.memory_space<vmem>>
      %dma_start3A_448 = tpu.memref_slice %arg3[%add3A_17] : memref<8192xi32, #tpu.memory_space<hbm>> -> memref<32xi32, #tpu.memory_space<hbm>>
      tpu.enqueue_dma source(%dma_start3A_448 : memref<32xi32, #tpu.memory_space<hbm>>) target(%dma_start3A_447 : memref<32xi32, #tpu.memory_space<vmem>>) target_semaphore(%run_scoped3A_440 : memref<!tpu.dma_semaphore, #tpu.memory_space<semaphore_mem>>)
      %dma_wait3A_449 = arith.constant 0 : i32
      %dma_wait3A_450 = tpu.memref_slice %arg5[%run_scoped3A_18, %dma_wait3A_449] : memref<2x32xi32, #tpu.memory_space<vmem>> -> memref<1x32xi32, #tpu.memory_space<vmem>>
      %dma_wait3A_451 = tpu.memref_squeeze %dma_wait3A_450 : memref<1x32xi32, #tpu.memory_space<vmem>> -> memref<32xi32, #tpu.memory_space<vmem>>
      %dma_wait3A_452 = tpu.memref_slice %arg3[%add3A_17] : memref<8192xi32, #tpu.memory_space<hbm>> -> memref<32xi32, #tpu.memory_space<hbm>>
      %dma_wait3A_453 = arith.constant 0 : i32
      %dma_wait3A_454 = tpu.memref_slice %arg5[%run_scoped3A_18, %dma_wait3A_453] : memref<2x32xi32, #tpu.memory_space<vmem>> -> memref<1x32xi32, #tpu.memory_space<vmem>>
      %dma_wait3A_455 = tpu.memref_squeeze %dma_wait3A_454 : memref<1x32xi32, #tpu.memory_space<vmem>> -> memref<32xi32, #tpu.memory_space<vmem>>
      %dma_wait3A_456 = tpu.memref_slice %arg3[%add3A_17] : memref<8192xi32, #tpu.memory_space<hbm>> -> memref<32xi32, #tpu.memory_space<hbm>>
      tpu.wait_dma2 semaphore(%run_scoped3A_440 : memref<!tpu.dma_semaphore, #tpu.memory_space<semaphore_mem>>) src(%dma_wait3A_456 : memref<32xi32, #tpu.memory_space<hbm>>) dst(%dma_wait3A_455 : memref<32xi32, #tpu.memory_space<vmem>>)
      tpu.yield
    }) : () -> ()
    %dma_start3A_19 = arith.constant 1 : i32
    %dma_start3A_20 = arith.constant 1 : i32
    %dma_start3A_21 = arith.constant 0 : i32
    %dma_start3A_22 = arith.constant 0 : i32
    %dma_start3A_23 = tpu.memref_slice %arg6[%dma_start3A_20, %dma_start3A_21, %dma_start3A_22] : memref<2x32x1024xf32, #tpu.memory_space<vmem>> -> memref<1x32x1024xf32, #tpu.memory_space<vmem>>
    %dma_start3A_24 = tpu.memref_squeeze %dma_start3A_23 : memref<1x32x1024xf32, #tpu.memory_space<vmem>> -> memref<32x1024xf32, #tpu.memory_space<vmem>>
    %dma_start3A_25 = arith.constant 0 : i32
    %dma_start3A_26 = tpu.memref_slice %arg5[%dma_start3A_19, %dma_start3A_25] : memref<2x32xi32, #tpu.memory_space<vmem>> -> memref<1x32xi32, #tpu.memory_space<vmem>>
    %dma_start3A_27 = tpu.memref_squeeze %dma_start3A_26 : memref<1x32xi32, #tpu.memory_space<vmem>> -> memref<32xi32, #tpu.memory_space<vmem>>
    %dma_start3A_28 = arith.constant 0 : i32
    %dma_start3A_29 = arith.constant 0 : i32
    %dma_start3A_30 = tpu.memref_slice %arg2[%dma_start3A_28, %dma_start3A_29] : memref<10240x1024xf32, #tpu.memory_space<hbm>> -> memref<10240x1024xf32, #tpu.memory_space<hbm>>
    tpu.enqueue_indirect_dma source(%dma_start3A_30 : memref<10240x1024xf32, #tpu.memory_space<hbm>>) target(%dma_start3A_24 : memref<32x1024xf32, #tpu.memory_space<vmem>>) offsets(%dma_start3A_27 : memref<32xi32, #tpu.memory_space<vmem>>) semaphore(%arg8 : memref<!tpu.dma_semaphore, #tpu.memory_space<semaphore_mem>>)
    %dma_wait3A = arith.constant 0 : i32
    %dma_wait3A_31 = arith.constant 0 : i32
    %dma_wait3A_32 = arith.constant 0 : i32
    %dma_wait3A_33 = arith.constant 0 : i32
    %dma_wait3A_34 = tpu.memref_slice %arg6[%dma_wait3A_31, %dma_wait3A_32, %dma_wait3A_33] : memref<2x32x1024xf32, #tpu.memory_space<vmem>> -> memref<1x32x1024xf32, #tpu.memory_space<vmem>>
    %dma_wait3A_35 = tpu.memref_squeeze %dma_wait3A_34 : memref<1x32x1024xf32, #tpu.memory_space<vmem>> -> memref<32x1024xf32, #tpu.memory_space<vmem>>
    %dma_wait3A_36 = arith.constant 0 : i32
    %dma_wait3A_37 = tpu.memref_slice %arg5[%dma_wait3A, %dma_wait3A_36] : memref<2x32xi32, #tpu.memory_space<vmem>> -> memref<1x32xi32, #tpu.memory_space<vmem>>
    %dma_wait3A_38 = tpu.memref_squeeze %dma_wait3A_37 : memref<1x32xi32, #tpu.memory_space<vmem>> -> memref<32xi32, #tpu.memory_space<vmem>>
    %dma_wait3A_39 = arith.constant 0 : i32
    %dma_wait3A_40 = arith.constant 0 : i32
    %dma_wait3A_41 = tpu.memref_slice %arg2[%dma_wait3A_39, %dma_wait3A_40] : memref<10240x1024xf32, #tpu.memory_space<hbm>> -> memref<10240x1024xf32, #tpu.memory_space<hbm>>
    tpu.wait_indirect_dma semaphore(%arg7 : memref<!tpu.dma_semaphore, #tpu.memory_space<semaphore_mem>>) src(%dma_wait3A_41 : memref<10240x1024xf32, #tpu.memory_space<hbm>>) dst(%dma_wait3A_35 : memref<32x1024xf32, #tpu.memory_space<vmem>>)
    %add3A_42 = arith.constant 0 : i32
    %add3A_43 = arith.addi %mul3A_2, %add3A_42 : i32
    %dma_start3A_44 = arith.constant 0 : i32
    %dma_start3A_45 = arith.constant 0 : i32
    %dma_start3A_46 = arith.constant 0 : i32
    %dma_start3A_47 = tpu.memref_slice %arg6[%dma_start3A_44, %dma_start3A_45, %dma_start3A_46] : memref<2x32x1024xf32, #tpu.memory_space<vmem>> -> memref<1x32x1024xf32, #tpu.memory_space<vmem>>
    %dma_start3A_48 = tpu.memref_squeeze %dma_start3A_47 : memref<1x32x1024xf32, #tpu.memory_space<vmem>> -> memref<32x1024xf32, #tpu.memory_space<vmem>>
    %dma_start3A_49 = arith.constant 0 : i32
    %dma_start3A_50 = tpu.memref_slice %arg4[%add3A_43, %dma_start3A_49] : memref<8192x1024xf32, #tpu.memory_space<hbm>> -> memref<32x1024xf32, #tpu.memory_space<hbm>>
    %dma_start3A_51 = arith.constant 0 : i32
    %dma_start3A_52 = tpu.memref_slice %arg4[%add3A_43, %dma_start3A_51] : memref<8192x1024xf32, #tpu.memory_space<hbm>> -> memref<32x1024xf32, #tpu.memory_space<hbm>>
    %dma_start3A_53 = arith.constant 0 : i32
    %dma_start3A_54 = arith.constant 0 : i32
    %dma_start3A_55 = tpu.memref_slice %arg6[%dma_start3A_44, %dma_start3A_53, %dma_start3A_54] : memref<2x32x1024xf32, #tpu.memory_space<vmem>> -> memref<1x32x1024xf32, #tpu.memory_space<vmem>>
    %dma_start3A_56 = tpu.memref_squeeze %dma_start3A_55 : memref<1x32x1024xf32, #tpu.memory_space<vmem>> -> memref<32x1024xf32, #tpu.memory_space<vmem>>
    tpu.enqueue_dma source(%dma_start3A_56 : memref<32x1024xf32, #tpu.memory_space<vmem>>) target(%dma_start3A_52 : memref<32x1024xf32, #tpu.memory_space<hbm>>) target_semaphore(%arg9 : memref<!tpu.dma_semaphore, #tpu.memory_space<semaphore_mem>>)
    %dma_wait3A_57 = arith.constant 0 : i32
    %dma_wait3A_58 = arith.constant 0 : i32
    %dma_wait3A_59 = arith.constant 0 : i32
    %dma_wait3A_60 = tpu.memref_slice %arg6[%dma_wait3A_57, %dma_wait3A_58, %dma_wait3A_59] : memref<2x32x1024xf32, #tpu.memory_space<vmem>> -> memref<1x32x1024xf32, #tpu.memory_space<vmem>>
    %dma_wait3A_61 = tpu.memref_squeeze %dma_wait3A_60 : memref<1x32x1024xf32, #tpu.memory_space<vmem>> -> memref<32x1024xf32, #tpu.memory_space<vmem>>
    %dma_wait3A_62 = arith.constant 0 : i32
    %dma_wait3A_63 = tpu.memref_slice %arg4[%add3A_43, %dma_wait3A_62] : memref<8192x1024xf32, #tpu.memory_space<hbm>> -> memref<32x1024xf32, #tpu.memory_space<hbm>>
    %dma_wait3A_64 = arith.constant 0 : i32
    %dma_wait3A_65 = tpu.memref_slice %arg4[%add3A_43, %dma_wait3A_64] : memref<8192x1024xf32, #tpu.memory_space<hbm>> -> memref<32x1024xf32, #tpu.memory_space<hbm>>
    %dma_wait3A_66 = arith.constant 0 : i32
    %dma_wait3A_67 = arith.constant 0 : i32
    %dma_wait3A_68 = tpu.memref_slice %arg6[%dma_wait3A_57, %dma_wait3A_66, %dma_wait3A_67] : memref<2x32x1024xf32, #tpu.memory_space<vmem>> -> memref<1x32x1024xf32, #tpu.memory_space<vmem>>
    %dma_wait3A_69 = tpu.memref_squeeze %dma_wait3A_68 : memref<1x32x1024xf32, #tpu.memory_space<vmem>> -> memref<32x1024xf32, #tpu.memory_space<vmem>>
    tpu.wait_dma2 semaphore(%arg9 : memref<!tpu.dma_semaphore, #tpu.memory_space<semaphore_mem>>) src(%dma_wait3A_69 : memref<32x1024xf32, #tpu.memory_space<vmem>>) dst(%dma_wait3A_65 : memref<32x1024xf32, #tpu.memory_space<hbm>>)
    %add3A_70 = arith.constant 64 : i32
    %add3A_71 = arith.addi %mul3A_2, %add3A_70 : i32
    %run_scoped3A_72 = arith.constant 0 : i32
    "tpu.region"() ({
      %run_scoped3A_440 = tpu.sem_alloc : memref<!tpu.dma_semaphore, #tpu.memory_space<semaphore_mem>>
      %dma_start3A_441 = arith.constant 0 : i32
      %dma_start3A_442 = tpu.memref_slice %arg5[%run_scoped3A_72, %dma_start3A_441] : memref<2x32xi32, #tpu.memory_space<vmem>> -> memref<1x32xi32, #tpu.memory_space<vmem>>
      %dma_start3A_443 = tpu.memref_squeeze %dma_start3A_442 : memref<1x32xi32, #tpu.memory_space<vmem>> -> memref<32xi32, #tpu.memory_space<vmem>>
      %dma_start3A_444 = tpu.memref_slice %arg3[%add3A_71] : memref<8192xi32, #tpu.memory_space<hbm>> -> memref<32xi32, #tpu.memory_space<hbm>>
      %dma_start3A_445 = arith.constant 0 : i32
      %dma_start3A_446 = tpu.memref_slice %arg5[%run_scoped3A_72, %dma_start3A_445] : memref<2x32xi32, #tpu.memory_space<vmem>> -> memref<1x32xi32, #tpu.memory_space<vmem>>
      %dma_start3A_447 = tpu.memref_squeeze %dma_start3A_446 : memref<1x32xi32, #tpu.memory_space<vmem>> -> memref<32xi32, #tpu.memory_space<vmem>>
      %dma_start3A_448 = tpu.memref_slice %arg3[%add3A_71] : memref<8192xi32, #tpu.memory_space<hbm>> -> memref<32xi32, #tpu.memory_space<hbm>>
      tpu.enqueue_dma source(%dma_start3A_448 : memref<32xi32, #tpu.memory_space<hbm>>) target(%dma_start3A_447 : memref<32xi32, #tpu.memory_space<vmem>>) target_semaphore(%run_scoped3A_440 : memref<!tpu.dma_semaphore, #tpu.memory_space<semaphore_mem>>)
      %dma_wait3A_449 = arith.constant 0 : i32
      %dma_wait3A_450 = tpu.memref_slice %arg5[%run_scoped3A_72, %dma_wait3A_449] : memref<2x32xi32, #tpu.memory_space<vmem>> -> memref<1x32xi32, #tpu.memory_space<vmem>>
      %dma_wait3A_451 = tpu.memref_squeeze %dma_wait3A_450 : memref<1x32xi32, #tpu.memory_space<vmem>> -> memref<32xi32, #tpu.memory_space<vmem>>
      %dma_wait3A_452 = tpu.memref_slice %arg3[%add3A_71] : memref<8192xi32, #tpu.memory_space<hbm>> -> memref<32xi32, #tpu.memory_space<hbm>>
      %dma_wait3A_453 = arith.constant 0 : i32
      %dma_wait3A_454 = tpu.memref_slice %arg5[%run_scoped3A_72, %dma_wait3A_453] : memref<2x32xi32, #tpu.memory_space<vmem>> -> memref<1x32xi32, #tpu.memory_space<vmem>>
      %dma_wait3A_455 = tpu.memref_squeeze %dma_wait3A_454 : memref<1x32xi32, #tpu.memory_space<vmem>> -> memref<32xi32, #tpu.memory_space<vmem>>
      %dma_wait3A_456 = tpu.memref_slice %arg3[%add3A_71] : memref<8192xi32, #tpu.memory_space<hbm>> -> memref<32xi32, #tpu.memory_space<hbm>>
      tpu.wait_dma2 semaphore(%run_scoped3A_440 : memref<!tpu.dma_semaphore, #tpu.memory_space<semaphore_mem>>) src(%dma_wait3A_456 : memref<32xi32, #tpu.memory_space<hbm>>) dst(%dma_wait3A_455 : memref<32xi32, #tpu.memory_space<vmem>>)
      tpu.yield
    }) : () -> ()
    %dma_start3A_73 = arith.constant 0 : i32
    %dma_start3A_74 = arith.constant 0 : i32
    %dma_start3A_75 = arith.constant 0 : i32
    %dma_start3A_76 = arith.constant 0 : i32
    %dma_start3A_77 = tpu.memref_slice %arg6[%dma_start3A_74, %dma_start3A_75, %dma_start3A_76] : memref<2x32x1024xf32, #tpu.memory_space<vmem>> -> memref<1x32x1024xf32, #tpu.memory_space<vmem>>
    %dma_start3A_78 = tpu.memref_squeeze %dma_start3A_77 : memref<1x32x1024xf32, #tpu.memory_space<vmem>> -> memref<32x1024xf32, #tpu.memory_space<vmem>>
    %dma_start3A_79 = arith.constant 0 : i32
    %dma_start3A_80 = tpu.memref_slice %arg5[%dma_start3A_73, %dma_start3A_79] : memref<2x32xi32, #tpu.memory_space<vmem>> -> memref<1x32xi32, #tpu.memory_space<vmem>>
    %dma_start3A_81 = tpu.memref_squeeze %dma_start3A_80 : memref<1x32xi32, #tpu.memory_space<vmem>> -> memref<32xi32, #tpu.memory_space<vmem>>
    %dma_start3A_82 = arith.constant 0 : i32
    %dma_start3A_83 = arith.constant 0 : i32
    %dma_start3A_84 = tpu.memref_slice %arg2[%dma_start3A_82, %dma_start3A_83] : memref<10240x1024xf32, #tpu.memory_space<hbm>> -> memref<10240x1024xf32, #tpu.memory_space<hbm>>
    tpu.enqueue_indirect_dma source(%dma_start3A_84 : memref<10240x1024xf32, #tpu.memory_space<hbm>>) target(%dma_start3A_78 : memref<32x1024xf32, #tpu.memory_space<vmem>>) offsets(%dma_start3A_81 : memref<32xi32, #tpu.memory_space<vmem>>) semaphore(%arg7 : memref<!tpu.dma_semaphore, #tpu.memory_space<semaphore_mem>>)
    %dma_wait3A_85 = arith.constant 1 : i32
    %dma_wait3A_86 = arith.constant 1 : i32
    %dma_wait3A_87 = arith.constant 0 : i32
    %dma_wait3A_88 = arith.constant 0 : i32
    %dma_wait3A_89 = tpu.memref_slice %arg6[%dma_wait3A_86, %dma_wait3A_87, %dma_wait3A_88] : memref<2x32x1024xf32, #tpu.memory_space<vmem>> -> memref<1x32x1024xf32, #tpu.memory_space<vmem>>
    %dma_wait3A_90 = tpu.memref_squeeze %dma_wait3A_89 : memref<1x32x1024xf32, #tpu.memory_space<vmem>> -> memref<32x1024xf32, #tpu.memory_space<vmem>>
    %dma_wait3A_91 = arith.constant 0 : i32
    %dma_wait3A_92 = tpu.memref_slice %arg5[%dma_wait3A_85, %dma_wait3A_91] : memref<2x32xi32, #tpu.memory_space<vmem>> -> memref<1x32xi32, #tpu.memory_space<vmem>>
    %dma_wait3A_93 = tpu.memref_squeeze %dma_wait3A_92 : memref<1x32xi32, #tpu.memory_space<vmem>> -> memref<32xi32, #tpu.memory_space<vmem>>
    %dma_wait3A_94 = arith.constant 0 : i32
    %dma_wait3A_95 = arith.constant 0 : i32
    %dma_wait3A_96 = tpu.memref_slice %arg2[%dma_wait3A_94, %dma_wait3A_95] : memref<10240x1024xf32, #tpu.memory_space<hbm>> -> memref<10240x1024xf32, #tpu.memory_space<hbm>>
    tpu.wait_indirect_dma semaphore(%arg8 : memref<!tpu.dma_semaphore, #tpu.memory_space<semaphore_mem>>) src(%dma_wait3A_96 : memref<10240x1024xf32, #tpu.memory_space<hbm>>) dst(%dma_wait3A_90 : memref<32x1024xf32, #tpu.memory_space<vmem>>)
    %add3A_97 = arith.constant 32 : i32
    %add3A_98 = arith.addi %mul3A_2, %add3A_97 : i32
    %dma_start3A_99 = arith.constant 1 : i32
    %dma_start3A_100 = arith.constant 0 : i32
    %dma_start3A_101 = arith.constant 0 : i32
    %dma_start3A_102 = tpu.memref_slice %arg6[%dma_start3A_99, %dma_start3A_100, %dma_start3A_101] : memref<2x32x1024xf32, #tpu.memory_space<vmem>> -> memref<1x32x1024xf32, #tpu.memory_space<vmem>>
    %dma_start3A_103 = tpu.memref_squeeze %dma_start3A_102 : memref<1x32x1024xf32, #tpu.memory_space<vmem>> -> memref<32x1024xf32, #tpu.memory_space<vmem>>
    %dma_start3A_104 = arith.constant 0 : i32
    %dma_start3A_105 = tpu.memref_slice %arg4[%add3A_98, %dma_start3A_104] : memref<8192x1024xf32, #tpu.memory_space<hbm>> -> memref<32x1024xf32, #tpu.memory_space<hbm>>
    %dma_start3A_106 = arith.constant 0 : i32
    %dma_start3A_107 = tpu.memref_slice %arg4[%add3A_98, %dma_start3A_106] : memref<8192x1024xf32, #tpu.memory_space<hbm>> -> memref<32x1024xf32, #tpu.memory_space<hbm>>
    %dma_start3A_108 = arith.constant 0 : i32
    %dma_start3A_109 = arith.constant 0 : i32
    %dma_start3A_110 = tpu.memref_slice %arg6[%dma_start3A_99, %dma_start3A_108, %dma_start3A_109] : memref<2x32x1024xf32, #tpu.memory_space<vmem>> -> memref<1x32x1024xf32, #tpu.memory_space<vmem>>
    %dma_start3A_111 = tpu.memref_squeeze %dma_start3A_110 : memref<1x32x1024xf32, #tpu.memory_space<vmem>> -> memref<32x1024xf32, #tpu.memory_space<vmem>>
    tpu.enqueue_dma source(%dma_start3A_111 : memref<32x1024xf32, #tpu.memory_space<vmem>>) target(%dma_start3A_107 : memref<32x1024xf32, #tpu.memory_space<hbm>>) target_semaphore(%arg10 : memref<!tpu.dma_semaphore, #tpu.memory_space<semaphore_mem>>)
    %dma_wait3A_112 = arith.constant 1 : i32
    %dma_wait3A_113 = arith.constant 0 : i32
    %dma_wait3A_114 = arith.constant 0 : i32
    %dma_wait3A_115 = tpu.memref_slice %arg6[%dma_wait3A_112, %dma_wait3A_113, %dma_wait3A_114] : memref<2x32x1024xf32, #tpu.memory_space<vmem>> -> memref<1x32x1024xf32, #tpu.memory_space<vmem>>
    %dma_wait3A_116 = tpu.memref_squeeze %dma_wait3A_115 : memref<1x32x1024xf32, #tpu.memory_space<vmem>> -> memref<32x1024xf32, #tpu.memory_space<vmem>>
    %dma_wait3A_117 = arith.constant 0 : i32
    %dma_wait3A_118 = tpu.memref_slice %arg4[%add3A_98, %dma_wait3A_117] : memref<8192x1024xf32, #tpu.memory_space<hbm>> -> memref<32x1024xf32, #tpu.memory_space<hbm>>
    %dma_wait3A_119 = arith.constant 0 : i32
    %dma_wait3A_120 = tpu.memref_slice %arg4[%add3A_98, %dma_wait3A_119] : memref<8192x1024xf32, #tpu.memory_space<hbm>> -> memref<32x1024xf32, #tpu.memory_space<hbm>>
    %dma_wait3A_121 = arith.constant 0 : i32
    %dma_wait3A_122 = arith.constant 0 : i32
    %dma_wait3A_123 = tpu.memref_slice %arg6[%dma_wait3A_112, %dma_wait3A_121, %dma_wait3A_122] : memref<2x32x1024xf32, #tpu.memory_space<vmem>> -> memref<1x32x1024xf32, #tpu.memory_space<vmem>>
    %dma_wait3A_124 = tpu.memref_squeeze %dma_wait3A_123 : memref<1x32x1024xf32, #tpu.memory_space<vmem>> -> memref<32x1024xf32, #tpu.memory_space<vmem>>
    tpu.wait_dma2 semaphore(%arg10 : memref<!tpu.dma_semaphore, #tpu.memory_space<semaphore_mem>>) src(%dma_wait3A_124 : memref<32x1024xf32, #tpu.memory_space<vmem>>) dst(%dma_wait3A_120 : memref<32x1024xf32, #tpu.memory_space<hbm>>)
    %add3A_125 = arith.constant 96 : i32
    %add3A_126 = arith.addi %mul3A_2, %add3A_125 : i32
    %run_scoped3A_127 = arith.constant 1 : i32
    "tpu.region"() ({
      %run_scoped3A_440 = tpu.sem_alloc : memref<!tpu.dma_semaphore, #tpu.memory_space<semaphore_mem>>
      %dma_start3A_441 = arith.constant 0 : i32
      %dma_start3A_442 = tpu.memref_slice %arg5[%run_scoped3A_127, %dma_start3A_441] : memref<2x32xi32, #tpu.memory_space<vmem>> -> memref<1x32xi32, #tpu.memory_space<vmem>>
      %dma_start3A_443 = tpu.memref_squeeze %dma_start3A_442 : memref<1x32xi32, #tpu.memory_space<vmem>> -> memref<32xi32, #tpu.memory_space<vmem>>
      %dma_start3A_444 = tpu.memref_slice %arg3[%add3A_126] : memref<8192xi32, #tpu.memory_space<hbm>> -> memref<32xi32, #tpu.memory_space<hbm>>
      %dma_start3A_445 = arith.constant 0 : i32
      %dma_start3A_446 = tpu.memref_slice %arg5[%run_scoped3A_127, %dma_start3A_445] : memref<2x32xi32, #tpu.memory_space<vmem>> -> memref<1x32xi32, #tpu.memory_space<vmem>>
      %dma_start3A_447 = tpu.memref_squeeze %dma_start3A_446 : memref<1x32xi32, #tpu.memory_space<vmem>> -> memref<32xi32, #tpu.memory_space<vmem>>
      %dma_start3A_448 = tpu.memref_slice %arg3[%add3A_126] : memref<8192xi32, #tpu.memory_space<hbm>> -> memref<32xi32, #tpu.memory_space<hbm>>
      tpu.enqueue_dma source(%dma_start3A_448 : memref<32xi32, #tpu.memory_space<hbm>>) target(%dma_start3A_447 : memref<32xi32, #tpu.memory_space<vmem>>) target_semaphore(%run_scoped3A_440 : memref<!tpu.dma_semaphore, #tpu.memory_space<semaphore_mem>>)
      %dma_wait3A_449 = arith.constant 0 : i32
      %dma_wait3A_450 = tpu.memref_slice %arg5[%run_scoped3A_127, %dma_wait3A_449] : memref<2x32xi32, #tpu.memory_space<vmem>> -> memref<1x32xi32, #tpu.memory_space<vmem>>
      %dma_wait3A_451 = tpu.memref_squeeze %dma_wait3A_450 : memref<1x32xi32, #tpu.memory_space<vmem>> -> memref<32xi32, #tpu.memory_space<vmem>>
      %dma_wait3A_452 = tpu.memref_slice %arg3[%add3A_126] : memref<8192xi32, #tpu.memory_space<hbm>> -> memref<32xi32, #tpu.memory_space<hbm>>
      %dma_wait3A_453 = arith.constant 0 : i32
      %dma_wait3A_454 = tpu.memref_slice %arg5[%run_scoped3A_127, %dma_wait3A_453] : memref<2x32xi32, #tpu.memory_space<vmem>> -> memref<1x32xi32, #tpu.memory_space<vmem>>
      %dma_wait3A_455 = tpu.memref_squeeze %dma_wait3A_454 : memref<1x32xi32, #tpu.memory_space<vmem>> -> memref<32xi32, #tpu.memory_space<vmem>>
      %dma_wait3A_456 = tpu.memref_slice %arg3[%add3A_126] : memref<8192xi32, #tpu.memory_space<hbm>> -> memref<32xi32, #tpu.memory_space<hbm>>
      tpu.wait_dma2 semaphore(%run_scoped3A_440 : memref<!tpu.dma_semaphore, #tpu.memory_space<semaphore_mem>>) src(%dma_wait3A_456 : memref<32xi32, #tpu.memory_space<hbm>>) dst(%dma_wait3A_455 : memref<32xi32, #tpu.memory_space<vmem>>)
      tpu.yield
    }) : () -> ()
    %dma_start3A_128 = arith.constant 1 : i32
    %dma_start3A_129 = arith.constant 1 : i32
    %dma_start3A_130 = arith.constant 0 : i32
    %dma_start3A_131 = arith.constant 0 : i32
    %dma_start3A_132 = tpu.memref_slice %arg6[%dma_start3A_129, %dma_start3A_130, %dma_start3A_131] : memref<2x32x1024xf32, #tpu.memory_space<vmem>> -> memref<1x32x1024xf32, #tpu.memory_space<vmem>>
    %dma_start3A_133 = tpu.memref_squeeze %dma_start3A_132 : memref<1x32x1024xf32, #tpu.memory_space<vmem>> -> memref<32x1024xf32, #tpu.memory_space<vmem>>
    %dma_start3A_134 = arith.constant 0 : i32
    %dma_start3A_135 = tpu.memref_slice %arg5[%dma_start3A_128, %dma_start3A_134] : memref<2x32xi32, #tpu.memory_space<vmem>> -> memref<1x32xi32, #tpu.memory_space<vmem>>
    %dma_start3A_136 = tpu.memref_squeeze %dma_start3A_135 : memref<1x32xi32, #tpu.memory_space<vmem>> -> memref<32xi32, #tpu.memory_space<vmem>>
    %dma_start3A_137 = arith.constant 0 : i32
    %dma_start3A_138 = arith.constant 0 : i32
    %dma_start3A_139 = tpu.memref_slice %arg2[%dma_start3A_137, %dma_start3A_138] : memref<10240x1024xf32, #tpu.memory_space<hbm>> -> memref<10240x1024xf32, #tpu.memory_space<hbm>>
    tpu.enqueue_indirect_dma source(%dma_start3A_139 : memref<10240x1024xf32, #tpu.memory_space<hbm>>) target(%dma_start3A_133 : memref<32x1024xf32, #tpu.memory_space<vmem>>) offsets(%dma_start3A_136 : memref<32xi32, #tpu.memory_space<vmem>>) semaphore(%arg8 : memref<!tpu.dma_semaphore, #tpu.memory_space<semaphore_mem>>)
    %dma_wait3A_140 = arith.constant 0 : i32
    %dma_wait3A_141 = arith.constant 0 : i32
    %dma_wait3A_142 = arith.constant 0 : i32
    %dma_wait3A_143 = arith.constant 0 : i32
    %dma_wait3A_144 = tpu.memref_slice %arg6[%dma_wait3A_141, %dma_wait3A_142, %dma_wait3A_143] : memref<2x32x1024xf32, #tpu.memory_space<vmem>> -> memref<1x32x1024xf32, #tpu.memory_space<vmem>>
    %dma_wait3A_145 = tpu.memref_squeeze %dma_wait3A_144 : memref<1x32x1024xf32, #tpu.memory_space<vmem>> -> memref<32x1024xf32, #tpu.memory_space<vmem>>
    %dma_wait3A_146 = arith.constant 0 : i32
    %dma_wait3A_147 = tpu.memref_slice %arg5[%dma_wait3A_140, %dma_wait3A_146] : memref<2x32xi32, #tpu.memory_space<vmem>> -> memref<1x32xi32, #tpu.memory_space<vmem>>
    %dma_wait3A_148 = tpu.memref_squeeze %dma_wait3A_147 : memref<1x32xi32, #tpu.memory_space<vmem>> -> memref<32xi32, #tpu.memory_space<vmem>>
    %dma_wait3A_149 = arith.constant 0 : i32
    %dma_wait3A_150 = arith.constant 0 : i32
    %dma_wait3A_151 = tpu.memref_slice %arg2[%dma_wait3A_149, %dma_wait3A_150] : memref<10240x1024xf32, #tpu.memory_space<hbm>> -> memref<10240x1024xf32, #tpu.memory_space<hbm>>
    tpu.wait_indirect_dma semaphore(%arg7 : memref<!tpu.dma_semaphore, #tpu.memory_space<semaphore_mem>>) src(%dma_wait3A_151 : memref<10240x1024xf32, #tpu.memory_space<hbm>>) dst(%dma_wait3A_145 : memref<32x1024xf32, #tpu.memory_space<vmem>>)
    %add3A_152 = arith.constant 64 : i32
    %add3A_153 = arith.addi %mul3A_2, %add3A_152 : i32
    %dma_start3A_154 = arith.constant 0 : i32
    %dma_start3A_155 = arith.constant 0 : i32
    %dma_start3A_156 = arith.constant 0 : i32
    %dma_start3A_157 = tpu.memref_slice %arg6[%dma_start3A_154, %dma_start3A_155, %dma_start3A_156] : memref<2x32x1024xf32, #tpu.memory_space<vmem>> -> memref<1x32x1024xf32, #tpu.memory_space<vmem>>
    %dma_start3A_158 = tpu.memref_squeeze %dma_start3A_157 : memref<1x32x1024xf32, #tpu.memory_space<vmem>> -> memref<32x1024xf32, #tpu.memory_space<vmem>>
    %dma_start3A_159 = arith.constant 0 : i32
    %dma_start3A_160 = tpu.memref_slice %arg4[%add3A_153, %dma_start3A_159] : memref<8192x1024xf32, #tpu.memory_space<hbm>> -> memref<32x1024xf32, #tpu.memory_space<hbm>>
    %dma_start3A_161 = arith.constant 0 : i32
    %dma_start3A_162 = tpu.memref_slice %arg4[%add3A_153, %dma_start3A_161] : memref<8192x1024xf32, #tpu.memory_space<hbm>> -> memref<32x1024xf32, #tpu.memory_space<hbm>>
    %dma_start3A_163 = arith.constant 0 : i32
    %dma_start3A_164 = arith.constant 0 : i32
    %dma_start3A_165 = tpu.memref_slice %arg6[%dma_start3A_154, %dma_start3A_163, %dma_start3A_164] : memref<2x32x1024xf32, #tpu.memory_space<vmem>> -> memref<1x32x1024xf32, #tpu.memory_space<vmem>>
    %dma_start3A_166 = tpu.memref_squeeze %dma_start3A_165 : memref<1x32x1024xf32, #tpu.memory_space<vmem>> -> memref<32x1024xf32, #tpu.memory_space<vmem>>
    tpu.enqueue_dma source(%dma_start3A_166 : memref<32x1024xf32, #tpu.memory_space<vmem>>) target(%dma_start3A_162 : memref<32x1024xf32, #tpu.memory_space<hbm>>) target_semaphore(%arg9 : memref<!tpu.dma_semaphore, #tpu.memory_space<semaphore_mem>>)
    %dma_wait3A_167 = arith.constant 0 : i32
    %dma_wait3A_168 = arith.constant 0 : i32
    %dma_wait3A_169 = arith.constant 0 : i32
    %dma_wait3A_170 = tpu.memref_slice %arg6[%dma_wait3A_167, %dma_wait3A_168, %dma_wait3A_169] : memref<2x32x1024xf32, #tpu.memory_space<vmem>> -> memref<1x32x1024xf32, #tpu.memory_space<vmem>>
    %dma_wait3A_171 = tpu.memref_squeeze %dma_wait3A_170 : memref<1x32x1024xf32, #tpu.memory_space<vmem>> -> memref<32x1024xf32, #tpu.memory_space<vmem>>
    %dma_wait3A_172 = arith.constant 0 : i32
    %dma_wait3A_173 = tpu.memref_slice %arg4[%add3A_153, %dma_wait3A_172] : memref<8192x1024xf32, #tpu.memory_space<hbm>> -> memref<32x1024xf32, #tpu.memory_space<hbm>>
    %dma_wait3A_174 = arith.constant 0 : i32
    %dma_wait3A_175 = tpu.memref_slice %arg4[%add3A_153, %dma_wait3A_174] : memref<8192x1024xf32, #tpu.memory_space<hbm>> -> memref<32x1024xf32, #tpu.memory_space<hbm>>
    %dma_wait3A_176 = arith.constant 0 : i32
    %dma_wait3A_177 = arith.constant 0 : i32
    %dma_wait3A_178 = tpu.memref_slice %arg6[%dma_wait3A_167, %dma_wait3A_176, %dma_wait3A_177] : memref<2x32x1024xf32, #tpu.memory_space<vmem>> -> memref<1x32x1024xf32, #tpu.memory_space<vmem>>
    %dma_wait3A_179 = tpu.memref_squeeze %dma_wait3A_178 : memref<1x32x1024xf32, #tpu.memory_space<vmem>> -> memref<32x1024xf32, #tpu.memory_space<vmem>>
    tpu.wait_dma2 semaphore(%arg9 : memref<!tpu.dma_semaphore, #tpu.memory_space<semaphore_mem>>) src(%dma_wait3A_179 : memref<32x1024xf32, #tpu.memory_space<vmem>>) dst(%dma_wait3A_175 : memref<32x1024xf32, #tpu.memory_space<hbm>>)
    %add3A_180 = arith.constant 128 : i32
    %add3A_181 = arith.addi %mul3A_2, %add3A_180 : i32
    %run_scoped3A_182 = arith.constant 0 : i32
    "tpu.region"() ({
      %run_scoped3A_440 = tpu.sem_alloc : memref<!tpu.dma_semaphore, #tpu.memory_space<semaphore_mem>>
      %dma_start3A_441 = arith.constant 0 : i32
      %dma_start3A_442 = tpu.memref_slice %arg5[%run_scoped3A_182, %dma_start3A_441] : memref<2x32xi32, #tpu.memory_space<vmem>> -> memref<1x32xi32, #tpu.memory_space<vmem>>
      %dma_start3A_443 = tpu.memref_squeeze %dma_start3A_442 : memref<1x32xi32, #tpu.memory_space<vmem>> -> memref<32xi32, #tpu.memory_space<vmem>>
      %dma_start3A_444 = tpu.memref_slice %arg3[%add3A_181] : memref<8192xi32, #tpu.memory_space<hbm>> -> memref<32xi32, #tpu.memory_space<hbm>>
      %dma_start3A_445 = arith.constant 0 : i32
      %dma_start3A_446 = tpu.memref_slice %arg5[%run_scoped3A_182, %dma_start3A_445] : memref<2x32xi32, #tpu.memory_space<vmem>> -> memref<1x32xi32, #tpu.memory_space<vmem>>
      %dma_start3A_447 = tpu.memref_squeeze %dma_start3A_446 : memref<1x32xi32, #tpu.memory_space<vmem>> -> memref<32xi32, #tpu.memory_space<vmem>>
      %dma_start3A_448 = tpu.memref_slice %arg3[%add3A_181] : memref<8192xi32, #tpu.memory_space<hbm>> -> memref<32xi32, #tpu.memory_space<hbm>>
      tpu.enqueue_dma source(%dma_start3A_448 : memref<32xi32, #tpu.memory_space<hbm>>) target(%dma_start3A_447 : memref<32xi32, #tpu.memory_space<vmem>>) target_semaphore(%run_scoped3A_440 : memref<!tpu.dma_semaphore, #tpu.memory_space<semaphore_mem>>)
      %dma_wait3A_449 = arith.constant 0 : i32
      %dma_wait3A_450 = tpu.memref_slice %arg5[%run_scoped3A_182, %dma_wait3A_449] : memref<2x32xi32, #tpu.memory_space<vmem>> -> memref<1x32xi32, #tpu.memory_space<vmem>>
      %dma_wait3A_451 = tpu.memref_squeeze %dma_wait3A_450 : memref<1x32xi32, #tpu.memory_space<vmem>> -> memref<32xi32, #tpu.memory_space<vmem>>
      %dma_wait3A_452 = tpu.memref_slice %arg3[%add3A_181] : memref<8192xi32, #tpu.memory_space<hbm>> -> memref<32xi32, #tpu.memory_space<hbm>>
      %dma_wait3A_453 = arith.constant 0 : i32
      %dma_wait3A_454 = tpu.memref_slice %arg5[%run_scoped3A_182, %dma_wait3A_453] : memref<2x32xi32, #tpu.memory_space<vmem>> -> memref<1x32xi32, #tpu.memory_space<vmem>>
      %dma_wait3A_455 = tpu.memref_squeeze %dma_wait3A_454 : memref<1x32xi32, #tpu.memory_space<vmem>> -> memref<32xi32, #tpu.memory_space<vmem>>
      %dma_wait3A_456 = tpu.memref_slice %arg3[%add3A_181] : memref<8192xi32, #tpu.memory_space<hbm>> -> memref<32xi32, #tpu.memory_space<hbm>>
      tpu.wait_dma2 semaphore(%run_scoped3A_440 : memref<!tpu.dma_semaphore, #tpu.memory_space<semaphore_mem>>) src(%dma_wait3A_456 : memref<32xi32, #tpu.memory_space<hbm>>) dst(%dma_wait3A_455 : memref<32xi32, #tpu.memory_space<vmem>>)
      tpu.yield
    }) : () -> ()
    %dma_start3A_183 = arith.constant 0 : i32
    %dma_start3A_184 = arith.constant 0 : i32
    %dma_start3A_185 = arith.constant 0 : i32
    %dma_start3A_186 = arith.constant 0 : i32
    %dma_start3A_187 = tpu.memref_slice %arg6[%dma_start3A_184, %dma_start3A_185, %dma_start3A_186] : memref<2x32x1024xf32, #tpu.memory_space<vmem>> -> memref<1x32x1024xf32, #tpu.memory_space<vmem>>
    %dma_start3A_188 = tpu.memref_squeeze %dma_start3A_187 : memref<1x32x1024xf32, #tpu.memory_space<vmem>> -> memref<32x1024xf32, #tpu.memory_space<vmem>>
    %dma_start3A_189 = arith.constant 0 : i32
    %dma_start3A_190 = tpu.memref_slice %arg5[%dma_start3A_183, %dma_start3A_189] : memref<2x32xi32, #tpu.memory_space<vmem>> -> memref<1x32xi32, #tpu.memory_space<vmem>>
    %dma_start3A_191 = tpu.memref_squeeze %dma_start3A_190 : memref<1x32xi32, #tpu.memory_space<vmem>> -> memref<32xi32, #tpu.memory_space<vmem>>
    %dma_start3A_192 = arith.constant 0 : i32
    %dma_start3A_193 = arith.constant 0 : i32
    %dma_start3A_194 = tpu.memref_slice %arg2[%dma_start3A_192, %dma_start3A_193] : memref<10240x1024xf32, #tpu.memory_space<hbm>> -> memref<10240x1024xf32, #tpu.memory_space<hbm>>
    tpu.enqueue_indirect_dma source(%dma_start3A_194 : memref<10240x1024xf32, #tpu.memory_space<hbm>>) target(%dma_start3A_188 : memref<32x1024xf32, #tpu.memory_space<vmem>>) offsets(%dma_start3A_191 : memref<32xi32, #tpu.memory_space<vmem>>) semaphore(%arg7 : memref<!tpu.dma_semaphore, #tpu.memory_space<semaphore_mem>>)
    %dma_wait3A_195 = arith.constant 1 : i32
    %dma_wait3A_196 = arith.constant 1 : i32
    %dma_wait3A_197 = arith.constant 0 : i32
    %dma_wait3A_198 = arith.constant 0 : i32
    %dma_wait3A_199 = tpu.memref_slice %arg6[%dma_wait3A_196, %dma_wait3A_197, %dma_wait3A_198] : memref<2x32x1024xf32, #tpu.memory_space<vmem>> -> memref<1x32x1024xf32, #tpu.memory_space<vmem>>
    %dma_wait3A_200 = tpu.memref_squeeze %dma_wait3A_199 : memref<1x32x1024xf32, #tpu.memory_space<vmem>> -> memref<32x1024xf32, #tpu.memory_space<vmem>>
    %dma_wait3A_201 = arith.constant 0 : i32
    %dma_wait3A_202 = tpu.memref_slice %arg5[%dma_wait3A_195, %dma_wait3A_201] : memref<2x32xi32, #tpu.memory_space<vmem>> -> memref<1x32xi32, #tpu.memory_space<vmem>>
    %dma_wait3A_203 = tpu.memref_squeeze %dma_wait3A_202 : memref<1x32xi32, #tpu.memory_space<vmem>> -> memref<32xi32, #tpu.memory_space<vmem>>
    %dma_wait3A_204 = arith.constant 0 : i32
    %dma_wait3A_205 = arith.constant 0 : i32
    %dma_wait3A_206 = tpu.memref_slice %arg2[%dma_wait3A_204, %dma_wait3A_205] : memref<10240x1024xf32, #tpu.memory_space<hbm>> -> memref<10240x1024xf32, #tpu.memory_space<hbm>>
    tpu.wait_indirect_dma semaphore(%arg8 : memref<!tpu.dma_semaphore, #tpu.memory_space<semaphore_mem>>) src(%dma_wait3A_206 : memref<10240x1024xf32, #tpu.memory_space<hbm>>) dst(%dma_wait3A_200 : memref<32x1024xf32, #tpu.memory_space<vmem>>)
    %add3A_207 = arith.constant 96 : i32
    %add3A_208 = arith.addi %mul3A_2, %add3A_207 : i32
    %dma_start3A_209 = arith.constant 1 : i32
    %dma_start3A_210 = arith.constant 0 : i32
    %dma_start3A_211 = arith.constant 0 : i32
    %dma_start3A_212 = tpu.memref_slice %arg6[%dma_start3A_209, %dma_start3A_210, %dma_start3A_211] : memref<2x32x1024xf32, #tpu.memory_space<vmem>> -> memref<1x32x1024xf32, #tpu.memory_space<vmem>>
    %dma_start3A_213 = tpu.memref_squeeze %dma_start3A_212 : memref<1x32x1024xf32, #tpu.memory_space<vmem>> -> memref<32x1024xf32, #tpu.memory_space<vmem>>
    %dma_start3A_214 = arith.constant 0 : i32
    %dma_start3A_215 = tpu.memref_slice %arg4[%add3A_208, %dma_start3A_214] : memref<8192x1024xf32, #tpu.memory_space<hbm>> -> memref<32x1024xf32, #tpu.memory_space<hbm>>
    %dma_start3A_216 = arith.constant 0 : i32
    %dma_start3A_217 = tpu.memref_slice %arg4[%add3A_208, %dma_start3A_216] : memref<8192x1024xf32, #tpu.memory_space<hbm>> -> memref<32x1024xf32, #tpu.memory_space<hbm>>
    %dma_start3A_218 = arith.constant 0 : i32
    %dma_start3A_219 = arith.constant 0 : i32
    %dma_start3A_220 = tpu.memref_slice %arg6[%dma_start3A_209, %dma_start3A_218, %dma_start3A_219] : memref<2x32x1024xf32, #tpu.memory_space<vmem>> -> memref<1x32x1024xf32, #tpu.memory_space<vmem>>
    %dma_start3A_221 = tpu.memref_squeeze %dma_start3A_220 : memref<1x32x1024xf32, #tpu.memory_space<vmem>> -> memref<32x1024xf32, #tpu.memory_space<vmem>>
    tpu.enqueue_dma source(%dma_start3A_221 : memref<32x1024xf32, #tpu.memory_space<vmem>>) target(%dma_start3A_217 : memref<32x1024xf32, #tpu.memory_space<hbm>>) target_semaphore(%arg10 : memref<!tpu.dma_semaphore, #tpu.memory_space<semaphore_mem>>)
    %dma_wait3A_222 = arith.constant 1 : i32
    %dma_wait3A_223 = arith.constant 0 : i32
    %dma_wait3A_224 = arith.constant 0 : i32
    %dma_wait3A_225 = tpu.memref_slice %arg6[%dma_wait3A_222, %dma_wait3A_223, %dma_wait3A_224] : memref<2x32x1024xf32, #tpu.memory_space<vmem>> -> memref<1x32x1024xf32, #tpu.memory_space<vmem>>
    %dma_wait3A_226 = tpu.memref_squeeze %dma_wait3A_225 : memref<1x32x1024xf32, #tpu.memory_space<vmem>> -> memref<32x1024xf32, #tpu.memory_space<vmem>>
    %dma_wait3A_227 = arith.constant 0 : i32
    %dma_wait3A_228 = tpu.memref_slice %arg4[%add3A_208, %dma_wait3A_227] : memref<8192x1024xf32, #tpu.memory_space<hbm>> -> memref<32x1024xf32, #tpu.memory_space<hbm>>
    %dma_wait3A_229 = arith.constant 0 : i32
    %dma_wait3A_230 = tpu.memref_slice %arg4[%add3A_208, %dma_wait3A_229] : memref<8192x1024xf32, #tpu.memory_space<hbm>> -> memref<32x1024xf32, #tpu.memory_space<hbm>>
    %dma_wait3A_231 = arith.constant 0 : i32
    %dma_wait3A_232 = arith.constant 0 : i32
    %dma_wait3A_233 = tpu.memref_slice %arg6[%dma_wait3A_222, %dma_wait3A_231, %dma_wait3A_232] : memref<2x32x1024xf32, #tpu.memory_space<vmem>> -> memref<1x32x1024xf32, #tpu.memory_space<vmem>>
    %dma_wait3A_234 = tpu.memref_squeeze %dma_wait3A_233 : memref<1x32x1024xf32, #tpu.memory_space<vmem>> -> memref<32x1024xf32, #tpu.memory_space<vmem>>
    tpu.wait_dma2 semaphore(%arg10 : memref<!tpu.dma_semaphore, #tpu.memory_space<semaphore_mem>>) src(%dma_wait3A_234 : memref<32x1024xf32, #tpu.memory_space<vmem>>) dst(%dma_wait3A_230 : memref<32x1024xf32, #tpu.memory_space<hbm>>)
    %add3A_235 = arith.constant 160 : i32
    %add3A_236 = arith.addi %mul3A_2, %add3A_235 : i32
    %run_scoped3A_237 = arith.constant 1 : i32
    "tpu.region"() ({
      %run_scoped3A_440 = tpu.sem_alloc : memref<!tpu.dma_semaphore, #tpu.memory_space<semaphore_mem>>
      %dma_start3A_441 = arith.constant 0 : i32
      %dma_start3A_442 = tpu.memref_slice %arg5[%run_scoped3A_237, %dma_start3A_441] : memref<2x32xi32, #tpu.memory_space<vmem>> -> memref<1x32xi32, #tpu.memory_space<vmem>>
      %dma_start3A_443 = tpu.memref_squeeze %dma_start3A_442 : memref<1x32xi32, #tpu.memory_space<vmem>> -> memref<32xi32, #tpu.memory_space<vmem>>
      %dma_start3A_444 = tpu.memref_slice %arg3[%add3A_236] : memref<8192xi32, #tpu.memory_space<hbm>> -> memref<32xi32, #tpu.memory_space<hbm>>
      %dma_start3A_445 = arith.constant 0 : i32
      %dma_start3A_446 = tpu.memref_slice %arg5[%run_scoped3A_237, %dma_start3A_445] : memref<2x32xi32, #tpu.memory_space<vmem>> -> memref<1x32xi32, #tpu.memory_space<vmem>>
      %dma_start3A_447 = tpu.memref_squeeze %dma_start3A_446 : memref<1x32xi32, #tpu.memory_space<vmem>> -> memref<32xi32, #tpu.memory_space<vmem>>
      %dma_start3A_448 = tpu.memref_slice %arg3[%add3A_236] : memref<8192xi32, #tpu.memory_space<hbm>> -> memref<32xi32, #tpu.memory_space<hbm>>
      tpu.enqueue_dma source(%dma_start3A_448 : memref<32xi32, #tpu.memory_space<hbm>>) target(%dma_start3A_447 : memref<32xi32, #tpu.memory_space<vmem>>) target_semaphore(%run_scoped3A_440 : memref<!tpu.dma_semaphore, #tpu.memory_space<semaphore_mem>>)
      %dma_wait3A_449 = arith.constant 0 : i32
      %dma_wait3A_450 = tpu.memref_slice %arg5[%run_scoped3A_237, %dma_wait3A_449] : memref<2x32xi32, #tpu.memory_space<vmem>> -> memref<1x32xi32, #tpu.memory_space<vmem>>
      %dma_wait3A_451 = tpu.memref_squeeze %dma_wait3A_450 : memref<1x32xi32, #tpu.memory_space<vmem>> -> memref<32xi32, #tpu.memory_space<vmem>>
      %dma_wait3A_452 = tpu.memref_slice %arg3[%add3A_236] : memref<8192xi32, #tpu.memory_space<hbm>> -> memref<32xi32, #tpu.memory_space<hbm>>
      %dma_wait3A_453 = arith.constant 0 : i32
      %dma_wait3A_454 = tpu.memref_slice %arg5[%run_scoped3A_237, %dma_wait3A_453] : memref<2x32xi32, #tpu.memory_space<vmem>> -> memref<1x32xi32, #tpu.memory_space<vmem>>
      %dma_wait3A_455 = tpu.memref_squeeze %dma_wait3A_454 : memref<1x32xi32, #tpu.memory_space<vmem>> -> memref<32xi32, #tpu.memory_space<vmem>>
      %dma_wait3A_456 = tpu.memref_slice %arg3[%add3A_236] : memref<8192xi32, #tpu.memory_space<hbm>> -> memref<32xi32, #tpu.memory_space<hbm>>
      tpu.wait_dma2 semaphore(%run_scoped3A_440 : memref<!tpu.dma_semaphore, #tpu.memory_space<semaphore_mem>>) src(%dma_wait3A_456 : memref<32xi32, #tpu.memory_space<hbm>>) dst(%dma_wait3A_455 : memref<32xi32, #tpu.memory_space<vmem>>)
      tpu.yield
    }) : () -> ()
    %dma_start3A_238 = arith.constant 1 : i32
    %dma_start3A_239 = arith.constant 1 : i32
    %dma_start3A_240 = arith.constant 0 : i32
    %dma_start3A_241 = arith.constant 0 : i32
    %dma_start3A_242 = tpu.memref_slice %arg6[%dma_start3A_239, %dma_start3A_240, %dma_start3A_241] : memref<2x32x1024xf32, #tpu.memory_space<vmem>> -> memref<1x32x1024xf32, #tpu.memory_space<vmem>>
    %dma_start3A_243 = tpu.memref_squeeze %dma_start3A_242 : memref<1x32x1024xf32, #tpu.memory_space<vmem>> -> memref<32x1024xf32, #tpu.memory_space<vmem>>
    %dma_start3A_244 = arith.constant 0 : i32
    %dma_start3A_245 = tpu.memref_slice %arg5[%dma_start3A_238, %dma_start3A_244] : memref<2x32xi32, #tpu.memory_space<vmem>> -> memref<1x32xi32, #tpu.memory_space<vmem>>
    %dma_start3A_246 = tpu.memref_squeeze %dma_start3A_245 : memref<1x32xi32, #tpu.memory_space<vmem>> -> memref<32xi32, #tpu.memory_space<vmem>>
    %dma_start3A_247 = arith.constant 0 : i32
    %dma_start3A_248 = arith.constant 0 : i32
    %dma_start3A_249 = tpu.memref_slice %arg2[%dma_start3A_247, %dma_start3A_248] : memref<10240x1024xf32, #tpu.memory_space<hbm>> -> memref<10240x1024xf32, #tpu.memory_space<hbm>>
    tpu.enqueue_indirect_dma source(%dma_start3A_249 : memref<10240x1024xf32, #tpu.memory_space<hbm>>) target(%dma_start3A_243 : memref<32x1024xf32, #tpu.memory_space<vmem>>) offsets(%dma_start3A_246 : memref<32xi32, #tpu.memory_space<vmem>>) semaphore(%arg8 : memref<!tpu.dma_semaphore, #tpu.memory_space<semaphore_mem>>)
    %dma_wait3A_250 = arith.constant 0 : i32
    %dma_wait3A_251 = arith.constant 0 : i32
    %dma_wait3A_252 = arith.constant 0 : i32
    %dma_wait3A_253 = arith.constant 0 : i32
    %dma_wait3A_254 = tpu.memref_slice %arg6[%dma_wait3A_251, %dma_wait3A_252, %dma_wait3A_253] : memref<2x32x1024xf32, #tpu.memory_space<vmem>> -> memref<1x32x1024xf32, #tpu.memory_space<vmem>>
    %dma_wait3A_255 = tpu.memref_squeeze %dma_wait3A_254 : memref<1x32x1024xf32, #tpu.memory_space<vmem>> -> memref<32x1024xf32, #tpu.memory_space<vmem>>
    %dma_wait3A_256 = arith.constant 0 : i32
    %dma_wait3A_257 = tpu.memref_slice %arg5[%dma_wait3A_250, %dma_wait3A_256] : memref<2x32xi32, #tpu.memory_space<vmem>> -> memref<1x32xi32, #tpu.memory_space<vmem>>
    %dma_wait3A_258 = tpu.memref_squeeze %dma_wait3A_257 : memref<1x32xi32, #tpu.memory_space<vmem>> -> memref<32xi32, #tpu.memory_space<vmem>>
    %dma_wait3A_259 = arith.constant 0 : i32
    %dma_wait3A_260 = arith.constant 0 : i32
    %dma_wait3A_261 = tpu.memref_slice %arg2[%dma_wait3A_259, %dma_wait3A_260] : memref<10240x1024xf32, #tpu.memory_space<hbm>> -> memref<10240x1024xf32, #tpu.memory_space<hbm>>
    tpu.wait_indirect_dma semaphore(%arg7 : memref<!tpu.dma_semaphore, #tpu.memory_space<semaphore_mem>>) src(%dma_wait3A_261 : memref<10240x1024xf32, #tpu.memory_space<hbm>>) dst(%dma_wait3A_255 : memref<32x1024xf32, #tpu.memory_space<vmem>>)
    %add3A_262 = arith.constant 128 : i32
    %add3A_263 = arith.addi %mul3A_2, %add3A_262 : i32
    %dma_start3A_264 = arith.constant 0 : i32
    %dma_start3A_265 = arith.constant 0 : i32
    %dma_start3A_266 = arith.constant 0 : i32
    %dma_start3A_267 = tpu.memref_slice %arg6[%dma_start3A_264, %dma_start3A_265, %dma_start3A_266] : memref<2x32x1024xf32, #tpu.memory_space<vmem>> -> memref<1x32x1024xf32, #tpu.memory_space<vmem>>
    %dma_start3A_268 = tpu.memref_squeeze %dma_start3A_267 : memref<1x32x1024xf32, #tpu.memory_space<vmem>> -> memref<32x1024xf32, #tpu.memory_space<vmem>>
    %dma_start3A_269 = arith.constant 0 : i32
    %dma_start3A_270 = tpu.memref_slice %arg4[%add3A_263, %dma_start3A_269] : memref<8192x1024xf32, #tpu.memory_space<hbm>> -> memref<32x1024xf32, #tpu.memory_space<hbm>>
    %dma_start3A_271 = arith.constant 0 : i32
    %dma_start3A_272 = tpu.memref_slice %arg4[%add3A_263, %dma_start3A_271] : memref<8192x1024xf32, #tpu.memory_space<hbm>> -> memref<32x1024xf32, #tpu.memory_space<hbm>>
    %dma_start3A_273 = arith.constant 0 : i32
    %dma_start3A_274 = arith.constant 0 : i32
    %dma_start3A_275 = tpu.memref_slice %arg6[%dma_start3A_264, %dma_start3A_273, %dma_start3A_274] : memref<2x32x1024xf32, #tpu.memory_space<vmem>> -> memref<1x32x1024xf32, #tpu.memory_space<vmem>>
    %dma_start3A_276 = tpu.memref_squeeze %dma_start3A_275 : memref<1x32x1024xf32, #tpu.memory_space<vmem>> -> memref<32x1024xf32, #tpu.memory_space<vmem>>
    tpu.enqueue_dma source(%dma_start3A_276 : memref<32x1024xf32, #tpu.memory_space<vmem>>) target(%dma_start3A_272 : memref<32x1024xf32, #tpu.memory_space<hbm>>) target_semaphore(%arg9 : memref<!tpu.dma_semaphore, #tpu.memory_space<semaphore_mem>>)
    %dma_wait3A_277 = arith.constant 0 : i32
    %dma_wait3A_278 = arith.constant 0 : i32
    %dma_wait3A_279 = arith.constant 0 : i32
    %dma_wait3A_280 = tpu.memref_slice %arg6[%dma_wait3A_277, %dma_wait3A_278, %dma_wait3A_279] : memref<2x32x1024xf32, #tpu.memory_space<vmem>> -> memref<1x32x1024xf32, #tpu.memory_space<vmem>>
    %dma_wait3A_281 = tpu.memref_squeeze %dma_wait3A_280 : memref<1x32x1024xf32, #tpu.memory_space<vmem>> -> memref<32x1024xf32, #tpu.memory_space<vmem>>
    %dma_wait3A_282 = arith.constant 0 : i32
    %dma_wait3A_283 = tpu.memref_slice %arg4[%add3A_263, %dma_wait3A_282] : memref<8192x1024xf32, #tpu.memory_space<hbm>> -> memref<32x1024xf32, #tpu.memory_space<hbm>>
    %dma_wait3A_284 = arith.constant 0 : i32
    %dma_wait3A_285 = tpu.memref_slice %arg4[%add3A_263, %dma_wait3A_284] : memref<8192x1024xf32, #tpu.memory_space<hbm>> -> memref<32x1024xf32, #tpu.memory_space<hbm>>
    %dma_wait3A_286 = arith.constant 0 : i32
    %dma_wait3A_287 = arith.constant 0 : i32
    %dma_wait3A_288 = tpu.memref_slice %arg6[%dma_wait3A_277, %dma_wait3A_286, %dma_wait3A_287] : memref<2x32x1024xf32, #tpu.memory_space<vmem>> -> memref<1x32x1024xf32, #tpu.memory_space<vmem>>
    %dma_wait3A_289 = tpu.memref_squeeze %dma_wait3A_288 : memref<1x32x1024xf32, #tpu.memory_space<vmem>> -> memref<32x1024xf32, #tpu.memory_space<vmem>>
    tpu.wait_dma2 semaphore(%arg9 : memref<!tpu.dma_semaphore, #tpu.memory_space<semaphore_mem>>) src(%dma_wait3A_289 : memref<32x1024xf32, #tpu.memory_space<vmem>>) dst(%dma_wait3A_285 : memref<32x1024xf32, #tpu.memory_space<hbm>>)
    %add3A_290 = arith.constant 192 : i32
    %add3A_291 = arith.addi %mul3A_2, %add3A_290 : i32
    %run_scoped3A_292 = arith.constant 0 : i32
    "tpu.region"() ({
      %run_scoped3A_440 = tpu.sem_alloc : memref<!tpu.dma_semaphore, #tpu.memory_space<semaphore_mem>>
      %dma_start3A_441 = arith.constant 0 : i32
      %dma_start3A_442 = tpu.memref_slice %arg5[%run_scoped3A_292, %dma_start3A_441] : memref<2x32xi32, #tpu.memory_space<vmem>> -> memref<1x32xi32, #tpu.memory_space<vmem>>
      %dma_start3A_443 = tpu.memref_squeeze %dma_start3A_442 : memref<1x32xi32, #tpu.memory_space<vmem>> -> memref<32xi32, #tpu.memory_space<vmem>>
      %dma_start3A_444 = tpu.memref_slice %arg3[%add3A_291] : memref<8192xi32, #tpu.memory_space<hbm>> -> memref<32xi32, #tpu.memory_space<hbm>>
      %dma_start3A_445 = arith.constant 0 : i32
      %dma_start3A_446 = tpu.memref_slice %arg5[%run_scoped3A_292, %dma_start3A_445] : memref<2x32xi32, #tpu.memory_space<vmem>> -> memref<1x32xi32, #tpu.memory_space<vmem>>
      %dma_start3A_447 = tpu.memref_squeeze %dma_start3A_446 : memref<1x32xi32, #tpu.memory_space<vmem>> -> memref<32xi32, #tpu.memory_space<vmem>>
      %dma_start3A_448 = tpu.memref_slice %arg3[%add3A_291] : memref<8192xi32, #tpu.memory_space<hbm>> -> memref<32xi32, #tpu.memory_space<hbm>>
      tpu.enqueue_dma source(%dma_start3A_448 : memref<32xi32, #tpu.memory_space<hbm>>) target(%dma_start3A_447 : memref<32xi32, #tpu.memory_space<vmem>>) target_semaphore(%run_scoped3A_440 : memref<!tpu.dma_semaphore, #tpu.memory_space<semaphore_mem>>)
      %dma_wait3A_449 = arith.constant 0 : i32
      %dma_wait3A_450 = tpu.memref_slice %arg5[%run_scoped3A_292, %dma_wait3A_449] : memref<2x32xi32, #tpu.memory_space<vmem>> -> memref<1x32xi32, #tpu.memory_space<vmem>>
      %dma_wait3A_451 = tpu.memref_squeeze %dma_wait3A_450 : memref<1x32xi32, #tpu.memory_space<vmem>> -> memref<32xi32, #tpu.memory_space<vmem>>
      %dma_wait3A_452 = tpu.memref_slice %arg3[%add3A_291] : memref<8192xi32, #tpu.memory_space<hbm>> -> memref<32xi32, #tpu.memory_space<hbm>>
      %dma_wait3A_453 = arith.constant 0 : i32
      %dma_wait3A_454 = tpu.memref_slice %arg5[%run_scoped3A_292, %dma_wait3A_453] : memref<2x32xi32, #tpu.memory_space<vmem>> -> memref<1x32xi32, #tpu.memory_space<vmem>>
      %dma_wait3A_455 = tpu.memref_squeeze %dma_wait3A_454 : memref<1x32xi32, #tpu.memory_space<vmem>> -> memref<32xi32, #tpu.memory_space<vmem>>
      %dma_wait3A_456 = tpu.memref_slice %arg3[%add3A_291] : memref<8192xi32, #tpu.memory_space<hbm>> -> memref<32xi32, #tpu.memory_space<hbm>>
      tpu.wait_dma2 semaphore(%run_scoped3A_440 : memref<!tpu.dma_semaphore, #tpu.memory_space<semaphore_mem>>) src(%dma_wait3A_456 : memref<32xi32, #tpu.memory_space<hbm>>) dst(%dma_wait3A_455 : memref<32xi32, #tpu.memory_space<vmem>>)
      tpu.yield
    }) : () -> ()
    %dma_start3A_293 = arith.constant 0 : i32
    %dma_start3A_294 = arith.constant 0 : i32
    %dma_start3A_295 = arith.constant 0 : i32
    %dma_start3A_296 = arith.constant 0 : i32
    %dma_start3A_297 = tpu.memref_slice %arg6[%dma_start3A_294, %dma_start3A_295, %dma_start3A_296] : memref<2x32x1024xf32, #tpu.memory_space<vmem>> -> memref<1x32x1024xf32, #tpu.memory_space<vmem>>
    %dma_start3A_298 = tpu.memref_squeeze %dma_start3A_297 : memref<1x32x1024xf32, #tpu.memory_space<vmem>> -> memref<32x1024xf32, #tpu.memory_space<vmem>>
    %dma_start3A_299 = arith.constant 0 : i32
    %dma_start3A_300 = tpu.memref_slice %arg5[%dma_start3A_293, %dma_start3A_299] : memref<2x32xi32, #tpu.memory_space<vmem>> -> memref<1x32xi32, #tpu.memory_space<vmem>>
    %dma_start3A_301 = tpu.memref_squeeze %dma_start3A_300 : memref<1x32xi32, #tpu.memory_space<vmem>> -> memref<32xi32, #tpu.memory_space<vmem>>
    %dma_start3A_302 = arith.constant 0 : i32
    %dma_start3A_303 = arith.constant 0 : i32
    %dma_start3A_304 = tpu.memref_slice %arg2[%dma_start3A_302, %dma_start3A_303] : memref<10240x1024xf32, #tpu.memory_space<hbm>> -> memref<10240x1024xf32, #tpu.memory_space<hbm>>
    tpu.enqueue_indirect_dma source(%dma_start3A_304 : memref<10240x1024xf32, #tpu.memory_space<hbm>>) target(%dma_start3A_298 : memref<32x1024xf32, #tpu.memory_space<vmem>>) offsets(%dma_start3A_301 : memref<32xi32, #tpu.memory_space<vmem>>) semaphore(%arg7 : memref<!tpu.dma_semaphore, #tpu.memory_space<semaphore_mem>>)
    %dma_wait3A_305 = arith.constant 1 : i32
    %dma_wait3A_306 = arith.constant 1 : i32
    %dma_wait3A_307 = arith.constant 0 : i32
    %dma_wait3A_308 = arith.constant 0 : i32
    %dma_wait3A_309 = tpu.memref_slice %arg6[%dma_wait3A_306, %dma_wait3A_307, %dma_wait3A_308] : memref<2x32x1024xf32, #tpu.memory_space<vmem>> -> memref<1x32x1024xf32, #tpu.memory_space<vmem>>
    %dma_wait3A_310 = tpu.memref_squeeze %dma_wait3A_309 : memref<1x32x1024xf32, #tpu.memory_space<vmem>> -> memref<32x1024xf32, #tpu.memory_space<vmem>>
    %dma_wait3A_311 = arith.constant 0 : i32
    %dma_wait3A_312 = tpu.memref_slice %arg5[%dma_wait3A_305, %dma_wait3A_311] : memref<2x32xi32, #tpu.memory_space<vmem>> -> memref<1x32xi32, #tpu.memory_space<vmem>>
    %dma_wait3A_313 = tpu.memref_squeeze %dma_wait3A_312 : memref<1x32xi32, #tpu.memory_space<vmem>> -> memref<32xi32, #tpu.memory_space<vmem>>
    %dma_wait3A_314 = arith.constant 0 : i32
    %dma_wait3A_315 = arith.constant 0 : i32
    %dma_wait3A_316 = tpu.memref_slice %arg2[%dma_wait3A_314, %dma_wait3A_315] : memref<10240x1024xf32, #tpu.memory_space<hbm>> -> memref<10240x1024xf32, #tpu.memory_space<hbm>>
    tpu.wait_indirect_dma semaphore(%arg8 : memref<!tpu.dma_semaphore, #tpu.memory_space<semaphore_mem>>) src(%dma_wait3A_316 : memref<10240x1024xf32, #tpu.memory_space<hbm>>) dst(%dma_wait3A_310 : memref<32x1024xf32, #tpu.memory_space<vmem>>)
    %add3A_317 = arith.constant 160 : i32
    %add3A_318 = arith.addi %mul3A_2, %add3A_317 : i32
    %dma_start3A_319 = arith.constant 1 : i32
    %dma_start3A_320 = arith.constant 0 : i32
    %dma_start3A_321 = arith.constant 0 : i32
    %dma_start3A_322 = tpu.memref_slice %arg6[%dma_start3A_319, %dma_start3A_320, %dma_start3A_321] : memref<2x32x1024xf32, #tpu.memory_space<vmem>> -> memref<1x32x1024xf32, #tpu.memory_space<vmem>>
    %dma_start3A_323 = tpu.memref_squeeze %dma_start3A_322 : memref<1x32x1024xf32, #tpu.memory_space<vmem>> -> memref<32x1024xf32, #tpu.memory_space<vmem>>
    %dma_start3A_324 = arith.constant 0 : i32
    %dma_start3A_325 = tpu.memref_slice %arg4[%add3A_318, %dma_start3A_324] : memref<8192x1024xf32, #tpu.memory_space<hbm>> -> memref<32x1024xf32, #tpu.memory_space<hbm>>
    %dma_start3A_326 = arith.constant 0 : i32
    %dma_start3A_327 = tpu.memref_slice %arg4[%add3A_318, %dma_start3A_326] : memref<8192x1024xf32, #tpu.memory_space<hbm>> -> memref<32x1024xf32, #tpu.memory_space<hbm>>
    %dma_start3A_328 = arith.constant 0 : i32
    %dma_start3A_329 = arith.constant 0 : i32
    %dma_start3A_330 = tpu.memref_slice %arg6[%dma_start3A_319, %dma_start3A_328, %dma_start3A_329] : memref<2x32x1024xf32, #tpu.memory_space<vmem>> -> memref<1x32x1024xf32, #tpu.memory_space<vmem>>
    %dma_start3A_331 = tpu.memref_squeeze %dma_start3A_330 : memref<1x32x1024xf32, #tpu.memory_space<vmem>> -> memref<32x1024xf32, #tpu.memory_space<vmem>>
    tpu.enqueue_dma source(%dma_start3A_331 : memref<32x1024xf32, #tpu.memory_space<vmem>>) target(%dma_start3A_327 : memref<32x1024xf32, #tpu.memory_space<hbm>>) target_semaphore(%arg10 : memref<!tpu.dma_semaphore, #tpu.memory_space<semaphore_mem>>)
    %dma_wait3A_332 = arith.constant 1 : i32
    %dma_wait3A_333 = arith.constant 0 : i32
    %dma_wait3A_334 = arith.constant 0 : i32
    %dma_wait3A_335 = tpu.memref_slice %arg6[%dma_wait3A_332, %dma_wait3A_333, %dma_wait3A_334] : memref<2x32x1024xf32, #tpu.memory_space<vmem>> -> memref<1x32x1024xf32, #tpu.memory_space<vmem>>
    %dma_wait3A_336 = tpu.memref_squeeze %dma_wait3A_335 : memref<1x32x1024xf32, #tpu.memory_space<vmem>> -> memref<32x1024xf32, #tpu.memory_space<vmem>>
    %dma_wait3A_337 = arith.constant 0 : i32
    %dma_wait3A_338 = tpu.memref_slice %arg4[%add3A_318, %dma_wait3A_337] : memref<8192x1024xf32, #tpu.memory_space<hbm>> -> memref<32x1024xf32, #tpu.memory_space<hbm>>
    %dma_wait3A_339 = arith.constant 0 : i32
    %dma_wait3A_340 = tpu.memref_slice %arg4[%add3A_318, %dma_wait3A_339] : memref<8192x1024xf32, #tpu.memory_space<hbm>> -> memref<32x1024xf32, #tpu.memory_space<hbm>>
    %dma_wait3A_341 = arith.constant 0 : i32
    %dma_wait3A_342 = arith.constant 0 : i32
    %dma_wait3A_343 = tpu.memref_slice %arg6[%dma_wait3A_332, %dma_wait3A_341, %dma_wait3A_342] : memref<2x32x1024xf32, #tpu.memory_space<vmem>> -> memref<1x32x1024xf32, #tpu.memory_space<vmem>>
    %dma_wait3A_344 = tpu.memref_squeeze %dma_wait3A_343 : memref<1x32x1024xf32, #tpu.memory_space<vmem>> -> memref<32x1024xf32, #tpu.memory_space<vmem>>
    tpu.wait_dma2 semaphore(%arg10 : memref<!tpu.dma_semaphore, #tpu.memory_space<semaphore_mem>>) src(%dma_wait3A_344 : memref<32x1024xf32, #tpu.memory_space<vmem>>) dst(%dma_wait3A_340 : memref<32x1024xf32, #tpu.memory_space<hbm>>)
    %add3A_345 = arith.constant 224 : i32
    %add3A_346 = arith.addi %mul3A_2, %add3A_345 : i32
    %run_scoped3A_347 = arith.constant 1 : i32
    "tpu.region"() ({
      %run_scoped3A_440 = tpu.sem_alloc : memref<!tpu.dma_semaphore, #tpu.memory_space<semaphore_mem>>
      %dma_start3A_441 = arith.constant 0 : i32
      %dma_start3A_442 = tpu.memref_slice %arg5[%run_scoped3A_347, %dma_start3A_441] : memref<2x32xi32, #tpu.memory_space<vmem>> -> memref<1x32xi32, #tpu.memory_space<vmem>>
      %dma_start3A_443 = tpu.memref_squeeze %dma_start3A_442 : memref<1x32xi32, #tpu.memory_space<vmem>> -> memref<32xi32, #tpu.memory_space<vmem>>
      %dma_start3A_444 = tpu.memref_slice %arg3[%add3A_346] : memref<8192xi32, #tpu.memory_space<hbm>> -> memref<32xi32, #tpu.memory_space<hbm>>
      %dma_start3A_445 = arith.constant 0 : i32
      %dma_start3A_446 = tpu.memref_slice %arg5[%run_scoped3A_347, %dma_start3A_445] : memref<2x32xi32, #tpu.memory_space<vmem>> -> memref<1x32xi32, #tpu.memory_space<vmem>>
      %dma_start3A_447 = tpu.memref_squeeze %dma_start3A_446 : memref<1x32xi32, #tpu.memory_space<vmem>> -> memref<32xi32, #tpu.memory_space<vmem>>
      %dma_start3A_448 = tpu.memref_slice %arg3[%add3A_346] : memref<8192xi32, #tpu.memory_space<hbm>> -> memref<32xi32, #tpu.memory_space<hbm>>
      tpu.enqueue_dma source(%dma_start3A_448 : memref<32xi32, #tpu.memory_space<hbm>>) target(%dma_start3A_447 : memref<32xi32, #tpu.memory_space<vmem>>) target_semaphore(%run_scoped3A_440 : memref<!tpu.dma_semaphore, #tpu.memory_space<semaphore_mem>>)
      %dma_wait3A_449 = arith.constant 0 : i32
      %dma_wait3A_450 = tpu.memref_slice %arg5[%run_scoped3A_347, %dma_wait3A_449] : memref<2x32xi32, #tpu.memory_space<vmem>> -> memref<1x32xi32, #tpu.memory_space<vmem>>
      %dma_wait3A_451 = tpu.memref_squeeze %dma_wait3A_450 : memref<1x32xi32, #tpu.memory_space<vmem>> -> memref<32xi32, #tpu.memory_space<vmem>>
      %dma_wait3A_452 = tpu.memref_slice %arg3[%add3A_346] : memref<8192xi32, #tpu.memory_space<hbm>> -> memref<32xi32, #tpu.memory_space<hbm>>
      %dma_wait3A_453 = arith.constant 0 : i32
      %dma_wait3A_454 = tpu.memref_slice %arg5[%run_scoped3A_347, %dma_wait3A_453] : memref<2x32xi32, #tpu.memory_space<vmem>> -> memref<1x32xi32, #tpu.memory_space<vmem>>
      %dma_wait3A_455 = tpu.memref_squeeze %dma_wait3A_454 : memref<1x32xi32, #tpu.memory_space<vmem>> -> memref<32xi32, #tpu.memory_space<vmem>>
      %dma_wait3A_456 = tpu.memref_slice %arg3[%add3A_346] : memref<8192xi32, #tpu.memory_space<hbm>> -> memref<32xi32, #tpu.memory_space<hbm>>
      tpu.wait_dma2 semaphore(%run_scoped3A_440 : memref<!tpu.dma_semaphore, #tpu.memory_space<semaphore_mem>>) src(%dma_wait3A_456 : memref<32xi32, #tpu.memory_space<hbm>>) dst(%dma_wait3A_455 : memref<32xi32, #tpu.memory_space<vmem>>)
      tpu.yield
    }) : () -> ()
    %dma_start3A_348 = arith.constant 1 : i32
    %dma_start3A_349 = arith.constant 1 : i32
    %dma_start3A_350 = arith.constant 0 : i32
    %dma_start3A_351 = arith.constant 0 : i32
    %dma_start3A_352 = tpu.memref_slice %arg6[%dma_start3A_349, %dma_start3A_350, %dma_start3A_351] : memref<2x32x1024xf32, #tpu.memory_space<vmem>> -> memref<1x32x1024xf32, #tpu.memory_space<vmem>>
    %dma_start3A_353 = tpu.memref_squeeze %dma_start3A_352 : memref<1x32x1024xf32, #tpu.memory_space<vmem>> -> memref<32x1024xf32, #tpu.memory_space<vmem>>
    %dma_start3A_354 = arith.constant 0 : i32
    %dma_start3A_355 = tpu.memref_slice %arg5[%dma_start3A_348, %dma_start3A_354] : memref<2x32xi32, #tpu.memory_space<vmem>> -> memref<1x32xi32, #tpu.memory_space<vmem>>
    %dma_start3A_356 = tpu.memref_squeeze %dma_start3A_355 : memref<1x32xi32, #tpu.memory_space<vmem>> -> memref<32xi32, #tpu.memory_space<vmem>>
    %dma_start3A_357 = arith.constant 0 : i32
    %dma_start3A_358 = arith.constant 0 : i32
    %dma_start3A_359 = tpu.memref_slice %arg2[%dma_start3A_357, %dma_start3A_358] : memref<10240x1024xf32, #tpu.memory_space<hbm>> -> memref<10240x1024xf32, #tpu.memory_space<hbm>>
    tpu.enqueue_indirect_dma source(%dma_start3A_359 : memref<10240x1024xf32, #tpu.memory_space<hbm>>) target(%dma_start3A_353 : memref<32x1024xf32, #tpu.memory_space<vmem>>) offsets(%dma_start3A_356 : memref<32xi32, #tpu.memory_space<vmem>>) semaphore(%arg8 : memref<!tpu.dma_semaphore, #tpu.memory_space<semaphore_mem>>)
    %dma_wait3A_360 = arith.constant 0 : i32
    %dma_wait3A_361 = arith.constant 0 : i32
    %dma_wait3A_362 = arith.constant 0 : i32
    %dma_wait3A_363 = arith.constant 0 : i32
    %dma_wait3A_364 = tpu.memref_slice %arg6[%dma_wait3A_361, %dma_wait3A_362, %dma_wait3A_363] : memref<2x32x1024xf32, #tpu.memory_space<vmem>> -> memref<1x32x1024xf32, #tpu.memory_space<vmem>>
    %dma_wait3A_365 = tpu.memref_squeeze %dma_wait3A_364 : memref<1x32x1024xf32, #tpu.memory_space<vmem>> -> memref<32x1024xf32, #tpu.memory_space<vmem>>
    %dma_wait3A_366 = arith.constant 0 : i32
    %dma_wait3A_367 = tpu.memref_slice %arg5[%dma_wait3A_360, %dma_wait3A_366] : memref<2x32xi32, #tpu.memory_space<vmem>> -> memref<1x32xi32, #tpu.memory_space<vmem>>
    %dma_wait3A_368 = tpu.memref_squeeze %dma_wait3A_367 : memref<1x32xi32, #tpu.memory_space<vmem>> -> memref<32xi32, #tpu.memory_space<vmem>>
    %dma_wait3A_369 = arith.constant 0 : i32
    %dma_wait3A_370 = arith.constant 0 : i32
    %dma_wait3A_371 = tpu.memref_slice %arg2[%dma_wait3A_369, %dma_wait3A_370] : memref<10240x1024xf32, #tpu.memory_space<hbm>> -> memref<10240x1024xf32, #tpu.memory_space<hbm>>
    tpu.wait_indirect_dma semaphore(%arg7 : memref<!tpu.dma_semaphore, #tpu.memory_space<semaphore_mem>>) src(%dma_wait3A_371 : memref<10240x1024xf32, #tpu.memory_space<hbm>>) dst(%dma_wait3A_365 : memref<32x1024xf32, #tpu.memory_space<vmem>>)
    %add3A_372 = arith.constant 192 : i32
    %add3A_373 = arith.addi %mul3A_2, %add3A_372 : i32
    %dma_start3A_374 = arith.constant 0 : i32
    %dma_start3A_375 = arith.constant 0 : i32
    %dma_start3A_376 = arith.constant 0 : i32
    %dma_start3A_377 = tpu.memref_slice %arg6[%dma_start3A_374, %dma_start3A_375, %dma_start3A_376] : memref<2x32x1024xf32, #tpu.memory_space<vmem>> -> memref<1x32x1024xf32, #tpu.memory_space<vmem>>
    %dma_start3A_378 = tpu.memref_squeeze %dma_start3A_377 : memref<1x32x1024xf32, #tpu.memory_space<vmem>> -> memref<32x1024xf32, #tpu.memory_space<vmem>>
    %dma_start3A_379 = arith.constant 0 : i32
    %dma_start3A_380 = tpu.memref_slice %arg4[%add3A_373, %dma_start3A_379] : memref<8192x1024xf32, #tpu.memory_space<hbm>> -> memref<32x1024xf32, #tpu.memory_space<hbm>>
    %dma_start3A_381 = arith.constant 0 : i32
    %dma_start3A_382 = tpu.memref_slice %arg4[%add3A_373, %dma_start3A_381] : memref<8192x1024xf32, #tpu.memory_space<hbm>> -> memref<32x1024xf32, #tpu.memory_space<hbm>>
    %dma_start3A_383 = arith.constant 0 : i32
    %dma_start3A_384 = arith.constant 0 : i32
    %dma_start3A_385 = tpu.memref_slice %arg6[%dma_start3A_374, %dma_start3A_383, %dma_start3A_384] : memref<2x32x1024xf32, #tpu.memory_space<vmem>> -> memref<1x32x1024xf32, #tpu.memory_space<vmem>>
    %dma_start3A_386 = tpu.memref_squeeze %dma_start3A_385 : memref<1x32x1024xf32, #tpu.memory_space<vmem>> -> memref<32x1024xf32, #tpu.memory_space<vmem>>
    tpu.enqueue_dma source(%dma_start3A_386 : memref<32x1024xf32, #tpu.memory_space<vmem>>) target(%dma_start3A_382 : memref<32x1024xf32, #tpu.memory_space<hbm>>) target_semaphore(%arg9 : memref<!tpu.dma_semaphore, #tpu.memory_space<semaphore_mem>>)
    %dma_wait3A_387 = arith.constant 1 : i32
    %dma_wait3A_388 = arith.constant 1 : i32
    %dma_wait3A_389 = arith.constant 0 : i32
    %dma_wait3A_390 = arith.constant 0 : i32
    %dma_wait3A_391 = tpu.memref_slice %arg6[%dma_wait3A_388, %dma_wait3A_389, %dma_wait3A_390] : memref<2x32x1024xf32, #tpu.memory_space<vmem>> -> memref<1x32x1024xf32, #tpu.memory_space<vmem>>
    %dma_wait3A_392 = tpu.memref_squeeze %dma_wait3A_391 : memref<1x32x1024xf32, #tpu.memory_space<vmem>> -> memref<32x1024xf32, #tpu.memory_space<vmem>>
    %dma_wait3A_393 = arith.constant 0 : i32
    %dma_wait3A_394 = tpu.memref_slice %arg5[%dma_wait3A_387, %dma_wait3A_393] : memref<2x32xi32, #tpu.memory_space<vmem>> -> memref<1x32xi32, #tpu.memory_space<vmem>>
    %dma_wait3A_395 = tpu.memref_squeeze %dma_wait3A_394 : memref<1x32xi32, #tpu.memory_space<vmem>> -> memref<32xi32, #tpu.memory_space<vmem>>
    %dma_wait3A_396 = arith.constant 0 : i32
    %dma_wait3A_397 = arith.constant 0 : i32
    %dma_wait3A_398 = tpu.memref_slice %arg2[%dma_wait3A_396, %dma_wait3A_397] : memref<10240x1024xf32, #tpu.memory_space<hbm>> -> memref<10240x1024xf32, #tpu.memory_space<hbm>>
    tpu.wait_indirect_dma semaphore(%arg8 : memref<!tpu.dma_semaphore, #tpu.memory_space<semaphore_mem>>) src(%dma_wait3A_398 : memref<10240x1024xf32, #tpu.memory_space<hbm>>) dst(%dma_wait3A_392 : memref<32x1024xf32, #tpu.memory_space<vmem>>)
    %add3A_399 = arith.constant 224 : i32
    %add3A_400 = arith.addi %mul3A_2, %add3A_399 : i32
    %dma_start3A_401 = arith.constant 1 : i32
    %dma_start3A_402 = arith.constant 0 : i32
    %dma_start3A_403 = arith.constant 0 : i32
    %dma_start3A_404 = tpu.memref_slice %arg6[%dma_start3A_401, %dma_start3A_402, %dma_start3A_403] : memref<2x32x1024xf32, #tpu.memory_space<vmem>> -> memref<1x32x1024xf32, #tpu.memory_space<vmem>>
    %dma_start3A_405 = tpu.memref_squeeze %dma_start3A_404 : memref<1x32x1024xf32, #tpu.memory_space<vmem>> -> memref<32x1024xf32, #tpu.memory_space<vmem>>
    %dma_start3A_406 = arith.constant 0 : i32
    %dma_start3A_407 = tpu.memref_slice %arg4[%add3A_400, %dma_start3A_406] : memref<8192x1024xf32, #tpu.memory_space<hbm>> -> memref<32x1024xf32, #tpu.memory_space<hbm>>
    %dma_start3A_408 = arith.constant 0 : i32
    %dma_start3A_409 = tpu.memref_slice %arg4[%add3A_400, %dma_start3A_408] : memref<8192x1024xf32, #tpu.memory_space<hbm>> -> memref<32x1024xf32, #tpu.memory_space<hbm>>
    %dma_start3A_410 = arith.constant 0 : i32
    %dma_start3A_411 = arith.constant 0 : i32
    %dma_start3A_412 = tpu.memref_slice %arg6[%dma_start3A_401, %dma_start3A_410, %dma_start3A_411] : memref<2x32x1024xf32, #tpu.memory_space<vmem>> -> memref<1x32x1024xf32, #tpu.memory_space<vmem>>
    %dma_start3A_413 = tpu.memref_squeeze %dma_start3A_412 : memref<1x32x1024xf32, #tpu.memory_space<vmem>> -> memref<32x1024xf32, #tpu.memory_space<vmem>>
    tpu.enqueue_dma source(%dma_start3A_413 : memref<32x1024xf32, #tpu.memory_space<vmem>>) target(%dma_start3A_409 : memref<32x1024xf32, #tpu.memory_space<hbm>>) target_semaphore(%arg10 : memref<!tpu.dma_semaphore, #tpu.memory_space<semaphore_mem>>)
    %dma_wait3A_414 = arith.constant 0 : i32
    %dma_wait3A_415 = arith.constant 0 : i32
    %dma_wait3A_416 = arith.constant 0 : i32
    %dma_wait3A_417 = tpu.memref_slice %arg6[%dma_wait3A_414, %dma_wait3A_415, %dma_wait3A_416] : memref<2x32x1024xf32, #tpu.memory_space<vmem>> -> memref<1x32x1024xf32, #tpu.memory_space<vmem>>
    %dma_wait3A_418 = tpu.memref_squeeze %dma_wait3A_417 : memref<1x32x1024xf32, #tpu.memory_space<vmem>> -> memref<32x1024xf32, #tpu.memory_space<vmem>>
    %dma_wait3A_419 = arith.constant 0 : i32
    %dma_wait3A_420 = tpu.memref_slice %arg4[%add3A_373, %dma_wait3A_419] : memref<8192x1024xf32, #tpu.memory_space<hbm>> -> memref<32x1024xf32, #tpu.memory_space<hbm>>
    %dma_wait3A_421 = arith.constant 0 : i32
    %dma_wait3A_422 = tpu.memref_slice %arg4[%add3A_373, %dma_wait3A_421] : memref<8192x1024xf32, #tpu.memory_space<hbm>> -> memref<32x1024xf32, #tpu.memory_space<hbm>>
    %dma_wait3A_423 = arith.constant 0 : i32
    %dma_wait3A_424 = arith.constant 0 : i32
    %dma_wait3A_425 = tpu.memref_slice %arg6[%dma_wait3A_414, %dma_wait3A_423, %dma_wait3A_424] : memref<2x32x1024xf32, #tpu.memory_space<vmem>> -> memref<1x32x1024xf32, #tpu.memory_space<vmem>>
    %dma_wait3A_426 = tpu.memref_squeeze %dma_wait3A_425 : memref<1x32x1024xf32, #tpu.memory_space<vmem>> -> memref<32x1024xf32, #tpu.memory_space<vmem>>
    tpu.wait_dma2 semaphore(%arg9 : memref<!tpu.dma_semaphore, #tpu.memory_space<semaphore_mem>>) src(%dma_wait3A_426 : memref<32x1024xf32, #tpu.memory_space<vmem>>) dst(%dma_wait3A_422 : memref<32x1024xf32, #tpu.memory_space<hbm>>)
    %dma_wait3A_427 = arith.constant 1 : i32
    %dma_wait3A_428 = arith.constant 0 : i32
    %dma_wait3A_429 = arith.constant 0 : i32
    %dma_wait3A_430 = tpu.memref_slice %arg6[%dma_wait3A_427, %dma_wait3A_428, %dma_wait3A_429] : memref<2x32x1024xf32, #tpu.memory_space<vmem>> -> memref<1x32x1024xf32, #tpu.memory_space<vmem>>
    %dma_wait3A_431 = tpu.memref_squeeze %dma_wait3A_430 : memref<1x32x1024xf32, #tpu.memory_space<vmem>> -> memref<32x1024xf32, #tpu.memory_space<vmem>>
    %dma_wait3A_432 = arith.constant 0 : i32
    %dma_wait3A_433 = tpu.memref_slice %arg4[%add3A_400, %dma_wait3A_432] : memref<8192x1024xf32, #tpu.memory_space<hbm>> -> memref<32x1024xf32, #tpu.memory_space<hbm>>
    %dma_wait3A_434 = arith.constant 0 : i32
    %dma_wait3A_435 = tpu.memref_slice %arg4[%add3A_400, %dma_wait3A_434] : memref<8192x1024xf32, #tpu.memory_space<hbm>> -> memref<32x1024xf32, #tpu.memory_space<hbm>>
    %dma_wait3A_436 = arith.constant 0 : i32
    %dma_wait3A_437 = arith.constant 0 : i32
    %dma_wait3A_438 = tpu.memref_slice %arg6[%dma_wait3A_427, %dma_wait3A_436, %dma_wait3A_437] : memref<2x32x1024xf32, #tpu.memory_space<vmem>> -> memref<1x32x1024xf32, #tpu.memory_space<vmem>>
    %dma_wait3A_439 = tpu.memref_squeeze %dma_wait3A_438 : memref<1x32x1024xf32, #tpu.memory_space<vmem>> -> memref<32x1024xf32, #tpu.memory_space<vmem>>
    tpu.wait_dma2 semaphore(%arg10 : memref<!tpu.dma_semaphore, #tpu.memory_space<semaphore_mem>>) src(%dma_wait3A_439 : memref<32x1024xf32, #tpu.memory_space<vmem>>) dst(%dma_wait3A_435 : memref<32x1024xf32, #tpu.memory_space<hbm>>)
    return
  }
}

#map = affine_map<(d0, d1) -> (0, 0)>
#map1 = affine_map<(d0, d1) -> (0)>
module attributes {stable_mosaic.version = 14 : i64} {
  func.func @_dispatch_body(%arg0: i32, %arg1: i32, %arg2: memref<4096x1024xf32, #tpu.memory_space<hbm>>, %arg3: memref<8192xi32, #tpu.memory_space<hbm>>, %arg4: memref<10240x1024xf32, #tpu.memory_space<hbm>>, %arg5: memref<2x32xi32, #tpu.memory_space<vmem>>, %arg6: memref<2x32x1024xf32, #tpu.memory_space<vmem>>, %arg7: memref<!tpu.dma_semaphore, #tpu.memory_space<semaphore_mem>>, %arg8: memref<!tpu.dma_semaphore, #tpu.memory_space<semaphore_mem>>) attributes {dimension_semantics = [#tpu.dimension_semantics<core_parallel>, #tpu.dimension_semantics<subcore_parallel>], iteration_bounds = array<i64: 2, 16>, scalar_prefetch = 0 : i64, scratch_operands = 4 : i64, tpu.core_type = #tpu.core_type<sc_vector_subcore>, window_params = [{transform_indices = #map}, {transform_indices = #map1}, {transform_indices = #map}]} {
    %mul3A = arith.constant 2 : i32
    %mul3A_0 = arith.muli %arg1, %mul3A : i32
    %add3A = arith.addi %mul3A_0, %arg0 : i32
    %mul3A_1 = arith.constant 256 : i32
    %mul3A_2 = arith.muli %add3A, %mul3A_1 : i32
    %add3A_3 = arith.constant 0 : i32
    %add3A_4 = arith.addi %mul3A_2, %add3A_3 : i32
    %ge3A = arith.constant 4096 : i32
    %ge3A_5 = arith.cmpi sge, %add3A_4, %ge3A : i32
    %jit3A = arith.constant 4096 : i32
    %jit3A_6 = arith.constant 0 : i32
    %select_n3A = arith.select %ge3A_5, %jit3A, %jit3A_6 : i32
    %sub3A = arith.subi %add3A_4, %select_n3A : i32
    %run_scoped3A = arith.constant 0 : i32
    "tpu.region"() ({
      %run_scoped3A_268 = tpu.sem_alloc : memref<!tpu.dma_semaphore, #tpu.memory_space<semaphore_mem>>
      %dma_start3A_269 = arith.constant 0 : i32
      %dma_start3A_270 = tpu.memref_slice %arg5[%run_scoped3A, %dma_start3A_269] : memref<2x32xi32, #tpu.memory_space<vmem>> -> memref<1x32xi32, #tpu.memory_space<vmem>>
      %dma_start3A_271 = tpu.memref_squeeze %dma_start3A_270 : memref<1x32xi32, #tpu.memory_space<vmem>> -> memref<32xi32, #tpu.memory_space<vmem>>
      %dma_start3A_272 = tpu.memref_slice %arg3[%add3A_4] : memref<8192xi32, #tpu.memory_space<hbm>> -> memref<32xi32, #tpu.memory_space<hbm>>
      %dma_start3A_273 = arith.constant 0 : i32
      %dma_start3A_274 = tpu.memref_slice %arg5[%run_scoped3A, %dma_start3A_273] : memref<2x32xi32, #tpu.memory_space<vmem>> -> memref<1x32xi32, #tpu.memory_space<vmem>>
      %dma_start3A_275 = tpu.memref_squeeze %dma_start3A_274 : memref<1x32xi32, #tpu.memory_space<vmem>> -> memref<32xi32, #tpu.memory_space<vmem>>
      %dma_start3A_276 = tpu.memref_slice %arg3[%add3A_4] : memref<8192xi32, #tpu.memory_space<hbm>> -> memref<32xi32, #tpu.memory_space<hbm>>
      tpu.enqueue_dma source(%dma_start3A_276 : memref<32xi32, #tpu.memory_space<hbm>>) target(%dma_start3A_275 : memref<32xi32, #tpu.memory_space<vmem>>) target_semaphore(%run_scoped3A_268 : memref<!tpu.dma_semaphore, #tpu.memory_space<semaphore_mem>>)
      %dma_wait3A_277 = arith.constant 0 : i32
      %dma_wait3A_278 = tpu.memref_slice %arg5[%run_scoped3A, %dma_wait3A_277] : memref<2x32xi32, #tpu.memory_space<vmem>> -> memref<1x32xi32, #tpu.memory_space<vmem>>
      %dma_wait3A_279 = tpu.memref_squeeze %dma_wait3A_278 : memref<1x32xi32, #tpu.memory_space<vmem>> -> memref<32xi32, #tpu.memory_space<vmem>>
      %dma_wait3A_280 = tpu.memref_slice %arg3[%add3A_4] : memref<8192xi32, #tpu.memory_space<hbm>> -> memref<32xi32, #tpu.memory_space<hbm>>
      %dma_wait3A_281 = arith.constant 0 : i32
      %dma_wait3A_282 = tpu.memref_slice %arg5[%run_scoped3A, %dma_wait3A_281] : memref<2x32xi32, #tpu.memory_space<vmem>> -> memref<1x32xi32, #tpu.memory_space<vmem>>
      %dma_wait3A_283 = tpu.memref_squeeze %dma_wait3A_282 : memref<1x32xi32, #tpu.memory_space<vmem>> -> memref<32xi32, #tpu.memory_space<vmem>>
      %dma_wait3A_284 = tpu.memref_slice %arg3[%add3A_4] : memref<8192xi32, #tpu.memory_space<hbm>> -> memref<32xi32, #tpu.memory_space<hbm>>
      tpu.wait_dma2 semaphore(%run_scoped3A_268 : memref<!tpu.dma_semaphore, #tpu.memory_space<semaphore_mem>>) src(%dma_wait3A_284 : memref<32xi32, #tpu.memory_space<hbm>>) dst(%dma_wait3A_283 : memref<32xi32, #tpu.memory_space<vmem>>)
      tpu.yield
    }) : () -> ()
    %run_scoped3A_7 = arith.constant 0 : i32
    "tpu.region"() ({
      %run_scoped3A_268 = tpu.sem_alloc : memref<!tpu.dma_semaphore, #tpu.memory_space<semaphore_mem>>
      %dma_start3A_269 = arith.constant 0 : i32
      %dma_start3A_270 = arith.constant 0 : i32
      %dma_start3A_271 = tpu.memref_slice %arg6[%run_scoped3A_7, %dma_start3A_269, %dma_start3A_270] : memref<2x32x1024xf32, #tpu.memory_space<vmem>> -> memref<1x32x1024xf32, #tpu.memory_space<vmem>>
      %dma_start3A_272 = tpu.memref_squeeze %dma_start3A_271 : memref<1x32x1024xf32, #tpu.memory_space<vmem>> -> memref<32x1024xf32, #tpu.memory_space<vmem>>
      %dma_start3A_273 = arith.constant 0 : i32
      %dma_start3A_274 = tpu.memref_slice %arg2[%sub3A, %dma_start3A_273] : memref<4096x1024xf32, #tpu.memory_space<hbm>> -> memref<32x1024xf32, #tpu.memory_space<hbm>>
      %dma_start3A_275 = arith.constant 0 : i32
      %dma_start3A_276 = arith.constant 0 : i32
      %dma_start3A_277 = tpu.memref_slice %arg6[%run_scoped3A_7, %dma_start3A_275, %dma_start3A_276] : memref<2x32x1024xf32, #tpu.memory_space<vmem>> -> memref<1x32x1024xf32, #tpu.memory_space<vmem>>
      %dma_start3A_278 = tpu.memref_squeeze %dma_start3A_277 : memref<1x32x1024xf32, #tpu.memory_space<vmem>> -> memref<32x1024xf32, #tpu.memory_space<vmem>>
      %dma_start3A_279 = arith.constant 0 : i32
      %dma_start3A_280 = tpu.memref_slice %arg2[%sub3A, %dma_start3A_279] : memref<4096x1024xf32, #tpu.memory_space<hbm>> -> memref<32x1024xf32, #tpu.memory_space<hbm>>
      tpu.enqueue_dma source(%dma_start3A_280 : memref<32x1024xf32, #tpu.memory_space<hbm>>) target(%dma_start3A_278 : memref<32x1024xf32, #tpu.memory_space<vmem>>) target_semaphore(%run_scoped3A_268 : memref<!tpu.dma_semaphore, #tpu.memory_space<semaphore_mem>>)
      %dma_wait3A_281 = arith.constant 0 : i32
      %dma_wait3A_282 = arith.constant 0 : i32
      %dma_wait3A_283 = tpu.memref_slice %arg6[%run_scoped3A_7, %dma_wait3A_281, %dma_wait3A_282] : memref<2x32x1024xf32, #tpu.memory_space<vmem>> -> memref<1x32x1024xf32, #tpu.memory_space<vmem>>
      %dma_wait3A_284 = tpu.memref_squeeze %dma_wait3A_283 : memref<1x32x1024xf32, #tpu.memory_space<vmem>> -> memref<32x1024xf32, #tpu.memory_space<vmem>>
      %dma_wait3A_285 = arith.constant 0 : i32
      %dma_wait3A_286 = tpu.memref_slice %arg2[%sub3A, %dma_wait3A_285] : memref<4096x1024xf32, #tpu.memory_space<hbm>> -> memref<32x1024xf32, #tpu.memory_space<hbm>>
      %dma_wait3A_287 = arith.constant 0 : i32
      %dma_wait3A_288 = arith.constant 0 : i32
      %dma_wait3A_289 = tpu.memref_slice %arg6[%run_scoped3A_7, %dma_wait3A_287, %dma_wait3A_288] : memref<2x32x1024xf32, #tpu.memory_space<vmem>> -> memref<1x32x1024xf32, #tpu.memory_space<vmem>>
      %dma_wait3A_290 = tpu.memref_squeeze %dma_wait3A_289 : memref<1x32x1024xf32, #tpu.memory_space<vmem>> -> memref<32x1024xf32, #tpu.memory_space<vmem>>
      %dma_wait3A_291 = arith.constant 0 : i32
      %dma_wait3A_292 = tpu.memref_slice %arg2[%sub3A, %dma_wait3A_291] : memref<4096x1024xf32, #tpu.memory_space<hbm>> -> memref<32x1024xf32, #tpu.memory_space<hbm>>
      tpu.wait_dma2 semaphore(%run_scoped3A_268 : memref<!tpu.dma_semaphore, #tpu.memory_space<semaphore_mem>>) src(%dma_wait3A_292 : memref<32x1024xf32, #tpu.memory_space<hbm>>) dst(%dma_wait3A_290 : memref<32x1024xf32, #tpu.memory_space<vmem>>)
      tpu.yield
    }) : () -> ()
    %dma_start3A = arith.constant 0 : i32
    %dma_start3A_8 = arith.constant 0 : i32
    %dma_start3A_9 = arith.constant 0 : i32
    %dma_start3A_10 = arith.constant 0 : i32
    %dma_start3A_11 = tpu.memref_slice %arg6[%dma_start3A, %dma_start3A_9, %dma_start3A_10] : memref<2x32x1024xf32, #tpu.memory_space<vmem>> -> memref<1x32x1024xf32, #tpu.memory_space<vmem>>
    %dma_start3A_12 = tpu.memref_squeeze %dma_start3A_11 : memref<1x32x1024xf32, #tpu.memory_space<vmem>> -> memref<32x1024xf32, #tpu.memory_space<vmem>>
    %dma_start3A_13 = arith.constant 0 : i32
    %dma_start3A_14 = tpu.memref_slice %arg5[%dma_start3A_8, %dma_start3A_13] : memref<2x32xi32, #tpu.memory_space<vmem>> -> memref<1x32xi32, #tpu.memory_space<vmem>>
    %dma_start3A_15 = tpu.memref_squeeze %dma_start3A_14 : memref<1x32xi32, #tpu.memory_space<vmem>> -> memref<32xi32, #tpu.memory_space<vmem>>
    %dma_start3A_16 = arith.constant 0 : i32
    %dma_start3A_17 = arith.constant 0 : i32
    %dma_start3A_18 = tpu.memref_slice %arg4[%dma_start3A_16, %dma_start3A_17] : memref<10240x1024xf32, #tpu.memory_space<hbm>> -> memref<10240x1024xf32, #tpu.memory_space<hbm>>
    tpu.enqueue_indirect_dma source(%dma_start3A_12 : memref<32x1024xf32, #tpu.memory_space<vmem>>) target(%dma_start3A_18 : memref<10240x1024xf32, #tpu.memory_space<hbm>>) offsets(%dma_start3A_15 : memref<32xi32, #tpu.memory_space<vmem>>) semaphore(%arg7 : memref<!tpu.dma_semaphore, #tpu.memory_space<semaphore_mem>>)
    %add3A_19 = arith.constant 32 : i32
    %add3A_20 = arith.addi %mul3A_2, %add3A_19 : i32
    %ge3A_21 = arith.constant 4096 : i32
    %ge3A_22 = arith.cmpi sge, %add3A_20, %ge3A_21 : i32
    %jit3A_23 = arith.constant 4096 : i32
    %jit3A_24 = arith.constant 0 : i32
    %select_n3A_25 = arith.select %ge3A_22, %jit3A_23, %jit3A_24 : i32
    %sub3A_26 = arith.subi %add3A_20, %select_n3A_25 : i32
    %run_scoped3A_27 = arith.constant 1 : i32
    "tpu.region"() ({
      %run_scoped3A_268 = tpu.sem_alloc : memref<!tpu.dma_semaphore, #tpu.memory_space<semaphore_mem>>
      %dma_start3A_269 = arith.constant 0 : i32
      %dma_start3A_270 = tpu.memref_slice %arg5[%run_scoped3A_27, %dma_start3A_269] : memref<2x32xi32, #tpu.memory_space<vmem>> -> memref<1x32xi32, #tpu.memory_space<vmem>>
      %dma_start3A_271 = tpu.memref_squeeze %dma_start3A_270 : memref<1x32xi32, #tpu.memory_space<vmem>> -> memref<32xi32, #tpu.memory_space<vmem>>
      %dma_start3A_272 = tpu.memref_slice %arg3[%add3A_20] : memref<8192xi32, #tpu.memory_space<hbm>> -> memref<32xi32, #tpu.memory_space<hbm>>
      %dma_start3A_273 = arith.constant 0 : i32
      %dma_start3A_274 = tpu.memref_slice %arg5[%run_scoped3A_27, %dma_start3A_273] : memref<2x32xi32, #tpu.memory_space<vmem>> -> memref<1x32xi32, #tpu.memory_space<vmem>>
      %dma_start3A_275 = tpu.memref_squeeze %dma_start3A_274 : memref<1x32xi32, #tpu.memory_space<vmem>> -> memref<32xi32, #tpu.memory_space<vmem>>
      %dma_start3A_276 = tpu.memref_slice %arg3[%add3A_20] : memref<8192xi32, #tpu.memory_space<hbm>> -> memref<32xi32, #tpu.memory_space<hbm>>
      tpu.enqueue_dma source(%dma_start3A_276 : memref<32xi32, #tpu.memory_space<hbm>>) target(%dma_start3A_275 : memref<32xi32, #tpu.memory_space<vmem>>) target_semaphore(%run_scoped3A_268 : memref<!tpu.dma_semaphore, #tpu.memory_space<semaphore_mem>>)
      %dma_wait3A_277 = arith.constant 0 : i32
      %dma_wait3A_278 = tpu.memref_slice %arg5[%run_scoped3A_27, %dma_wait3A_277] : memref<2x32xi32, #tpu.memory_space<vmem>> -> memref<1x32xi32, #tpu.memory_space<vmem>>
      %dma_wait3A_279 = tpu.memref_squeeze %dma_wait3A_278 : memref<1x32xi32, #tpu.memory_space<vmem>> -> memref<32xi32, #tpu.memory_space<vmem>>
      %dma_wait3A_280 = tpu.memref_slice %arg3[%add3A_20] : memref<8192xi32, #tpu.memory_space<hbm>> -> memref<32xi32, #tpu.memory_space<hbm>>
      %dma_wait3A_281 = arith.constant 0 : i32
      %dma_wait3A_282 = tpu.memref_slice %arg5[%run_scoped3A_27, %dma_wait3A_281] : memref<2x32xi32, #tpu.memory_space<vmem>> -> memref<1x32xi32, #tpu.memory_space<vmem>>
      %dma_wait3A_283 = tpu.memref_squeeze %dma_wait3A_282 : memref<1x32xi32, #tpu.memory_space<vmem>> -> memref<32xi32, #tpu.memory_space<vmem>>
      %dma_wait3A_284 = tpu.memref_slice %arg3[%add3A_20] : memref<8192xi32, #tpu.memory_space<hbm>> -> memref<32xi32, #tpu.memory_space<hbm>>
      tpu.wait_dma2 semaphore(%run_scoped3A_268 : memref<!tpu.dma_semaphore, #tpu.memory_space<semaphore_mem>>) src(%dma_wait3A_284 : memref<32xi32, #tpu.memory_space<hbm>>) dst(%dma_wait3A_283 : memref<32xi32, #tpu.memory_space<vmem>>)
      tpu.yield
    }) : () -> ()
    %run_scoped3A_28 = arith.constant 1 : i32
    "tpu.region"() ({
      %run_scoped3A_268 = tpu.sem_alloc : memref<!tpu.dma_semaphore, #tpu.memory_space<semaphore_mem>>
      %dma_start3A_269 = arith.constant 0 : i32
      %dma_start3A_270 = arith.constant 0 : i32
      %dma_start3A_271 = tpu.memref_slice %arg6[%run_scoped3A_28, %dma_start3A_269, %dma_start3A_270] : memref<2x32x1024xf32, #tpu.memory_space<vmem>> -> memref<1x32x1024xf32, #tpu.memory_space<vmem>>
      %dma_start3A_272 = tpu.memref_squeeze %dma_start3A_271 : memref<1x32x1024xf32, #tpu.memory_space<vmem>> -> memref<32x1024xf32, #tpu.memory_space<vmem>>
      %dma_start3A_273 = arith.constant 0 : i32
      %dma_start3A_274 = tpu.memref_slice %arg2[%sub3A_26, %dma_start3A_273] : memref<4096x1024xf32, #tpu.memory_space<hbm>> -> memref<32x1024xf32, #tpu.memory_space<hbm>>
      %dma_start3A_275 = arith.constant 0 : i32
      %dma_start3A_276 = arith.constant 0 : i32
      %dma_start3A_277 = tpu.memref_slice %arg6[%run_scoped3A_28, %dma_start3A_275, %dma_start3A_276] : memref<2x32x1024xf32, #tpu.memory_space<vmem>> -> memref<1x32x1024xf32, #tpu.memory_space<vmem>>
      %dma_start3A_278 = tpu.memref_squeeze %dma_start3A_277 : memref<1x32x1024xf32, #tpu.memory_space<vmem>> -> memref<32x1024xf32, #tpu.memory_space<vmem>>
      %dma_start3A_279 = arith.constant 0 : i32
      %dma_start3A_280 = tpu.memref_slice %arg2[%sub3A_26, %dma_start3A_279] : memref<4096x1024xf32, #tpu.memory_space<hbm>> -> memref<32x1024xf32, #tpu.memory_space<hbm>>
      tpu.enqueue_dma source(%dma_start3A_280 : memref<32x1024xf32, #tpu.memory_space<hbm>>) target(%dma_start3A_278 : memref<32x1024xf32, #tpu.memory_space<vmem>>) target_semaphore(%run_scoped3A_268 : memref<!tpu.dma_semaphore, #tpu.memory_space<semaphore_mem>>)
      %dma_wait3A_281 = arith.constant 0 : i32
      %dma_wait3A_282 = arith.constant 0 : i32
      %dma_wait3A_283 = tpu.memref_slice %arg6[%run_scoped3A_28, %dma_wait3A_281, %dma_wait3A_282] : memref<2x32x1024xf32, #tpu.memory_space<vmem>> -> memref<1x32x1024xf32, #tpu.memory_space<vmem>>
      %dma_wait3A_284 = tpu.memref_squeeze %dma_wait3A_283 : memref<1x32x1024xf32, #tpu.memory_space<vmem>> -> memref<32x1024xf32, #tpu.memory_space<vmem>>
      %dma_wait3A_285 = arith.constant 0 : i32
      %dma_wait3A_286 = tpu.memref_slice %arg2[%sub3A_26, %dma_wait3A_285] : memref<4096x1024xf32, #tpu.memory_space<hbm>> -> memref<32x1024xf32, #tpu.memory_space<hbm>>
      %dma_wait3A_287 = arith.constant 0 : i32
      %dma_wait3A_288 = arith.constant 0 : i32
      %dma_wait3A_289 = tpu.memref_slice %arg6[%run_scoped3A_28, %dma_wait3A_287, %dma_wait3A_288] : memref<2x32x1024xf32, #tpu.memory_space<vmem>> -> memref<1x32x1024xf32, #tpu.memory_space<vmem>>
      %dma_wait3A_290 = tpu.memref_squeeze %dma_wait3A_289 : memref<1x32x1024xf32, #tpu.memory_space<vmem>> -> memref<32x1024xf32, #tpu.memory_space<vmem>>
      %dma_wait3A_291 = arith.constant 0 : i32
      %dma_wait3A_292 = tpu.memref_slice %arg2[%sub3A_26, %dma_wait3A_291] : memref<4096x1024xf32, #tpu.memory_space<hbm>> -> memref<32x1024xf32, #tpu.memory_space<hbm>>
      tpu.wait_dma2 semaphore(%run_scoped3A_268 : memref<!tpu.dma_semaphore, #tpu.memory_space<semaphore_mem>>) src(%dma_wait3A_292 : memref<32x1024xf32, #tpu.memory_space<hbm>>) dst(%dma_wait3A_290 : memref<32x1024xf32, #tpu.memory_space<vmem>>)
      tpu.yield
    }) : () -> ()
    %dma_start3A_29 = arith.constant 1 : i32
    %dma_start3A_30 = arith.constant 1 : i32
    %dma_start3A_31 = arith.constant 0 : i32
    %dma_start3A_32 = arith.constant 0 : i32
    %dma_start3A_33 = tpu.memref_slice %arg6[%dma_start3A_29, %dma_start3A_31, %dma_start3A_32] : memref<2x32x1024xf32, #tpu.memory_space<vmem>> -> memref<1x32x1024xf32, #tpu.memory_space<vmem>>
    %dma_start3A_34 = tpu.memref_squeeze %dma_start3A_33 : memref<1x32x1024xf32, #tpu.memory_space<vmem>> -> memref<32x1024xf32, #tpu.memory_space<vmem>>
    %dma_start3A_35 = arith.constant 0 : i32
    %dma_start3A_36 = tpu.memref_slice %arg5[%dma_start3A_30, %dma_start3A_35] : memref<2x32xi32, #tpu.memory_space<vmem>> -> memref<1x32xi32, #tpu.memory_space<vmem>>
    %dma_start3A_37 = tpu.memref_squeeze %dma_start3A_36 : memref<1x32xi32, #tpu.memory_space<vmem>> -> memref<32xi32, #tpu.memory_space<vmem>>
    %dma_start3A_38 = arith.constant 0 : i32
    %dma_start3A_39 = arith.constant 0 : i32
    %dma_start3A_40 = tpu.memref_slice %arg4[%dma_start3A_38, %dma_start3A_39] : memref<10240x1024xf32, #tpu.memory_space<hbm>> -> memref<10240x1024xf32, #tpu.memory_space<hbm>>
    tpu.enqueue_indirect_dma source(%dma_start3A_34 : memref<32x1024xf32, #tpu.memory_space<vmem>>) target(%dma_start3A_40 : memref<10240x1024xf32, #tpu.memory_space<hbm>>) offsets(%dma_start3A_37 : memref<32xi32, #tpu.memory_space<vmem>>) semaphore(%arg8 : memref<!tpu.dma_semaphore, #tpu.memory_space<semaphore_mem>>)
    %add3A_41 = arith.constant 64 : i32
    %add3A_42 = arith.addi %mul3A_2, %add3A_41 : i32
    %ge3A_43 = arith.constant 4096 : i32
    %ge3A_44 = arith.cmpi sge, %add3A_42, %ge3A_43 : i32
    %jit3A_45 = arith.constant 4096 : i32
    %jit3A_46 = arith.constant 0 : i32
    %select_n3A_47 = arith.select %ge3A_44, %jit3A_45, %jit3A_46 : i32
    %sub3A_48 = arith.subi %add3A_42, %select_n3A_47 : i32
    %dma_wait3A = arith.constant 0 : i32
    %dma_wait3A_49 = arith.constant 0 : i32
    %dma_wait3A_50 = arith.constant 0 : i32
    %dma_wait3A_51 = arith.constant 0 : i32
    %dma_wait3A_52 = tpu.memref_slice %arg6[%dma_wait3A, %dma_wait3A_50, %dma_wait3A_51] : memref<2x32x1024xf32, #tpu.memory_space<vmem>> -> memref<1x32x1024xf32, #tpu.memory_space<vmem>>
    %dma_wait3A_53 = tpu.memref_squeeze %dma_wait3A_52 : memref<1x32x1024xf32, #tpu.memory_space<vmem>> -> memref<32x1024xf32, #tpu.memory_space<vmem>>
    %dma_wait3A_54 = arith.constant 0 : i32
    %dma_wait3A_55 = tpu.memref_slice %arg5[%dma_wait3A_49, %dma_wait3A_54] : memref<2x32xi32, #tpu.memory_space<vmem>> -> memref<1x32xi32, #tpu.memory_space<vmem>>
    %dma_wait3A_56 = tpu.memref_squeeze %dma_wait3A_55 : memref<1x32xi32, #tpu.memory_space<vmem>> -> memref<32xi32, #tpu.memory_space<vmem>>
    %dma_wait3A_57 = arith.constant 0 : i32
    %dma_wait3A_58 = arith.constant 0 : i32
    %dma_wait3A_59 = tpu.memref_slice %arg4[%dma_wait3A_57, %dma_wait3A_58] : memref<10240x1024xf32, #tpu.memory_space<hbm>> -> memref<10240x1024xf32, #tpu.memory_space<hbm>>
    tpu.wait_indirect_dma semaphore(%arg7 : memref<!tpu.dma_semaphore, #tpu.memory_space<semaphore_mem>>) src(%dma_wait3A_53 : memref<32x1024xf32, #tpu.memory_space<vmem>>) dst(%dma_wait3A_59 : memref<10240x1024xf32, #tpu.memory_space<hbm>>)
    %run_scoped3A_60 = arith.constant 0 : i32
    "tpu.region"() ({
      %run_scoped3A_268 = tpu.sem_alloc : memref<!tpu.dma_semaphore, #tpu.memory_space<semaphore_mem>>
      %dma_start3A_269 = arith.constant 0 : i32
      %dma_start3A_270 = tpu.memref_slice %arg5[%run_scoped3A_60, %dma_start3A_269] : memref<2x32xi32, #tpu.memory_space<vmem>> -> memref<1x32xi32, #tpu.memory_space<vmem>>
      %dma_start3A_271 = tpu.memref_squeeze %dma_start3A_270 : memref<1x32xi32, #tpu.memory_space<vmem>> -> memref<32xi32, #tpu.memory_space<vmem>>
      %dma_start3A_272 = tpu.memref_slice %arg3[%add3A_42] : memref<8192xi32, #tpu.memory_space<hbm>> -> memref<32xi32, #tpu.memory_space<hbm>>
      %dma_start3A_273 = arith.constant 0 : i32
      %dma_start3A_274 = tpu.memref_slice %arg5[%run_scoped3A_60, %dma_start3A_273] : memref<2x32xi32, #tpu.memory_space<vmem>> -> memref<1x32xi32, #tpu.memory_space<vmem>>
      %dma_start3A_275 = tpu.memref_squeeze %dma_start3A_274 : memref<1x32xi32, #tpu.memory_space<vmem>> -> memref<32xi32, #tpu.memory_space<vmem>>
      %dma_start3A_276 = tpu.memref_slice %arg3[%add3A_42] : memref<8192xi32, #tpu.memory_space<hbm>> -> memref<32xi32, #tpu.memory_space<hbm>>
      tpu.enqueue_dma source(%dma_start3A_276 : memref<32xi32, #tpu.memory_space<hbm>>) target(%dma_start3A_275 : memref<32xi32, #tpu.memory_space<vmem>>) target_semaphore(%run_scoped3A_268 : memref<!tpu.dma_semaphore, #tpu.memory_space<semaphore_mem>>)
      %dma_wait3A_277 = arith.constant 0 : i32
      %dma_wait3A_278 = tpu.memref_slice %arg5[%run_scoped3A_60, %dma_wait3A_277] : memref<2x32xi32, #tpu.memory_space<vmem>> -> memref<1x32xi32, #tpu.memory_space<vmem>>
      %dma_wait3A_279 = tpu.memref_squeeze %dma_wait3A_278 : memref<1x32xi32, #tpu.memory_space<vmem>> -> memref<32xi32, #tpu.memory_space<vmem>>
      %dma_wait3A_280 = tpu.memref_slice %arg3[%add3A_42] : memref<8192xi32, #tpu.memory_space<hbm>> -> memref<32xi32, #tpu.memory_space<hbm>>
      %dma_wait3A_281 = arith.constant 0 : i32
      %dma_wait3A_282 = tpu.memref_slice %arg5[%run_scoped3A_60, %dma_wait3A_281] : memref<2x32xi32, #tpu.memory_space<vmem>> -> memref<1x32xi32, #tpu.memory_space<vmem>>
      %dma_wait3A_283 = tpu.memref_squeeze %dma_wait3A_282 : memref<1x32xi32, #tpu.memory_space<vmem>> -> memref<32xi32, #tpu.memory_space<vmem>>
      %dma_wait3A_284 = tpu.memref_slice %arg3[%add3A_42] : memref<8192xi32, #tpu.memory_space<hbm>> -> memref<32xi32, #tpu.memory_space<hbm>>
      tpu.wait_dma2 semaphore(%run_scoped3A_268 : memref<!tpu.dma_semaphore, #tpu.memory_space<semaphore_mem>>) src(%dma_wait3A_284 : memref<32xi32, #tpu.memory_space<hbm>>) dst(%dma_wait3A_283 : memref<32xi32, #tpu.memory_space<vmem>>)
      tpu.yield
    }) : () -> ()
    %run_scoped3A_61 = arith.constant 0 : i32
    "tpu.region"() ({
      %run_scoped3A_268 = tpu.sem_alloc : memref<!tpu.dma_semaphore, #tpu.memory_space<semaphore_mem>>
      %dma_start3A_269 = arith.constant 0 : i32
      %dma_start3A_270 = arith.constant 0 : i32
      %dma_start3A_271 = tpu.memref_slice %arg6[%run_scoped3A_61, %dma_start3A_269, %dma_start3A_270] : memref<2x32x1024xf32, #tpu.memory_space<vmem>> -> memref<1x32x1024xf32, #tpu.memory_space<vmem>>
      %dma_start3A_272 = tpu.memref_squeeze %dma_start3A_271 : memref<1x32x1024xf32, #tpu.memory_space<vmem>> -> memref<32x1024xf32, #tpu.memory_space<vmem>>
      %dma_start3A_273 = arith.constant 0 : i32
      %dma_start3A_274 = tpu.memref_slice %arg2[%sub3A_48, %dma_start3A_273] : memref<4096x1024xf32, #tpu.memory_space<hbm>> -> memref<32x1024xf32, #tpu.memory_space<hbm>>
      %dma_start3A_275 = arith.constant 0 : i32
      %dma_start3A_276 = arith.constant 0 : i32
      %dma_start3A_277 = tpu.memref_slice %arg6[%run_scoped3A_61, %dma_start3A_275, %dma_start3A_276] : memref<2x32x1024xf32, #tpu.memory_space<vmem>> -> memref<1x32x1024xf32, #tpu.memory_space<vmem>>
      %dma_start3A_278 = tpu.memref_squeeze %dma_start3A_277 : memref<1x32x1024xf32, #tpu.memory_space<vmem>> -> memref<32x1024xf32, #tpu.memory_space<vmem>>
      %dma_start3A_279 = arith.constant 0 : i32
      %dma_start3A_280 = tpu.memref_slice %arg2[%sub3A_48, %dma_start3A_279] : memref<4096x1024xf32, #tpu.memory_space<hbm>> -> memref<32x1024xf32, #tpu.memory_space<hbm>>
      tpu.enqueue_dma source(%dma_start3A_280 : memref<32x1024xf32, #tpu.memory_space<hbm>>) target(%dma_start3A_278 : memref<32x1024xf32, #tpu.memory_space<vmem>>) target_semaphore(%run_scoped3A_268 : memref<!tpu.dma_semaphore, #tpu.memory_space<semaphore_mem>>)
      %dma_wait3A_281 = arith.constant 0 : i32
      %dma_wait3A_282 = arith.constant 0 : i32
      %dma_wait3A_283 = tpu.memref_slice %arg6[%run_scoped3A_61, %dma_wait3A_281, %dma_wait3A_282] : memref<2x32x1024xf32, #tpu.memory_space<vmem>> -> memref<1x32x1024xf32, #tpu.memory_space<vmem>>
      %dma_wait3A_284 = tpu.memref_squeeze %dma_wait3A_283 : memref<1x32x1024xf32, #tpu.memory_space<vmem>> -> memref<32x1024xf32, #tpu.memory_space<vmem>>
      %dma_wait3A_285 = arith.constant 0 : i32
      %dma_wait3A_286 = tpu.memref_slice %arg2[%sub3A_48, %dma_wait3A_285] : memref<4096x1024xf32, #tpu.memory_space<hbm>> -> memref<32x1024xf32, #tpu.memory_space<hbm>>
      %dma_wait3A_287 = arith.constant 0 : i32
      %dma_wait3A_288 = arith.constant 0 : i32
      %dma_wait3A_289 = tpu.memref_slice %arg6[%run_scoped3A_61, %dma_wait3A_287, %dma_wait3A_288] : memref<2x32x1024xf32, #tpu.memory_space<vmem>> -> memref<1x32x1024xf32, #tpu.memory_space<vmem>>
      %dma_wait3A_290 = tpu.memref_squeeze %dma_wait3A_289 : memref<1x32x1024xf32, #tpu.memory_space<vmem>> -> memref<32x1024xf32, #tpu.memory_space<vmem>>
      %dma_wait3A_291 = arith.constant 0 : i32
      %dma_wait3A_292 = tpu.memref_slice %arg2[%sub3A_48, %dma_wait3A_291] : memref<4096x1024xf32, #tpu.memory_space<hbm>> -> memref<32x1024xf32, #tpu.memory_space<hbm>>
      tpu.wait_dma2 semaphore(%run_scoped3A_268 : memref<!tpu.dma_semaphore, #tpu.memory_space<semaphore_mem>>) src(%dma_wait3A_292 : memref<32x1024xf32, #tpu.memory_space<hbm>>) dst(%dma_wait3A_290 : memref<32x1024xf32, #tpu.memory_space<vmem>>)
      tpu.yield
    }) : () -> ()
    %dma_start3A_62 = arith.constant 0 : i32
    %dma_start3A_63 = arith.constant 0 : i32
    %dma_start3A_64 = arith.constant 0 : i32
    %dma_start3A_65 = arith.constant 0 : i32
    %dma_start3A_66 = tpu.memref_slice %arg6[%dma_start3A_62, %dma_start3A_64, %dma_start3A_65] : memref<2x32x1024xf32, #tpu.memory_space<vmem>> -> memref<1x32x1024xf32, #tpu.memory_space<vmem>>
    %dma_start3A_67 = tpu.memref_squeeze %dma_start3A_66 : memref<1x32x1024xf32, #tpu.memory_space<vmem>> -> memref<32x1024xf32, #tpu.memory_space<vmem>>
    %dma_start3A_68 = arith.constant 0 : i32
    %dma_start3A_69 = tpu.memref_slice %arg5[%dma_start3A_63, %dma_start3A_68] : memref<2x32xi32, #tpu.memory_space<vmem>> -> memref<1x32xi32, #tpu.memory_space<vmem>>
    %dma_start3A_70 = tpu.memref_squeeze %dma_start3A_69 : memref<1x32xi32, #tpu.memory_space<vmem>> -> memref<32xi32, #tpu.memory_space<vmem>>
    %dma_start3A_71 = arith.constant 0 : i32
    %dma_start3A_72 = arith.constant 0 : i32
    %dma_start3A_73 = tpu.memref_slice %arg4[%dma_start3A_71, %dma_start3A_72] : memref<10240x1024xf32, #tpu.memory_space<hbm>> -> memref<10240x1024xf32, #tpu.memory_space<hbm>>
    tpu.enqueue_indirect_dma source(%dma_start3A_67 : memref<32x1024xf32, #tpu.memory_space<vmem>>) target(%dma_start3A_73 : memref<10240x1024xf32, #tpu.memory_space<hbm>>) offsets(%dma_start3A_70 : memref<32xi32, #tpu.memory_space<vmem>>) semaphore(%arg7 : memref<!tpu.dma_semaphore, #tpu.memory_space<semaphore_mem>>)
    %add3A_74 = arith.constant 96 : i32
    %add3A_75 = arith.addi %mul3A_2, %add3A_74 : i32
    %ge3A_76 = arith.constant 4096 : i32
    %ge3A_77 = arith.cmpi sge, %add3A_75, %ge3A_76 : i32
    %jit3A_78 = arith.constant 4096 : i32
    %jit3A_79 = arith.constant 0 : i32
    %select_n3A_80 = arith.select %ge3A_77, %jit3A_78, %jit3A_79 : i32
    %sub3A_81 = arith.subi %add3A_75, %select_n3A_80 : i32
    %dma_wait3A_82 = arith.constant 1 : i32
    %dma_wait3A_83 = arith.constant 1 : i32
    %dma_wait3A_84 = arith.constant 0 : i32
    %dma_wait3A_85 = arith.constant 0 : i32
    %dma_wait3A_86 = tpu.memref_slice %arg6[%dma_wait3A_82, %dma_wait3A_84, %dma_wait3A_85] : memref<2x32x1024xf32, #tpu.memory_space<vmem>> -> memref<1x32x1024xf32, #tpu.memory_space<vmem>>
    %dma_wait3A_87 = tpu.memref_squeeze %dma_wait3A_86 : memref<1x32x1024xf32, #tpu.memory_space<vmem>> -> memref<32x1024xf32, #tpu.memory_space<vmem>>
    %dma_wait3A_88 = arith.constant 0 : i32
    %dma_wait3A_89 = tpu.memref_slice %arg5[%dma_wait3A_83, %dma_wait3A_88] : memref<2x32xi32, #tpu.memory_space<vmem>> -> memref<1x32xi32, #tpu.memory_space<vmem>>
    %dma_wait3A_90 = tpu.memref_squeeze %dma_wait3A_89 : memref<1x32xi32, #tpu.memory_space<vmem>> -> memref<32xi32, #tpu.memory_space<vmem>>
    %dma_wait3A_91 = arith.constant 0 : i32
    %dma_wait3A_92 = arith.constant 0 : i32
    %dma_wait3A_93 = tpu.memref_slice %arg4[%dma_wait3A_91, %dma_wait3A_92] : memref<10240x1024xf32, #tpu.memory_space<hbm>> -> memref<10240x1024xf32, #tpu.memory_space<hbm>>
    tpu.wait_indirect_dma semaphore(%arg8 : memref<!tpu.dma_semaphore, #tpu.memory_space<semaphore_mem>>) src(%dma_wait3A_87 : memref<32x1024xf32, #tpu.memory_space<vmem>>) dst(%dma_wait3A_93 : memref<10240x1024xf32, #tpu.memory_space<hbm>>)
    %run_scoped3A_94 = arith.constant 1 : i32
    "tpu.region"() ({
      %run_scoped3A_268 = tpu.sem_alloc : memref<!tpu.dma_semaphore, #tpu.memory_space<semaphore_mem>>
      %dma_start3A_269 = arith.constant 0 : i32
      %dma_start3A_270 = tpu.memref_slice %arg5[%run_scoped3A_94, %dma_start3A_269] : memref<2x32xi32, #tpu.memory_space<vmem>> -> memref<1x32xi32, #tpu.memory_space<vmem>>
      %dma_start3A_271 = tpu.memref_squeeze %dma_start3A_270 : memref<1x32xi32, #tpu.memory_space<vmem>> -> memref<32xi32, #tpu.memory_space<vmem>>
      %dma_start3A_272 = tpu.memref_slice %arg3[%add3A_75] : memref<8192xi32, #tpu.memory_space<hbm>> -> memref<32xi32, #tpu.memory_space<hbm>>
      %dma_start3A_273 = arith.constant 0 : i32
      %dma_start3A_274 = tpu.memref_slice %arg5[%run_scoped3A_94, %dma_start3A_273] : memref<2x32xi32, #tpu.memory_space<vmem>> -> memref<1x32xi32, #tpu.memory_space<vmem>>
      %dma_start3A_275 = tpu.memref_squeeze %dma_start3A_274 : memref<1x32xi32, #tpu.memory_space<vmem>> -> memref<32xi32, #tpu.memory_space<vmem>>
      %dma_start3A_276 = tpu.memref_slice %arg3[%add3A_75] : memref<8192xi32, #tpu.memory_space<hbm>> -> memref<32xi32, #tpu.memory_space<hbm>>
      tpu.enqueue_dma source(%dma_start3A_276 : memref<32xi32, #tpu.memory_space<hbm>>) target(%dma_start3A_275 : memref<32xi32, #tpu.memory_space<vmem>>) target_semaphore(%run_scoped3A_268 : memref<!tpu.dma_semaphore, #tpu.memory_space<semaphore_mem>>)
      %dma_wait3A_277 = arith.constant 0 : i32
      %dma_wait3A_278 = tpu.memref_slice %arg5[%run_scoped3A_94, %dma_wait3A_277] : memref<2x32xi32, #tpu.memory_space<vmem>> -> memref<1x32xi32, #tpu.memory_space<vmem>>
      %dma_wait3A_279 = tpu.memref_squeeze %dma_wait3A_278 : memref<1x32xi32, #tpu.memory_space<vmem>> -> memref<32xi32, #tpu.memory_space<vmem>>
      %dma_wait3A_280 = tpu.memref_slice %arg3[%add3A_75] : memref<8192xi32, #tpu.memory_space<hbm>> -> memref<32xi32, #tpu.memory_space<hbm>>
      %dma_wait3A_281 = arith.constant 0 : i32
      %dma_wait3A_282 = tpu.memref_slice %arg5[%run_scoped3A_94, %dma_wait3A_281] : memref<2x32xi32, #tpu.memory_space<vmem>> -> memref<1x32xi32, #tpu.memory_space<vmem>>
      %dma_wait3A_283 = tpu.memref_squeeze %dma_wait3A_282 : memref<1x32xi32, #tpu.memory_space<vmem>> -> memref<32xi32, #tpu.memory_space<vmem>>
      %dma_wait3A_284 = tpu.memref_slice %arg3[%add3A_75] : memref<8192xi32, #tpu.memory_space<hbm>> -> memref<32xi32, #tpu.memory_space<hbm>>
      tpu.wait_dma2 semaphore(%run_scoped3A_268 : memref<!tpu.dma_semaphore, #tpu.memory_space<semaphore_mem>>) src(%dma_wait3A_284 : memref<32xi32, #tpu.memory_space<hbm>>) dst(%dma_wait3A_283 : memref<32xi32, #tpu.memory_space<vmem>>)
      tpu.yield
    }) : () -> ()
    %run_scoped3A_95 = arith.constant 1 : i32
    "tpu.region"() ({
      %run_scoped3A_268 = tpu.sem_alloc : memref<!tpu.dma_semaphore, #tpu.memory_space<semaphore_mem>>
      %dma_start3A_269 = arith.constant 0 : i32
      %dma_start3A_270 = arith.constant 0 : i32
      %dma_start3A_271 = tpu.memref_slice %arg6[%run_scoped3A_95, %dma_start3A_269, %dma_start3A_270] : memref<2x32x1024xf32, #tpu.memory_space<vmem>> -> memref<1x32x1024xf32, #tpu.memory_space<vmem>>
      %dma_start3A_272 = tpu.memref_squeeze %dma_start3A_271 : memref<1x32x1024xf32, #tpu.memory_space<vmem>> -> memref<32x1024xf32, #tpu.memory_space<vmem>>
      %dma_start3A_273 = arith.constant 0 : i32
      %dma_start3A_274 = tpu.memref_slice %arg2[%sub3A_81, %dma_start3A_273] : memref<4096x1024xf32, #tpu.memory_space<hbm>> -> memref<32x1024xf32, #tpu.memory_space<hbm>>
      %dma_start3A_275 = arith.constant 0 : i32
      %dma_start3A_276 = arith.constant 0 : i32
      %dma_start3A_277 = tpu.memref_slice %arg6[%run_scoped3A_95, %dma_start3A_275, %dma_start3A_276] : memref<2x32x1024xf32, #tpu.memory_space<vmem>> -> memref<1x32x1024xf32, #tpu.memory_space<vmem>>
      %dma_start3A_278 = tpu.memref_squeeze %dma_start3A_277 : memref<1x32x1024xf32, #tpu.memory_space<vmem>> -> memref<32x1024xf32, #tpu.memory_space<vmem>>
      %dma_start3A_279 = arith.constant 0 : i32
      %dma_start3A_280 = tpu.memref_slice %arg2[%sub3A_81, %dma_start3A_279] : memref<4096x1024xf32, #tpu.memory_space<hbm>> -> memref<32x1024xf32, #tpu.memory_space<hbm>>
      tpu.enqueue_dma source(%dma_start3A_280 : memref<32x1024xf32, #tpu.memory_space<hbm>>) target(%dma_start3A_278 : memref<32x1024xf32, #tpu.memory_space<vmem>>) target_semaphore(%run_scoped3A_268 : memref<!tpu.dma_semaphore, #tpu.memory_space<semaphore_mem>>)
      %dma_wait3A_281 = arith.constant 0 : i32
      %dma_wait3A_282 = arith.constant 0 : i32
      %dma_wait3A_283 = tpu.memref_slice %arg6[%run_scoped3A_95, %dma_wait3A_281, %dma_wait3A_282] : memref<2x32x1024xf32, #tpu.memory_space<vmem>> -> memref<1x32x1024xf32, #tpu.memory_space<vmem>>
      %dma_wait3A_284 = tpu.memref_squeeze %dma_wait3A_283 : memref<1x32x1024xf32, #tpu.memory_space<vmem>> -> memref<32x1024xf32, #tpu.memory_space<vmem>>
      %dma_wait3A_285 = arith.constant 0 : i32
      %dma_wait3A_286 = tpu.memref_slice %arg2[%sub3A_81, %dma_wait3A_285] : memref<4096x1024xf32, #tpu.memory_space<hbm>> -> memref<32x1024xf32, #tpu.memory_space<hbm>>
      %dma_wait3A_287 = arith.constant 0 : i32
      %dma_wait3A_288 = arith.constant 0 : i32
      %dma_wait3A_289 = tpu.memref_slice %arg6[%run_scoped3A_95, %dma_wait3A_287, %dma_wait3A_288] : memref<2x32x1024xf32, #tpu.memory_space<vmem>> -> memref<1x32x1024xf32, #tpu.memory_space<vmem>>
      %dma_wait3A_290 = tpu.memref_squeeze %dma_wait3A_289 : memref<1x32x1024xf32, #tpu.memory_space<vmem>> -> memref<32x1024xf32, #tpu.memory_space<vmem>>
      %dma_wait3A_291 = arith.constant 0 : i32
      %dma_wait3A_292 = tpu.memref_slice %arg2[%sub3A_81, %dma_wait3A_291] : memref<4096x1024xf32, #tpu.memory_space<hbm>> -> memref<32x1024xf32, #tpu.memory_space<hbm>>
      tpu.wait_dma2 semaphore(%run_scoped3A_268 : memref<!tpu.dma_semaphore, #tpu.memory_space<semaphore_mem>>) src(%dma_wait3A_292 : memref<32x1024xf32, #tpu.memory_space<hbm>>) dst(%dma_wait3A_290 : memref<32x1024xf32, #tpu.memory_space<vmem>>)
      tpu.yield
    }) : () -> ()
    %dma_start3A_96 = arith.constant 1 : i32
    %dma_start3A_97 = arith.constant 1 : i32
    %dma_start3A_98 = arith.constant 0 : i32
    %dma_start3A_99 = arith.constant 0 : i32
    %dma_start3A_100 = tpu.memref_slice %arg6[%dma_start3A_96, %dma_start3A_98, %dma_start3A_99] : memref<2x32x1024xf32, #tpu.memory_space<vmem>> -> memref<1x32x1024xf32, #tpu.memory_space<vmem>>
    %dma_start3A_101 = tpu.memref_squeeze %dma_start3A_100 : memref<1x32x1024xf32, #tpu.memory_space<vmem>> -> memref<32x1024xf32, #tpu.memory_space<vmem>>
    %dma_start3A_102 = arith.constant 0 : i32
    %dma_start3A_103 = tpu.memref_slice %arg5[%dma_start3A_97, %dma_start3A_102] : memref<2x32xi32, #tpu.memory_space<vmem>> -> memref<1x32xi32, #tpu.memory_space<vmem>>
    %dma_start3A_104 = tpu.memref_squeeze %dma_start3A_103 : memref<1x32xi32, #tpu.memory_space<vmem>> -> memref<32xi32, #tpu.memory_space<vmem>>
    %dma_start3A_105 = arith.constant 0 : i32
    %dma_start3A_106 = arith.constant 0 : i32
    %dma_start3A_107 = tpu.memref_slice %arg4[%dma_start3A_105, %dma_start3A_106] : memref<10240x1024xf32, #tpu.memory_space<hbm>> -> memref<10240x1024xf32, #tpu.memory_space<hbm>>
    tpu.enqueue_indirect_dma source(%dma_start3A_101 : memref<32x1024xf32, #tpu.memory_space<vmem>>) target(%dma_start3A_107 : memref<10240x1024xf32, #tpu.memory_space<hbm>>) offsets(%dma_start3A_104 : memref<32xi32, #tpu.memory_space<vmem>>) semaphore(%arg8 : memref<!tpu.dma_semaphore, #tpu.memory_space<semaphore_mem>>)
    %add3A_108 = arith.constant 128 : i32
    %add3A_109 = arith.addi %mul3A_2, %add3A_108 : i32
    %ge3A_110 = arith.constant 4096 : i32
    %ge3A_111 = arith.cmpi sge, %add3A_109, %ge3A_110 : i32
    %jit3A_112 = arith.constant 4096 : i32
    %jit3A_113 = arith.constant 0 : i32
    %select_n3A_114 = arith.select %ge3A_111, %jit3A_112, %jit3A_113 : i32
    %sub3A_115 = arith.subi %add3A_109, %select_n3A_114 : i32
    %dma_wait3A_116 = arith.constant 0 : i32
    %dma_wait3A_117 = arith.constant 0 : i32
    %dma_wait3A_118 = arith.constant 0 : i32
    %dma_wait3A_119 = arith.constant 0 : i32
    %dma_wait3A_120 = tpu.memref_slice %arg6[%dma_wait3A_116, %dma_wait3A_118, %dma_wait3A_119] : memref<2x32x1024xf32, #tpu.memory_space<vmem>> -> memref<1x32x1024xf32, #tpu.memory_space<vmem>>
    %dma_wait3A_121 = tpu.memref_squeeze %dma_wait3A_120 : memref<1x32x1024xf32, #tpu.memory_space<vmem>> -> memref<32x1024xf32, #tpu.memory_space<vmem>>
    %dma_wait3A_122 = arith.constant 0 : i32
    %dma_wait3A_123 = tpu.memref_slice %arg5[%dma_wait3A_117, %dma_wait3A_122] : memref<2x32xi32, #tpu.memory_space<vmem>> -> memref<1x32xi32, #tpu.memory_space<vmem>>
    %dma_wait3A_124 = tpu.memref_squeeze %dma_wait3A_123 : memref<1x32xi32, #tpu.memory_space<vmem>> -> memref<32xi32, #tpu.memory_space<vmem>>
    %dma_wait3A_125 = arith.constant 0 : i32
    %dma_wait3A_126 = arith.constant 0 : i32
    %dma_wait3A_127 = tpu.memref_slice %arg4[%dma_wait3A_125, %dma_wait3A_126] : memref<10240x1024xf32, #tpu.memory_space<hbm>> -> memref<10240x1024xf32, #tpu.memory_space<hbm>>
    tpu.wait_indirect_dma semaphore(%arg7 : memref<!tpu.dma_semaphore, #tpu.memory_space<semaphore_mem>>) src(%dma_wait3A_121 : memref<32x1024xf32, #tpu.memory_space<vmem>>) dst(%dma_wait3A_127 : memref<10240x1024xf32, #tpu.memory_space<hbm>>)
    %run_scoped3A_128 = arith.constant 0 : i32
    "tpu.region"() ({
      %run_scoped3A_268 = tpu.sem_alloc : memref<!tpu.dma_semaphore, #tpu.memory_space<semaphore_mem>>
      %dma_start3A_269 = arith.constant 0 : i32
      %dma_start3A_270 = tpu.memref_slice %arg5[%run_scoped3A_128, %dma_start3A_269] : memref<2x32xi32, #tpu.memory_space<vmem>> -> memref<1x32xi32, #tpu.memory_space<vmem>>
      %dma_start3A_271 = tpu.memref_squeeze %dma_start3A_270 : memref<1x32xi32, #tpu.memory_space<vmem>> -> memref<32xi32, #tpu.memory_space<vmem>>
      %dma_start3A_272 = tpu.memref_slice %arg3[%add3A_109] : memref<8192xi32, #tpu.memory_space<hbm>> -> memref<32xi32, #tpu.memory_space<hbm>>
      %dma_start3A_273 = arith.constant 0 : i32
      %dma_start3A_274 = tpu.memref_slice %arg5[%run_scoped3A_128, %dma_start3A_273] : memref<2x32xi32, #tpu.memory_space<vmem>> -> memref<1x32xi32, #tpu.memory_space<vmem>>
      %dma_start3A_275 = tpu.memref_squeeze %dma_start3A_274 : memref<1x32xi32, #tpu.memory_space<vmem>> -> memref<32xi32, #tpu.memory_space<vmem>>
      %dma_start3A_276 = tpu.memref_slice %arg3[%add3A_109] : memref<8192xi32, #tpu.memory_space<hbm>> -> memref<32xi32, #tpu.memory_space<hbm>>
      tpu.enqueue_dma source(%dma_start3A_276 : memref<32xi32, #tpu.memory_space<hbm>>) target(%dma_start3A_275 : memref<32xi32, #tpu.memory_space<vmem>>) target_semaphore(%run_scoped3A_268 : memref<!tpu.dma_semaphore, #tpu.memory_space<semaphore_mem>>)
      %dma_wait3A_277 = arith.constant 0 : i32
      %dma_wait3A_278 = tpu.memref_slice %arg5[%run_scoped3A_128, %dma_wait3A_277] : memref<2x32xi32, #tpu.memory_space<vmem>> -> memref<1x32xi32, #tpu.memory_space<vmem>>
      %dma_wait3A_279 = tpu.memref_squeeze %dma_wait3A_278 : memref<1x32xi32, #tpu.memory_space<vmem>> -> memref<32xi32, #tpu.memory_space<vmem>>
      %dma_wait3A_280 = tpu.memref_slice %arg3[%add3A_109] : memref<8192xi32, #tpu.memory_space<hbm>> -> memref<32xi32, #tpu.memory_space<hbm>>
      %dma_wait3A_281 = arith.constant 0 : i32
      %dma_wait3A_282 = tpu.memref_slice %arg5[%run_scoped3A_128, %dma_wait3A_281] : memref<2x32xi32, #tpu.memory_space<vmem>> -> memref<1x32xi32, #tpu.memory_space<vmem>>
      %dma_wait3A_283 = tpu.memref_squeeze %dma_wait3A_282 : memref<1x32xi32, #tpu.memory_space<vmem>> -> memref<32xi32, #tpu.memory_space<vmem>>
      %dma_wait3A_284 = tpu.memref_slice %arg3[%add3A_109] : memref<8192xi32, #tpu.memory_space<hbm>> -> memref<32xi32, #tpu.memory_space<hbm>>
      tpu.wait_dma2 semaphore(%run_scoped3A_268 : memref<!tpu.dma_semaphore, #tpu.memory_space<semaphore_mem>>) src(%dma_wait3A_284 : memref<32xi32, #tpu.memory_space<hbm>>) dst(%dma_wait3A_283 : memref<32xi32, #tpu.memory_space<vmem>>)
      tpu.yield
    }) : () -> ()
    %run_scoped3A_129 = arith.constant 0 : i32
    "tpu.region"() ({
      %run_scoped3A_268 = tpu.sem_alloc : memref<!tpu.dma_semaphore, #tpu.memory_space<semaphore_mem>>
      %dma_start3A_269 = arith.constant 0 : i32
      %dma_start3A_270 = arith.constant 0 : i32
      %dma_start3A_271 = tpu.memref_slice %arg6[%run_scoped3A_129, %dma_start3A_269, %dma_start3A_270] : memref<2x32x1024xf32, #tpu.memory_space<vmem>> -> memref<1x32x1024xf32, #tpu.memory_space<vmem>>
      %dma_start3A_272 = tpu.memref_squeeze %dma_start3A_271 : memref<1x32x1024xf32, #tpu.memory_space<vmem>> -> memref<32x1024xf32, #tpu.memory_space<vmem>>
      %dma_start3A_273 = arith.constant 0 : i32
      %dma_start3A_274 = tpu.memref_slice %arg2[%sub3A_115, %dma_start3A_273] : memref<4096x1024xf32, #tpu.memory_space<hbm>> -> memref<32x1024xf32, #tpu.memory_space<hbm>>
      %dma_start3A_275 = arith.constant 0 : i32
      %dma_start3A_276 = arith.constant 0 : i32
      %dma_start3A_277 = tpu.memref_slice %arg6[%run_scoped3A_129, %dma_start3A_275, %dma_start3A_276] : memref<2x32x1024xf32, #tpu.memory_space<vmem>> -> memref<1x32x1024xf32, #tpu.memory_space<vmem>>
      %dma_start3A_278 = tpu.memref_squeeze %dma_start3A_277 : memref<1x32x1024xf32, #tpu.memory_space<vmem>> -> memref<32x1024xf32, #tpu.memory_space<vmem>>
      %dma_start3A_279 = arith.constant 0 : i32
      %dma_start3A_280 = tpu.memref_slice %arg2[%sub3A_115, %dma_start3A_279] : memref<4096x1024xf32, #tpu.memory_space<hbm>> -> memref<32x1024xf32, #tpu.memory_space<hbm>>
      tpu.enqueue_dma source(%dma_start3A_280 : memref<32x1024xf32, #tpu.memory_space<hbm>>) target(%dma_start3A_278 : memref<32x1024xf32, #tpu.memory_space<vmem>>) target_semaphore(%run_scoped3A_268 : memref<!tpu.dma_semaphore, #tpu.memory_space<semaphore_mem>>)
      %dma_wait3A_281 = arith.constant 0 : i32
      %dma_wait3A_282 = arith.constant 0 : i32
      %dma_wait3A_283 = tpu.memref_slice %arg6[%run_scoped3A_129, %dma_wait3A_281, %dma_wait3A_282] : memref<2x32x1024xf32, #tpu.memory_space<vmem>> -> memref<1x32x1024xf32, #tpu.memory_space<vmem>>
      %dma_wait3A_284 = tpu.memref_squeeze %dma_wait3A_283 : memref<1x32x1024xf32, #tpu.memory_space<vmem>> -> memref<32x1024xf32, #tpu.memory_space<vmem>>
      %dma_wait3A_285 = arith.constant 0 : i32
      %dma_wait3A_286 = tpu.memref_slice %arg2[%sub3A_115, %dma_wait3A_285] : memref<4096x1024xf32, #tpu.memory_space<hbm>> -> memref<32x1024xf32, #tpu.memory_space<hbm>>
      %dma_wait3A_287 = arith.constant 0 : i32
      %dma_wait3A_288 = arith.constant 0 : i32
      %dma_wait3A_289 = tpu.memref_slice %arg6[%run_scoped3A_129, %dma_wait3A_287, %dma_wait3A_288] : memref<2x32x1024xf32, #tpu.memory_space<vmem>> -> memref<1x32x1024xf32, #tpu.memory_space<vmem>>
      %dma_wait3A_290 = tpu.memref_squeeze %dma_wait3A_289 : memref<1x32x1024xf32, #tpu.memory_space<vmem>> -> memref<32x1024xf32, #tpu.memory_space<vmem>>
      %dma_wait3A_291 = arith.constant 0 : i32
      %dma_wait3A_292 = tpu.memref_slice %arg2[%sub3A_115, %dma_wait3A_291] : memref<4096x1024xf32, #tpu.memory_space<hbm>> -> memref<32x1024xf32, #tpu.memory_space<hbm>>
      tpu.wait_dma2 semaphore(%run_scoped3A_268 : memref<!tpu.dma_semaphore, #tpu.memory_space<semaphore_mem>>) src(%dma_wait3A_292 : memref<32x1024xf32, #tpu.memory_space<hbm>>) dst(%dma_wait3A_290 : memref<32x1024xf32, #tpu.memory_space<vmem>>)
      tpu.yield
    }) : () -> ()
    %dma_start3A_130 = arith.constant 0 : i32
    %dma_start3A_131 = arith.constant 0 : i32
    %dma_start3A_132 = arith.constant 0 : i32
    %dma_start3A_133 = arith.constant 0 : i32
    %dma_start3A_134 = tpu.memref_slice %arg6[%dma_start3A_130, %dma_start3A_132, %dma_start3A_133] : memref<2x32x1024xf32, #tpu.memory_space<vmem>> -> memref<1x32x1024xf32, #tpu.memory_space<vmem>>
    %dma_start3A_135 = tpu.memref_squeeze %dma_start3A_134 : memref<1x32x1024xf32, #tpu.memory_space<vmem>> -> memref<32x1024xf32, #tpu.memory_space<vmem>>
    %dma_start3A_136 = arith.constant 0 : i32
    %dma_start3A_137 = tpu.memref_slice %arg5[%dma_start3A_131, %dma_start3A_136] : memref<2x32xi32, #tpu.memory_space<vmem>> -> memref<1x32xi32, #tpu.memory_space<vmem>>
    %dma_start3A_138 = tpu.memref_squeeze %dma_start3A_137 : memref<1x32xi32, #tpu.memory_space<vmem>> -> memref<32xi32, #tpu.memory_space<vmem>>
    %dma_start3A_139 = arith.constant 0 : i32
    %dma_start3A_140 = arith.constant 0 : i32
    %dma_start3A_141 = tpu.memref_slice %arg4[%dma_start3A_139, %dma_start3A_140] : memref<10240x1024xf32, #tpu.memory_space<hbm>> -> memref<10240x1024xf32, #tpu.memory_space<hbm>>
    tpu.enqueue_indirect_dma source(%dma_start3A_135 : memref<32x1024xf32, #tpu.memory_space<vmem>>) target(%dma_start3A_141 : memref<10240x1024xf32, #tpu.memory_space<hbm>>) offsets(%dma_start3A_138 : memref<32xi32, #tpu.memory_space<vmem>>) semaphore(%arg7 : memref<!tpu.dma_semaphore, #tpu.memory_space<semaphore_mem>>)
    %add3A_142 = arith.constant 160 : i32
    %add3A_143 = arith.addi %mul3A_2, %add3A_142 : i32
    %ge3A_144 = arith.constant 4096 : i32
    %ge3A_145 = arith.cmpi sge, %add3A_143, %ge3A_144 : i32
    %jit3A_146 = arith.constant 4096 : i32
    %jit3A_147 = arith.constant 0 : i32
    %select_n3A_148 = arith.select %ge3A_145, %jit3A_146, %jit3A_147 : i32
    %sub3A_149 = arith.subi %add3A_143, %select_n3A_148 : i32
    %dma_wait3A_150 = arith.constant 1 : i32
    %dma_wait3A_151 = arith.constant 1 : i32
    %dma_wait3A_152 = arith.constant 0 : i32
    %dma_wait3A_153 = arith.constant 0 : i32
    %dma_wait3A_154 = tpu.memref_slice %arg6[%dma_wait3A_150, %dma_wait3A_152, %dma_wait3A_153] : memref<2x32x1024xf32, #tpu.memory_space<vmem>> -> memref<1x32x1024xf32, #tpu.memory_space<vmem>>
    %dma_wait3A_155 = tpu.memref_squeeze %dma_wait3A_154 : memref<1x32x1024xf32, #tpu.memory_space<vmem>> -> memref<32x1024xf32, #tpu.memory_space<vmem>>
    %dma_wait3A_156 = arith.constant 0 : i32
    %dma_wait3A_157 = tpu.memref_slice %arg5[%dma_wait3A_151, %dma_wait3A_156] : memref<2x32xi32, #tpu.memory_space<vmem>> -> memref<1x32xi32, #tpu.memory_space<vmem>>
    %dma_wait3A_158 = tpu.memref_squeeze %dma_wait3A_157 : memref<1x32xi32, #tpu.memory_space<vmem>> -> memref<32xi32, #tpu.memory_space<vmem>>
    %dma_wait3A_159 = arith.constant 0 : i32
    %dma_wait3A_160 = arith.constant 0 : i32
    %dma_wait3A_161 = tpu.memref_slice %arg4[%dma_wait3A_159, %dma_wait3A_160] : memref<10240x1024xf32, #tpu.memory_space<hbm>> -> memref<10240x1024xf32, #tpu.memory_space<hbm>>
    tpu.wait_indirect_dma semaphore(%arg8 : memref<!tpu.dma_semaphore, #tpu.memory_space<semaphore_mem>>) src(%dma_wait3A_155 : memref<32x1024xf32, #tpu.memory_space<vmem>>) dst(%dma_wait3A_161 : memref<10240x1024xf32, #tpu.memory_space<hbm>>)
    %run_scoped3A_162 = arith.constant 1 : i32
    "tpu.region"() ({
      %run_scoped3A_268 = tpu.sem_alloc : memref<!tpu.dma_semaphore, #tpu.memory_space<semaphore_mem>>
      %dma_start3A_269 = arith.constant 0 : i32
      %dma_start3A_270 = tpu.memref_slice %arg5[%run_scoped3A_162, %dma_start3A_269] : memref<2x32xi32, #tpu.memory_space<vmem>> -> memref<1x32xi32, #tpu.memory_space<vmem>>
      %dma_start3A_271 = tpu.memref_squeeze %dma_start3A_270 : memref<1x32xi32, #tpu.memory_space<vmem>> -> memref<32xi32, #tpu.memory_space<vmem>>
      %dma_start3A_272 = tpu.memref_slice %arg3[%add3A_143] : memref<8192xi32, #tpu.memory_space<hbm>> -> memref<32xi32, #tpu.memory_space<hbm>>
      %dma_start3A_273 = arith.constant 0 : i32
      %dma_start3A_274 = tpu.memref_slice %arg5[%run_scoped3A_162, %dma_start3A_273] : memref<2x32xi32, #tpu.memory_space<vmem>> -> memref<1x32xi32, #tpu.memory_space<vmem>>
      %dma_start3A_275 = tpu.memref_squeeze %dma_start3A_274 : memref<1x32xi32, #tpu.memory_space<vmem>> -> memref<32xi32, #tpu.memory_space<vmem>>
      %dma_start3A_276 = tpu.memref_slice %arg3[%add3A_143] : memref<8192xi32, #tpu.memory_space<hbm>> -> memref<32xi32, #tpu.memory_space<hbm>>
      tpu.enqueue_dma source(%dma_start3A_276 : memref<32xi32, #tpu.memory_space<hbm>>) target(%dma_start3A_275 : memref<32xi32, #tpu.memory_space<vmem>>) target_semaphore(%run_scoped3A_268 : memref<!tpu.dma_semaphore, #tpu.memory_space<semaphore_mem>>)
      %dma_wait3A_277 = arith.constant 0 : i32
      %dma_wait3A_278 = tpu.memref_slice %arg5[%run_scoped3A_162, %dma_wait3A_277] : memref<2x32xi32, #tpu.memory_space<vmem>> -> memref<1x32xi32, #tpu.memory_space<vmem>>
      %dma_wait3A_279 = tpu.memref_squeeze %dma_wait3A_278 : memref<1x32xi32, #tpu.memory_space<vmem>> -> memref<32xi32, #tpu.memory_space<vmem>>
      %dma_wait3A_280 = tpu.memref_slice %arg3[%add3A_143] : memref<8192xi32, #tpu.memory_space<hbm>> -> memref<32xi32, #tpu.memory_space<hbm>>
      %dma_wait3A_281 = arith.constant 0 : i32
      %dma_wait3A_282 = tpu.memref_slice %arg5[%run_scoped3A_162, %dma_wait3A_281] : memref<2x32xi32, #tpu.memory_space<vmem>> -> memref<1x32xi32, #tpu.memory_space<vmem>>
      %dma_wait3A_283 = tpu.memref_squeeze %dma_wait3A_282 : memref<1x32xi32, #tpu.memory_space<vmem>> -> memref<32xi32, #tpu.memory_space<vmem>>
      %dma_wait3A_284 = tpu.memref_slice %arg3[%add3A_143] : memref<8192xi32, #tpu.memory_space<hbm>> -> memref<32xi32, #tpu.memory_space<hbm>>
      tpu.wait_dma2 semaphore(%run_scoped3A_268 : memref<!tpu.dma_semaphore, #tpu.memory_space<semaphore_mem>>) src(%dma_wait3A_284 : memref<32xi32, #tpu.memory_space<hbm>>) dst(%dma_wait3A_283 : memref<32xi32, #tpu.memory_space<vmem>>)
      tpu.yield
    }) : () -> ()
    %run_scoped3A_163 = arith.constant 1 : i32
    "tpu.region"() ({
      %run_scoped3A_268 = tpu.sem_alloc : memref<!tpu.dma_semaphore, #tpu.memory_space<semaphore_mem>>
      %dma_start3A_269 = arith.constant 0 : i32
      %dma_start3A_270 = arith.constant 0 : i32
      %dma_start3A_271 = tpu.memref_slice %arg6[%run_scoped3A_163, %dma_start3A_269, %dma_start3A_270] : memref<2x32x1024xf32, #tpu.memory_space<vmem>> -> memref<1x32x1024xf32, #tpu.memory_space<vmem>>
      %dma_start3A_272 = tpu.memref_squeeze %dma_start3A_271 : memref<1x32x1024xf32, #tpu.memory_space<vmem>> -> memref<32x1024xf32, #tpu.memory_space<vmem>>
      %dma_start3A_273 = arith.constant 0 : i32
      %dma_start3A_274 = tpu.memref_slice %arg2[%sub3A_149, %dma_start3A_273] : memref<4096x1024xf32, #tpu.memory_space<hbm>> -> memref<32x1024xf32, #tpu.memory_space<hbm>>
      %dma_start3A_275 = arith.constant 0 : i32
      %dma_start3A_276 = arith.constant 0 : i32
      %dma_start3A_277 = tpu.memref_slice %arg6[%run_scoped3A_163, %dma_start3A_275, %dma_start3A_276] : memref<2x32x1024xf32, #tpu.memory_space<vmem>> -> memref<1x32x1024xf32, #tpu.memory_space<vmem>>
      %dma_start3A_278 = tpu.memref_squeeze %dma_start3A_277 : memref<1x32x1024xf32, #tpu.memory_space<vmem>> -> memref<32x1024xf32, #tpu.memory_space<vmem>>
      %dma_start3A_279 = arith.constant 0 : i32
      %dma_start3A_280 = tpu.memref_slice %arg2[%sub3A_149, %dma_start3A_279] : memref<4096x1024xf32, #tpu.memory_space<hbm>> -> memref<32x1024xf32, #tpu.memory_space<hbm>>
      tpu.enqueue_dma source(%dma_start3A_280 : memref<32x1024xf32, #tpu.memory_space<hbm>>) target(%dma_start3A_278 : memref<32x1024xf32, #tpu.memory_space<vmem>>) target_semaphore(%run_scoped3A_268 : memref<!tpu.dma_semaphore, #tpu.memory_space<semaphore_mem>>)
      %dma_wait3A_281 = arith.constant 0 : i32
      %dma_wait3A_282 = arith.constant 0 : i32
      %dma_wait3A_283 = tpu.memref_slice %arg6[%run_scoped3A_163, %dma_wait3A_281, %dma_wait3A_282] : memref<2x32x1024xf32, #tpu.memory_space<vmem>> -> memref<1x32x1024xf32, #tpu.memory_space<vmem>>
      %dma_wait3A_284 = tpu.memref_squeeze %dma_wait3A_283 : memref<1x32x1024xf32, #tpu.memory_space<vmem>> -> memref<32x1024xf32, #tpu.memory_space<vmem>>
      %dma_wait3A_285 = arith.constant 0 : i32
      %dma_wait3A_286 = tpu.memref_slice %arg2[%sub3A_149, %dma_wait3A_285] : memref<4096x1024xf32, #tpu.memory_space<hbm>> -> memref<32x1024xf32, #tpu.memory_space<hbm>>
      %dma_wait3A_287 = arith.constant 0 : i32
      %dma_wait3A_288 = arith.constant 0 : i32
      %dma_wait3A_289 = tpu.memref_slice %arg6[%run_scoped3A_163, %dma_wait3A_287, %dma_wait3A_288] : memref<2x32x1024xf32, #tpu.memory_space<vmem>> -> memref<1x32x1024xf32, #tpu.memory_space<vmem>>
      %dma_wait3A_290 = tpu.memref_squeeze %dma_wait3A_289 : memref<1x32x1024xf32, #tpu.memory_space<vmem>> -> memref<32x1024xf32, #tpu.memory_space<vmem>>
      %dma_wait3A_291 = arith.constant 0 : i32
      %dma_wait3A_292 = tpu.memref_slice %arg2[%sub3A_149, %dma_wait3A_291] : memref<4096x1024xf32, #tpu.memory_space<hbm>> -> memref<32x1024xf32, #tpu.memory_space<hbm>>
      tpu.wait_dma2 semaphore(%run_scoped3A_268 : memref<!tpu.dma_semaphore, #tpu.memory_space<semaphore_mem>>) src(%dma_wait3A_292 : memref<32x1024xf32, #tpu.memory_space<hbm>>) dst(%dma_wait3A_290 : memref<32x1024xf32, #tpu.memory_space<vmem>>)
      tpu.yield
    }) : () -> ()
    %dma_start3A_164 = arith.constant 1 : i32
    %dma_start3A_165 = arith.constant 1 : i32
    %dma_start3A_166 = arith.constant 0 : i32
    %dma_start3A_167 = arith.constant 0 : i32
    %dma_start3A_168 = tpu.memref_slice %arg6[%dma_start3A_164, %dma_start3A_166, %dma_start3A_167] : memref<2x32x1024xf32, #tpu.memory_space<vmem>> -> memref<1x32x1024xf32, #tpu.memory_space<vmem>>
    %dma_start3A_169 = tpu.memref_squeeze %dma_start3A_168 : memref<1x32x1024xf32, #tpu.memory_space<vmem>> -> memref<32x1024xf32, #tpu.memory_space<vmem>>
    %dma_start3A_170 = arith.constant 0 : i32
    %dma_start3A_171 = tpu.memref_slice %arg5[%dma_start3A_165, %dma_start3A_170] : memref<2x32xi32, #tpu.memory_space<vmem>> -> memref<1x32xi32, #tpu.memory_space<vmem>>
    %dma_start3A_172 = tpu.memref_squeeze %dma_start3A_171 : memref<1x32xi32, #tpu.memory_space<vmem>> -> memref<32xi32, #tpu.memory_space<vmem>>
    %dma_start3A_173 = arith.constant 0 : i32
    %dma_start3A_174 = arith.constant 0 : i32
    %dma_start3A_175 = tpu.memref_slice %arg4[%dma_start3A_173, %dma_start3A_174] : memref<10240x1024xf32, #tpu.memory_space<hbm>> -> memref<10240x1024xf32, #tpu.memory_space<hbm>>
    tpu.enqueue_indirect_dma source(%dma_start3A_169 : memref<32x1024xf32, #tpu.memory_space<vmem>>) target(%dma_start3A_175 : memref<10240x1024xf32, #tpu.memory_space<hbm>>) offsets(%dma_start3A_172 : memref<32xi32, #tpu.memory_space<vmem>>) semaphore(%arg8 : memref<!tpu.dma_semaphore, #tpu.memory_space<semaphore_mem>>)
    %add3A_176 = arith.constant 192 : i32
    %add3A_177 = arith.addi %mul3A_2, %add3A_176 : i32
    %ge3A_178 = arith.constant 4096 : i32
    %ge3A_179 = arith.cmpi sge, %add3A_177, %ge3A_178 : i32
    %jit3A_180 = arith.constant 4096 : i32
    %jit3A_181 = arith.constant 0 : i32
    %select_n3A_182 = arith.select %ge3A_179, %jit3A_180, %jit3A_181 : i32
    %sub3A_183 = arith.subi %add3A_177, %select_n3A_182 : i32
    %dma_wait3A_184 = arith.constant 0 : i32
    %dma_wait3A_185 = arith.constant 0 : i32
    %dma_wait3A_186 = arith.constant 0 : i32
    %dma_wait3A_187 = arith.constant 0 : i32
    %dma_wait3A_188 = tpu.memref_slice %arg6[%dma_wait3A_184, %dma_wait3A_186, %dma_wait3A_187] : memref<2x32x1024xf32, #tpu.memory_space<vmem>> -> memref<1x32x1024xf32, #tpu.memory_space<vmem>>
    %dma_wait3A_189 = tpu.memref_squeeze %dma_wait3A_188 : memref<1x32x1024xf32, #tpu.memory_space<vmem>> -> memref<32x1024xf32, #tpu.memory_space<vmem>>
    %dma_wait3A_190 = arith.constant 0 : i32
    %dma_wait3A_191 = tpu.memref_slice %arg5[%dma_wait3A_185, %dma_wait3A_190] : memref<2x32xi32, #tpu.memory_space<vmem>> -> memref<1x32xi32, #tpu.memory_space<vmem>>
    %dma_wait3A_192 = tpu.memref_squeeze %dma_wait3A_191 : memref<1x32xi32, #tpu.memory_space<vmem>> -> memref<32xi32, #tpu.memory_space<vmem>>
    %dma_wait3A_193 = arith.constant 0 : i32
    %dma_wait3A_194 = arith.constant 0 : i32
    %dma_wait3A_195 = tpu.memref_slice %arg4[%dma_wait3A_193, %dma_wait3A_194] : memref<10240x1024xf32, #tpu.memory_space<hbm>> -> memref<10240x1024xf32, #tpu.memory_space<hbm>>
    tpu.wait_indirect_dma semaphore(%arg7 : memref<!tpu.dma_semaphore, #tpu.memory_space<semaphore_mem>>) src(%dma_wait3A_189 : memref<32x1024xf32, #tpu.memory_space<vmem>>) dst(%dma_wait3A_195 : memref<10240x1024xf32, #tpu.memory_space<hbm>>)
    %run_scoped3A_196 = arith.constant 0 : i32
    "tpu.region"() ({
      %run_scoped3A_268 = tpu.sem_alloc : memref<!tpu.dma_semaphore, #tpu.memory_space<semaphore_mem>>
      %dma_start3A_269 = arith.constant 0 : i32
      %dma_start3A_270 = tpu.memref_slice %arg5[%run_scoped3A_196, %dma_start3A_269] : memref<2x32xi32, #tpu.memory_space<vmem>> -> memref<1x32xi32, #tpu.memory_space<vmem>>
      %dma_start3A_271 = tpu.memref_squeeze %dma_start3A_270 : memref<1x32xi32, #tpu.memory_space<vmem>> -> memref<32xi32, #tpu.memory_space<vmem>>
      %dma_start3A_272 = tpu.memref_slice %arg3[%add3A_177] : memref<8192xi32, #tpu.memory_space<hbm>> -> memref<32xi32, #tpu.memory_space<hbm>>
      %dma_start3A_273 = arith.constant 0 : i32
      %dma_start3A_274 = tpu.memref_slice %arg5[%run_scoped3A_196, %dma_start3A_273] : memref<2x32xi32, #tpu.memory_space<vmem>> -> memref<1x32xi32, #tpu.memory_space<vmem>>
      %dma_start3A_275 = tpu.memref_squeeze %dma_start3A_274 : memref<1x32xi32, #tpu.memory_space<vmem>> -> memref<32xi32, #tpu.memory_space<vmem>>
      %dma_start3A_276 = tpu.memref_slice %arg3[%add3A_177] : memref<8192xi32, #tpu.memory_space<hbm>> -> memref<32xi32, #tpu.memory_space<hbm>>
      tpu.enqueue_dma source(%dma_start3A_276 : memref<32xi32, #tpu.memory_space<hbm>>) target(%dma_start3A_275 : memref<32xi32, #tpu.memory_space<vmem>>) target_semaphore(%run_scoped3A_268 : memref<!tpu.dma_semaphore, #tpu.memory_space<semaphore_mem>>)
      %dma_wait3A_277 = arith.constant 0 : i32
      %dma_wait3A_278 = tpu.memref_slice %arg5[%run_scoped3A_196, %dma_wait3A_277] : memref<2x32xi32, #tpu.memory_space<vmem>> -> memref<1x32xi32, #tpu.memory_space<vmem>>
      %dma_wait3A_279 = tpu.memref_squeeze %dma_wait3A_278 : memref<1x32xi32, #tpu.memory_space<vmem>> -> memref<32xi32, #tpu.memory_space<vmem>>
      %dma_wait3A_280 = tpu.memref_slice %arg3[%add3A_177] : memref<8192xi32, #tpu.memory_space<hbm>> -> memref<32xi32, #tpu.memory_space<hbm>>
      %dma_wait3A_281 = arith.constant 0 : i32
      %dma_wait3A_282 = tpu.memref_slice %arg5[%run_scoped3A_196, %dma_wait3A_281] : memref<2x32xi32, #tpu.memory_space<vmem>> -> memref<1x32xi32, #tpu.memory_space<vmem>>
      %dma_wait3A_283 = tpu.memref_squeeze %dma_wait3A_282 : memref<1x32xi32, #tpu.memory_space<vmem>> -> memref<32xi32, #tpu.memory_space<vmem>>
      %dma_wait3A_284 = tpu.memref_slice %arg3[%add3A_177] : memref<8192xi32, #tpu.memory_space<hbm>> -> memref<32xi32, #tpu.memory_space<hbm>>
      tpu.wait_dma2 semaphore(%run_scoped3A_268 : memref<!tpu.dma_semaphore, #tpu.memory_space<semaphore_mem>>) src(%dma_wait3A_284 : memref<32xi32, #tpu.memory_space<hbm>>) dst(%dma_wait3A_283 : memref<32xi32, #tpu.memory_space<vmem>>)
      tpu.yield
    }) : () -> ()
    %run_scoped3A_197 = arith.constant 0 : i32
    "tpu.region"() ({
      %run_scoped3A_268 = tpu.sem_alloc : memref<!tpu.dma_semaphore, #tpu.memory_space<semaphore_mem>>
      %dma_start3A_269 = arith.constant 0 : i32
      %dma_start3A_270 = arith.constant 0 : i32
      %dma_start3A_271 = tpu.memref_slice %arg6[%run_scoped3A_197, %dma_start3A_269, %dma_start3A_270] : memref<2x32x1024xf32, #tpu.memory_space<vmem>> -> memref<1x32x1024xf32, #tpu.memory_space<vmem>>
      %dma_start3A_272 = tpu.memref_squeeze %dma_start3A_271 : memref<1x32x1024xf32, #tpu.memory_space<vmem>> -> memref<32x1024xf32, #tpu.memory_space<vmem>>
      %dma_start3A_273 = arith.constant 0 : i32
      %dma_start3A_274 = tpu.memref_slice %arg2[%sub3A_183, %dma_start3A_273] : memref<4096x1024xf32, #tpu.memory_space<hbm>> -> memref<32x1024xf32, #tpu.memory_space<hbm>>
      %dma_start3A_275 = arith.constant 0 : i32
      %dma_start3A_276 = arith.constant 0 : i32
      %dma_start3A_277 = tpu.memref_slice %arg6[%run_scoped3A_197, %dma_start3A_275, %dma_start3A_276] : memref<2x32x1024xf32, #tpu.memory_space<vmem>> -> memref<1x32x1024xf32, #tpu.memory_space<vmem>>
      %dma_start3A_278 = tpu.memref_squeeze %dma_start3A_277 : memref<1x32x1024xf32, #tpu.memory_space<vmem>> -> memref<32x1024xf32, #tpu.memory_space<vmem>>
      %dma_start3A_279 = arith.constant 0 : i32
      %dma_start3A_280 = tpu.memref_slice %arg2[%sub3A_183, %dma_start3A_279] : memref<4096x1024xf32, #tpu.memory_space<hbm>> -> memref<32x1024xf32, #tpu.memory_space<hbm>>
      tpu.enqueue_dma source(%dma_start3A_280 : memref<32x1024xf32, #tpu.memory_space<hbm>>) target(%dma_start3A_278 : memref<32x1024xf32, #tpu.memory_space<vmem>>) target_semaphore(%run_scoped3A_268 : memref<!tpu.dma_semaphore, #tpu.memory_space<semaphore_mem>>)
      %dma_wait3A_281 = arith.constant 0 : i32
      %dma_wait3A_282 = arith.constant 0 : i32
      %dma_wait3A_283 = tpu.memref_slice %arg6[%run_scoped3A_197, %dma_wait3A_281, %dma_wait3A_282] : memref<2x32x1024xf32, #tpu.memory_space<vmem>> -> memref<1x32x1024xf32, #tpu.memory_space<vmem>>
      %dma_wait3A_284 = tpu.memref_squeeze %dma_wait3A_283 : memref<1x32x1024xf32, #tpu.memory_space<vmem>> -> memref<32x1024xf32, #tpu.memory_space<vmem>>
      %dma_wait3A_285 = arith.constant 0 : i32
      %dma_wait3A_286 = tpu.memref_slice %arg2[%sub3A_183, %dma_wait3A_285] : memref<4096x1024xf32, #tpu.memory_space<hbm>> -> memref<32x1024xf32, #tpu.memory_space<hbm>>
      %dma_wait3A_287 = arith.constant 0 : i32
      %dma_wait3A_288 = arith.constant 0 : i32
      %dma_wait3A_289 = tpu.memref_slice %arg6[%run_scoped3A_197, %dma_wait3A_287, %dma_wait3A_288] : memref<2x32x1024xf32, #tpu.memory_space<vmem>> -> memref<1x32x1024xf32, #tpu.memory_space<vmem>>
      %dma_wait3A_290 = tpu.memref_squeeze %dma_wait3A_289 : memref<1x32x1024xf32, #tpu.memory_space<vmem>> -> memref<32x1024xf32, #tpu.memory_space<vmem>>
      %dma_wait3A_291 = arith.constant 0 : i32
      %dma_wait3A_292 = tpu.memref_slice %arg2[%sub3A_183, %dma_wait3A_291] : memref<4096x1024xf32, #tpu.memory_space<hbm>> -> memref<32x1024xf32, #tpu.memory_space<hbm>>
      tpu.wait_dma2 semaphore(%run_scoped3A_268 : memref<!tpu.dma_semaphore, #tpu.memory_space<semaphore_mem>>) src(%dma_wait3A_292 : memref<32x1024xf32, #tpu.memory_space<hbm>>) dst(%dma_wait3A_290 : memref<32x1024xf32, #tpu.memory_space<vmem>>)
      tpu.yield
    }) : () -> ()
    %dma_start3A_198 = arith.constant 0 : i32
    %dma_start3A_199 = arith.constant 0 : i32
    %dma_start3A_200 = arith.constant 0 : i32
    %dma_start3A_201 = arith.constant 0 : i32
    %dma_start3A_202 = tpu.memref_slice %arg6[%dma_start3A_198, %dma_start3A_200, %dma_start3A_201] : memref<2x32x1024xf32, #tpu.memory_space<vmem>> -> memref<1x32x1024xf32, #tpu.memory_space<vmem>>
    %dma_start3A_203 = tpu.memref_squeeze %dma_start3A_202 : memref<1x32x1024xf32, #tpu.memory_space<vmem>> -> memref<32x1024xf32, #tpu.memory_space<vmem>>
    %dma_start3A_204 = arith.constant 0 : i32
    %dma_start3A_205 = tpu.memref_slice %arg5[%dma_start3A_199, %dma_start3A_204] : memref<2x32xi32, #tpu.memory_space<vmem>> -> memref<1x32xi32, #tpu.memory_space<vmem>>
    %dma_start3A_206 = tpu.memref_squeeze %dma_start3A_205 : memref<1x32xi32, #tpu.memory_space<vmem>> -> memref<32xi32, #tpu.memory_space<vmem>>
    %dma_start3A_207 = arith.constant 0 : i32
    %dma_start3A_208 = arith.constant 0 : i32
    %dma_start3A_209 = tpu.memref_slice %arg4[%dma_start3A_207, %dma_start3A_208] : memref<10240x1024xf32, #tpu.memory_space<hbm>> -> memref<10240x1024xf32, #tpu.memory_space<hbm>>
    tpu.enqueue_indirect_dma source(%dma_start3A_203 : memref<32x1024xf32, #tpu.memory_space<vmem>>) target(%dma_start3A_209 : memref<10240x1024xf32, #tpu.memory_space<hbm>>) offsets(%dma_start3A_206 : memref<32xi32, #tpu.memory_space<vmem>>) semaphore(%arg7 : memref<!tpu.dma_semaphore, #tpu.memory_space<semaphore_mem>>)
    %add3A_210 = arith.constant 224 : i32
    %add3A_211 = arith.addi %mul3A_2, %add3A_210 : i32
    %ge3A_212 = arith.constant 4096 : i32
    %ge3A_213 = arith.cmpi sge, %add3A_211, %ge3A_212 : i32
    %jit3A_214 = arith.constant 4096 : i32
    %jit3A_215 = arith.constant 0 : i32
    %select_n3A_216 = arith.select %ge3A_213, %jit3A_214, %jit3A_215 : i32
    %sub3A_217 = arith.subi %add3A_211, %select_n3A_216 : i32
    %dma_wait3A_218 = arith.constant 1 : i32
    %dma_wait3A_219 = arith.constant 1 : i32
    %dma_wait3A_220 = arith.constant 0 : i32
    %dma_wait3A_221 = arith.constant 0 : i32
    %dma_wait3A_222 = tpu.memref_slice %arg6[%dma_wait3A_218, %dma_wait3A_220, %dma_wait3A_221] : memref<2x32x1024xf32, #tpu.memory_space<vmem>> -> memref<1x32x1024xf32, #tpu.memory_space<vmem>>
    %dma_wait3A_223 = tpu.memref_squeeze %dma_wait3A_222 : memref<1x32x1024xf32, #tpu.memory_space<vmem>> -> memref<32x1024xf32, #tpu.memory_space<vmem>>
    %dma_wait3A_224 = arith.constant 0 : i32
    %dma_wait3A_225 = tpu.memref_slice %arg5[%dma_wait3A_219, %dma_wait3A_224] : memref<2x32xi32, #tpu.memory_space<vmem>> -> memref<1x32xi32, #tpu.memory_space<vmem>>
    %dma_wait3A_226 = tpu.memref_squeeze %dma_wait3A_225 : memref<1x32xi32, #tpu.memory_space<vmem>> -> memref<32xi32, #tpu.memory_space<vmem>>
    %dma_wait3A_227 = arith.constant 0 : i32
    %dma_wait3A_228 = arith.constant 0 : i32
    %dma_wait3A_229 = tpu.memref_slice %arg4[%dma_wait3A_227, %dma_wait3A_228] : memref<10240x1024xf32, #tpu.memory_space<hbm>> -> memref<10240x1024xf32, #tpu.memory_space<hbm>>
    tpu.wait_indirect_dma semaphore(%arg8 : memref<!tpu.dma_semaphore, #tpu.memory_space<semaphore_mem>>) src(%dma_wait3A_223 : memref<32x1024xf32, #tpu.memory_space<vmem>>) dst(%dma_wait3A_229 : memref<10240x1024xf32, #tpu.memory_space<hbm>>)
    %run_scoped3A_230 = arith.constant 1 : i32
    "tpu.region"() ({
      %run_scoped3A_268 = tpu.sem_alloc : memref<!tpu.dma_semaphore, #tpu.memory_space<semaphore_mem>>
      %dma_start3A_269 = arith.constant 0 : i32
      %dma_start3A_270 = tpu.memref_slice %arg5[%run_scoped3A_230, %dma_start3A_269] : memref<2x32xi32, #tpu.memory_space<vmem>> -> memref<1x32xi32, #tpu.memory_space<vmem>>
      %dma_start3A_271 = tpu.memref_squeeze %dma_start3A_270 : memref<1x32xi32, #tpu.memory_space<vmem>> -> memref<32xi32, #tpu.memory_space<vmem>>
      %dma_start3A_272 = tpu.memref_slice %arg3[%add3A_211] : memref<8192xi32, #tpu.memory_space<hbm>> -> memref<32xi32, #tpu.memory_space<hbm>>
      %dma_start3A_273 = arith.constant 0 : i32
      %dma_start3A_274 = tpu.memref_slice %arg5[%run_scoped3A_230, %dma_start3A_273] : memref<2x32xi32, #tpu.memory_space<vmem>> -> memref<1x32xi32, #tpu.memory_space<vmem>>
      %dma_start3A_275 = tpu.memref_squeeze %dma_start3A_274 : memref<1x32xi32, #tpu.memory_space<vmem>> -> memref<32xi32, #tpu.memory_space<vmem>>
      %dma_start3A_276 = tpu.memref_slice %arg3[%add3A_211] : memref<8192xi32, #tpu.memory_space<hbm>> -> memref<32xi32, #tpu.memory_space<hbm>>
      tpu.enqueue_dma source(%dma_start3A_276 : memref<32xi32, #tpu.memory_space<hbm>>) target(%dma_start3A_275 : memref<32xi32, #tpu.memory_space<vmem>>) target_semaphore(%run_scoped3A_268 : memref<!tpu.dma_semaphore, #tpu.memory_space<semaphore_mem>>)
      %dma_wait3A_277 = arith.constant 0 : i32
      %dma_wait3A_278 = tpu.memref_slice %arg5[%run_scoped3A_230, %dma_wait3A_277] : memref<2x32xi32, #tpu.memory_space<vmem>> -> memref<1x32xi32, #tpu.memory_space<vmem>>
      %dma_wait3A_279 = tpu.memref_squeeze %dma_wait3A_278 : memref<1x32xi32, #tpu.memory_space<vmem>> -> memref<32xi32, #tpu.memory_space<vmem>>
      %dma_wait3A_280 = tpu.memref_slice %arg3[%add3A_211] : memref<8192xi32, #tpu.memory_space<hbm>> -> memref<32xi32, #tpu.memory_space<hbm>>
      %dma_wait3A_281 = arith.constant 0 : i32
      %dma_wait3A_282 = tpu.memref_slice %arg5[%run_scoped3A_230, %dma_wait3A_281] : memref<2x32xi32, #tpu.memory_space<vmem>> -> memref<1x32xi32, #tpu.memory_space<vmem>>
      %dma_wait3A_283 = tpu.memref_squeeze %dma_wait3A_282 : memref<1x32xi32, #tpu.memory_space<vmem>> -> memref<32xi32, #tpu.memory_space<vmem>>
      %dma_wait3A_284 = tpu.memref_slice %arg3[%add3A_211] : memref<8192xi32, #tpu.memory_space<hbm>> -> memref<32xi32, #tpu.memory_space<hbm>>
      tpu.wait_dma2 semaphore(%run_scoped3A_268 : memref<!tpu.dma_semaphore, #tpu.memory_space<semaphore_mem>>) src(%dma_wait3A_284 : memref<32xi32, #tpu.memory_space<hbm>>) dst(%dma_wait3A_283 : memref<32xi32, #tpu.memory_space<vmem>>)
      tpu.yield
    }) : () -> ()
    %run_scoped3A_231 = arith.constant 1 : i32
    "tpu.region"() ({
      %run_scoped3A_268 = tpu.sem_alloc : memref<!tpu.dma_semaphore, #tpu.memory_space<semaphore_mem>>
      %dma_start3A_269 = arith.constant 0 : i32
      %dma_start3A_270 = arith.constant 0 : i32
      %dma_start3A_271 = tpu.memref_slice %arg6[%run_scoped3A_231, %dma_start3A_269, %dma_start3A_270] : memref<2x32x1024xf32, #tpu.memory_space<vmem>> -> memref<1x32x1024xf32, #tpu.memory_space<vmem>>
      %dma_start3A_272 = tpu.memref_squeeze %dma_start3A_271 : memref<1x32x1024xf32, #tpu.memory_space<vmem>> -> memref<32x1024xf32, #tpu.memory_space<vmem>>
      %dma_start3A_273 = arith.constant 0 : i32
      %dma_start3A_274 = tpu.memref_slice %arg2[%sub3A_217, %dma_start3A_273] : memref<4096x1024xf32, #tpu.memory_space<hbm>> -> memref<32x1024xf32, #tpu.memory_space<hbm>>
      %dma_start3A_275 = arith.constant 0 : i32
      %dma_start3A_276 = arith.constant 0 : i32
      %dma_start3A_277 = tpu.memref_slice %arg6[%run_scoped3A_231, %dma_start3A_275, %dma_start3A_276] : memref<2x32x1024xf32, #tpu.memory_space<vmem>> -> memref<1x32x1024xf32, #tpu.memory_space<vmem>>
      %dma_start3A_278 = tpu.memref_squeeze %dma_start3A_277 : memref<1x32x1024xf32, #tpu.memory_space<vmem>> -> memref<32x1024xf32, #tpu.memory_space<vmem>>
      %dma_start3A_279 = arith.constant 0 : i32
      %dma_start3A_280 = tpu.memref_slice %arg2[%sub3A_217, %dma_start3A_279] : memref<4096x1024xf32, #tpu.memory_space<hbm>> -> memref<32x1024xf32, #tpu.memory_space<hbm>>
      tpu.enqueue_dma source(%dma_start3A_280 : memref<32x1024xf32, #tpu.memory_space<hbm>>) target(%dma_start3A_278 : memref<32x1024xf32, #tpu.memory_space<vmem>>) target_semaphore(%run_scoped3A_268 : memref<!tpu.dma_semaphore, #tpu.memory_space<semaphore_mem>>)
      %dma_wait3A_281 = arith.constant 0 : i32
      %dma_wait3A_282 = arith.constant 0 : i32
      %dma_wait3A_283 = tpu.memref_slice %arg6[%run_scoped3A_231, %dma_wait3A_281, %dma_wait3A_282] : memref<2x32x1024xf32, #tpu.memory_space<vmem>> -> memref<1x32x1024xf32, #tpu.memory_space<vmem>>
      %dma_wait3A_284 = tpu.memref_squeeze %dma_wait3A_283 : memref<1x32x1024xf32, #tpu.memory_space<vmem>> -> memref<32x1024xf32, #tpu.memory_space<vmem>>
      %dma_wait3A_285 = arith.constant 0 : i32
      %dma_wait3A_286 = tpu.memref_slice %arg2[%sub3A_217, %dma_wait3A_285] : memref<4096x1024xf32, #tpu.memory_space<hbm>> -> memref<32x1024xf32, #tpu.memory_space<hbm>>
      %dma_wait3A_287 = arith.constant 0 : i32
      %dma_wait3A_288 = arith.constant 0 : i32
      %dma_wait3A_289 = tpu.memref_slice %arg6[%run_scoped3A_231, %dma_wait3A_287, %dma_wait3A_288] : memref<2x32x1024xf32, #tpu.memory_space<vmem>> -> memref<1x32x1024xf32, #tpu.memory_space<vmem>>
      %dma_wait3A_290 = tpu.memref_squeeze %dma_wait3A_289 : memref<1x32x1024xf32, #tpu.memory_space<vmem>> -> memref<32x1024xf32, #tpu.memory_space<vmem>>
      %dma_wait3A_291 = arith.constant 0 : i32
      %dma_wait3A_292 = tpu.memref_slice %arg2[%sub3A_217, %dma_wait3A_291] : memref<4096x1024xf32, #tpu.memory_space<hbm>> -> memref<32x1024xf32, #tpu.memory_space<hbm>>
      tpu.wait_dma2 semaphore(%run_scoped3A_268 : memref<!tpu.dma_semaphore, #tpu.memory_space<semaphore_mem>>) src(%dma_wait3A_292 : memref<32x1024xf32, #tpu.memory_space<hbm>>) dst(%dma_wait3A_290 : memref<32x1024xf32, #tpu.memory_space<vmem>>)
      tpu.yield
    }) : () -> ()
    %dma_start3A_232 = arith.constant 1 : i32
    %dma_start3A_233 = arith.constant 1 : i32
    %dma_start3A_234 = arith.constant 0 : i32
    %dma_start3A_235 = arith.constant 0 : i32
    %dma_start3A_236 = tpu.memref_slice %arg6[%dma_start3A_232, %dma_start3A_234, %dma_start3A_235] : memref<2x32x1024xf32, #tpu.memory_space<vmem>> -> memref<1x32x1024xf32, #tpu.memory_space<vmem>>
    %dma_start3A_237 = tpu.memref_squeeze %dma_start3A_236 : memref<1x32x1024xf32, #tpu.memory_space<vmem>> -> memref<32x1024xf32, #tpu.memory_space<vmem>>
    %dma_start3A_238 = arith.constant 0 : i32
    %dma_start3A_239 = tpu.memref_slice %arg5[%dma_start3A_233, %dma_start3A_238] : memref<2x32xi32, #tpu.memory_space<vmem>> -> memref<1x32xi32, #tpu.memory_space<vmem>>
    %dma_start3A_240 = tpu.memref_squeeze %dma_start3A_239 : memref<1x32xi32, #tpu.memory_space<vmem>> -> memref<32xi32, #tpu.memory_space<vmem>>
    %dma_start3A_241 = arith.constant 0 : i32
    %dma_start3A_242 = arith.constant 0 : i32
    %dma_start3A_243 = tpu.memref_slice %arg4[%dma_start3A_241, %dma_start3A_242] : memref<10240x1024xf32, #tpu.memory_space<hbm>> -> memref<10240x1024xf32, #tpu.memory_space<hbm>>
    tpu.enqueue_indirect_dma source(%dma_start3A_237 : memref<32x1024xf32, #tpu.memory_space<vmem>>) target(%dma_start3A_243 : memref<10240x1024xf32, #tpu.memory_space<hbm>>) offsets(%dma_start3A_240 : memref<32xi32, #tpu.memory_space<vmem>>) semaphore(%arg8 : memref<!tpu.dma_semaphore, #tpu.memory_space<semaphore_mem>>)
    %dma_wait3A_244 = arith.constant 0 : i32
    %dma_wait3A_245 = arith.constant 0 : i32
    %dma_wait3A_246 = arith.constant 0 : i32
    %dma_wait3A_247 = arith.constant 0 : i32
    %dma_wait3A_248 = tpu.memref_slice %arg6[%dma_wait3A_244, %dma_wait3A_246, %dma_wait3A_247] : memref<2x32x1024xf32, #tpu.memory_space<vmem>> -> memref<1x32x1024xf32, #tpu.memory_space<vmem>>
    %dma_wait3A_249 = tpu.memref_squeeze %dma_wait3A_248 : memref<1x32x1024xf32, #tpu.memory_space<vmem>> -> memref<32x1024xf32, #tpu.memory_space<vmem>>
    %dma_wait3A_250 = arith.constant 0 : i32
    %dma_wait3A_251 = tpu.memref_slice %arg5[%dma_wait3A_245, %dma_wait3A_250] : memref<2x32xi32, #tpu.memory_space<vmem>> -> memref<1x32xi32, #tpu.memory_space<vmem>>
    %dma_wait3A_252 = tpu.memref_squeeze %dma_wait3A_251 : memref<1x32xi32, #tpu.memory_space<vmem>> -> memref<32xi32, #tpu.memory_space<vmem>>
    %dma_wait3A_253 = arith.constant 0 : i32
    %dma_wait3A_254 = arith.constant 0 : i32
    %dma_wait3A_255 = tpu.memref_slice %arg4[%dma_wait3A_253, %dma_wait3A_254] : memref<10240x1024xf32, #tpu.memory_space<hbm>> -> memref<10240x1024xf32, #tpu.memory_space<hbm>>
    tpu.wait_indirect_dma semaphore(%arg7 : memref<!tpu.dma_semaphore, #tpu.memory_space<semaphore_mem>>) src(%dma_wait3A_249 : memref<32x1024xf32, #tpu.memory_space<vmem>>) dst(%dma_wait3A_255 : memref<10240x1024xf32, #tpu.memory_space<hbm>>)
    %dma_wait3A_256 = arith.constant 1 : i32
    %dma_wait3A_257 = arith.constant 1 : i32
    %dma_wait3A_258 = arith.constant 0 : i32
    %dma_wait3A_259 = arith.constant 0 : i32
    %dma_wait3A_260 = tpu.memref_slice %arg6[%dma_wait3A_256, %dma_wait3A_258, %dma_wait3A_259] : memref<2x32x1024xf32, #tpu.memory_space<vmem>> -> memref<1x32x1024xf32, #tpu.memory_space<vmem>>
    %dma_wait3A_261 = tpu.memref_squeeze %dma_wait3A_260 : memref<1x32x1024xf32, #tpu.memory_space<vmem>> -> memref<32x1024xf32, #tpu.memory_space<vmem>>
    %dma_wait3A_262 = arith.constant 0 : i32
    %dma_wait3A_263 = tpu.memref_slice %arg5[%dma_wait3A_257, %dma_wait3A_262] : memref<2x32xi32, #tpu.memory_space<vmem>> -> memref<1x32xi32, #tpu.memory_space<vmem>>
    %dma_wait3A_264 = tpu.memref_squeeze %dma_wait3A_263 : memref<1x32xi32, #tpu.memory_space<vmem>> -> memref<32xi32, #tpu.memory_space<vmem>>
    %dma_wait3A_265 = arith.constant 0 : i32
    %dma_wait3A_266 = arith.constant 0 : i32
    %dma_wait3A_267 = tpu.memref_slice %arg4[%dma_wait3A_265, %dma_wait3A_266] : memref<10240x1024xf32, #tpu.memory_space<hbm>> -> memref<10240x1024xf32, #tpu.memory_space<hbm>>
    tpu.wait_indirect_dma semaphore(%arg8 : memref<!tpu.dma_semaphore, #tpu.memory_space<semaphore_mem>>) src(%dma_wait3A_261 : memref<32x1024xf32, #tpu.memory_space<vmem>>) dst(%dma_wait3A_267 : memref<10240x1024xf32, #tpu.memory_space<hbm>>)
    return
  }
}

module attributes {stable_mosaic.version = 14 : i64} {
  func.func @_router_plan_kernel(%arg0: memref<4096x1024xf32, #tpu.memory_space<vmem>>, %arg1: memref<8x1024xf32, #tpu.memory_space<vmem>>, %arg2: memref<1x1024xf32, #tpu.memory_space<vmem>>, %arg3: memref<4096x8xf32, #tpu.memory_space<vmem>>, %arg4: memref<4096x2xf32, #tpu.memory_space<vmem>>, %arg5: memref<4096x1xi32, #tpu.memory_space<vmem>>, %arg6: memref<4096x1xi32, #tpu.memory_space<vmem>>, %arg7: memref<1x40xi32, #tpu.memory_space<vmem>>, %arg8: memref<4096x1xf32, #tpu.memory_space<vmem>>, %arg9: memref<4096x8xf32, #tpu.memory_space<vmem>>, %arg10: memref<4096x8xf32, #tpu.memory_space<vmem>>, %arg11: memref<4096x8xf32, #tpu.memory_space<vmem>>, %arg12: memref<4096x8xf32, #tpu.memory_space<vmem>>) attributes {dimension_semantics = [], scalar_prefetch = 0 : i64, scratch_operands = 4 : i64, tpu.core_type = #tpu.core_type<tc>} {
    %iota3A = tpu.iota {dimensions = array<i32: 0>} : vector<256x256xi32>
    %iota3A_0 = tpu.iota {dimensions = array<i32: 1>} : vector<256x256xi32>
    %gt3A = arith.cmpi sgt, %iota3A, %iota3A_0 : vector<256x256xi32>
    %convert_element_type3A = arith.extui %gt3A : vector<256x256xi1> to vector<256x256xi32>
    %convert_element_type3A_1 = arith.sitofp %convert_element_type3A : vector<256x256xi32> to vector<256x256xf32>
    %iota3A_2 = tpu.iota {dimensions = array<i32: 1>} : vector<256x8xi32>
    %broadcast_in_dim3A = arith.constant 0.000000e+00 : f32
    %broadcast_in_dim3A_3 = vector.broadcast %broadcast_in_dim3A : f32 to vector<1x8xf32>
    %scan3A = arith.constant 0 : i32
    %scan3A_4 = arith.constant 16 : i32
    %scan3A_5 = arith.addi %scan3A, %scan3A_4 : i32
    %scan3A_6 = arith.constant 1 : i32
    %scan3A_7:2 = scf.for %scan3A_208 = %scan3A to %scan3A_5 step %scan3A_6 iter_args(%scan3A_209 = %broadcast_in_dim3A_3, %scan3A_210 = %broadcast_in_dim3A_3) -> (vector<1x8xf32>, vector<1x8xf32>)  : i32 {
      %mul3A_211 = arith.constant 256 : i32
      %mul3A_212 = arith.muli %scan3A_208, %mul3A_211 : i32
      %get3A = arith.index_cast %mul3A_212 : i32 to index
      %get3A_213 = arith.constant 0 : index
      %get3A_214 = vector.load %arg0[%get3A, %get3A_213] : memref<4096x1024xf32, #tpu.memory_space<vmem>>, vector<256x1024xf32>
      %get3A_215 = arith.constant 0 : index
      %get3A_216 = arith.constant 0 : index
      %get3A_217 = vector.load %arg1[%get3A_215, %get3A_216] : memref<8x1024xf32, #tpu.memory_space<vmem>>, vector<8x1024xf32>
      %dot_general3A_218 = arith.constant dense<0.000000e+00> : vector<256x8xf32>
      %dot_general3A_219 = tpu.matmul %get3A_214, %get3A_217, %dot_general3A_218 {dimension_numbers = #tpu.dot_dimension_numbers<[1], [1], [0], [0], [0, 0, 1, 0], [], []>, transpose_lhs_hint = false} : vector<256x1024xf32>, vector<8x1024xf32>, vector<256x8xf32> -> vector<256x8xf32>
      %swap3A_220 = arith.index_cast %mul3A_212 : i32 to index
      %swap3A_221 = arith.constant 0 : index
      %swap3A_222 = vector.load %arg3[%swap3A_220, %swap3A_221] : memref<4096x8xf32, #tpu.memory_space<vmem>>, vector<256x8xf32>
      tpu.vector_store %arg3[%swap3A_220, %swap3A_221], %dot_general3A_219 {strides = array<i32>} : memref<4096x8xf32, #tpu.memory_space<vmem>>, vector<256x8xf32>,
      %get3A_223 = arith.constant 0 : index
      %get3A_224 = arith.constant 0 : index
      %get3A_225 = vector.load %arg2[%get3A_223, %get3A_224] : memref<1x1024xf32, #tpu.memory_space<vmem>>, vector<1x1024xf32>
      %dot_general3A_226 = arith.constant dense<0.000000e+00> : vector<256x1xf32>
      %dot_general3A_227 = tpu.matmul %get3A_214, %get3A_225, %dot_general3A_226 {dimension_numbers = #tpu.dot_dimension_numbers<[1], [1], [0], [0], [0, 0, 1, 0], [], []>, transpose_lhs_hint = false} : vector<256x1024xf32>, vector<1x1024xf32>, vector<256x1xf32> -> vector<256x1xf32>
      %logistic3A = arith.negf %dot_general3A_227 : vector<256x1xf32>
      %logistic3A_228 = math.exp %logistic3A : vector<256x1xf32>
      %logistic3A_229 = arith.constant 1.000000e+00 : f32
      %logistic3A_230 = vector.broadcast %logistic3A_229 : f32 to vector<256x1xf32>
      %logistic3A_231 = arith.addf %logistic3A_230, %logistic3A_228 : vector<256x1xf32>
      %logistic3A_232 = arith.divf %logistic3A_230, %logistic3A_231 : vector<256x1xf32>
      %swap3A_233 = arith.index_cast %mul3A_212 : i32 to index
      %swap3A_234 = arith.constant 0 : index
      %swap3A_235 = vector.load %arg8[%swap3A_233, %swap3A_234] : memref<4096x1xf32, #tpu.memory_space<vmem>>, vector<256x1xf32>
      tpu.vector_store %arg8[%swap3A_233, %swap3A_234], %logistic3A_232 {strides = array<i32>} : memref<4096x1xf32, #tpu.memory_space<vmem>>, vector<256x1xf32>,
      %reduce_max3A = arith.constant dense<0xFF800000> : vector<256xf32>
      %reduce_max3A_236 = vector.multi_reduction <maximumf>, %dot_general3A_219, %reduce_max3A [1] : vector<256x8xf32> to vector<256xf32>
      %broadcast_in_dim3A_237 = vector.shape_cast %reduce_max3A_236 : vector<256xf32> to vector<256x1xf32>
      %sub3A = vector.broadcast %broadcast_in_dim3A_237 : vector<256x1xf32> to vector<256x8xf32>
      %sub3A_238 = arith.subf %dot_general3A_219, %sub3A : vector<256x8xf32>
      %exp3A = math.exp %sub3A_238 : vector<256x8xf32>
      %reduce_sum3A = arith.constant dense<0.000000e+00> : vector<256xf32>
      %reduce_sum3A_239 = vector.multi_reduction <add>, %exp3A, %reduce_sum3A [1] : vector<256x8xf32> to vector<256xf32>
      %broadcast_in_dim3A_240 = vector.shape_cast %reduce_sum3A_239 : vector<256xf32> to vector<256x1xf32>
      %div3A_241 = vector.broadcast %broadcast_in_dim3A_240 : vector<256x1xf32> to vector<256x8xf32>
      %div3A_242 = arith.divf %exp3A, %div3A_241 : vector<256x8xf32>
      %reduce_max3A_243 = arith.constant dense<0xFF800000> : vector<256xf32>
      %reduce_max3A_244 = vector.multi_reduction <maximumf>, %div3A_242, %reduce_max3A_243 [1] : vector<256x8xf32> to vector<256xf32>
      %broadcast_in_dim3A_245 = vector.shape_cast %reduce_max3A_244 : vector<256xf32> to vector<256x1xf32>
      %eq3A = vector.broadcast %broadcast_in_dim3A_245 : vector<256x1xf32> to vector<256x8xf32>
      %eq3A_246 = arith.cmpf oeq, %div3A_242, %eq3A : vector<256x8xf32>
      %jit3A_247 = arith.constant 8 : i32
      %broadcast_in_dim3A_248 = vector.broadcast %jit3A_247 : i32 to vector<256x8xi32>
      %select_n3A_249 = arith.select %eq3A_246, %iota3A_2, %broadcast_in_dim3A_248 : vector<256x8xi1>, vector<256x8xi32>
      %reduce_min3A = arith.constant dense<2147483647> : vector<256xi32>
      %reduce_min3A_250 = vector.multi_reduction <minsi>, %select_n3A_249, %reduce_min3A [1] : vector<256x8xi32> to vector<256xi32>
      %broadcast_in_dim3A_251 = vector.shape_cast %reduce_min3A_250 : vector<256xi32> to vector<256x1xi32>
      %eq3A_252 = vector.broadcast %broadcast_in_dim3A_251 : vector<256x1xi32> to vector<256x8xi32>
      %eq3A_253 = arith.cmpi eq, %iota3A_2, %eq3A_252 : vector<256x8xi32>
      %convert_element_type3A_254 = arith.extui %eq3A_253 : vector<256x8xi1> to vector<256x8xi32>
      %convert_element_type3A_255 = arith.sitofp %convert_element_type3A_254 : vector<256x8xi32> to vector<256x8xf32>
      %gt3A_256 = arith.constant 0.000000e+00 : f32
      %gt3A_257 = vector.broadcast %gt3A_256 : f32 to vector<256x8xf32>
      %gt3A_258 = arith.cmpf ogt, %convert_element_type3A_255, %gt3A_257 : vector<256x8xf32>
      %jit3A_259 = arith.constant -1.000000e+00 : f32
      %broadcast_in_dim3A_260 = vector.broadcast %jit3A_259 : f32 to vector<256x8xf32>
      %select_n3A_261 = arith.select %gt3A_258, %broadcast_in_dim3A_260, %div3A_242 : vector<256x8xi1>, vector<256x8xf32>
      %reduce_max3A_262 = arith.constant dense<0xFF800000> : vector<256xf32>
      %reduce_max3A_263 = vector.multi_reduction <maximumf>, %select_n3A_261, %reduce_max3A_262 [1] : vector<256x8xf32> to vector<256xf32>
      %broadcast_in_dim3A_264 = vector.shape_cast %reduce_max3A_263 : vector<256xf32> to vector<256x1xf32>
      %eq3A_265 = vector.broadcast %broadcast_in_dim3A_264 : vector<256x1xf32> to vector<256x8xf32>
      %eq3A_266 = arith.cmpf oeq, %select_n3A_261, %eq3A_265 : vector<256x8xf32>
      %jit3A_267 = arith.constant 8 : i32
      %broadcast_in_dim3A_268 = vector.broadcast %jit3A_267 : i32 to vector<256x8xi32>
      %select_n3A_269 = arith.select %eq3A_266, %iota3A_2, %broadcast_in_dim3A_268 : vector<256x8xi1>, vector<256x8xi32>
      %reduce_min3A_270 = arith.constant dense<2147483647> : vector<256xi32>
      %reduce_min3A_271 = vector.multi_reduction <minsi>, %select_n3A_269, %reduce_min3A_270 [1] : vector<256x8xi32> to vector<256xi32>
      %broadcast_in_dim3A_272 = vector.shape_cast %reduce_min3A_271 : vector<256xi32> to vector<256x1xi32>
      %eq3A_273 = vector.broadcast %broadcast_in_dim3A_272 : vector<256x1xi32> to vector<256x8xi32>
      %eq3A_274 = arith.cmpi eq, %iota3A_2, %eq3A_273 : vector<256x8xi32>
      %convert_element_type3A_275 = arith.extui %eq3A_274 : vector<256x8xi1> to vector<256x8xi32>
      %convert_element_type3A_276 = arith.sitofp %convert_element_type3A_275 : vector<256x8xi32> to vector<256x8xf32>
      %add3A_277 = arith.addf %broadcast_in_dim3A_245, %broadcast_in_dim3A_264 : vector<256x1xf32>
      %div3A_278 = arith.divf %broadcast_in_dim3A_245, %add3A_277 : vector<256x1xf32>
      %div3A_279 = arith.divf %broadcast_in_dim3A_264, %add3A_277 : vector<256x1xf32>
      %concatenate3A = tpu.concatenate %div3A_278, %div3A_279 in 1 : vector<256x1xf32>, vector<256x1xf32> -> vector<256x2xf32>
      %swap3A_280 = arith.index_cast %mul3A_212 : i32 to index
      %swap3A_281 = arith.constant 0 : index
      %swap3A_282 = vector.load %arg4[%swap3A_280, %swap3A_281] : memref<4096x2xf32, #tpu.memory_space<vmem>>, vector<256x2xf32>
      tpu.vector_store %arg4[%swap3A_280, %swap3A_281], %concatenate3A {strides = array<i32>} : memref<4096x2xf32, #tpu.memory_space<vmem>>, vector<256x2xf32>,
      %dot_general3A_283 = arith.constant dense<0.000000e+00> : vector<256x8xf32>
      %dot_general3A_284 = tpu.matmul %convert_element_type3A_1, %convert_element_type3A_255, %dot_general3A_283 {dimension_numbers = #tpu.dot_dimension_numbers<[1], [0], [0], [1], [0, 0, 1, 1], [], []>, precision = #tpu.contract_precision<fp32>, transpose_lhs_hint = false} : vector<256x256xf32>, vector<256x8xf32>, vector<256x8xf32> -> vector<256x8xf32>
      %add3A_285 = vector.broadcast %scan3A_209 : vector<1x8xf32> to vector<256x8xf32>
      %add3A_286 = arith.addf %dot_general3A_284, %add3A_285 : vector<256x8xf32>
      %dot_general3A_287 = arith.constant dense<0.000000e+00> : vector<256x8xf32>
      %dot_general3A_288 = tpu.matmul %convert_element_type3A_1, %convert_element_type3A_276, %dot_general3A_287 {dimension_numbers = #tpu.dot_dimension_numbers<[1], [0], [0], [1], [0, 0, 1, 1], [], []>, precision = #tpu.contract_precision<fp32>, transpose_lhs_hint = false} : vector<256x256xf32>, vector<256x8xf32>, vector<256x8xf32> -> vector<256x8xf32>
      %add3A_289 = vector.broadcast %scan3A_210 : vector<1x8xf32> to vector<256x8xf32>
      %add3A_290 = arith.addf %dot_general3A_288, %add3A_289 : vector<256x8xf32>
      %mul3A_291 = arith.mulf %add3A_286, %convert_element_type3A_255 : vector<256x8xf32>
      %swap3A_292 = arith.index_cast %mul3A_212 : i32 to index
      %swap3A_293 = arith.constant 0 : index
      %swap3A_294 = vector.load %arg9[%swap3A_292, %swap3A_293] : memref<4096x8xf32, #tpu.memory_space<vmem>>, vector<256x8xf32>
      tpu.vector_store %arg9[%swap3A_292, %swap3A_293], %mul3A_291 {strides = array<i32>} : memref<4096x8xf32, #tpu.memory_space<vmem>>, vector<256x8xf32>,
      %swap3A_295 = arith.index_cast %mul3A_212 : i32 to index
      %swap3A_296 = arith.constant 0 : index
      %swap3A_297 = vector.load %arg10[%swap3A_295, %swap3A_296] : memref<4096x8xf32, #tpu.memory_space<vmem>>, vector<256x8xf32>
      tpu.vector_store %arg10[%swap3A_295, %swap3A_296], %convert_element_type3A_255 {strides = array<i32>} : memref<4096x8xf32, #tpu.memory_space<vmem>>, vector<256x8xf32>,
      %mul3A_298 = arith.mulf %add3A_290, %convert_element_type3A_276 : vector<256x8xf32>
      %swap3A_299 = arith.index_cast %mul3A_212 : i32 to index
      %swap3A_300 = arith.constant 0 : index
      %swap3A_301 = vector.load %arg11[%swap3A_299, %swap3A_300] : memref<4096x8xf32, #tpu.memory_space<vmem>>, vector<256x8xf32>
      tpu.vector_store %arg11[%swap3A_299, %swap3A_300], %mul3A_298 {strides = array<i32>} : memref<4096x8xf32, #tpu.memory_space<vmem>>, vector<256x8xf32>,
      %swap3A_302 = arith.index_cast %mul3A_212 : i32 to index
      %swap3A_303 = arith.constant 0 : index
      %swap3A_304 = vector.load %arg12[%swap3A_302, %swap3A_303] : memref<4096x8xf32, #tpu.memory_space<vmem>>, vector<256x8xf32>
      tpu.vector_store %arg12[%swap3A_302, %swap3A_303], %convert_element_type3A_276 {strides = array<i32>} : memref<4096x8xf32, #tpu.memory_space<vmem>>, vector<256x8xf32>,
      %reduce_sum3A_305 = arith.constant dense<0.000000e+00> : vector<8xf32>
      %reduce_sum3A_306 = vector.multi_reduction <add>, %convert_element_type3A_255, %reduce_sum3A_305 [0] : vector<256x8xf32> to vector<8xf32>
      %broadcast_in_dim3A_307 = vector.shape_cast %reduce_sum3A_306 : vector<8xf32> to vector<1x8xf32>
      %add3A_308 = arith.addf %scan3A_209, %broadcast_in_dim3A_307 : vector<1x8xf32>
      %reduce_sum3A_309 = arith.constant dense<0.000000e+00> : vector<8xf32>
      %reduce_sum3A_310 = vector.multi_reduction <add>, %convert_element_type3A_276, %reduce_sum3A_309 [0] : vector<256x8xf32> to vector<8xf32>
      %broadcast_in_dim3A_311 = vector.shape_cast %reduce_sum3A_310 : vector<8xf32> to vector<1x8xf32>
      %add3A_312 = arith.addf %scan3A_210, %broadcast_in_dim3A_311 : vector<1x8xf32>
      scf.yield %add3A_308, %add3A_312 : vector<1x8xf32>, vector<1x8xf32>
    }
    %scan3A_8 = arith.constant 16 : i32
    %add3A = arith.addf %scan3A_7#0, %scan3A_7#1 : vector<1x8xf32>
    %div3A = arith.constant 2.560000e+02 : f32
    %div3A_9 = vector.broadcast %div3A : f32 to vector<1x8xf32>
    %div3A_10 = arith.divf %add3A, %div3A_9 : vector<1x8xf32>
    %ceil3A = math.ceil %div3A_10 : vector<1x8xf32>
    %mul3A = arith.constant 2.560000e+02 : f32
    %mul3A_11 = vector.broadcast %mul3A : f32 to vector<1x8xf32>
    %mul3A_12 = arith.mulf %ceil3A, %mul3A_11 : vector<1x8xf32>
    %iota3A_13 = tpu.iota {dimensions = array<i32: 0>} : vector<8x8xi32>
    %iota3A_14 = tpu.iota {dimensions = array<i32: 1>} : vector<8x8xi32>
    %lt3A = arith.cmpi slt, %iota3A_13, %iota3A_14 : vector<8x8xi32>
    %convert_element_type3A_15 = arith.extui %lt3A : vector<8x8xi1> to vector<8x8xi32>
    %convert_element_type3A_16 = arith.sitofp %convert_element_type3A_15 : vector<8x8xi32> to vector<8x8xf32>
    %dot_general3A = arith.constant dense<0.000000e+00> : vector<1x8xf32>
    %dot_general3A_17 = tpu.matmul %mul3A_12, %convert_element_type3A_16, %dot_general3A {dimension_numbers = #tpu.dot_dimension_numbers<[1], [0], [0], [1], [0, 0, 1, 1], [], []>, precision = #tpu.contract_precision<fp32>, transpose_lhs_hint = false} : vector<1x8xf32>, vector<8x8xf32>, vector<1x8xf32> -> vector<1x8xf32>
    %iota3A_18 = tpu.iota {dimensions = array<i32: 1>} : vector<1x40xi32>
    %convert_element_type3A_19 = arith.sitofp %iota3A_18 : vector<1x40xi32> to vector<1x40xf32>
    %broadcast_in_dim3A_20 = arith.constant 0.000000e+00 : f32
    %broadcast_in_dim3A_21 = vector.broadcast %broadcast_in_dim3A_20 : f32 to vector<1x40xf32>
    %slice3A = vector.extract_strided_slice %dot_general3A_17 {offsets = [0, 0], sizes = [1, 1], strides = [1, 1]} : vector<1x8xf32> to vector<1x1xf32>
    %squeeze3A = vector.extract %slice3A[0, 0] : f32 from vector<1x1xf32>
    %div3A_22 = arith.constant 2.560000e+02 : f32
    %div3A_23 = arith.divf %squeeze3A, %div3A_22 : f32
    %slice3A_24 = vector.extract_strided_slice %mul3A_12 {offsets = [0, 0], sizes = [1, 1], strides = [1, 1]} : vector<1x8xf32> to vector<1x1xf32>
    %squeeze3A_25 = vector.extract %slice3A_24[0, 0] : f32 from vector<1x1xf32>
    %div3A_26 = arith.constant 2.560000e+02 : f32
    %div3A_27 = arith.divf %squeeze3A_25, %div3A_26 : f32
    %ge3A = vector.broadcast %div3A_23 : f32 to vector<1x40xf32>
    %ge3A_28 = arith.cmpf oge, %convert_element_type3A_19, %ge3A : vector<1x40xf32>
    %add3A_29 = arith.addf %div3A_23, %div3A_27 : f32
    %lt3A_30 = vector.broadcast %add3A_29 : f32 to vector<1x40xf32>
    %lt3A_31 = arith.cmpf olt, %convert_element_type3A_19, %lt3A_30 : vector<1x40xf32>
    %and3A = arith.andi %ge3A_28, %lt3A_31 : vector<1x40xi1>
    %jit3A = arith.constant 1.000000e+00 : f32
    %jit3A_32 = arith.constant 0.000000e+00 : f32
    %broadcast_in_dim3A_33 = vector.broadcast %jit3A : f32 to vector<1x40xf32>
    %broadcast_in_dim3A_34 = vector.broadcast %jit3A_32 : f32 to vector<1x40xf32>
    %select_n3A = arith.select %and3A, %broadcast_in_dim3A_33, %broadcast_in_dim3A_34 : vector<1x40xi1>, vector<1x40xf32>
    %mul3A_35 = arith.constant 0.000000e+00 : f32
    %mul3A_36 = vector.broadcast %mul3A_35 : f32 to vector<1x40xf32>
    %mul3A_37 = arith.mulf %mul3A_36, %select_n3A : vector<1x40xf32>
    %add3A_38 = arith.addf %broadcast_in_dim3A_21, %mul3A_37 : vector<1x40xf32>
    %slice3A_39 = vector.extract_strided_slice %dot_general3A_17 {offsets = [0, 1], sizes = [1, 1], strides = [1, 1]} : vector<1x8xf32> to vector<1x1xf32>
    %squeeze3A_40 = vector.extract %slice3A_39[0, 0] : f32 from vector<1x1xf32>
    %div3A_41 = arith.constant 2.560000e+02 : f32
    %div3A_42 = arith.divf %squeeze3A_40, %div3A_41 : f32
    %slice3A_43 = vector.extract_strided_slice %mul3A_12 {offsets = [0, 1], sizes = [1, 1], strides = [1, 1]} : vector<1x8xf32> to vector<1x1xf32>
    %squeeze3A_44 = vector.extract %slice3A_43[0, 0] : f32 from vector<1x1xf32>
    %div3A_45 = arith.constant 2.560000e+02 : f32
    %div3A_46 = arith.divf %squeeze3A_44, %div3A_45 : f32
    %ge3A_47 = vector.broadcast %div3A_42 : f32 to vector<1x40xf32>
    %ge3A_48 = arith.cmpf oge, %convert_element_type3A_19, %ge3A_47 : vector<1x40xf32>
    %add3A_49 = arith.addf %div3A_42, %div3A_46 : f32
    %lt3A_50 = vector.broadcast %add3A_49 : f32 to vector<1x40xf32>
    %lt3A_51 = arith.cmpf olt, %convert_element_type3A_19, %lt3A_50 : vector<1x40xf32>
    %and3A_52 = arith.andi %ge3A_48, %lt3A_51 : vector<1x40xi1>
    %jit3A_53 = arith.constant 1.000000e+00 : f32
    %jit3A_54 = arith.constant 0.000000e+00 : f32
    %broadcast_in_dim3A_55 = vector.broadcast %jit3A_53 : f32 to vector<1x40xf32>
    %broadcast_in_dim3A_56 = vector.broadcast %jit3A_54 : f32 to vector<1x40xf32>
    %select_n3A_57 = arith.select %and3A_52, %broadcast_in_dim3A_55, %broadcast_in_dim3A_56 : vector<1x40xi1>, vector<1x40xf32>
    %mul3A_58 = arith.constant 1.000000e+00 : f32
    %mul3A_59 = vector.broadcast %mul3A_58 : f32 to vector<1x40xf32>
    %mul3A_60 = arith.mulf %mul3A_59, %select_n3A_57 : vector<1x40xf32>
    %add3A_61 = arith.addf %add3A_38, %mul3A_60 : vector<1x40xf32>
    %slice3A_62 = vector.extract_strided_slice %dot_general3A_17 {offsets = [0, 2], sizes = [1, 1], strides = [1, 1]} : vector<1x8xf32> to vector<1x1xf32>
    %squeeze3A_63 = vector.extract %slice3A_62[0, 0] : f32 from vector<1x1xf32>
    %div3A_64 = arith.constant 2.560000e+02 : f32
    %div3A_65 = arith.divf %squeeze3A_63, %div3A_64 : f32
    %slice3A_66 = vector.extract_strided_slice %mul3A_12 {offsets = [0, 2], sizes = [1, 1], strides = [1, 1]} : vector<1x8xf32> to vector<1x1xf32>
    %squeeze3A_67 = vector.extract %slice3A_66[0, 0] : f32 from vector<1x1xf32>
    %div3A_68 = arith.constant 2.560000e+02 : f32
    %div3A_69 = arith.divf %squeeze3A_67, %div3A_68 : f32
    %ge3A_70 = vector.broadcast %div3A_65 : f32 to vector<1x40xf32>
    %ge3A_71 = arith.cmpf oge, %convert_element_type3A_19, %ge3A_70 : vector<1x40xf32>
    %add3A_72 = arith.addf %div3A_65, %div3A_69 : f32
    %lt3A_73 = vector.broadcast %add3A_72 : f32 to vector<1x40xf32>
    %lt3A_74 = arith.cmpf olt, %convert_element_type3A_19, %lt3A_73 : vector<1x40xf32>
    %and3A_75 = arith.andi %ge3A_71, %lt3A_74 : vector<1x40xi1>
    %jit3A_76 = arith.constant 1.000000e+00 : f32
    %jit3A_77 = arith.constant 0.000000e+00 : f32
    %broadcast_in_dim3A_78 = vector.broadcast %jit3A_76 : f32 to vector<1x40xf32>
    %broadcast_in_dim3A_79 = vector.broadcast %jit3A_77 : f32 to vector<1x40xf32>
    %select_n3A_80 = arith.select %and3A_75, %broadcast_in_dim3A_78, %broadcast_in_dim3A_79 : vector<1x40xi1>, vector<1x40xf32>
    %mul3A_81 = arith.constant 2.000000e+00 : f32
    %mul3A_82 = vector.broadcast %mul3A_81 : f32 to vector<1x40xf32>
    %mul3A_83 = arith.mulf %mul3A_82, %select_n3A_80 : vector<1x40xf32>
    %add3A_84 = arith.addf %add3A_61, %mul3A_83 : vector<1x40xf32>
    %slice3A_85 = vector.extract_strided_slice %dot_general3A_17 {offsets = [0, 3], sizes = [1, 1], strides = [1, 1]} : vector<1x8xf32> to vector<1x1xf32>
    %squeeze3A_86 = vector.extract %slice3A_85[0, 0] : f32 from vector<1x1xf32>
    %div3A_87 = arith.constant 2.560000e+02 : f32
    %div3A_88 = arith.divf %squeeze3A_86, %div3A_87 : f32
    %slice3A_89 = vector.extract_strided_slice %mul3A_12 {offsets = [0, 3], sizes = [1, 1], strides = [1, 1]} : vector<1x8xf32> to vector<1x1xf32>
    %squeeze3A_90 = vector.extract %slice3A_89[0, 0] : f32 from vector<1x1xf32>
    %div3A_91 = arith.constant 2.560000e+02 : f32
    %div3A_92 = arith.divf %squeeze3A_90, %div3A_91 : f32
    %ge3A_93 = vector.broadcast %div3A_88 : f32 to vector<1x40xf32>
    %ge3A_94 = arith.cmpf oge, %convert_element_type3A_19, %ge3A_93 : vector<1x40xf32>
    %add3A_95 = arith.addf %div3A_88, %div3A_92 : f32
    %lt3A_96 = vector.broadcast %add3A_95 : f32 to vector<1x40xf32>
    %lt3A_97 = arith.cmpf olt, %convert_element_type3A_19, %lt3A_96 : vector<1x40xf32>
    %and3A_98 = arith.andi %ge3A_94, %lt3A_97 : vector<1x40xi1>
    %jit3A_99 = arith.constant 1.000000e+00 : f32
    %jit3A_100 = arith.constant 0.000000e+00 : f32
    %broadcast_in_dim3A_101 = vector.broadcast %jit3A_99 : f32 to vector<1x40xf32>
    %broadcast_in_dim3A_102 = vector.broadcast %jit3A_100 : f32 to vector<1x40xf32>
    %select_n3A_103 = arith.select %and3A_98, %broadcast_in_dim3A_101, %broadcast_in_dim3A_102 : vector<1x40xi1>, vector<1x40xf32>
    %mul3A_104 = arith.constant 3.000000e+00 : f32
    %mul3A_105 = vector.broadcast %mul3A_104 : f32 to vector<1x40xf32>
    %mul3A_106 = arith.mulf %mul3A_105, %select_n3A_103 : vector<1x40xf32>
    %add3A_107 = arith.addf %add3A_84, %mul3A_106 : vector<1x40xf32>
    %slice3A_108 = vector.extract_strided_slice %dot_general3A_17 {offsets = [0, 4], sizes = [1, 1], strides = [1, 1]} : vector<1x8xf32> to vector<1x1xf32>
    %squeeze3A_109 = vector.extract %slice3A_108[0, 0] : f32 from vector<1x1xf32>
    %div3A_110 = arith.constant 2.560000e+02 : f32
    %div3A_111 = arith.divf %squeeze3A_109, %div3A_110 : f32
    %slice3A_112 = vector.extract_strided_slice %mul3A_12 {offsets = [0, 4], sizes = [1, 1], strides = [1, 1]} : vector<1x8xf32> to vector<1x1xf32>
    %squeeze3A_113 = vector.extract %slice3A_112[0, 0] : f32 from vector<1x1xf32>
    %div3A_114 = arith.constant 2.560000e+02 : f32
    %div3A_115 = arith.divf %squeeze3A_113, %div3A_114 : f32
    %ge3A_116 = vector.broadcast %div3A_111 : f32 to vector<1x40xf32>
    %ge3A_117 = arith.cmpf oge, %convert_element_type3A_19, %ge3A_116 : vector<1x40xf32>
    %add3A_118 = arith.addf %div3A_111, %div3A_115 : f32
    %lt3A_119 = vector.broadcast %add3A_118 : f32 to vector<1x40xf32>
    %lt3A_120 = arith.cmpf olt, %convert_element_type3A_19, %lt3A_119 : vector<1x40xf32>
    %and3A_121 = arith.andi %ge3A_117, %lt3A_120 : vector<1x40xi1>
    %jit3A_122 = arith.constant 1.000000e+00 : f32
    %jit3A_123 = arith.constant 0.000000e+00 : f32
    %broadcast_in_dim3A_124 = vector.broadcast %jit3A_122 : f32 to vector<1x40xf32>
    %broadcast_in_dim3A_125 = vector.broadcast %jit3A_123 : f32 to vector<1x40xf32>
    %select_n3A_126 = arith.select %and3A_121, %broadcast_in_dim3A_124, %broadcast_in_dim3A_125 : vector<1x40xi1>, vector<1x40xf32>
    %mul3A_127 = arith.constant 4.000000e+00 : f32
    %mul3A_128 = vector.broadcast %mul3A_127 : f32 to vector<1x40xf32>
    %mul3A_129 = arith.mulf %mul3A_128, %select_n3A_126 : vector<1x40xf32>
    %add3A_130 = arith.addf %add3A_107, %mul3A_129 : vector<1x40xf32>
    %slice3A_131 = vector.extract_strided_slice %dot_general3A_17 {offsets = [0, 5], sizes = [1, 1], strides = [1, 1]} : vector<1x8xf32> to vector<1x1xf32>
    %squeeze3A_132 = vector.extract %slice3A_131[0, 0] : f32 from vector<1x1xf32>
    %div3A_133 = arith.constant 2.560000e+02 : f32
    %div3A_134 = arith.divf %squeeze3A_132, %div3A_133 : f32
    %slice3A_135 = vector.extract_strided_slice %mul3A_12 {offsets = [0, 5], sizes = [1, 1], strides = [1, 1]} : vector<1x8xf32> to vector<1x1xf32>
    %squeeze3A_136 = vector.extract %slice3A_135[0, 0] : f32 from vector<1x1xf32>
    %div3A_137 = arith.constant 2.560000e+02 : f32
    %div3A_138 = arith.divf %squeeze3A_136, %div3A_137 : f32
    %ge3A_139 = vector.broadcast %div3A_134 : f32 to vector<1x40xf32>
    %ge3A_140 = arith.cmpf oge, %convert_element_type3A_19, %ge3A_139 : vector<1x40xf32>
    %add3A_141 = arith.addf %div3A_134, %div3A_138 : f32
    %lt3A_142 = vector.broadcast %add3A_141 : f32 to vector<1x40xf32>
    %lt3A_143 = arith.cmpf olt, %convert_element_type3A_19, %lt3A_142 : vector<1x40xf32>
    %and3A_144 = arith.andi %ge3A_140, %lt3A_143 : vector<1x40xi1>
    %jit3A_145 = arith.constant 1.000000e+00 : f32
    %jit3A_146 = arith.constant 0.000000e+00 : f32
    %broadcast_in_dim3A_147 = vector.broadcast %jit3A_145 : f32 to vector<1x40xf32>
    %broadcast_in_dim3A_148 = vector.broadcast %jit3A_146 : f32 to vector<1x40xf32>
    %select_n3A_149 = arith.select %and3A_144, %broadcast_in_dim3A_147, %broadcast_in_dim3A_148 : vector<1x40xi1>, vector<1x40xf32>
    %mul3A_150 = arith.constant 5.000000e+00 : f32
    %mul3A_151 = vector.broadcast %mul3A_150 : f32 to vector<1x40xf32>
    %mul3A_152 = arith.mulf %mul3A_151, %select_n3A_149 : vector<1x40xf32>
    %add3A_153 = arith.addf %add3A_130, %mul3A_152 : vector<1x40xf32>
    %slice3A_154 = vector.extract_strided_slice %dot_general3A_17 {offsets = [0, 6], sizes = [1, 1], strides = [1, 1]} : vector<1x8xf32> to vector<1x1xf32>
    %squeeze3A_155 = vector.extract %slice3A_154[0, 0] : f32 from vector<1x1xf32>
    %div3A_156 = arith.constant 2.560000e+02 : f32
    %div3A_157 = arith.divf %squeeze3A_155, %div3A_156 : f32
    %slice3A_158 = vector.extract_strided_slice %mul3A_12 {offsets = [0, 6], sizes = [1, 1], strides = [1, 1]} : vector<1x8xf32> to vector<1x1xf32>
    %squeeze3A_159 = vector.extract %slice3A_158[0, 0] : f32 from vector<1x1xf32>
    %div3A_160 = arith.constant 2.560000e+02 : f32
    %div3A_161 = arith.divf %squeeze3A_159, %div3A_160 : f32
    %ge3A_162 = vector.broadcast %div3A_157 : f32 to vector<1x40xf32>
    %ge3A_163 = arith.cmpf oge, %convert_element_type3A_19, %ge3A_162 : vector<1x40xf32>
    %add3A_164 = arith.addf %div3A_157, %div3A_161 : f32
    %lt3A_165 = vector.broadcast %add3A_164 : f32 to vector<1x40xf32>
    %lt3A_166 = arith.cmpf olt, %convert_element_type3A_19, %lt3A_165 : vector<1x40xf32>
    %and3A_167 = arith.andi %ge3A_163, %lt3A_166 : vector<1x40xi1>
    %jit3A_168 = arith.constant 1.000000e+00 : f32
    %jit3A_169 = arith.constant 0.000000e+00 : f32
    %broadcast_in_dim3A_170 = vector.broadcast %jit3A_168 : f32 to vector<1x40xf32>
    %broadcast_in_dim3A_171 = vector.broadcast %jit3A_169 : f32 to vector<1x40xf32>
    %select_n3A_172 = arith.select %and3A_167, %broadcast_in_dim3A_170, %broadcast_in_dim3A_171 : vector<1x40xi1>, vector<1x40xf32>
    %mul3A_173 = arith.constant 6.000000e+00 : f32
    %mul3A_174 = vector.broadcast %mul3A_173 : f32 to vector<1x40xf32>
    %mul3A_175 = arith.mulf %mul3A_174, %select_n3A_172 : vector<1x40xf32>
    %add3A_176 = arith.addf %add3A_153, %mul3A_175 : vector<1x40xf32>
    %slice3A_177 = vector.extract_strided_slice %dot_general3A_17 {offsets = [0, 7], sizes = [1, 1], strides = [1, 1]} : vector<1x8xf32> to vector<1x1xf32>
    %squeeze3A_178 = vector.extract %slice3A_177[0, 0] : f32 from vector<1x1xf32>
    %div3A_179 = arith.constant 2.560000e+02 : f32
    %div3A_180 = arith.divf %squeeze3A_178, %div3A_179 : f32
    %slice3A_181 = vector.extract_strided_slice %mul3A_12 {offsets = [0, 7], sizes = [1, 1], strides = [1, 1]} : vector<1x8xf32> to vector<1x1xf32>
    %squeeze3A_182 = vector.extract %slice3A_181[0, 0] : f32 from vector<1x1xf32>
    %div3A_183 = arith.constant 2.560000e+02 : f32
    %div3A_184 = arith.divf %squeeze3A_182, %div3A_183 : f32
    %ge3A_185 = vector.broadcast %div3A_180 : f32 to vector<1x40xf32>
    %ge3A_186 = arith.cmpf oge, %convert_element_type3A_19, %ge3A_185 : vector<1x40xf32>
    %add3A_187 = arith.addf %div3A_180, %div3A_184 : f32
    %lt3A_188 = vector.broadcast %add3A_187 : f32 to vector<1x40xf32>
    %lt3A_189 = arith.cmpf olt, %convert_element_type3A_19, %lt3A_188 : vector<1x40xf32>
    %and3A_190 = arith.andi %ge3A_186, %lt3A_189 : vector<1x40xi1>
    %jit3A_191 = arith.constant 1.000000e+00 : f32
    %jit3A_192 = arith.constant 0.000000e+00 : f32
    %broadcast_in_dim3A_193 = vector.broadcast %jit3A_191 : f32 to vector<1x40xf32>
    %broadcast_in_dim3A_194 = vector.broadcast %jit3A_192 : f32 to vector<1x40xf32>
    %select_n3A_195 = arith.select %and3A_190, %broadcast_in_dim3A_193, %broadcast_in_dim3A_194 : vector<1x40xi1>, vector<1x40xf32>
    %mul3A_196 = arith.constant 7.000000e+00 : f32
    %mul3A_197 = vector.broadcast %mul3A_196 : f32 to vector<1x40xf32>
    %mul3A_198 = arith.mulf %mul3A_197, %select_n3A_195 : vector<1x40xf32>
    %add3A_199 = arith.addf %add3A_176, %mul3A_198 : vector<1x40xf32>
    %convert_element_type3A_200 = arith.fptosi %add3A_199 : vector<1x40xf32> to vector<1x40xi32>
    %swap3A = arith.constant 0 : index
    %swap3A_201 = arith.constant 0 : index
    %swap3A_202 = vector.load %arg7[%swap3A, %swap3A_201] : memref<1x40xi32, #tpu.memory_space<vmem>>, vector<1x40xi32>
    tpu.vector_store %arg7[%swap3A, %swap3A_201], %convert_element_type3A_200 {strides = array<i32>} : memref<1x40xi32, #tpu.memory_space<vmem>>, vector<1x40xi32>,
    %scan3A_203 = arith.constant 0 : i32
    %scan3A_204 = arith.constant 16 : i32
    %scan3A_205 = arith.addi %scan3A_203, %scan3A_204 : i32
    %scan3A_206 = arith.constant 1 : i32
    scf.for %scan3A_208 = %scan3A_203 to %scan3A_205 step %scan3A_206  : i32 {
      %mul3A_209 = arith.constant 256 : i32
      %mul3A_210 = arith.muli %scan3A_208, %mul3A_209 : i32
      %get3A = arith.index_cast %mul3A_210 : i32 to index
      %get3A_211 = arith.constant 0 : index
      %get3A_212 = vector.load %arg10[%get3A, %get3A_211] : memref<4096x8xf32, #tpu.memory_space<vmem>>, vector<256x8xf32>
      %mul3A_213 = vector.broadcast %dot_general3A_17 : vector<1x8xf32> to vector<256x8xf32>
      %mul3A_214 = arith.mulf %get3A_212, %mul3A_213 : vector<256x8xf32>
      %get3A_215 = arith.index_cast %mul3A_210 : i32 to index
      %get3A_216 = arith.constant 0 : index
      %get3A_217 = vector.load %arg9[%get3A_215, %get3A_216] : memref<4096x8xf32, #tpu.memory_space<vmem>>, vector<256x8xf32>
      %add3A_218 = arith.addf %mul3A_214, %get3A_217 : vector<256x8xf32>
      %reduce_sum3A = arith.constant dense<0.000000e+00> : vector<256xf32>
      %reduce_sum3A_219 = vector.multi_reduction <add>, %add3A_218, %reduce_sum3A [1] : vector<256x8xf32> to vector<256xf32>
      %broadcast_in_dim3A_220 = vector.shape_cast %reduce_sum3A_219 : vector<256xf32> to vector<256x1xf32>
      %get3A_221 = arith.index_cast %mul3A_210 : i32 to index
      %get3A_222 = arith.constant 0 : index
      %get3A_223 = vector.load %arg12[%get3A_221, %get3A_222] : memref<4096x8xf32, #tpu.memory_space<vmem>>, vector<256x8xf32>
      %add3A_224 = arith.addf %dot_general3A_17, %scan3A_7#0 : vector<1x8xf32>
      %mul3A_225 = vector.broadcast %add3A_224 : vector<1x8xf32> to vector<256x8xf32>
      %mul3A_226 = arith.mulf %get3A_223, %mul3A_225 : vector<256x8xf32>
      %get3A_227 = arith.index_cast %mul3A_210 : i32 to index
      %get3A_228 = arith.constant 0 : index
      %get3A_229 = vector.load %arg11[%get3A_227, %get3A_228] : memref<4096x8xf32, #tpu.memory_space<vmem>>, vector<256x8xf32>
      %add3A_230 = arith.addf %mul3A_226, %get3A_229 : vector<256x8xf32>
      %reduce_sum3A_231 = arith.constant dense<0.000000e+00> : vector<256xf32>
      %reduce_sum3A_232 = vector.multi_reduction <add>, %add3A_230, %reduce_sum3A_231 [1] : vector<256x8xf32> to vector<256xf32>
      %broadcast_in_dim3A_233 = vector.shape_cast %reduce_sum3A_232 : vector<256xf32> to vector<256x1xf32>
      %convert_element_type3A_234 = arith.fptosi %broadcast_in_dim3A_220 : vector<256x1xf32> to vector<256x1xi32>
      %swap3A_235 = arith.index_cast %mul3A_210 : i32 to index
      %swap3A_236 = arith.constant 0 : index
      %swap3A_237 = vector.load %arg5[%swap3A_235, %swap3A_236] : memref<4096x1xi32, #tpu.memory_space<vmem>>, vector<256x1xi32>
      tpu.vector_store %arg5[%swap3A_235, %swap3A_236], %convert_element_type3A_234 {strides = array<i32>} : memref<4096x1xi32, #tpu.memory_space<vmem>>, vector<256x1xi32>,
      %convert_element_type3A_238 = arith.fptosi %broadcast_in_dim3A_233 : vector<256x1xf32> to vector<256x1xi32>
      %swap3A_239 = arith.index_cast %mul3A_210 : i32 to index
      %swap3A_240 = arith.constant 0 : index
      %swap3A_241 = vector.load %arg6[%swap3A_239, %swap3A_240] : memref<4096x1xi32, #tpu.memory_space<vmem>>, vector<256x1xi32>
      tpu.vector_store %arg6[%swap3A_239, %swap3A_240], %convert_element_type3A_238 {strides = array<i32>} : memref<4096x1xi32, #tpu.memory_space<vmem>>, vector<256x1xi32>,
    }
    %scan3A_207 = arith.constant 16 : i32
    return
  }
}

module attributes {stable_mosaic.version = 14 : i64} {
  func.func @_expert_mlp_kernel(%arg0: i32, %arg1: memref<40xi32, #tpu.memory_space<smem>>, %arg2: memref<256x1024xf32, #tpu.memory_space<vmem>>, %arg3: memref<1x2816x1024xbf16, #tpu.memory_space<vmem>>, %arg4: memref<1x2816x1024xbf16, #tpu.memory_space<vmem>>, %arg5: memref<1x1024x2816xbf16, #tpu.memory_space<vmem>>, %arg6: memref<256x1024xf32, #tpu.memory_space<vmem>>) attributes {dimension_semantics = [#tpu.dimension_semantics<arbitrary>], iteration_bounds = array<i64: 40>, scalar_prefetch = 1 : i64, scratch_operands = 0 : i64, tpu.core_type = #tpu.core_type<tc>, window_params = [{transform_indices = @transform_0, window_bounds = array<i64: 256, 1024>}, {transform_indices = @transform_1, window_bounds = array<i64: 1, 2816, 1024>}, {transform_indices = @transform_2, window_bounds = array<i64: 1, 2816, 1024>}, {transform_indices = @transform_3, window_bounds = array<i64: 1, 1024, 2816>}, {transform_indices = @transform_4, window_bounds = array<i64: 256, 1024>}]} {
    %get3A = arith.constant 0 : index
    %get3A_0 = arith.constant 0 : index
    %get3A_1 = vector.load %arg2[%get3A, %get3A_0] : memref<256x1024xf32, #tpu.memory_space<vmem>>, vector<256x1024xf32>
    %convert_element_type3A = arith.truncf %get3A_1 : vector<256x1024xf32> to vector<256x1024xbf16>
    %get3A_2 = arith.constant 0 : index
    %get3A_3 = arith.constant 0 : index
    %get3A_4 = arith.constant 0 : index
    %get3A_5 = vector.load %arg3[%get3A_2, %get3A_3, %get3A_4] : memref<1x2816x1024xbf16, #tpu.memory_space<vmem>>, vector<1x2816x1024xbf16>
    %get3A_6 = vector.shape_cast %get3A_5 : vector<1x2816x1024xbf16> to vector<2816x1024xbf16>
    %dot_general3A = arith.constant dense<0.000000e+00> : vector<256x2816xf32>
    %dot_general3A_7 = tpu.matmul %convert_element_type3A, %get3A_6, %dot_general3A {dimension_numbers = #tpu.dot_dimension_numbers<[1], [1], [0], [0], [0, 0, 1, 0], [], []>, transpose_lhs_hint = false} : vector<256x1024xbf16>, vector<2816x1024xbf16>, vector<256x2816xf32> -> vector<256x2816xf32>
    %get3A_8 = arith.constant 0 : index
    %get3A_9 = arith.constant 0 : index
    %get3A_10 = arith.constant 0 : index
    %get3A_11 = vector.load %arg4[%get3A_8, %get3A_9, %get3A_10] : memref<1x2816x1024xbf16, #tpu.memory_space<vmem>>, vector<1x2816x1024xbf16>
    %get3A_12 = vector.shape_cast %get3A_11 : vector<1x2816x1024xbf16> to vector<2816x1024xbf16>
    %dot_general3A_13 = arith.constant dense<0.000000e+00> : vector<256x2816xf32>
    %dot_general3A_14 = tpu.matmul %convert_element_type3A, %get3A_12, %dot_general3A_13 {dimension_numbers = #tpu.dot_dimension_numbers<[1], [1], [0], [0], [0, 0, 1, 0], [], []>, transpose_lhs_hint = false} : vector<256x1024xbf16>, vector<2816x1024xbf16>, vector<256x2816xf32> -> vector<256x2816xf32>
    %logistic3A = arith.negf %dot_general3A_7 : vector<256x2816xf32>
    %logistic3A_15 = math.exp %logistic3A : vector<256x2816xf32>
    %logistic3A_16 = arith.constant 1.000000e+00 : f32
    %logistic3A_17 = vector.broadcast %logistic3A_16 : f32 to vector<256x2816xf32>
    %logistic3A_18 = arith.addf %logistic3A_17, %logistic3A_15 : vector<256x2816xf32>
    %logistic3A_19 = arith.divf %logistic3A_17, %logistic3A_18 : vector<256x2816xf32>
    %mul3A = arith.mulf %dot_general3A_7, %logistic3A_19 : vector<256x2816xf32>
    %mul3A_20 = arith.mulf %mul3A, %dot_general3A_14 : vector<256x2816xf32>
    %convert_element_type3A_21 = arith.truncf %mul3A_20 : vector<256x2816xf32> to vector<256x2816xbf16>
    %get3A_22 = arith.constant 0 : index
    %get3A_23 = arith.constant 0 : index
    %get3A_24 = arith.constant 0 : index
    %get3A_25 = vector.load %arg5[%get3A_22, %get3A_23, %get3A_24] : memref<1x1024x2816xbf16, #tpu.memory_space<vmem>>, vector<1x1024x2816xbf16>
    %get3A_26 = vector.shape_cast %get3A_25 : vector<1x1024x2816xbf16> to vector<1024x2816xbf16>
    %dot_general3A_27 = arith.constant dense<0.000000e+00> : vector<256x1024xf32>
    %dot_general3A_28 = tpu.matmul %convert_element_type3A_21, %get3A_26, %dot_general3A_27 {dimension_numbers = #tpu.dot_dimension_numbers<[1], [1], [0], [0], [0, 0, 1, 0], [], []>, transpose_lhs_hint = false} : vector<256x2816xbf16>, vector<1024x2816xbf16>, vector<256x1024xf32> -> vector<256x1024xf32>
    %swap3A = arith.constant 0 : index
    %swap3A_29 = arith.constant 0 : index
    %swap3A_30 = vector.load %arg6[%swap3A, %swap3A_29] : memref<256x1024xf32, #tpu.memory_space<vmem>>, vector<256x1024xf32>
    tpu.vector_store %arg6[%swap3A, %swap3A_29], %dot_general3A_28 {strides = array<i32>} : memref<256x1024xf32, #tpu.memory_space<vmem>>, vector<256x1024xf32>,
    return
  }
  func.func @transform_0(%arg0: i32, %arg1: memref<40xi32, #tpu.memory_space<smem>>) -> (i32, i32) {
    %c0_i32 = arith.constant 0 : i32
    %c0_i32_0 = arith.constant 0 : i32
    return %arg0, %c0_i32 : i32, i32
  }
  func.func @transform_1(%arg0: i32, %arg1: memref<40xi32, #tpu.memory_space<smem>>) -> (i32, i32, i32) {
    %get3A = arith.index_cast %arg0 : i32 to index
    %get3A_0 = memref.load %arg1[%get3A] : memref<40xi32, #tpu.memory_space<smem>>
    %c0_i32 = arith.constant 0 : i32
    %c0_i32_1 = arith.constant 0 : i32
    %c0_i32_2 = arith.constant 0 : i32
    return %get3A_0, %c0_i32, %c0_i32_1 : i32, i32, i32
  }
  func.func @transform_2(%arg0: i32, %arg1: memref<40xi32, #tpu.memory_space<smem>>) -> (i32, i32, i32) {
    %get3A = arith.index_cast %arg0 : i32 to index
    %get3A_0 = memref.load %arg1[%get3A] : memref<40xi32, #tpu.memory_space<smem>>
    %c0_i32 = arith.constant 0 : i32
    %c0_i32_1 = arith.constant 0 : i32
    %c0_i32_2 = arith.constant 0 : i32
    return %get3A_0, %c0_i32, %c0_i32_1 : i32, i32, i32
  }
  func.func @transform_3(%arg0: i32, %arg1: memref<40xi32, #tpu.memory_space<smem>>) -> (i32, i32, i32) {
    %get3A = arith.index_cast %arg0 : i32 to index
    %get3A_0 = memref.load %arg1[%get3A] : memref<40xi32, #tpu.memory_space<smem>>
    %c0_i32 = arith.constant 0 : i32
    %c0_i32_1 = arith.constant 0 : i32
    %c0_i32_2 = arith.constant 0 : i32
    return %get3A_0, %c0_i32, %c0_i32_1 : i32, i32, i32
  }
  func.func @transform_4(%arg0: i32, %arg1: memref<40xi32, #tpu.memory_space<smem>>) -> (i32, i32) {
    %c0_i32 = arith.constant 0 : i32
    %c0_i32_0 = arith.constant 0 : i32
    return %arg0, %c0_i32 : i32, i32
  }
}

module attributes {stable_mosaic.version = 14 : i64} {
  func.func @_shared_combine_kernel(%arg0: i32, %arg1: memref<256x1024xf32, #tpu.memory_space<vmem>>, %arg2: memref<256x1024xf32, #tpu.memory_space<vmem>>, %arg3: memref<256x1024xf32, #tpu.memory_space<vmem>>, %arg4: memref<256x2xf32, #tpu.memory_space<vmem>>, %arg5: memref<256x1xf32, #tpu.memory_space<vmem>>, %arg6: memref<2816x1024xbf16, #tpu.memory_space<vmem>>, %arg7: memref<2816x1024xbf16, #tpu.memory_space<vmem>>, %arg8: memref<1024x2816xbf16, #tpu.memory_space<vmem>>, %arg9: memref<256x1024xf32, #tpu.memory_space<vmem>>) attributes {dimension_semantics = [#tpu.dimension_semantics<arbitrary>], iteration_bounds = array<i64: 16>, scalar_prefetch = 0 : i64, scratch_operands = 0 : i64, tpu.core_type = #tpu.core_type<tc>, window_params = [{transform_indices = @transform_0, window_bounds = array<i64: 256, 1024>}, {transform_indices = @transform_1, window_bounds = array<i64: 256, 1024>}, {transform_indices = @transform_2, window_bounds = array<i64: 256, 1024>}, {transform_indices = @transform_3, window_bounds = array<i64: 256, 2>}, {transform_indices = @transform_4, window_bounds = array<i64: 256, 1>}, {pipeline_mode = #tpu.pipeline_mode<synchronous>, transform_indices = @transform_5, window_bounds = array<i64: 2816, 1024>}, {pipeline_mode = #tpu.pipeline_mode<synchronous>, transform_indices = @transform_6, window_bounds = array<i64: 2816, 1024>}, {pipeline_mode = #tpu.pipeline_mode<synchronous>, transform_indices = @transform_7, window_bounds = array<i64: 1024, 2816>}, {transform_indices = @transform_8, window_bounds = array<i64: 256, 1024>}]} {
    %get3A = arith.constant 0 : index
    %get3A_0 = arith.constant 0 : index
    %get3A_1 = vector.load %arg1[%get3A, %get3A_0] : memref<256x1024xf32, #tpu.memory_space<vmem>>, vector<256x1024xf32>
    %convert_element_type3A = arith.truncf %get3A_1 : vector<256x1024xf32> to vector<256x1024xbf16>
    %get3A_2 = arith.constant 0 : index
    %get3A_3 = arith.constant 0 : index
    %get3A_4 = vector.load %arg6[%get3A_2, %get3A_3] : memref<2816x1024xbf16, #tpu.memory_space<vmem>>, vector<2816x1024xbf16>
    %dot_general3A = arith.constant dense<0.000000e+00> : vector<256x2816xf32>
    %dot_general3A_5 = tpu.matmul %convert_element_type3A, %get3A_4, %dot_general3A {dimension_numbers = #tpu.dot_dimension_numbers<[1], [1], [0], [0], [0, 0, 1, 0], [], []>, transpose_lhs_hint = false} : vector<256x1024xbf16>, vector<2816x1024xbf16>, vector<256x2816xf32> -> vector<256x2816xf32>
    %get3A_6 = arith.constant 0 : index
    %get3A_7 = arith.constant 0 : index
    %get3A_8 = vector.load %arg7[%get3A_6, %get3A_7] : memref<2816x1024xbf16, #tpu.memory_space<vmem>>, vector<2816x1024xbf16>
    %dot_general3A_9 = arith.constant dense<0.000000e+00> : vector<256x2816xf32>
    %dot_general3A_10 = tpu.matmul %convert_element_type3A, %get3A_8, %dot_general3A_9 {dimension_numbers = #tpu.dot_dimension_numbers<[1], [1], [0], [0], [0, 0, 1, 0], [], []>, transpose_lhs_hint = false} : vector<256x1024xbf16>, vector<2816x1024xbf16>, vector<256x2816xf32> -> vector<256x2816xf32>
    %logistic3A = arith.negf %dot_general3A_5 : vector<256x2816xf32>
    %logistic3A_11 = math.exp %logistic3A : vector<256x2816xf32>
    %logistic3A_12 = arith.constant 1.000000e+00 : f32
    %logistic3A_13 = vector.broadcast %logistic3A_12 : f32 to vector<256x2816xf32>
    %logistic3A_14 = arith.addf %logistic3A_13, %logistic3A_11 : vector<256x2816xf32>
    %logistic3A_15 = arith.divf %logistic3A_13, %logistic3A_14 : vector<256x2816xf32>
    %mul3A = arith.mulf %dot_general3A_5, %logistic3A_15 : vector<256x2816xf32>
    %mul3A_16 = arith.mulf %mul3A, %dot_general3A_10 : vector<256x2816xf32>
    %convert_element_type3A_17 = arith.truncf %mul3A_16 : vector<256x2816xf32> to vector<256x2816xbf16>
    %get3A_18 = arith.constant 0 : index
    %get3A_19 = arith.constant 0 : index
    %get3A_20 = vector.load %arg8[%get3A_18, %get3A_19] : memref<1024x2816xbf16, #tpu.memory_space<vmem>>, vector<1024x2816xbf16>
    %dot_general3A_21 = arith.constant dense<0.000000e+00> : vector<256x1024xf32>
    %dot_general3A_22 = tpu.matmul %convert_element_type3A_17, %get3A_20, %dot_general3A_21 {dimension_numbers = #tpu.dot_dimension_numbers<[1], [1], [0], [0], [0, 0, 1, 0], [], []>, transpose_lhs_hint = false} : vector<256x2816xbf16>, vector<1024x2816xbf16>, vector<256x1024xf32> -> vector<256x1024xf32>
    %get3A_23 = arith.constant 0 : index
    %get3A_24 = arith.constant 0 : index
    %get3A_25 = vector.load %arg4[%get3A_23, %get3A_24] : memref<256x2xf32, #tpu.memory_space<vmem>>, vector<256x2xf32>
    %slice3A = vector.extract_strided_slice %get3A_25 {offsets = [0, 0], sizes = [256, 1], strides = [1, 1]} : vector<256x2xf32> to vector<256x1xf32>
    %get3A_26 = arith.constant 0 : index
    %get3A_27 = arith.constant 0 : index
    %get3A_28 = vector.load %arg2[%get3A_26, %get3A_27] : memref<256x1024xf32, #tpu.memory_space<vmem>>, vector<256x1024xf32>
    %mul3A_29 = vector.broadcast %slice3A : vector<256x1xf32> to vector<256x1024xf32>
    %mul3A_30 = arith.mulf %mul3A_29, %get3A_28 : vector<256x1024xf32>
    %slice3A_31 = vector.extract_strided_slice %get3A_25 {offsets = [0, 1], sizes = [256, 1], strides = [1, 1]} : vector<256x2xf32> to vector<256x1xf32>
    %get3A_32 = arith.constant 0 : index
    %get3A_33 = arith.constant 0 : index
    %get3A_34 = vector.load %arg3[%get3A_32, %get3A_33] : memref<256x1024xf32, #tpu.memory_space<vmem>>, vector<256x1024xf32>
    %mul3A_35 = vector.broadcast %slice3A_31 : vector<256x1xf32> to vector<256x1024xf32>
    %mul3A_36 = arith.mulf %mul3A_35, %get3A_34 : vector<256x1024xf32>
    %add3A = arith.addf %mul3A_30, %mul3A_36 : vector<256x1024xf32>
    %get3A_37 = arith.constant 0 : index
    %get3A_38 = arith.constant 0 : index
    %get3A_39 = vector.load %arg5[%get3A_37, %get3A_38] : memref<256x1xf32, #tpu.memory_space<vmem>>, vector<256x1xf32>
    %mul3A_40 = vector.broadcast %get3A_39 : vector<256x1xf32> to vector<256x1024xf32>
    %mul3A_41 = arith.mulf %mul3A_40, %dot_general3A_22 : vector<256x1024xf32>
    %add3A_42 = arith.addf %add3A, %mul3A_41 : vector<256x1024xf32>
    %swap3A = arith.constant 0 : index
    %swap3A_43 = arith.constant 0 : index
    %swap3A_44 = vector.load %arg9[%swap3A, %swap3A_43] : memref<256x1024xf32, #tpu.memory_space<vmem>>, vector<256x1024xf32>
    tpu.vector_store %arg9[%swap3A, %swap3A_43], %add3A_42 {strides = array<i32>} : memref<256x1024xf32, #tpu.memory_space<vmem>>, vector<256x1024xf32>,
    return
  }
  func.func @transform_0(%arg0: i32) -> (i32, i32) {
    %c0_i32 = arith.constant 0 : i32
    %c0_i32_0 = arith.constant 0 : i32
    return %arg0, %c0_i32 : i32, i32
  }
  func.func @transform_1(%arg0: i32) -> (i32, i32) {
    %c0_i32 = arith.constant 0 : i32
    %c0_i32_0 = arith.constant 0 : i32
    return %arg0, %c0_i32 : i32, i32
  }
  func.func @transform_2(%arg0: i32) -> (i32, i32) {
    %add3A = arith.constant 16 : i32
    %add3A_0 = arith.addi %arg0, %add3A : i32
    %c0_i32 = arith.constant 0 : i32
    %c0_i32_1 = arith.constant 0 : i32
    return %add3A_0, %c0_i32 : i32, i32
  }
  func.func @transform_3(%arg0: i32) -> (i32, i32) {
    %c0_i32 = arith.constant 0 : i32
    %c0_i32_0 = arith.constant 0 : i32
    return %arg0, %c0_i32 : i32, i32
  }
  func.func @transform_4(%arg0: i32) -> (i32, i32) {
    %c0_i32 = arith.constant 0 : i32
    %c0_i32_0 = arith.constant 0 : i32
    return %arg0, %c0_i32 : i32, i32
  }
  func.func @transform_5(%arg0: i32) -> (i32, i32) {
    %c0_i32 = arith.constant 0 : i32
    %c0_i32_0 = arith.constant 0 : i32
    %c0_i32_1 = arith.constant 0 : i32
    return %c0_i32, %c0_i32_0 : i32, i32
  }
  func.func @transform_6(%arg0: i32) -> (i32, i32) {
    %c0_i32 = arith.constant 0 : i32
    %c0_i32_0 = arith.constant 0 : i32
    %c0_i32_1 = arith.constant 0 : i32
    return %c0_i32, %c0_i32_0 : i32, i32
  }
  func.func @transform_7(%arg0: i32) -> (i32, i32) {
    %c0_i32 = arith.constant 0 : i32
    %c0_i32_0 = arith.constant 0 : i32
    %c0_i32_1 = arith.constant 0 : i32
    return %c0_i32, %c0_i32_0 : i32, i32
  }
  func.func @transform_8(%arg0: i32) -> (i32, i32) {
    %c0_i32 = arith.constant 0 : i32
    %c0_i32_0 = arith.constant 0 : i32
    return %arg0, %c0_i32 : i32, i32
  }
}

</mosaic_0001>

<sc_bundles>
// kernel: kernel.10.cloned.1.call-start
scs
__scs_entry_jumppad:
0x0: {  	(pc) =	sbr.rel $0x88, $3  }
0x1: {  	(tag) =	ssettag $0x0;
	lr =	simm.s32 $0x1  }
0x2: {  	[smem:$0x3F98] =	sst lr;
	_ =	strace $0xD0000000  }
0x3: {  	_ = 	snop  }
0x4: {  	_ = 	snop  }
0x5: {  	_ = 	snop  }
0x6: {  	_ = 	snop  }
0x7: {  	_ = 	snop  }
__scs_overlays_trampoline_lowered:
0x8: {  	[smem:$0x3FA7] =	sst s0  }
0x9: {  	[smem:$0x3FA8] =	sst s1  }
0xa: {  	[smem:$0x3FA9] =	sst s2  }
0xb: {  	[smem:$0x3FAA] =	sst s3  }
0xc: {  	[smem:$0x3FAB] =	sst s4  }
0xd: {  	[smem:$0x3FAC] =	sst s5  }
0xe: {  	[smem:$0x3FAD] =	sst s6  }
0xf: {  	[smem:$0x3FAE] =	sst s7  }
0x10: {  	[smem:$0x3FAF] =	sst s8  }
0x11: {  	[smem:$0x3FB0] =	sst s9;
	s0 =	simm.s32 @!p0 $0x0  }
0x12: {  	s1 =	sld [smem:$0x3F96];
	s0 =	simm.s32 @p0 $0x1  }
0x13: {  	[smem:$0x3FB1] =	sst s0;
	s0 =	simm.s32 @!p1 $0x0  }
0x14: {  	s2 =	sld [smem:$0x3F95];
	s0 =	simm.s32 @p1 $0x1  }
0x15: {  	[smem:$0x3FB2] =	sst s0;
	s0 =	simm.s32 @!p2 $0x0  }
0x16: {  	s3 =	sld [smem:$0x3FDB];
	s0 =	simm.s32 @p2 $0x1  }
0x17: {  	s4 =	simm.s32 $0x1BF5;
	[smem:$0x3FB4] =	sst s0  }
0x18: {  	s0 =	sld [smem:$0x3F97];
	_ =	swait.ge [sflag:s4], $0x0  }
0x19: {  	s7 =	sld [smem:$0x3F98]  }
0x1a: {  	s8 =	sadd.s32 $0xFFFFE003, lr  }
0x1b: {  	s9 =	sadd.s32 $0xFFFFFEF7, lr;
	s5 =	simm.s32 $0xFFFFFFFF;
	p2 =	slt.u32 s8, $0xFFFFF086  }
0x1c: {  	p1 =	slt.u32 s9, $0xF7A;
	s5 =	simm.s32 @!p2 $0x0  }
0x1d: {  	s5 =	simm.s32 @p1 $0x1;
	p0 =	seq.s32 s7, s2  }
0x1e: {  	s7 =	smul.u32 @!p0 $0xF7A, s2;
	p2 =	seq.s32 @!p0 s5, $0x0  }
0x1f: {  	s9 =	smul.u32 $0xF7A, s1;
	s8 =	simm.s32 @!p0 $0x1BF5;
	p2 =	por !p2, p0  }
0x20: {  	[sflag:s8] =	ssyncset.s32 @!p0 $0xFFFFF086;
	s6 =	sadd.s32 @!p0 s3, s7;
	s7 =	simm.s32 @!p0 $0x108  }
0x21: {  	s3 =	sadd.s32 s3, s9;
	s6 =	sadd.s32 @!p0 $0x88, s6;
	s7 =	simm.s32 @p2 $0x1082  }
0x22: {  	[simem:s7], [sflag:s8] =	dma.local @!p0 [hbm:s6], $0xF7A  }
0x23: {  	s9 =	sor.u32 $0xD0000000, s2;
	s6 =	simm.s32 $0x108;
	_ =	swait.ge @!p0 [sflag:s8], $0x0  }
0x24: {  	s3 =	sadd.s32 $0x88, s3;
	s6 =	simm.s32 @!p1 $0x1082;
	[sflag:s4] =	ssyncset.s32 $0xFFFFF086  }
0x25: {  	[simem:s6], [sflag:s4] =	dma.local [hbm:s3], $0xF7A  }
0x26: {  	[smem:$0x3F98] =	sst s1;
	(tag) =	ssettag s2;
	_ =	strace s9  }
0x27: {  	s1 =	sld [smem:$0x3FA8]  }
0x28: {  	s2 =	sld [smem:$0x3FA9]  }
0x29: {  	s4 =	sld [smem:$0x3FAB]  }
0x2a: {  	p0 =	seq.s32 s5, $0x0;
	s5 =	sld [smem:$0x3FAC]  }
0x2b: {  	s6 =	sld [smem:$0x3FAD]  }
0x2c: {  	s7 =	sld [smem:$0x3FAE]  }
0x2d: {  	s3 =	simm.s32 $0x108;
	s8 =	sld [smem:$0x3FAF]  }
0x2e: {  	s3 =	simm.s32 @!p0 $0x1082;
	s9 =	sld [smem:$0x3FB0]  }
0x2f: {  	lr =	sadd.s32 s0, s3;
	s0 =	sld [smem:$0x3FA7]  }
0x30: {  	s3 =	sld [smem:$0x3FAA]  }
0x31: {  	[smem:$0x3FB3] =	sst s10  }
0x32: {  	s10 =	sld [smem:$0x3FB1];
	_ =	sdelay $0x3  }
0x33: {  	p0 =	seq.s32 s10, $0x1;
	s10 =	sld [smem:$0x3FB3];
	_ =	sdelay $0x3  }
0x34: {  	[smem:$0x3FB3] =	sst s10  }
0x35: {  	s10 =	sld [smem:$0x3FB2];
	_ =	sdelay $0x3  }
0x36: {  	p1 =	seq.s32 s10, $0x1;
	s10 =	sld [smem:$0x3FB3];
	_ =	sdelay $0x3  }
0x37: {  	[smem:$0x3FB3] =	sst s10  }
0x38: {  	s10 =	sld [smem:$0x3FB4]  }
0x39: {  	_ = 	snop;
	(pc) =	sbr.ind lr, $3  }
0x3a: {  	_ = 	snop  }
0x3b: {  	_ = 	snop  }
0x3c: {  	p2 =	seq.s32 s10, $0x1;
	s10 =	sld [smem:$0x3FB3]  }
0x3d: {  	_ =	shalt  }
0x3e: {  	_ =	shalt  }
0x3f: {  	_ =	shalt  }
0x40: {  	_ =	shalt  }
0x41: {  	_ =	shalt  }
0x42: {  	_ =	shalt  }
0x43: {  	_ =	shalt  }
0x44: {  	_ =	shalt  }
0x45: {  	_ =	shalt  }
0x46: {  	_ =	shalt  }
0x47: {  	_ =	shalt  }
0x48: {  	_ =	shalt  }
0x49: {  	_ =	shalt  }
0x4a: {  	_ =	shalt  }
0x4b: {  	_ =	shalt  }
0x4c: {  	_ =	shalt  }
0x4d: {  	_ =	shalt  }
0x4e: {  	_ =	shalt  }
0x4f: {  	_ =	shalt  }
0x50: {  	_ =	shalt  }
0x51: {  	_ =	shalt  }
0x52: {  	_ =	shalt  }
0x53: {  	_ =	shalt  }
0x54: {  	_ =	shalt  }
0x55: {  	_ =	shalt  }
0x56: {  	_ =	shalt  }
0x57: {  	_ =	shalt  }
0x58: {  	_ =	shalt  }
0x59: {  	_ =	shalt  }
0x5a: {  	_ =	shalt  }
0x5b: {  	_ =	shalt  }
0x5c: {  	_ =	shalt  }
0x5d: {  	_ =	shalt  }
0x5e: {  	_ =	shalt  }
0x5f: {  	_ =	shalt  }
0x60: {  	_ =	shalt  }
0x61: {  	_ =	shalt  }
0x62: {  	_ =	shalt  }
0x63: {  	_ =	shalt  }
0x64: {  	_ =	shalt  }
0x65: {  	_ =	shalt  }
0x66: {  	_ =	shalt  }
0x67: {  	_ =	shalt  }
0x68: {  	_ =	shalt  }
0x69: {  	_ =	shalt  }
0x6a: {  	_ =	shalt  }
0x6b: {  	_ =	shalt  }
0x6c: {  	_ =	shalt  }
0x6d: {  	_ =	shalt  }
0x6e: {  	_ =	shalt  }
0x6f: {  	_ =	shalt  }
0x70: {  	_ =	shalt  }
0x71: {  	_ =	shalt  }
0x72: {  	_ =	shalt  }
0x73: {  	_ =	shalt  }
0x74: {  	_ =	shalt  }
0x75: {  	_ =	shalt  }
0x76: {  	_ =	shalt  }
0x77: {  	_ =	shalt  }
0x78: {  	_ =	shalt  }
0x79: {  	_ =	shalt  }
0x7a: {  	_ =	shalt  }
0x7b: {  	_ =	shalt  }
0x7c: {  	_ =	shalt  }
0x7d: {  	_ =	shalt  }
0x7e: {  	_ =	shalt  }
0x7f: {  	_ =	shalt  }
0x80: {  	_ =	shalt  }
0x81: {  	_ =	shalt  }
0x82: {  	_ =	shalt  }
0x83: {  	_ =	shalt  }
0x84: {  	_ =	shalt  }
0x85: {  	_ =	shalt  }
0x86: {  	_ =	shalt  }
0x87: {  	_ =	shalt  }
.Lfunc_end0:
.L_simem_size_0:
called_computation.1_lowered:
.L_overlay_start_0:
0x88: {  	s2 =	sld [smem:$0x3FD9]  }
0x89: {  	s3 =	sld [smem:$0x3FFE];
	_ =	sdelay $0x1  }
0x8a: {  	s1 =	srdreg.scid  }
0x8b: {  	s0 =	sand.u32 $0x1, s1  }
0x8c: {  	s16 =	sshll.u32 s0, $0xA;
	s2 =	sadd.s32 s3, s2  }
0x8d: {  	s2 =	sadd.s32 s2, s16  }
0x8e: {  	[smem:$0x3FBF] =	sst s2  }
0x8f: {  	_ = 	snop  }
0x90: {  	(tm) =	ssettm $0x1  }
0x91: {  	s17 =	sld [smem:$0x3FFB];
	_ =	sdelay $0x3  }
0x92: {  	_ =	strace s17  }
0x93: {  	s2 =	sld [smem:$0x3FFC];
	_ =	sdelay $0x3  }
0x94: {  	_ =	strace s2  }
0x95: {  	s2 =	sld [smem:$0x3FFD];
	_ =	sdelay $0x3  }
0x96: {  	_ =	strace s2  }
0x97: {  	_ =	strace $0x8FFFFFFF  }
0x98: {  	s18 =	sld [smem:$0x3FDB];
	_ =	sdelay $0x1  }
0x99: {  	s19 =	simm.s32 $_scs_section_size  }
0x9a: {  	s4 =	simm.s32 $_size__tile_overlayer_lowered;
	s5 =	simm.s32 $_tile_overlayer_lowered  }
0x9b: {  	s22 =	simm.s32 $0x1BFF;
	s21 =	sshll.u32 s5, $0x1;
	s2 =	sadd.s32 s19, s18  }
0x9c: {  	s6 =	simm.s32 $0x0;
	s20 =	sshll.u32 s4, $0x1;
	s4 =	sadd.s32 s21, s2  }
0x9d: {  	[timem:s6], [sflag:s22] =	dma.local [hbm:s4], s20  }
0x9e: {  	_ =	swait.ge [sflag:s22], s20  }
0x9f: {  	s3 =	ssub.s32 $0x0, s20;
	[sflag:s22] =	ssyncset.done $0x0  }
0xa0: {  	[sflag:s22] =	ssyncadd.s32 s3;
	_ =	sdelay $0x1  }
0xa1: {  	s23 =	simm.s32 $0x1B8B  }
0xa2: {  	_ =	swait.ge [sflag:s23], $0x1  }
0xa3: {  	[sflag:s23] =	ssyncset.done $0x0  }
0xa4: {  	s25 =	simm.s32 $0x1B8E;
	s24 =	sld [smem:$0x3FFE];
	[sflag:s23] =	ssyncadd.s32 $0xFFFFFFFF  }
0xa5: {  	s26 =	simm.s32 $execute0_lowered;
	[smem:$0x3FD2] =	sst s25  }
0xa6: {  	s4 =	sshll.u32 s26, $0x1;
	_ =	strace $0x80000049;
	[dreg:$0x1] =	wrdreg $0xFFFFFFFF  }
0xa7: {  	s28 =	simm.s32 $_size_execute0_lowered;
	s2 =	sadd.s32 s2, s4;
	[dreg:$0x0] =	wrdreg $0x0  }
0xa8: {  	s4 =	sshll.u32 s28, $0x1;
	[dreg:$0x2] =	wrdreg s2  }
0xa9: {  	[dreg:$0x3] =	wrdreg s4  }
0xaa: {  	[dreg:$0x4] =	wrdreg $0xC0  }
0xab: {  	_ =	task [dreg:s6], $0x5FFFF  }
0xac: {  	[dreg:$0x1] =	wrdreg $0xFFFFFFFF  }
0xad: {  	[dreg:$0x0] =	wrdreg $0x60  }
0xae: {  	[dreg:$0x2] =	wrdreg s24  }
0xaf: {  	[dreg:$0x3] =	wrdreg $0x9  }
0xb0: {  	_ =	task.clear_ibuf [dreg:s6], $0x4FFFF;
	_ =	strace $0x90000049  }
0xb1: {  	s29 =	simm.s32 $0x9;
	_ =	strace $0x8000004B  }
0xb2: {  	_ =	swait.ge [sflag:s29], $0x1  }
0xb3: {  	[sflag:s29] =	ssyncadd.s32 $0xFFFFFFFF  }
0xb4: {  	_ =	strace $0x9000004B  }
0xb5: {  	_ =	sfence  }
0xb6: {  	s30 =	sld [smem:$0x0];
	_ =	sdelay $0x2  }
0xb7: {  	s31 =	sshll.u32 s1, $0xD;
	s1 =	sshrl.u32 s1, $0x2  }
0xb8: {  	s3 =	sand.u32 $0x4000, s31;
	s1 =	sadd.s32 s1, s30  }
0xb9: {  	s0 =	sor.u32 s3, s0;
	s1 =	sshll.u32 s1, $0x11  }
0xba: {  	s0 =	sor.u32 s1, s0  }
0xbb: {  	s0 =	sadd.s32 $0x8F2B, s0  }
0xbc: {  	[sflag:s0] =	ssyncadd.remote.s32 $0x1  }
0xbd: {  	_ =	sfence.sel $0xFFFF  }
0xbe: {  	[dreg:$0x0] =	wrdreg $0xFFFFFFFF;
	(pc) =	sbr.abs _section_cstart, $3  }
0xbf: {  	[dreg:$0x1] =	wrdreg $0xFFFFFFFF  }
0xc0: {  	_ =	task.clear_ibuf [dreg:s6], $0x2FFFF;
	_ =	strace $0x9FFFFFFF  }
0xc1: {  	(tm) =	ssettm $0x7FFFFFFF  }
tec
execute0_lowered:
.L_overlay_start_1:
0x0: {  	(tag) =	ssettag $0x1  }
0x1: {  	s0 =	rddreg [dreg:$0x0]  }
0x2: {  	s1 =	srdreg.scid;
	s2 =	simm.s32 $0x0;
	s3 =	stileid.u32  }
0x3: {  	s28 =	simm.s32 $0x100;
	s1 =	sand.u32 $0x1, s1;
	[smem:$0x7FF] =	sst s2  }
0x4: {  	s4 =	sshll.u32 s3, $0x9;
	s3 =	sadd.s32 $0x582200, s0;
	s8 =	sadd.s32 $0x22200, s0  }
0x5: {  	s5 =	sshll.u32 s1, $0x8;
	_ =	strace $0x8000004A;
	s1 =	ssub.s32 $0x2, s1  }
0x6: {  	s4 =	sor.u32 s5, s4;
	s5 =	sadd.s32 $0x21E00, s0;
	s15 =	sshrl.u32 s1, $0x1  }
0x7: {  	s6 =	sshrl.u32 s4, $0x3;
	s7 =	sor.u32 $0x20, s4;
	s24 =	sshll.u32 s4, $0x7  }
0x8: {  	s26 =	sor.u32 $0x40, s4;
	s10 =	sor.u32 $0x60, s4;
	s14 =	sor.u32 $0x80, s4  }
0x9: {  	s21 =	sor.u32 $0xC0, s4;
	s1 =	ssub.s32 s1, s15;
	s6 =	sadd.s32 s5, s6  }
0xa: {  	s9 =	sshrl.u32 s7, $0x3;
	s25 =	sadd.s32 s8, s24;
	s29 =	sshrl.u32 s26, $0x3  }
0xb: {  	s7 =	sshll.u32 s7, $0x7;
	s31 =	sshrl.u32 s10, $0x3;
	s12 =	sshll.u32 s26, $0x7  }
0xc: {  	s16 =	sshrl.u32 s14, $0x3;
	s10 =	sshll.u32 s10, $0x7;
	[dreg:$0x2] =	wrdreg s6  }
0xd: {  	s22 =	sshrl.u32 s21, $0x3;
	s23 =	sadd.s32 s5, s9;
	[dreg:$0x4] =	wrdreg s25  }
0xe: {  	s26 =	sshll.u32 s21, $0x7;
	s6 =	sadd.s32 s5, s29;
	[dreg:$0x3] =	wrdreg s23  }
0xf: {  	s21 =	simm.s32 $0x2;
	s30 =	sadd.s32 s8, s7;
	[dreg:$0x5] =	wrdreg s6  }
0x10: {  	s11 =	sadd.s32 s5, s31;
	s13 =	sadd.s32 s8, s12;
	[dreg:$0x6] =	wrdreg s30  }
0x11: {  	s17 =	sadd.s32 s8, s10;
	s7 =	sshll.u32 s14, $0x7;
	[dreg:$0x7] =	wrdreg s11  }
0x12: {  	s29 =	sadd.s32 s8, s26;
	s26 =	simm.s32 $0x8100;
	[dreg:$0x8] =	wrdreg s13  }
0x13: {  	s6 =	sadd.s32 s5, s16;
	s11 =	sor.u32 $0xA0, s4;
	[dreg:$0xa] =	wrdreg s17  }
0x14: {  	s20 =	sadd.s32 s8, s7;
	s4 =	sor.u32 $0xE0, s4;
	[dreg:$0x10] =	wrdreg s29  }
0x15: {  	s7 =	smax.u32 s1, $0x1;
	[dreg:$0x9] =	wrdreg s6;
	s18 =	sshrl.u32 s11, $0x3  }
0x16: {  	[dreg:$0xc] =	wrdreg s20;
	s6 =	sadd.s32 s5, s22;
	s23 =	sshll.u32 s11, $0x7  }
0x17: {  	s25 =	sshrl.u32 s4, $0x3;
	s30 =	sshll.u32 s4, $0x7;
	s4 =	sadd.s32 $0x582300, s0  }
0x18: {  	s20 =	simm.s32 $0x3;
	s19 =	sadd.s32 s5, s18;
	[dreg:$0xd] =	wrdreg s6  }
0x19: {  	s22 =	simm.s32 $0x4;
	s24 =	sadd.s32 s8, s23;
	[dreg:$0xb] =	wrdreg s19  }
0x1a: {  	v2 =	vlaneseq.u32;
	s5 =	sadd.s32 s5, s25;
	s31 =	sadd.s32 s8, s30;
	[dreg:$0xe] =	wrdreg s24  }
0x1b: {  	vm0 =	vmmov $0xffff;
	v1 =	vshrl.u32 v2, $0x3;
	s6 =	sadd.s32 $0x582500, s0;
	s8 =	simm.s32 $0x5;
	[dreg:$0xf] =	wrdreg s5  }
0x1c: {  	v0 =	vand.u32 $0x7, v2;
	v2 =	vor.u32 $0x8, v2;
	v1 =	vmul.u32 $0x8, v1;
	s5 =	sadd.s32 $0x582400, s0;
	[dreg:$0x11] =	wrdreg s31;
	s19 =	simm.s32 $0x1  }
.LBB2_1:
0x1d: {  	s23 =	rddreg [dreg:$0x2]  }
0x1e: {  	[tilespmem:s2], [sflag:$0x5] =	stream.linear.gather [hbm4b:s23+s2], $0x20, $0x38;
	[tilespmem:$0x10100] =	vst v63  }
0x1f: {  	_ =	swait.ge [sflag:s8], $0x20  }
0x20: {  	[sflag:s8] =	ssyncset.done $0x0  }
0x21: {  	[sflag:s8] =	ssyncadd.s32 $0xFFFFFFE0  }
0x22: {  	v3 =	vld [tilespmem:$0x0];
	_ =	sdelay $0x4  }
0x23: {  	v4 =	vshll.u32 v3, $0x3  }
0x24: {  	v3 =	vand.u32 $0x7, v3;
	v4 =	vand.u32 $0xFFFFFFC0, v4  }
0x25: {  	v3 =	vor.u32 v3, v4  }
0x26: {  	v4 =	vperm.xlane v3, v0;
	_ =	sdelay $0x1  }
0x27: {  	v4 =	vadd.s32 v1, v4;
	_ =	sdelay $0x4  }
0x28: {  	[tilespmem:s28], [sflag:$0x1] =	stream.indirect_vreg.gather [hbm4b:s3+s2], $0x80, v4, vm0, $0xb8;
	[tilespmem:$0x10100] =	vst v63  }
0x29: {  	s0 =	simm.s32 $0x900;
	v3 =	vperm.xlane v3, v2  }
0x2a: {  	[tilespmem:s0], [sflag:$0x1] =	stream.indirect_vreg.gather [hbm4b:s4+s2], $0x80, v4, vm0, $0xb8;
	[tilespmem:$0x10100] =	vst v63  }
0x2b: {  	s10 =	simm.s32 $0x1100;
	v3 =	vadd.s32 v1, v3  }
0x2c: {  	[tilespmem:s10], [sflag:$0x1] =	stream.indirect_vreg.gather [hbm4b:s5+s2], $0x80, v4, vm0, $0xb8;
	[tilespmem:$0x10100] =	vst v63  }
0x2d: {  	s11 =	simm.s32 $0x1900  }
0x2e: {  	[tilespmem:s11], [sflag:$0x1] =	stream.indirect_vreg.gather [hbm4b:s6+s2], $0x80, v4, vm0, $0xb8;
	[tilespmem:$0x10100] =	vst v63  }
0x2f: {  	s12 =	simm.s32 $0x2100  }
0x30: {  	[tilespmem:s12], [sflag:$0x1] =	stream.indirect_vreg.gather [hbm4b:s3+s2], $0x80, v3, vm0, $0xb8;
	[tilespmem:$0x10100] =	vst v63  }
0x31: {  	s13 =	simm.s32 $0x2900  }
0x32: {  	[tilespmem:s13], [sflag:$0x1] =	stream.indirect_vreg.gather [hbm4b:s4+s2], $0x80, v3, vm0, $0xb8;
	[tilespmem:$0x10100] =	vst v63  }
0x33: {  	s14 =	simm.s32 $0x3100  }
0x34: {  	[tilespmem:s14], [sflag:$0x1] =	stream.indirect_vreg.gather [hbm4b:s5+s2], $0x80, v3, vm0, $0xb8;
	[tilespmem:$0x10100] =	vst v63  }
0x35: {  	s15 =	simm.s32 $0x3900  }
0x36: {  	[tilespmem:s15], [sflag:$0x1] =	stream.indirect_vreg.gather [hbm4b:s6+s2], $0x80, v3, vm0, $0xb8;
	[tilespmem:$0x10100] =	vst v63  }
0x37: {  	v3 =	vld [tilespmem:$0x10];
	_ =	sdelay $0x4  }
0x38: {  	v49 =	vshll.u32 v3, $0x3  }
0x39: {  	v3 =	vand.u32 $0x7, v3;
	v4 =	vand.u32 $0xFFFFFFC0, v49  }
0x3a: {  	v3 =	vor.u32 v3, v4  }
0x3b: {  	v4 =	vperm.xlane v3, v0;
	_ =	sdelay $0x1  }
0x3c: {  	v4 =	vadd.s32 v1, v4;
	_ =	sdelay $0x3  }
0x3d: {  	s16 =	simm.s32 $0x4100  }
0x3e: {  	[tilespmem:s16], [sflag:$0x1] =	stream.indirect_vreg.gather [hbm4b:s3+s2], $0x80, v4, vm0, $0xb8;
	[tilespmem:$0x10100] =	vst v63  }
0x3f: {  	s17 =	simm.s32 $0x4900;
	v3 =	vperm.xlane v3, v2  }
0x40: {  	[tilespmem:s17], [sflag:$0x1] =	stream.indirect_vreg.gather [hbm4b:s4+s2], $0x80, v4, vm0, $0xb8;
	[tilespmem:$0x10100] =	vst v63  }
0x41: {  	s18 =	simm.s32 $0x5100;
	v3 =	vadd.s32 v1, v3  }
0x42: {  	[tilespmem:s18], [sflag:$0x1] =	stream.indirect_vreg.gather [hbm4b:s5+s2], $0x80, v4, vm0, $0xb8;
	[tilespmem:$0x10100] =	vst v63  }
0x43: {  	s23 =	simm.s32 $0x5900  }
0x44: {  	[tilespmem:s23], [sflag:$0x1] =	stream.indirect_vreg.gather [hbm4b:s6+s2], $0x80, v4, vm0, $0xb8;
	[tilespmem:$0x10100] =	vst v63  }
0x45: {  	s24 =	simm.s32 $0x6100  }
0x46: {  	[tilespmem:s24], [sflag:$0x1] =	stream.indirect_vreg.gather [hbm4b:s3+s2], $0x80, v3, vm0, $0xb8;
	[tilespmem:$0x10100] =	vst v63  }
0x47: {  	s25 =	simm.s32 $0x6900  }
0x48: {  	[tilespmem:s25], [sflag:$0x1] =	stream.indirect_vreg.gather [hbm4b:s4+s2], $0x80, v3, vm0, $0xb8;
	[tilespmem:$0x10100] =	vst v63  }
0x49: {  	s29 =	simm.s32 $0x7100  }
0x4a: {  	[tilespmem:s29], [sflag:$0x1] =	stream.indirect_vreg.gather [hbm4b:s5+s2], $0x80, v3, vm0, $0xb8;
	[tilespmem:$0x10100] =	vst v63  }
0x4b: {  	s31 =	simm.s32 $0x7900  }
0x4c: {  	[tilespmem:s31], [sflag:$0x1] =	stream.indirect_vreg.gather [hbm4b:s6+s2], $0x80, v3, vm0, $0xb8;
	[tilespmem:$0x10100] =	vst v63  }
0x4d: {  	s9 =	simm.s32 $0x80;
	s30 =	rddreg [dreg:$0x3]  }
0x4e: {  	[tilespmem:s9], [sflag:$0x5] =	stream.linear.gather [hbm4b:s30+s2], $0x20, $0x38;
	[tilespmem:$0x10100] =	vst v63  }
0x4f: {  	_ =	swait.ge [sflag:s8], $0x20  }
0x50: {  	[sflag:s8] =	ssyncset.done $0x0  }
0x51: {  	[sflag:s8] =	ssyncadd.s32 $0xFFFFFFE0  }
0x52: {  	v3 =	vld [tilespmem:$0x80];
	_ =	sdelay $0x4  }
0x53: {  	v50 =	vshll.u32 v3, $0x3  }
0x54: {  	v3 =	vand.u32 $0x7, v3;
	v4 =	vand.u32 $0xFFFFFFC0, v50  }
0x55: {  	v3 =	vor.u32 v3, v4  }
0x56: {  	v4 =	vperm.xlane v3, v0;
	_ =	sdelay $0x1  }
0x57: {  	v4 =	vadd.s32 v1, v4;
	_ =	sdelay $0x4  }
0x58: {  	[tilespmem:s26], [sflag:$0x2] =	stream.indirect_vreg.gather [hbm4b:s3+s2], $0x80, v4, vm0, $0xb8;
	[tilespmem:$0x10100] =	vst v63  }
0x59: {  	s10 =	simm.s32 $0x8900;
	v3 =	vperm.xlane v3, v2  }
0x5a: {  	[tilespmem:s10], [sflag:$0x2] =	stream.indirect_vreg.gather [hbm4b:s4+s2], $0x80, v4, vm0, $0xb8;
	[tilespmem:$0x10100] =	vst v63  }
0x5b: {  	s11 =	simm.s32 $0x9100;
	v3 =	vadd.s32 v1, v3  }
0x5c: {  	[tilespmem:s11], [sflag:$0x2] =	stream.indirect_vreg.gather [hbm4b:s5+s2], $0x80, v4, vm0, $0xb8;
	[tilespmem:$0x10100] =	vst v63  }
0x5d: {  	s12 =	simm.s32 $0x9900  }
0x5e: {  	[tilespmem:s12], [sflag:$0x2] =	stream.indirect_vreg.gather [hbm4b:s6+s2], $0x80, v4, vm0, $0xb8;
	[tilespmem:$0x10100] =	vst v63  }
0x5f: {  	s16 =	simm.s32 $0xA100  }
0x60: {  	[tilespmem:s16], [sflag:$0x2] =	stream.indirect_vreg.gather [hbm4b:s3+s2], $0x80, v3, vm0, $0xb8;
	[tilespmem:$0x10100] =	vst v63  }
0x61: {  	s17 =	simm.s32 $0xA900  }
0x62: {  	[tilespmem:s17], [sflag:$0x2] =	stream.indirect_vreg.gather [hbm4b:s4+s2], $0x80, v3, vm0, $0xb8;
	[tilespmem:$0x10100] =	vst v63  }
0x63: {  	s18 =	simm.s32 $0xB100  }
0x64: {  	[tilespmem:s18], [sflag:$0x2] =	stream.indirect_vreg.gather [hbm4b:s5+s2], $0x80, v3, vm0, $0xb8;
	[tilespmem:$0x10100] =	vst v63  }
0x65: {  	s25 =	simm.s32 $0xB900  }
0x66: {  	[tilespmem:s25], [sflag:$0x2] =	stream.indirect_vreg.gather [hbm4b:s6+s2], $0x80, v3, vm0, $0xb8;
	[tilespmem:$0x10100] =	vst v63  }
0x67: {  	v3 =	vld [tilespmem:$0x90];
	_ =	sdelay $0x4  }
0x68: {  	v51 =	vshll.u32 v3, $0x3  }
0x69: {  	v3 =	vand.u32 $0x7, v3;
	v4 =	vand.u32 $0xFFFFFFC0, v51  }
0x6a: {  	v3 =	vor.u32 v3, v4  }
0x6b: {  	v4 =	vperm.xlane v3, v0;
	_ =	sdelay $0x1  }
0x6c: {  	v4 =	vadd.s32 v1, v4;
	_ =	sdelay $0x3  }
0x6d: {  	s29 =	simm.s32 $0xC100  }
0x6e: {  	[tilespmem:s29], [sflag:$0x2] =	stream.indirect_vreg.gather [hbm4b:s3+s2], $0x80, v4, vm0, $0xb8;
	[tilespmem:$0x10100] =	vst v63  }
0x6f: {  	s30 =	simm.s32 $0xC900;
	v3 =	vperm.xlane v3, v2  }
0x70: {  	[tilespmem:s30], [sflag:$0x2] =	stream.indirect_vreg.gather [hbm4b:s4+s2], $0x80, v4, vm0, $0xb8;
	[tilespmem:$0x10100] =	vst v63  }
0x71: {  	s0 =	simm.s32 $0xD100;
	v3 =	vadd.s32 v1, v3  }
0x72: {  	[tilespmem:s0], [sflag:$0x2] =	stream.indirect_vreg.gather [hbm4b:s5+s2], $0x80, v4, vm0, $0xb8;
	[tilespmem:$0x10100] =	vst v63  }
0x73: {  	s9 =	simm.s32 $0xD900  }
0x74: {  	[tilespmem:s9], [sflag:$0x2] =	stream.indirect_vreg.gather [hbm4b:s6+s2], $0x80, v4, vm0, $0xb8;
	[tilespmem:$0x10100] =	vst v63  }
0x75: {  	s10 =	simm.s32 $0xE100  }
0x76: {  	[tilespmem:s10], [sflag:$0x2] =	stream.indirect_vreg.gather [hbm4b:s3+s2], $0x80, v3, vm0, $0xb8;
	[tilespmem:$0x10100] =	vst v63  }
0x77: {  	s11 =	simm.s32 $0xE900  }
0x78: {  	[tilespmem:s11], [sflag:$0x2] =	stream.indirect_vreg.gather [hbm4b:s4+s2], $0x80, v3, vm0, $0xb8;
	[tilespmem:$0x10100] =	vst v63  }
0x79: {  	s12 =	simm.s32 $0xF100  }
0x7a: {  	[tilespmem:s12], [sflag:$0x2] =	stream.indirect_vreg.gather [hbm4b:s5+s2], $0x80, v3, vm0, $0xb8;
	[tilespmem:$0x10100] =	vst v63  }
0x7b: {  	s16 =	simm.s32 $0xF900  }
0x7c: {  	[tilespmem:s16], [sflag:$0x2] =	stream.indirect_vreg.gather [hbm4b:s6+s2], $0x80, v3, vm0, $0xb8;
	[tilespmem:$0x10100] =	vst v63  }
0x7d: {  	_ =	swait.ge [sflag:s19], $0x8000  }
0x7e: {  	[sflag:s19] =	ssyncset.done $0x0  }
0x7f: {  	s17 =	rddreg [dreg:$0x4];
	[sflag:s19] =	ssyncadd.s32 $0xFFFF8000  }
0x80: {  	[hbm4b:s17+s2] =	stream.linear.scatter [tilespmem:s28], [sflag:$0x3], $0x8000, $0x38;
	[tilespmem:$0x10100] =	vst v63  }
0x81: {  	_ =	swait.ge [sflag:s20], $0x8000  }
0x82: {  	[sflag:s20] =	ssyncset.done $0x0  }
0x83: {  	s18 =	rddreg [dreg:$0x5];
	[sflag:s20] =	ssyncadd.s32 $0xFFFF8000  }
0x84: {  	[tilespmem:s2], [sflag:$0x5] =	stream.linear.gather [hbm4b:s18+s2], $0x20, $0x38;
	[tilespmem:$0x10100] =	vst v63  }
0x85: {  	_ =	swait.ge [sflag:s8], $0x20  }
0x86: {  	[sflag:s8] =	ssyncset.done $0x0  }
0x87: {  	[sflag:s8] =	ssyncadd.s32 $0xFFFFFFE0  }
0x88: {  	v3 =	vld [tilespmem:$0x0];
	_ =	sdelay $0x4  }
0x89: {  	v52 =	vshll.u32 v3, $0x3  }
0x8a: {  	v3 =	vand.u32 $0x7, v3;
	v4 =	vand.u32 $0xFFFFFFC0, v52  }
0x8b: {  	v3 =	vor.u32 v3, v4  }
0x8c: {  	v4 =	vperm.xlane v3, v0;
	_ =	sdelay $0x1  }
0x8d: {  	v4 =	vadd.s32 v1, v4;
	_ =	sdelay $0x4  }
0x8e: {  	[tilespmem:s28], [sflag:$0x1] =	stream.indirect_vreg.gather [hbm4b:s3+s2], $0x80, v4, vm0, $0xb8;
	[tilespmem:$0x10100] =	vst v63  }
0x8f: {  	s1 =	simm.s32 $0x900;
	v3 =	vperm.xlane v3, v2  }
0x90: {  	[tilespmem:s1], [sflag:$0x1] =	stream.indirect_vreg.gather [hbm4b:s4+s2], $0x80, v4, vm0, $0xb8;
	[tilespmem:$0x10100] =	vst v63  }
0x91: {  	v3 =	vadd.s32 v1, v3;
	s1 =	simm.s32 $0x1100  }
0x92: {  	[tilespmem:s1], [sflag:$0x1] =	stream.indirect_vreg.gather [hbm4b:s5+s2], $0x80, v4, vm0, $0xb8;
	[tilespmem:$0x10100] =	vst v63  }
0x93: {  	s9 =	simm.s32 $0x1900  }
0x94: {  	[tilespmem:s9], [sflag:$0x1] =	stream.indirect_vreg.gather [hbm4b:s6+s2], $0x80, v4, vm0, $0xb8;
	[tilespmem:$0x10100] =	vst v63  }
0x95: {  	s10 =	simm.s32 $0x2100  }
0x96: {  	[tilespmem:s10], [sflag:$0x1] =	stream.indirect_vreg.gather [hbm4b:s3+s2], $0x80, v3, vm0, $0xb8;
	[tilespmem:$0x10100] =	vst v63  }
0x97: {  	s11 =	simm.s32 $0x2900  }
0x98: {  	[tilespmem:s11], [sflag:$0x1] =	stream.indirect_vreg.gather [hbm4b:s4+s2], $0x80, v3, vm0, $0xb8;
	[tilespmem:$0x10100] =	vst v63  }
0x99: {  	s12 =	simm.s32 $0x3100  }
0x9a: {  	[tilespmem:s12], [sflag:$0x1] =	stream.indirect_vreg.gather [hbm4b:s5+s2], $0x80, v3, vm0, $0xb8;
	[tilespmem:$0x10100] =	vst v63  }
0x9b: {  	s13 =	simm.s32 $0x3900  }
0x9c: {  	[tilespmem:s13], [sflag:$0x1] =	stream.indirect_vreg.gather [hbm4b:s6+s2], $0x80, v3, vm0, $0xb8;
	[tilespmem:$0x10100] =	vst v63  }
0x9d: {  	v3 =	vld [tilespmem:$0x10];
	_ =	sdelay $0x4  }
0x9e: {  	v53 =	vshll.u32 v3, $0x3  }
0x9f: {  	v3 =	vand.u32 $0x7, v3;
	v4 =	vand.u32 $0xFFFFFFC0, v53  }
0xa0: {  	v3 =	vor.u32 v3, v4  }
0xa1: {  	v4 =	vperm.xlane v3, v0;
	_ =	sdelay $0x1  }
0xa2: {  	v4 =	vadd.s32 v1, v4;
	_ =	sdelay $0x3  }
0xa3: {  	s14 =	simm.s32 $0x4100  }
0xa4: {  	[tilespmem:s14], [sflag:$0x1] =	stream.indirect_vreg.gather [hbm4b:s3+s2], $0x80, v4, vm0, $0xb8;
	[tilespmem:$0x10100] =	vst v63  }
0xa5: {  	s15 =	simm.s32 $0x4900;
	v3 =	vperm.xlane v3, v2  }
0xa6: {  	[tilespmem:s15], [sflag:$0x1] =	stream.indirect_vreg.gather [hbm4b:s4+s2], $0x80, v4, vm0, $0xb8;
	[tilespmem:$0x10100] =	vst v63  }
0xa7: {  	s13 =	simm.s32 $0x5100;
	v3 =	vadd.s32 v1, v3  }
0xa8: {  	[tilespmem:s13], [sflag:$0x1] =	stream.indirect_vreg.gather [hbm4b:s5+s2], $0x80, v4, vm0, $0xb8;
	[tilespmem:$0x10100] =	vst v63  }
0xa9: {  	s14 =	simm.s32 $0x5900  }
0xaa: {  	[tilespmem:s14], [sflag:$0x1] =	stream.indirect_vreg.gather [hbm4b:s6+s2], $0x80, v4, vm0, $0xb8;
	[tilespmem:$0x10100] =	vst v63  }
0xab: {  	s15 =	simm.s32 $0x6100  }
0xac: {  	[tilespmem:s15], [sflag:$0x1] =	stream.indirect_vreg.gather [hbm4b:s3+s2], $0x80, v3, vm0, $0xb8;
	[tilespmem:$0x10100] =	vst v63  }
0xad: {  	s16 =	simm.s32 $0x6900  }
0xae: {  	[tilespmem:s16], [sflag:$0x1] =	stream.indirect_vreg.gather [hbm4b:s4+s2], $0x80, v3, vm0, $0xb8;
	[tilespmem:$0x10100] =	vst v63  }
0xaf: {  	s17 =	simm.s32 $0x7100  }
0xb0: {  	[tilespmem:s17], [sflag:$0x1] =	stream.indirect_vreg.gather [hbm4b:s5+s2], $0x80, v3, vm0, $0xb8;
	[tilespmem:$0x10100] =	vst v63  }
0xb1: {  	s18 =	simm.s32 $0x7900  }
0xb2: {  	[tilespmem:s18], [sflag:$0x1] =	stream.indirect_vreg.gather [hbm4b:s6+s2], $0x80, v3, vm0, $0xb8;
	[tilespmem:$0x10100] =	vst v63  }
0xb3: {  	_ =	swait.ge [sflag:s21], $0x8000  }
0xb4: {  	[sflag:s21] =	ssyncset.done $0x0  }
0xb5: {  	s0 =	rddreg [dreg:$0x6];
	[sflag:s21] =	ssyncadd.s32 $0xFFFF8000  }
0xb6: {  	[hbm4b:s0+s2] =	stream.linear.scatter [tilespmem:s26], [sflag:$0x4], $0x8000, $0x38;
	[tilespmem:$0x10100] =	vst v63  }
0xb7: {  	_ =	swait.ge [sflag:s22], $0x8000  }
0xb8: {  	[sflag:s22] =	ssyncset.done $0x0  }
0xb9: {  	s0 =	simm.s32 $0x80;
	s23 =	rddreg [dreg:$0x7];
	[sflag:s22] =	ssyncadd.s32 $0xFFFF8000  }
0xba: {  	[tilespmem:s0], [sflag:$0x5] =	stream.linear.gather [hbm4b:s23+s2], $0x20, $0x38;
	[tilespmem:$0x10100] =	vst v63  }
0xbb: {  	_ =	swait.ge [sflag:s8], $0x20  }
0xbc: {  	[sflag:s8] =	ssyncset.done $0x0  }
0xbd: {  	[sflag:s8] =	ssyncadd.s32 $0xFFFFFFE0  }
0xbe: {  	v3 =	vld [tilespmem:$0x80];
	_ =	sdelay $0x4  }
0xbf: {  	v54 =	vshll.u32 v3, $0x3  }
0xc0: {  	v3 =	vand.u32 $0x7, v3;
	v4 =	vand.u32 $0xFFFFFFC0, v54  }
0xc1: {  	v3 =	vor.u32 v3, v4  }
0xc2: {  	v4 =	vperm.xlane v3, v0;
	_ =	sdelay $0x1  }
0xc3: {  	v4 =	vadd.s32 v1, v4;
	_ =	sdelay $0x4  }
0xc4: {  	[tilespmem:s26], [sflag:$0x2] =	stream.indirect_vreg.gather [hbm4b:s3+s2], $0x80, v4, vm0, $0xb8;
	[tilespmem:$0x10100] =	vst v63  }
0xc5: {  	s24 =	simm.s32 $0x8900;
	v3 =	vperm.xlane v3, v2  }
0xc6: {  	[tilespmem:s24], [sflag:$0x2] =	stream.indirect_vreg.gather [hbm4b:s4+s2], $0x80, v4, vm0, $0xb8;
	[tilespmem:$0x10100] =	vst v63  }
0xc7: {  	v3 =	vadd.s32 v1, v3;
	s24 =	simm.s32 $0x9100  }
0xc8: {  	[tilespmem:s24], [sflag:$0x2] =	stream.indirect_vreg.gather [hbm4b:s5+s2], $0x80, v4, vm0, $0xb8;
	[tilespmem:$0x10100] =	vst v63  }
0xc9: {  	s23 =	simm.s32 $0x9900  }
0xca: {  	[tilespmem:s23], [sflag:$0x2] =	stream.indirect_vreg.gather [hbm4b:s6+s2], $0x80, v4, vm0, $0xb8;
	[tilespmem:$0x10100] =	vst v63  }
0xcb: {  	s23 =	simm.s32 $0xA100  }
0xcc: {  	[tilespmem:s23], [sflag:$0x2] =	stream.indirect_vreg.gather [hbm4b:s3+s2], $0x80, v3, vm0, $0xb8;
	[tilespmem:$0x10100] =	vst v63  }
0xcd: {  	s23 =	simm.s32 $0xA900  }
0xce: {  	[tilespmem:s23], [sflag:$0x2] =	stream.indirect_vreg.gather [hbm4b:s4+s2], $0x80, v3, vm0, $0xb8;
	[tilespmem:$0x10100] =	vst v63  }
0xcf: {  	s23 =	simm.s32 $0xB100  }
0xd0: {  	[tilespmem:s23], [sflag:$0x2] =	stream.indirect_vreg.gather [hbm4b:s5+s2], $0x80, v3, vm0, $0xb8;
	[tilespmem:$0x10100] =	vst v63  }
0xd1: {  	s31 =	simm.s32 $0xB900  }
0xd2: {  	[tilespmem:s31], [sflag:$0x2] =	stream.indirect_vreg.gather [hbm4b:s6+s2], $0x80, v3, vm0, $0xb8;
	[tilespmem:$0x10100] =	vst v63  }
0xd3: {  	v3 =	vld [tilespmem:$0x90];
	_ =	sdelay $0x4  }
0xd4: {  	v55 =	vshll.u32 v3, $0x3  }
0xd5: {  	v3 =	vand.u32 $0x7, v3;
	v4 =	vand.u32 $0xFFFFFFC0, v55  }
0xd6: {  	v3 =	vor.u32 v3, v4  }
0xd7: {  	v4 =	vperm.xlane v3, v0;
	_ =	sdelay $0x1  }
0xd8: {  	v4 =	vadd.s32 v1, v4;
	_ =	sdelay $0x3  }
0xd9: {  	s25 =	simm.s32 $0xC100  }
0xda: {  	[tilespmem:s25], [sflag:$0x2] =	stream.indirect_vreg.gather [hbm4b:s3+s2], $0x80, v4, vm0, $0xb8;
	[tilespmem:$0x10100] =	vst v63  }
0xdb: {  	s29 =	simm.s32 $0xC900;
	v3 =	vperm.xlane v3, v2  }
0xdc: {  	[tilespmem:s29], [sflag:$0x2] =	stream.indirect_vreg.gather [hbm4b:s4+s2], $0x80, v4, vm0, $0xb8;
	[tilespmem:$0x10100] =	vst v63  }
0xdd: {  	v3 =	vadd.s32 v1, v3;
	s25 =	simm.s32 $0xD100  }
0xde: {  	[tilespmem:s25], [sflag:$0x2] =	stream.indirect_vreg.gather [hbm4b:s5+s2], $0x80, v4, vm0, $0xb8;
	[tilespmem:$0x10100] =	vst v63  }
0xdf: {  	s29 =	simm.s32 $0xD900  }
0xe0: {  	[tilespmem:s29], [sflag:$0x2] =	stream.indirect_vreg.gather [hbm4b:s6+s2], $0x80, v4, vm0, $0xb8;
	[tilespmem:$0x10100] =	vst v63  }
0xe1: {  	s31 =	simm.s32 $0xE100  }
0xe2: {  	[tilespmem:s31], [sflag:$0x2] =	stream.indirect_vreg.gather [hbm4b:s3+s2], $0x80, v3, vm0, $0xb8;
	[tilespmem:$0x10100] =	vst v63  }
0xe3: {  	s25 =	simm.s32 $0xE900  }
0xe4: {  	[tilespmem:s25], [sflag:$0x2] =	stream.indirect_vreg.gather [hbm4b:s4+s2], $0x80, v3, vm0, $0xb8;
	[tilespmem:$0x10100] =	vst v63  }
0xe5: {  	s29 =	simm.s32 $0xF100  }
0xe6: {  	[tilespmem:s29], [sflag:$0x2] =	stream.indirect_vreg.gather [hbm4b:s5+s2], $0x80, v3, vm0, $0xb8;
	[tilespmem:$0x10100] =	vst v63  }
0xe7: {  	s30 =	simm.s32 $0xF900  }
0xe8: {  	[tilespmem:s30], [sflag:$0x2] =	stream.indirect_vreg.gather [hbm4b:s6+s2], $0x80, v3, vm0, $0xb8;
	[tilespmem:$0x10100] =	vst v63  }
0xe9: {  	_ =	swait.ge [sflag:s19], $0x8000  }
0xea: {  	[sflag:s19] =	ssyncset.done $0x0  }
0xeb: {  	s31 =	rddreg [dreg:$0x8];
	[sflag:s19] =	ssyncadd.s32 $0xFFFF8000  }
0xec: {  	[hbm4b:s31+s2] =	stream.linear.scatter [tilespmem:s28], [sflag:$0x3], $0x8000, $0x38;
	[tilespmem:$0x10100] =	vst v63  }
0xed: {  	_ =	swait.ge [sflag:s20], $0x8000  }
0xee: {  	[sflag:s20] =	ssyncset.done $0x0  }
0xef: {  	s25 =	rddreg [dreg:$0x9];
	[sflag:s20] =	ssyncadd.s32 $0xFFFF8000  }
0xf0: {  	[tilespmem:s2], [sflag:$0x5] =	stream.linear.gather [hbm4b:s25+s2], $0x20, $0x38;
	[tilespmem:$0x10100] =	vst v63  }
0xf1: {  	_ =	swait.ge [sflag:s8], $0x20  }
0xf2: {  	[sflag:s8] =	ssyncset.done $0x0  }
0xf3: {  	[sflag:s8] =	ssyncadd.s32 $0xFFFFFFE0  }
0xf4: {  	v3 =	vld [tilespmem:$0x0];
	_ =	sdelay $0x4  }
0xf5: {  	v56 =	vshll.u32 v3, $0x3  }
0xf6: {  	v3 =	vand.u32 $0x7, v3;
	v4 =	vand.u32 $0xFFFFFFC0, v56  }
0xf7: {  	v3 =	vor.u32 v3, v4  }
0xf8: {  	v4 =	vperm.xlane v3, v0;
	_ =	sdelay $0x1  }
0xf9: {  	v4 =	vadd.s32 v1, v4;
	_ =	sdelay $0x4  }
0xfa: {  	[tilespmem:s28], [sflag:$0x1] =	stream.indirect_vreg.gather [hbm4b:s3+s2], $0x80, v4, vm0, $0xb8;
	[tilespmem:$0x10100] =	vst v63  }
0xfb: {  	s29 =	simm.s32 $0x900;
	v3 =	vperm.xlane v3, v2  }
0xfc: {  	[tilespmem:s29], [sflag:$0x1] =	stream.indirect_vreg.gather [hbm4b:s4+s2], $0x80, v4, vm0, $0xb8;
	[tilespmem:$0x10100] =	vst v63  }
0xfd: {  	v3 =	vadd.s32 v1, v3  }
0xfe: {  	[tilespmem:s1], [sflag:$0x1] =	stream.indirect_vreg.gather [hbm4b:s5+s2], $0x80, v4, vm0, $0xb8;
	[tilespmem:$0x10100] =	vst v63  }
0xff: {  	_ = 	snop  }
0x100: {  	[tilespmem:s9], [sflag:$0x1] =	stream.indirect_vreg.gather [hbm4b:s6+s2], $0x80, v4, vm0, $0xb8;
	[tilespmem:$0x10100] =	vst v63  }
0x101: {  	_ = 	snop  }
0x102: {  	[tilespmem:s10], [sflag:$0x1] =	stream.indirect_vreg.gather [hbm4b:s3+s2], $0x80, v3, vm0, $0xb8;
	[tilespmem:$0x10100] =	vst v63  }
0x103: {  	_ = 	snop  }
0x104: {  	[tilespmem:s11], [sflag:$0x1] =	stream.indirect_vreg.gather [hbm4b:s4+s2], $0x80, v3, vm0, $0xb8;
	[tilespmem:$0x10100] =	vst v63  }
0x105: {  	_ = 	snop  }
0x106: {  	[tilespmem:s12], [sflag:$0x1] =	stream.indirect_vreg.gather [hbm4b:s5+s2], $0x80, v3, vm0, $0xb8;
	[tilespmem:$0x10100] =	vst v63  }
0x107: {  	s30 =	simm.s32 $0x3900  }
0x108: {  	[tilespmem:s30], [sflag:$0x1] =	stream.indirect_vreg.gather [hbm4b:s6+s2], $0x80, v3, vm0, $0xb8;
	[tilespmem:$0x10100] =	vst v63  }
0x109: {  	v3 =	vld [tilespmem:$0x10];
	_ =	sdelay $0x4  }
0x10a: {  	v57 =	vshll.u32 v3, $0x3  }
0x10b: {  	v3 =	vand.u32 $0x7, v3;
	v4 =	vand.u32 $0xFFFFFFC0, v57  }
0x10c: {  	v3 =	vor.u32 v3, v4  }
0x10d: {  	v4 =	vperm.xlane v3, v0;
	_ =	sdelay $0x1  }
0x10e: {  	v4 =	vadd.s32 v1, v4;
	_ =	sdelay $0x3  }
0x10f: {  	s31 =	simm.s32 $0x4100  }
0x110: {  	[tilespmem:s31], [sflag:$0x1] =	stream.indirect_vreg.gather [hbm4b:s3+s2], $0x80, v4, vm0, $0xb8;
	[tilespmem:$0x10100] =	vst v63  }
0x111: {  	s25 =	simm.s32 $0x4900;
	v3 =	vperm.xlane v3, v2  }
0x112: {  	[tilespmem:s25], [sflag:$0x1] =	stream.indirect_vreg.gather [hbm4b:s4+s2], $0x80, v4, vm0, $0xb8;
	[tilespmem:$0x10100] =	vst v63  }
0x113: {  	v3 =	vadd.s32 v1, v3  }
0x114: {  	[tilespmem:s13], [sflag:$0x1] =	stream.indirect_vreg.gather [hbm4b:s5+s2], $0x80, v4, vm0, $0xb8;
	[tilespmem:$0x10100] =	vst v63  }
0x115: {  	_ = 	snop  }
0x116: {  	[tilespmem:s14], [sflag:$0x1] =	stream.indirect_vreg.gather [hbm4b:s6+s2], $0x80, v4, vm0, $0xb8;
	[tilespmem:$0x10100] =	vst v63  }
0x117: {  	_ = 	snop  }
0x118: {  	[tilespmem:s15], [sflag:$0x1] =	stream.indirect_vreg.gather [hbm4b:s3+s2], $0x80, v3, vm0, $0xb8;
	[tilespmem:$0x10100] =	vst v63  }
0x119: {  	_ = 	snop  }
0x11a: {  	[tilespmem:s16], [sflag:$0x1] =	stream.indirect_vreg.gather [hbm4b:s4+s2], $0x80, v3, vm0, $0xb8;
	[tilespmem:$0x10100] =	vst v63  }
0x11b: {  	_ = 	snop  }
0x11c: {  	[tilespmem:s17], [sflag:$0x1] =	stream.indirect_vreg.gather [hbm4b:s5+s2], $0x80, v3, vm0, $0xb8;
	[tilespmem:$0x10100] =	vst v63  }
0x11d: {  	_ = 	snop  }
0x11e: {  	[tilespmem:s18], [sflag:$0x1] =	stream.indirect_vreg.gather [hbm4b:s6+s2], $0x80, v3, vm0, $0xb8;
	[tilespmem:$0x10100] =	vst v63  }
0x11f: {  	_ =	swait.ge [sflag:s21], $0x8000  }
0x120: {  	[sflag:s21] =	ssyncset.done $0x0  }
0x121: {  	s29 =	rddreg [dreg:$0xa];
	[sflag:s21] =	ssyncadd.s32 $0xFFFF8000  }
0x122: {  	[hbm4b:s29+s2] =	stream.linear.scatter [tilespmem:s26], [sflag:$0x4], $0x8000, $0x38;
	[tilespmem:$0x10100] =	vst v63  }
0x123: {  	_ =	swait.ge [sflag:s22], $0x8000  }
0x124: {  	[sflag:s22] =	ssyncset.done $0x0  }
0x125: {  	s30 =	rddreg [dreg:$0xb];
	[sflag:s22] =	ssyncadd.s32 $0xFFFF8000  }
0x126: {  	[tilespmem:s0], [sflag:$0x5] =	stream.linear.gather [hbm4b:s30+s2], $0x20, $0x38;
	[tilespmem:$0x10100] =	vst v63  }
0x127: {  	_ =	swait.ge [sflag:s8], $0x20  }
0x128: {  	[sflag:s8] =	ssyncset.done $0x0  }
0x129: {  	[sflag:s8] =	ssyncadd.s32 $0xFFFFFFE0  }
0x12a: {  	v3 =	vld [tilespmem:$0x80];
	_ =	sdelay $0x4  }
0x12b: {  	v58 =	vshll.u32 v3, $0x3  }
0x12c: {  	v3 =	vand.u32 $0x7, v3;
	v4 =	vand.u32 $0xFFFFFFC0, v58  }
0x12d: {  	v3 =	vor.u32 v3, v4  }
0x12e: {  	v4 =	vperm.xlane v3, v0;
	_ =	sdelay $0x1  }
0x12f: {  	v4 =	vadd.s32 v1, v4;
	_ =	sdelay $0x4  }
0x130: {  	[tilespmem:s26], [sflag:$0x2] =	stream.indirect_vreg.gather [hbm4b:s3+s2], $0x80, v4, vm0, $0xb8;
	[tilespmem:$0x10100] =	vst v63  }
0x131: {  	s31 =	simm.s32 $0x8900;
	v3 =	vperm.xlane v3, v2  }
0x132: {  	[tilespmem:s31], [sflag:$0x2] =	stream.indirect_vreg.gather [hbm4b:s4+s2], $0x80, v4, vm0, $0xb8;
	[tilespmem:$0x10100] =	vst v63  }
0x133: {  	s24 =	simm.s32 $0x9100;
	v3 =	vadd.s32 v1, v3  }
0x134: {  	[tilespmem:s24], [sflag:$0x2] =	stream.indirect_vreg.gather [hbm4b:s5+s2], $0x80, v4, vm0, $0xb8;
	[tilespmem:$0x10100] =	vst v63  }
0x135: {  	s24 =	simm.s32 $0x9900  }
0x136: {  	[tilespmem:s24], [sflag:$0x2] =	stream.indirect_vreg.gather [hbm4b:s6+s2], $0x80, v4, vm0, $0xb8;
	[tilespmem:$0x10100] =	vst v63  }
0x137: {  	s25 =	simm.s32 $0xA100  }
0x138: {  	[tilespmem:s25], [sflag:$0x2] =	stream.indirect_vreg.gather [hbm4b:s3+s2], $0x80, v3, vm0, $0xb8;
	[tilespmem:$0x10100] =	vst v63  }
0x139: {  	s29 =	simm.s32 $0xA900  }
0x13a: {  	[tilespmem:s29], [sflag:$0x2] =	stream.indirect_vreg.gather [hbm4b:s4+s2], $0x80, v3, vm0, $0xb8;
	[tilespmem:$0x10100] =	vst v63  }
0x13b: {  	s31 =	simm.s32 $0xB100  }
0x13c: {  	[tilespmem:s31], [sflag:$0x2] =	stream.indirect_vreg.gather [hbm4b:s5+s2], $0x80, v3, vm0, $0xb8;
	[tilespmem:$0x10100] =	vst v63  }
0x13d: {  	s23 =	simm.s32 $0xB900  }
0x13e: {  	[tilespmem:s23], [sflag:$0x2] =	stream.indirect_vreg.gather [hbm4b:s6+s2], $0x80, v3, vm0, $0xb8;
	[tilespmem:$0x10100] =	vst v63  }
0x13f: {  	v3 =	vld [tilespmem:$0x90];
	_ =	sdelay $0x4  }
0x140: {  	v59 =	vshll.u32 v3, $0x3  }
0x141: {  	v3 =	vand.u32 $0x7, v3;
	v4 =	vand.u32 $0xFFFFFFC0, v59  }
0x142: {  	v3 =	vor.u32 v3, v4  }
0x143: {  	v4 =	vperm.xlane v3, v0;
	_ =	sdelay $0x1  }
0x144: {  	v4 =	vadd.s32 v1, v4;
	_ =	sdelay $0x3  }
0x145: {  	s23 =	simm.s32 $0xC100  }
0x146: {  	[tilespmem:s23], [sflag:$0x2] =	stream.indirect_vreg.gather [hbm4b:s3+s2], $0x80, v4, vm0, $0xb8;
	[tilespmem:$0x10100] =	vst v63  }
0x147: {  	v3 =	vperm.xlane v3, v2;
	s23 =	simm.s32 $0xC900  }
0x148: {  	[tilespmem:s23], [sflag:$0x2] =	stream.indirect_vreg.gather [hbm4b:s4+s2], $0x80, v4, vm0, $0xb8;
	[tilespmem:$0x10100] =	vst v63  }
0x149: {  	v3 =	vadd.s32 v1, v3;
	s23 =	simm.s32 $0xD100  }
0x14a: {  	[tilespmem:s23], [sflag:$0x2] =	stream.indirect_vreg.gather [hbm4b:s5+s2], $0x80, v4, vm0, $0xb8;
	[tilespmem:$0x10100] =	vst v63  }
0x14b: {  	s23 =	simm.s32 $0xD900  }
0x14c: {  	[tilespmem:s23], [sflag:$0x2] =	stream.indirect_vreg.gather [hbm4b:s6+s2], $0x80, v4, vm0, $0xb8;
	[tilespmem:$0x10100] =	vst v63  }
0x14d: {  	s23 =	simm.s32 $0xE100  }
0x14e: {  	[tilespmem:s23], [sflag:$0x2] =	stream.indirect_vreg.gather [hbm4b:s3+s2], $0x80, v3, vm0, $0xb8;
	[tilespmem:$0x10100] =	vst v63  }
0x14f: {  	s23 =	simm.s32 $0xE900  }
0x150: {  	[tilespmem:s23], [sflag:$0x2] =	stream.indirect_vreg.gather [hbm4b:s4+s2], $0x80, v3, vm0, $0xb8;
	[tilespmem:$0x10100] =	vst v63  }
0x151: {  	s23 =	simm.s32 $0xF100  }
0x152: {  	[tilespmem:s23], [sflag:$0x2] =	stream.indirect_vreg.gather [hbm4b:s5+s2], $0x80, v3, vm0, $0xb8;
	[tilespmem:$0x10100] =	vst v63  }
0x153: {  	s23 =	simm.s32 $0xF900  }
0x154: {  	[tilespmem:s23], [sflag:$0x2] =	stream.indirect_vreg.gather [hbm4b:s6+s2], $0x80, v3, vm0, $0xb8;
	[tilespmem:$0x10100] =	vst v63  }
0x155: {  	_ =	swait.ge [sflag:s19], $0x8000  }
0x156: {  	[sflag:s19] =	ssyncset.done $0x0  }
0x157: {  	s23 =	rddreg [dreg:$0xc];
	[sflag:s19] =	ssyncadd.s32 $0xFFFF8000  }
0x158: {  	[hbm4b:s23+s2] =	stream.linear.scatter [tilespmem:s28], [sflag:$0x3], $0x8000, $0x38;
	[tilespmem:$0x10100] =	vst v63  }
0x159: {  	_ =	swait.ge [sflag:s20], $0x8000  }
0x15a: {  	[sflag:s20] =	ssyncset.done $0x0  }
0x15b: {  	s23 =	rddreg [dreg:$0xd];
	[sflag:s20] =	ssyncadd.s32 $0xFFFF8000  }
0x15c: {  	[tilespmem:s2], [sflag:$0x5] =	stream.linear.gather [hbm4b:s23+s2], $0x20, $0x38;
	[tilespmem:$0x10100] =	vst v63  }
0x15d: {  	_ =	swait.ge [sflag:s8], $0x20  }
0x15e: {  	[sflag:s8] =	ssyncset.done $0x0  }
0x15f: {  	[sflag:s8] =	ssyncadd.s32 $0xFFFFFFE0  }
0x160: {  	v3 =	vld [tilespmem:$0x0];
	_ =	sdelay $0x4  }
0x161: {  	v60 =	vshll.u32 v3, $0x3  }
0x162: {  	v3 =	vand.u32 $0x7, v3;
	v4 =	vand.u32 $0xFFFFFFC0, v60  }
0x163: {  	v3 =	vor.u32 v3, v4  }
0x164: {  	v4 =	vperm.xlane v3, v0;
	_ =	sdelay $0x1  }
0x165: {  	v4 =	vadd.s32 v1, v4;
	_ =	sdelay $0x4  }
0x166: {  	[tilespmem:s28], [sflag:$0x1] =	stream.indirect_vreg.gather [hbm4b:s3+s2], $0x80, v4, vm0, $0xb8;
	[tilespmem:$0x10100] =	vst v63  }
0x167: {  	s23 =	simm.s32 $0x900;
	v3 =	vperm.xlane v3, v2  }
0x168: {  	[tilespmem:s23], [sflag:$0x1] =	stream.indirect_vreg.gather [hbm4b:s4+s2], $0x80, v4, vm0, $0xb8;
	[tilespmem:$0x10100] =	vst v63  }
0x169: {  	s1 =	simm.s32 $0x1100;
	v3 =	vadd.s32 v1, v3  }
0x16a: {  	[tilespmem:s1], [sflag:$0x1] =	stream.indirect_vreg.gather [hbm4b:s5+s2], $0x80, v4, vm0, $0xb8;
	[tilespmem:$0x10100] =	vst v63  }
0x16b: {  	s9 =	simm.s32 $0x1900  }
0x16c: {  	[tilespmem:s9], [sflag:$0x1] =	stream.indirect_vreg.gather [hbm4b:s6+s2], $0x80, v4, vm0, $0xb8;
	[tilespmem:$0x10100] =	vst v63  }
0x16d: {  	s10 =	simm.s32 $0x2100  }
0x16e: {  	[tilespmem:s10], [sflag:$0x1] =	stream.indirect_vreg.gather [hbm4b:s3+s2], $0x80, v3, vm0, $0xb8;
	[tilespmem:$0x10100] =	vst v63  }
0x16f: {  	s11 =	simm.s32 $0x2900  }
0x170: {  	[tilespmem:s11], [sflag:$0x1] =	stream.indirect_vreg.gather [hbm4b:s4+s2], $0x80, v3, vm0, $0xb8;
	[tilespmem:$0x10100] =	vst v63  }
0x171: {  	s12 =	simm.s32 $0x3100  }
0x172: {  	[tilespmem:s12], [sflag:$0x1] =	stream.indirect_vreg.gather [hbm4b:s5+s2], $0x80, v3, vm0, $0xb8;
	[tilespmem:$0x10100] =	vst v63  }
0x173: {  	s23 =	simm.s32 $0x3900  }
0x174: {  	[tilespmem:s23], [sflag:$0x1] =	stream.indirect_vreg.gather [hbm4b:s6+s2], $0x80, v3, vm0, $0xb8;
	[tilespmem:$0x10100] =	vst v63  }
0x175: {  	v3 =	vld [tilespmem:$0x10];
	_ =	sdelay $0x4  }
0x176: {  	v61 =	vshll.u32 v3, $0x3  }
0x177: {  	v3 =	vand.u32 $0x7, v3;
	v4 =	vand.u32 $0xFFFFFFC0, v61  }
0x178: {  	v3 =	vor.u32 v3, v4  }
0x179: {  	v4 =	vperm.xlane v3, v0;
	_ =	sdelay $0x1  }
0x17a: {  	v4 =	vadd.s32 v1, v4;
	_ =	sdelay $0x3  }
0x17b: {  	s9 =	simm.s32 $0x4100  }
0x17c: {  	[tilespmem:s9], [sflag:$0x1] =	stream.indirect_vreg.gather [hbm4b:s3+s2], $0x80, v4, vm0, $0xb8;
	[tilespmem:$0x10100] =	vst v63  }
0x17d: {  	s10 =	simm.s32 $0x4900;
	v3 =	vperm.xlane v3, v2  }
0x17e: {  	[tilespmem:s10], [sflag:$0x1] =	stream.indirect_vreg.gather [hbm4b:s4+s2], $0x80, v4, vm0, $0xb8;
	[tilespmem:$0x10100] =	vst v63  }
0x17f: {  	s13 =	simm.s32 $0x5100;
	v3 =	vadd.s32 v1, v3  }
0x180: {  	[tilespmem:s13], [sflag:$0x1] =	stream.indirect_vreg.gather [hbm4b:s5+s2], $0x80, v4, vm0, $0xb8;
	[tilespmem:$0x10100] =	vst v63  }
0x181: {  	s14 =	simm.s32 $0x5900  }
0x182: {  	[tilespmem:s14], [sflag:$0x1] =	stream.indirect_vreg.gather [hbm4b:s6+s2], $0x80, v4, vm0, $0xb8;
	[tilespmem:$0x10100] =	vst v63  }
0x183: {  	s15 =	simm.s32 $0x6100  }
0x184: {  	[tilespmem:s15], [sflag:$0x1] =	stream.indirect_vreg.gather [hbm4b:s3+s2], $0x80, v3, vm0, $0xb8;
	[tilespmem:$0x10100] =	vst v63  }
0x185: {  	s16 =	simm.s32 $0x6900  }
0x186: {  	[tilespmem:s16], [sflag:$0x1] =	stream.indirect_vreg.gather [hbm4b:s4+s2], $0x80, v3, vm0, $0xb8;
	[tilespmem:$0x10100] =	vst v63  }
0x187: {  	s17 =	simm.s32 $0x7100  }
0x188: {  	[tilespmem:s17], [sflag:$0x1] =	stream.indirect_vreg.gather [hbm4b:s5+s2], $0x80, v3, vm0, $0xb8;
	[tilespmem:$0x10100] =	vst v63  }
0x189: {  	s18 =	simm.s32 $0x7900  }
0x18a: {  	[tilespmem:s18], [sflag:$0x1] =	stream.indirect_vreg.gather [hbm4b:s6+s2], $0x80, v3, vm0, $0xb8;
	[tilespmem:$0x10100] =	vst v63  }
0x18b: {  	_ =	swait.ge [sflag:s21], $0x8000  }
0x18c: {  	[sflag:s21] =	ssyncset.done $0x0  }
0x18d: {  	s11 =	rddreg [dreg:$0xe];
	[sflag:s21] =	ssyncadd.s32 $0xFFFF8000  }
0x18e: {  	[hbm4b:s11+s2] =	stream.linear.scatter [tilespmem:s26], [sflag:$0x4], $0x8000, $0x38;
	[tilespmem:$0x10100] =	vst v63  }
0x18f: {  	_ =	swait.ge [sflag:s22], $0x8000  }
0x190: {  	[sflag:s22] =	ssyncset.done $0x0  }
0x191: {  	s0 =	simm.s32 $0x80;
	s12 =	rddreg [dreg:$0xf];
	[sflag:s22] =	ssyncadd.s32 $0xFFFF8000  }
0x192: {  	[tilespmem:s0], [sflag:$0x5] =	stream.linear.gather [hbm4b:s12+s2], $0x20, $0x38;
	[tilespmem:$0x10100] =	vst v63  }
0x193: {  	_ =	swait.ge [sflag:s8], $0x20  }
0x194: {  	[sflag:s8] =	ssyncset.done $0x0  }
0x195: {  	[sflag:s8] =	ssyncadd.s32 $0xFFFFFFE0  }
0x196: {  	v3 =	vld [tilespmem:$0x80];
	_ =	sdelay $0x4  }
0x197: {  	v62 =	vshll.u32 v3, $0x3  }
0x198: {  	v3 =	vand.u32 $0x7, v3;
	v4 =	vand.u32 $0xFFFFFFC0, v62  }
0x199: {  	v3 =	vor.u32 v3, v4  }
0x19a: {  	v4 =	vperm.xlane v3, v0;
	_ =	sdelay $0x1  }
0x19b: {  	v4 =	vadd.s32 v1, v4;
	_ =	sdelay $0x4  }
0x19c: {  	[tilespmem:s26], [sflag:$0x2] =	stream.indirect_vreg.gather [hbm4b:s3+s2], $0x80, v4, vm0, $0xb8;
	[tilespmem:$0x10100] =	vst v63  }
0x19d: {  	s13 =	simm.s32 $0x8900;
	v3 =	vperm.xlane v3, v2  }
0x19e: {  	[tilespmem:s13], [sflag:$0x2] =	stream.indirect_vreg.gather [hbm4b:s4+s2], $0x80, v4, vm0, $0xb8;
	[tilespmem:$0x10100] =	vst v63  }
0x19f: {  	s30 =	simm.s32 $0x9100;
	v3 =	vadd.s32 v1, v3  }
0x1a0: {  	[tilespmem:s30], [sflag:$0x2] =	stream.indirect_vreg.gather [hbm4b:s5+s2], $0x80, v4, vm0, $0xb8;
	[tilespmem:$0x10100] =	vst v63  }
0x1a1: {  	s24 =	simm.s32 $0x9900  }
0x1a2: {  	[tilespmem:s24], [sflag:$0x2] =	stream.indirect_vreg.gather [hbm4b:s6+s2], $0x80, v4, vm0, $0xb8;
	[tilespmem:$0x10100] =	vst v63  }
0x1a3: {  	s25 =	simm.s32 $0xA100  }
0x1a4: {  	[tilespmem:s25], [sflag:$0x2] =	stream.indirect_vreg.gather [hbm4b:s3+s2], $0x80, v3, vm0, $0xb8;
	[tilespmem:$0x10100] =	vst v63  }
0x1a5: {  	s29 =	simm.s32 $0xA900  }
0x1a6: {  	[tilespmem:s29], [sflag:$0x2] =	stream.indirect_vreg.gather [hbm4b:s4+s2], $0x80, v3, vm0, $0xb8;
	[tilespmem:$0x10100] =	vst v63  }
0x1a7: {  	s31 =	simm.s32 $0xB100  }
0x1a8: {  	[tilespmem:s31], [sflag:$0x2] =	stream.indirect_vreg.gather [hbm4b:s5+s2], $0x80, v3, vm0, $0xb8;
	[tilespmem:$0x10100] =	vst v63  }
0x1a9: {  	s14 =	simm.s32 $0xB900  }
0x1aa: {  	[tilespmem:s14], [sflag:$0x2] =	stream.indirect_vreg.gather [hbm4b:s6+s2], $0x80, v3, vm0, $0xb8;
	[tilespmem:$0x10100] =	vst v63  }
0x1ab: {  	v3 =	vld [tilespmem:$0x90];
	_ =	sdelay $0x4  }
0x1ac: {  	v63 =	vshll.u32 v3, $0x3  }
0x1ad: {  	v3 =	vand.u32 $0x7, v3;
	v4 =	vand.u32 $0xFFFFFFC0, v63  }
0x1ae: {  	v3 =	vor.u32 v3, v4  }
0x1af: {  	v4 =	vperm.xlane v3, v0;
	_ =	sdelay $0x1  }
0x1b0: {  	v4 =	vadd.s32 v1, v4;
	_ =	sdelay $0x3  }
0x1b1: {  	s15 =	simm.s32 $0xC100  }
0x1b2: {  	[tilespmem:s15], [sflag:$0x2] =	stream.indirect_vreg.gather [hbm4b:s3+s2], $0x80, v4, vm0, $0xb8;
	[tilespmem:$0x10100] =	vst v63  }
0x1b3: {  	s16 =	simm.s32 $0xC900;
	v3 =	vperm.xlane v3, v2  }
0x1b4: {  	[tilespmem:s16], [sflag:$0x2] =	stream.indirect_vreg.gather [hbm4b:s4+s2], $0x80, v4, vm0, $0xb8;
	[tilespmem:$0x10100] =	vst v63  }
0x1b5: {  	s17 =	simm.s32 $0xD100;
	v3 =	vadd.s32 v1, v3  }
0x1b6: {  	[tilespmem:s17], [sflag:$0x2] =	stream.indirect_vreg.gather [hbm4b:s5+s2], $0x80, v4, vm0, $0xb8;
	[tilespmem:$0x10100] =	vst v63  }
0x1b7: {  	s18 =	simm.s32 $0xD900  }
0x1b8: {  	[tilespmem:s18], [sflag:$0x2] =	stream.indirect_vreg.gather [hbm4b:s6+s2], $0x80, v4, vm0, $0xb8;
	[tilespmem:$0x10100] =	vst v63  }
0x1b9: {  	s23 =	simm.s32 $0xE100  }
0x1ba: {  	[tilespmem:s23], [sflag:$0x2] =	stream.indirect_vreg.gather [hbm4b:s3+s2], $0x80, v3, vm0, $0xb8;
	[tilespmem:$0x10100] =	vst v63  }
0x1bb: {  	s24 =	simm.s32 $0xE900  }
0x1bc: {  	[tilespmem:s24], [sflag:$0x2] =	stream.indirect_vreg.gather [hbm4b:s4+s2], $0x80, v3, vm0, $0xb8;
	[tilespmem:$0x10100] =	vst v63  }
0x1bd: {  	s25 =	simm.s32 $0xF100  }
0x1be: {  	[tilespmem:s25], [sflag:$0x2] =	stream.indirect_vreg.gather [hbm4b:s5+s2], $0x80, v3, vm0, $0xb8;
	[tilespmem:$0x10100] =	vst v63  }
0x1bf: {  	s29 =	simm.s32 $0xF900  }
0x1c0: {  	[tilespmem:s29], [sflag:$0x2] =	stream.indirect_vreg.gather [hbm4b:s6+s2], $0x80, v3, vm0, $0xb8;
	[tilespmem:$0x10100] =	vst v63  }
0x1c1: {  	_ =	swait.ge [sflag:s19], $0x8000  }
0x1c2: {  	[sflag:s19] =	ssyncset.done $0x0  }
0x1c3: {  	s30 =	rddreg [dreg:$0x10];
	[sflag:s19] =	ssyncadd.s32 $0xFFFF8000  }
0x1c4: {  	[hbm4b:s30+s2] =	stream.linear.scatter [tilespmem:s28], [sflag:$0x3], $0x8000, $0x38;
	[tilespmem:$0x10100] =	vst v63  }
0x1c5: {  	_ =	swait.ge [sflag:s21], $0x8000  }
0x1c6: {  	[sflag:s21] =	ssyncset.done $0x0  }
0x1c7: {  	s31 =	rddreg [dreg:$0x11];
	[sflag:s21] =	ssyncadd.s32 $0xFFFF8000  }
0x1c8: {  	[hbm4b:s31+s2] =	stream.linear.scatter [tilespmem:s26], [sflag:$0x4], $0x8000, $0x38;
	[tilespmem:$0x10100] =	vst v63  }
0x1c9: {  	p0 =	sne.s32 s7, $0x1;
	_ =	swait.ge [sflag:s20], $0x8000  }
.Ltmp0:
0x1ca: {  	[sflag:s20] =	ssyncset.done $0x0;
	(pc) =	sbr.rel @p0 .LBB2_1-.Ltmp0, $4  }
0x1cb: {  	[sflag:s20] =	ssyncadd.s32 $0xFFFF8000  }
0x1cc: {  	_ =	swait.ge [sflag:s22], $0x8000  }
0x1cd: {  	[sflag:s22] =	ssyncset.done $0x0  }
0x1ce: {  	s7 =	sadd.s32 $0xFFFFFFFF, s7;
	[sflag:s22] =	ssyncadd.s32 $0xFFFF8000  }
0x1cf: {  	_ =	sfence.sel $0x180000  }
0x1d0: {  	[bflag:$0x0] =	sbarrier.arrive $0xFFFF  }
0x1d1: {  	_ =	strace $0x9000004A  }
0x1d2: {  	s0 =	stileid.u32;
	[bflag:$0x2] =	sbarrier.arrive $0xFFFF  }
0x1d3: {  	p0 =	sne.s32 s0, $0x0;
	s0 =	rddreg [dreg:$0x1]  }
0x1d4: {  	s0 =	sadd.s32 @!p0 $0x100000, s0  }
0x1d5: {  	[sflag:s0] =	ssyncadd.tile.s32 @!p0 $0x1;
	_ =	shalt  }
.Lfunc_end2:
_tile_overlayer_lowered:
.L_overlay_start_2:
0x1d6: {  	(tag) =	ssettag $0x2  }
0x1d7: {  	s0 =	rddreg [dreg:$0x0];
	s2 =	stileid.u32  }
0x1d8: {  	s1 =	rddreg [dreg:$0x1];
	p0 =	sne.s32 s2, $0x0  }
0x1d9: {  	s3 =	rddreg [dreg:$0x2];
	[bflag:$0x3] =	sbarrier.arrive $0xFFFF;
	s2 =	simm.s32 @!p0 $0x1C05  }
0x1da: {  	[timem:s3], [sflag:s2] =	dma.local @!p0 [hbm:s0], s1  }
0x1db: {  	s0 =	simm.s32 @!p0 $0x5  }
0x1dc: {  	_ =	swait.ge @!p0 [sflag:s0], s1  }
0x1dd: {  	s1 =	ssub.s32 @!p0 $0x0, s1;
	[sflag:s0] =	ssyncset.done @!p0 $0x0  }
0x1de: {  	[sflag:s0] =	ssyncadd.s32 @!p0 s1  }
0x1df: {  	[bflag:$0x3] =	sbarrier.arrive $0xFFFF  }
0x1e0: {  	_ =	shalt  }

// kernel: kernel.7.cloned.1.call-start
scs
__scs_entry_jumppad:
0x0: {  	(pc) =	sbr.rel $0x88, $3  }
0x1: {  	(tag) =	ssettag $0x0;
	lr =	simm.s32 $0x1  }
0x2: {  	[smem:$0x3F98] =	sst lr;
	_ =	strace $0xD0000000  }
0x3: {  	_ = 	snop  }
0x4: {  	_ = 	snop  }
0x5: {  	_ = 	snop  }
0x6: {  	_ = 	snop  }
0x7: {  	_ = 	snop  }
__scs_overlays_trampoline_lowered:
0x8: {  	[smem:$0x3FA7] =	sst s0  }
0x9: {  	[smem:$0x3FA8] =	sst s1  }
0xa: {  	[smem:$0x3FA9] =	sst s2  }
0xb: {  	[smem:$0x3FAA] =	sst s3  }
0xc: {  	[smem:$0x3FAB] =	sst s4  }
0xd: {  	[smem:$0x3FAC] =	sst s5  }
0xe: {  	[smem:$0x3FAD] =	sst s6  }
0xf: {  	[smem:$0x3FAE] =	sst s7  }
0x10: {  	[smem:$0x3FAF] =	sst s8  }
0x11: {  	[smem:$0x3FB0] =	sst s9;
	s0 =	simm.s32 @!p0 $0x0  }
0x12: {  	s1 =	sld [smem:$0x3F96];
	s0 =	simm.s32 @p0 $0x1  }
0x13: {  	[smem:$0x3FB1] =	sst s0;
	s0 =	simm.s32 @!p1 $0x0  }
0x14: {  	s2 =	sld [smem:$0x3F95];
	s0 =	simm.s32 @p1 $0x1  }
0x15: {  	[smem:$0x3FB2] =	sst s0;
	s0 =	simm.s32 @!p2 $0x0  }
0x16: {  	s3 =	sld [smem:$0x3FDB];
	s0 =	simm.s32 @p2 $0x1  }
0x17: {  	s4 =	simm.s32 $0x1BF5;
	[smem:$0x3FB4] =	sst s0  }
0x18: {  	s0 =	sld [smem:$0x3F97];
	_ =	swait.ge [sflag:s4], $0x0  }
0x19: {  	s7 =	sld [smem:$0x3F98]  }
0x1a: {  	s8 =	sadd.s32 $0xFFFFE003, lr  }
0x1b: {  	s9 =	sadd.s32 $0xFFFFFEF7, lr;
	s5 =	simm.s32 $0xFFFFFFFF;
	p2 =	slt.u32 s8, $0xFFFFF086  }
0x1c: {  	p1 =	slt.u32 s9, $0xF7A;
	s5 =	simm.s32 @!p2 $0x0  }
0x1d: {  	s5 =	simm.s32 @p1 $0x1;
	p0 =	seq.s32 s7, s2  }
0x1e: {  	s7 =	smul.u32 @!p0 $0xF7A, s2;
	p2 =	seq.s32 @!p0 s5, $0x0  }
0x1f: {  	s9 =	smul.u32 $0xF7A, s1;
	s8 =	simm.s32 @!p0 $0x1BF5;
	p2 =	por !p2, p0  }
0x20: {  	[sflag:s8] =	ssyncset.s32 @!p0 $0xFFFFF086;
	s6 =	sadd.s32 @!p0 s3, s7;
	s7 =	simm.s32 @!p0 $0x108  }
0x21: {  	s3 =	sadd.s32 s3, s9;
	s6 =	sadd.s32 @!p0 $0x88, s6;
	s7 =	simm.s32 @p2 $0x1082  }
0x22: {  	[simem:s7], [sflag:s8] =	dma.local @!p0 [hbm:s6], $0xF7A  }
0x23: {  	s9 =	sor.u32 $0xD0000000, s2;
	s6 =	simm.s32 $0x108;
	_ =	swait.ge @!p0 [sflag:s8], $0x0  }
0x24: {  	s3 =	sadd.s32 $0x88, s3;
	s6 =	simm.s32 @!p1 $0x1082;
	[sflag:s4] =	ssyncset.s32 $0xFFFFF086  }
0x25: {  	[simem:s6], [sflag:s4] =	dma.local [hbm:s3], $0xF7A  }
0x26: {  	[smem:$0x3F98] =	sst s1;
	(tag) =	ssettag s2;
	_ =	strace s9  }
0x27: {  	s1 =	sld [smem:$0x3FA8]  }
0x28: {  	s2 =	sld [smem:$0x3FA9]  }
0x29: {  	s4 =	sld [smem:$0x3FAB]  }
0x2a: {  	p0 =	seq.s32 s5, $0x0;
	s5 =	sld [smem:$0x3FAC]  }
0x2b: {  	s6 =	sld [smem:$0x3FAD]  }
0x2c: {  	s7 =	sld [smem:$0x3FAE]  }
0x2d: {  	s3 =	simm.s32 $0x108;
	s8 =	sld [smem:$0x3FAF]  }
0x2e: {  	s3 =	simm.s32 @!p0 $0x1082;
	s9 =	sld [smem:$0x3FB0]  }
0x2f: {  	lr =	sadd.s32 s0, s3;
	s0 =	sld [smem:$0x3FA7]  }
0x30: {  	s3 =	sld [smem:$0x3FAA]  }
0x31: {  	[smem:$0x3FB3] =	sst s10  }
0x32: {  	s10 =	sld [smem:$0x3FB1];
	_ =	sdelay $0x3  }
0x33: {  	p0 =	seq.s32 s10, $0x1;
	s10 =	sld [smem:$0x3FB3];
	_ =	sdelay $0x3  }
0x34: {  	[smem:$0x3FB3] =	sst s10  }
0x35: {  	s10 =	sld [smem:$0x3FB2];
	_ =	sdelay $0x3  }
0x36: {  	p1 =	seq.s32 s10, $0x1;
	s10 =	sld [smem:$0x3FB3];
	_ =	sdelay $0x3  }
0x37: {  	[smem:$0x3FB3] =	sst s10  }
0x38: {  	s10 =	sld [smem:$0x3FB4]  }
0x39: {  	_ = 	snop;
	(pc) =	sbr.ind lr, $3  }
0x3a: {  	_ = 	snop  }
0x3b: {  	_ = 	snop  }
0x3c: {  	p2 =	seq.s32 s10, $0x1;
	s10 =	sld [smem:$0x3FB3]  }
0x3d: {  	_ =	shalt  }
0x3e: {  	_ =	shalt  }
0x3f: {  	_ =	shalt  }
0x40: {  	_ =	shalt  }
0x41: {  	_ =	shalt  }
0x42: {  	_ =	shalt  }
0x43: {  	_ =	shalt  }
0x44: {  	_ =	shalt  }
0x45: {  	_ =	shalt  }
0x46: {  	_ =	shalt  }
0x47: {  	_ =	shalt  }
0x48: {  	_ =	shalt  }
0x49: {  	_ =	shalt  }
0x4a: {  	_ =	shalt  }
0x4b: {  	_ =	shalt  }
0x4c: {  	_ =	shalt  }
0x4d: {  	_ =	shalt  }
0x4e: {  	_ =	shalt  }
0x4f: {  	_ =	shalt  }
0x50: {  	_ =	shalt  }
0x51: {  	_ =	shalt  }
0x52: {  	_ =	shalt  }
0x53: {  	_ =	shalt  }
0x54: {  	_ =	shalt  }
0x55: {  	_ =	shalt  }
0x56: {  	_ =	shalt  }
0x57: {  	_ =	shalt  }
0x58: {  	_ =	shalt  }
0x59: {  	_ =	shalt  }
0x5a: {  	_ =	shalt  }
0x5b: {  	_ =	shalt  }
0x5c: {  	_ =	shalt  }
0x5d: {  	_ =	shalt  }
0x5e: {  	_ =	shalt  }
0x5f: {  	_ =	shalt  }
0x60: {  	_ =	shalt  }
0x61: {  	_ =	shalt  }
0x62: {  	_ =	shalt  }
0x63: {  	_ =	shalt  }
0x64: {  	_ =	shalt  }
0x65: {  	_ =	shalt  }
0x66: {  	_ =	shalt  }
0x67: {  	_ =	shalt  }
0x68: {  	_ =	shalt  }
0x69: {  	_ =	shalt  }
0x6a: {  	_ =	shalt  }
0x6b: {  	_ =	shalt  }
0x6c: {  	_ =	shalt  }
0x6d: {  	_ =	shalt  }
0x6e: {  	_ =	shalt  }
0x6f: {  	_ =	shalt  }
0x70: {  	_ =	shalt  }
0x71: {  	_ =	shalt  }
0x72: {  	_ =	shalt  }
0x73: {  	_ =	shalt  }
0x74: {  	_ =	shalt  }
0x75: {  	_ =	shalt  }
0x76: {  	_ =	shalt  }
0x77: {  	_ =	shalt  }
0x78: {  	_ =	shalt  }
0x79: {  	_ =	shalt  }
0x7a: {  	_ =	shalt  }
0x7b: {  	_ =	shalt  }
0x7c: {  	_ =	shalt  }
0x7d: {  	_ =	shalt  }
0x7e: {  	_ =	shalt  }
0x7f: {  	_ =	shalt  }
0x80: {  	_ =	shalt  }
0x81: {  	_ =	shalt  }
0x82: {  	_ =	shalt  }
0x83: {  	_ =	shalt  }
0x84: {  	_ =	shalt  }
0x85: {  	_ =	shalt  }
0x86: {  	_ =	shalt  }
0x87: {  	_ =	shalt  }
.Lfunc_end0:
.L_simem_size_0:
called_computation_lowered:
.L_overlay_start_0:
0x88: {  	s2 =	sld [smem:$0x3FD9]  }
0x89: {  	s3 =	sld [smem:$0x3FFE];
	_ =	sdelay $0x1  }
0x8a: {  	s1 =	srdreg.scid  }
0x8b: {  	s0 =	sand.u32 $0x1, s1  }
0x8c: {  	s17 =	sshll.u32 s0, $0xA;
	s2 =	sadd.s32 s3, s2  }
0x8d: {  	s2 =	sadd.s32 s2, s17  }
0x8e: {  	[smem:$0x3FBF] =	sst s2  }
0x8f: {  	_ = 	snop  }
0x90: {  	s2 =	sld [smem:$0x3FC9];
	(tm) =	ssettm $0x1  }
0x91: {  	s18 =	sld [smem:$0x3FFB];
	_ =	sdelay $0x3  }
0x92: {  	_ =	strace s18  }
0x93: {  	s3 =	sld [smem:$0x3FFC];
	_ =	sdelay $0x3  }
0x94: {  	_ =	strace s3  }
0x95: {  	s3 =	sld [smem:$0x3FFD];
	_ =	sdelay $0x3  }
0x96: {  	_ =	strace s3  }
0x97: {  	_ =	strace $0x8FFFFFFF  }
0x98: {  	s19 =	sld [smem:$0x3FDB];
	_ =	sdelay $0x1  }
0x99: {  	s4 =	simm.s32 $_scs_section_size  }
0x9a: {  	s5 =	simm.s32 $_size__tile_overlayer_lowered;
	s6 =	simm.s32 $_tile_overlayer_lowered  }
0x9b: {  	s22 =	simm.s32 $0x1BFF;
	s21 =	sshll.u32 s6, $0x1;
	s3 =	sadd.s32 s4, s19  }
0x9c: {  	s7 =	simm.s32 $0x0;
	s20 =	sshll.u32 s5, $0x1;
	s5 =	sadd.s32 s21, s3  }
0x9d: {  	[timem:s7], [sflag:s22] =	dma.local [hbm:s5], s20  }
0x9e: {  	_ =	swait.ge [sflag:s22], s20  }
0x9f: {  	s4 =	ssub.s32 $0x0, s20;
	[sflag:s22] =	ssyncset.done $0x0  }
0xa0: {  	[sflag:s22] =	ssyncadd.s32 s4;
	_ =	sdelay $0x1  }
0xa1: {  	s23 =	simm.s32 $0x1B8B  }
0xa2: {  	_ =	swait.ge [sflag:s23], $0x1  }
0xa3: {  	[sflag:s23] =	ssyncset.done $0x0  }
0xa4: {  	s25 =	simm.s32 $0x1B8E;
	s24 =	sld [smem:$0x3FFE];
	[sflag:s23] =	ssyncadd.s32 $0xFFFFFFFF  }
0xa5: {  	s26 =	simm.s32 $execute0_lowered;
	[smem:$0x3FD2] =	sst s25  }
0xa6: {  	s5 =	sshll.u32 s26, $0x1;
	_ =	strace $0x80000046;
	[dreg:$0x1] =	wrdreg $0xFFFFFFFF  }
0xa7: {  	s28 =	simm.s32 $_size_execute0_lowered;
	s3 =	sadd.s32 s3, s5;
	[dreg:$0x0] =	wrdreg $0x0  }
0xa8: {  	s5 =	sshll.u32 s28, $0x1;
	[dreg:$0x2] =	wrdreg s3  }
0xa9: {  	[dreg:$0x3] =	wrdreg s5  }
0xaa: {  	[dreg:$0x4] =	wrdreg $0xC0  }
0xab: {  	_ =	task [dreg:s7], $0x5FFFF  }
0xac: {  	[dreg:$0x1] =	wrdreg $0xFFFFFFFF  }
0xad: {  	[dreg:$0x0] =	wrdreg $0x60  }
0xae: {  	[dreg:$0x2] =	wrdreg s2  }
0xaf: {  	[dreg:$0x3] =	wrdreg s24  }
0xb0: {  	[dreg:$0x4] =	wrdreg $0x9  }
0xb1: {  	_ =	task.clear_ibuf [dreg:s7], $0x5FFFF;
	_ =	strace $0x90000046  }
0xb2: {  	s29 =	simm.s32 $0x9;
	_ =	strace $0x80000048  }
0xb3: {  	_ =	swait.ge [sflag:s29], $0x1  }
0xb4: {  	[sflag:s29] =	ssyncadd.s32 $0xFFFFFFFF  }
0xb5: {  	_ =	strace $0x90000048  }
0xb6: {  	_ =	sfence  }
0xb7: {  	s30 =	sld [smem:$0x0];
	_ =	sdelay $0x2  }
0xb8: {  	s31 =	sshll.u32 s1, $0xD;
	s1 =	sshrl.u32 s1, $0x2  }
0xb9: {  	s3 =	sand.u32 $0x4000, s31;
	s1 =	sadd.s32 s1, s30  }
0xba: {  	s0 =	sor.u32 s3, s0;
	s1 =	sshll.u32 s1, $0x11  }
0xbb: {  	s0 =	sor.u32 s1, s0  }
0xbc: {  	s0 =	sadd.s32 $0x8F2B, s0  }
0xbd: {  	[sflag:s0] =	ssyncadd.remote.s32 $0x1  }
0xbe: {  	_ =	sfence.sel $0xFFFF  }
0xbf: {  	[dreg:$0x0] =	wrdreg $0xFFFFFFFF;
	(pc) =	sbr.abs _section_cstart, $3  }
0xc0: {  	[dreg:$0x1] =	wrdreg $0xFFFFFFFF  }
0xc1: {  	_ =	task.clear_ibuf [dreg:s7], $0x2FFFF;
	_ =	strace $0x9FFFFFFF  }
0xc2: {  	(tm) =	ssettm $0x7FFFFFFF  }
0xc3: {  	_ =	shalt  }
tec
execute0_lowered:
.L_overlay_start_1:
0x0: {  	(tag) =	ssettag $0x1  }
0x1: {  	s0 =	rddreg [dreg:$0x0]  }
0x2: {  	s2 =	rddreg [dreg:$0x1];
	s1 =	simm.s32 $0x0;
	s4 =	srdreg.scid  }
0x3: {  	s8 =	stileid.u32;
	s30 =	simm.s32 $0x100;
	[smem:$0x7FF] =	sst s1  }
0x4: {  	s5 =	sadd.s32 $0x21E00, s2;
	s3 =	sadd.s32 $0x22200, s2;
	s4 =	sand.u32 $0x1, s4  }
0x5: {  	s6 =	sshll.u32 s8, $0x9;
	p0 =	slt.u32 s8, $0x8;
	s8 =	simm.s32 $0x0  }
0x6: {  	_ =	strace $0x80000047;
	s7 =	sshll.u32 s4, $0x8;
	s4 =	ssub.s32 $0x2, s4  }
0x7: {  	s8 =	simm.s32 @!p0 $0xFFFFF000;
	s6 =	sor.u32 s7, s6;
	s31 =	sshrl.u32 s4, $0x1  }
0x8: {  	s9 =	sadd.s32 s6, s8;
	s10 =	sshrl.u32 s6, $0x3;
	s7 =	ssub.s32 s4, s31  }
0x9: {  	s13 =	sor.u32 $0x20, s6;
	s4 =	sadd.s32 $0x22300, s2;
	s16 =	sor.u32 $0x40, s6  }
0xa: {  	s20 =	sor.u32 $0x80, s6;
	s25 =	sor.u32 $0xA0, s6;
	s28 =	sor.u32 $0xC0, s6  }
0xb: {  	s11 =	sadd.s32 s5, s10;
	s9 =	sshll.u32 s9, $0x7;
	s14 =	sadd.s32 s8, s13  }
0xc: {  	s17 =	sadd.s32 s8, s16;
	s21 =	sadd.s32 s8, s20;
	s26 =	sadd.s32 s8, s25  }
0xd: {  	s29 =	sshrl.u32 s28, $0x3;
	s31 =	sadd.s32 s8, s28;
	s7 =	smax.u32 s7, $0x1  }
0xe: {  	[dreg:$0x3] =	wrdreg s11;
	s12 =	sadd.s32 s0, s9;
	s9 =	sshrl.u32 s13, $0x3  }
0xf: {  	s10 =	sshll.u32 s14, $0x7;
	s11 =	sor.u32 $0x60, s6;
	s23 =	sshll.u32 s21, $0x7  }
0x10: {  	s6 =	sor.u32 $0xE0, s6;
	[dreg:$0x4] =	wrdreg s12;
	s9 =	sadd.s32 s5, s9  }
0x11: {  	s15 =	sadd.s32 s0, s10;
	s10 =	sshrl.u32 s16, $0x3;
	s18 =	sshrl.u32 s11, $0x3  }
0x12: {  	s19 =	sadd.s32 s8, s11;
	s24 =	sadd.s32 s0, s23;
	[dreg:$0x5] =	wrdreg s9  }
0x13: {  	s8 =	sadd.s32 s8, s6;
	s6 =	sshrl.u32 s6, $0x3;
	[dreg:$0x6] =	wrdreg s15  }
0x14: {  	s10 =	sadd.s32 s5, s10;
	s9 =	sshll.u32 s17, $0x7;
	[dreg:$0xc] =	wrdreg s24  }
0x15: {  	s6 =	sadd.s32 s5, s6;
	s8 =	sshll.u32 s8, $0x7;
	[dreg:$0x7] =	wrdreg s10  }
0x16: {  	s9 =	sadd.s32 s0, s9;
	s10 =	sadd.s32 s5, s18;
	[dreg:$0x11] =	wrdreg s6  }
0x17: {  	s6 =	sadd.s32 $0x22500, s2;
	[dreg:$0x8] =	wrdreg s9;
	s9 =	sshll.u32 s19, $0x7  }
0x18: {  	[dreg:$0x9] =	wrdreg s10;
	s10 =	sshrl.u32 s20, $0x3;
	s9 =	sadd.s32 s0, s9  }
0x19: {  	s22 =	sadd.s32 s5, s10;
	s10 =	sshrl.u32 s25, $0x3;
	[dreg:$0xa] =	wrdreg s9  }
0x1a: {  	[dreg:$0xb] =	wrdreg s22;
	s10 =	sadd.s32 s5, s10;
	s9 =	sshll.u32 s26, $0x7  }
0x1b: {  	s19 =	simm.s32 $0x1;
	[dreg:$0xd] =	wrdreg s10;
	s9 =	sadd.s32 s0, s9  }
0x1c: {  	s10 =	sadd.s32 s5, s29;
	[dreg:$0xe] =	wrdreg s9;
	s9 =	sshll.u32 s31, $0x7  }
0x1d: {  	v2 =	vlaneseq.u32;
	s20 =	simm.s32 $0x2;
	[dreg:$0xf] =	wrdreg s10;
	s9 =	sadd.s32 s0, s9  }
0x1e: {  	vm0 =	vmmov $0xffff;
	v1 =	vshrl.u32 v2, $0x3;
	s26 =	simm.s32 $0x8100;
	s0 =	sadd.s32 s0, s8;
	[dreg:$0x10] =	wrdreg s9  }
0x1f: {  	v0 =	vand.u32 $0x7, v2;
	v2 =	vor.u32 $0x8, v2;
	v1 =	vmul.u32 $0x8, v1;
	s5 =	sadd.s32 $0x22400, s2;
	s8 =	simm.s32 $0x3;
	[dreg:$0x12] =	wrdreg s0  }
.LBB2_1:
0x20: {  	s21 =	rddreg [dreg:$0x3]  }
0x21: {  	[tilespmem:s1], [sflag:$0x3] =	stream.linear.gather [hbm4b:s21+s1], $0x20, $0x38;
	[tilespmem:$0x10100] =	vst v63  }
0x22: {  	_ =	swait.ge [sflag:s8], $0x20  }
0x23: {  	[sflag:s8] =	ssyncset.done $0x0  }
0x24: {  	s22 =	rddreg [dreg:$0x4];
	[sflag:s8] =	ssyncadd.s32 $0xFFFFFFE0  }
0x25: {  	[tilespmem:s30], [sflag:$0x3] =	stream.linear.gather [hbm4b:s22+s1], $0x8000, $0x38;
	[tilespmem:$0x10100] =	vst v63  }
0x26: {  	_ =	swait.ge [sflag:s8], $0x8000  }
0x27: {  	[sflag:s8] =	ssyncset.done $0x0  }
0x28: {  	[sflag:s8] =	ssyncadd.s32 $0xFFFF8000  }
0x29: {  	v3 =	vld [tilespmem:$0x0];
	_ =	sdelay $0x4  }
0x2a: {  	v4 =	vshll.u32 v3, $0x3  }
0x2b: {  	v3 =	vand.u32 $0x7, v3;
	v4 =	vand.u32 $0xFFFFFFC0, v4  }
0x2c: {  	v3 =	vor.u32 v3, v4  }
0x2d: {  	v4 =	vperm.xlane v3, v0;
	_ =	sdelay $0x1  }
0x2e: {  	v4 =	vadd.s32 v1, v4;
	_ =	sdelay $0x4  }
0x2f: {  	[hbm4b:s3+s1] =	stream.indirect_vreg.scatter [tilespmem:s30], [sflag:$0x1], $0x80, v4, vm0, $0xb8;
	[tilespmem:$0x10100] =	vst v63  }
0x30: {  	s0 =	simm.s32 $0x900;
	v3 =	vperm.xlane v3, v2  }
0x31: {  	[hbm4b:s4+s1] =	stream.indirect_vreg.scatter [tilespmem:s0], [sflag:$0x1], $0x80, v4, vm0, $0xb8;
	[tilespmem:$0x10100] =	vst v63  }
0x32: {  	s23 =	simm.s32 $0x1100;
	v3 =	vadd.s32 v1, v3  }
0x33: {  	[hbm4b:s5+s1] =	stream.indirect_vreg.scatter [tilespmem:s23], [sflag:$0x1], $0x80, v4, vm0, $0xb8;
	[tilespmem:$0x10100] =	vst v63  }
0x34: {  	s24 =	simm.s32 $0x1900  }
0x35: {  	[hbm4b:s6+s1] =	stream.indirect_vreg.scatter [tilespmem:s24], [sflag:$0x1], $0x80, v4, vm0, $0xb8;
	[tilespmem:$0x10100] =	vst v63  }
0x36: {  	s25 =	simm.s32 $0x2100  }
0x37: {  	[hbm4b:s3+s1] =	stream.indirect_vreg.scatter [tilespmem:s25], [sflag:$0x1], $0x80, v3, vm0, $0xb8;
	[tilespmem:$0x10100] =	vst v63  }
0x38: {  	s28 =	simm.s32 $0x2900  }
0x39: {  	[hbm4b:s4+s1] =	stream.indirect_vreg.scatter [tilespmem:s28], [sflag:$0x1], $0x80, v3, vm0, $0xb8;
	[tilespmem:$0x10100] =	vst v63  }
0x3a: {  	s29 =	simm.s32 $0x3100  }
0x3b: {  	[hbm4b:s5+s1] =	stream.indirect_vreg.scatter [tilespmem:s29], [sflag:$0x1], $0x80, v3, vm0, $0xb8;
	[tilespmem:$0x10100] =	vst v63  }
0x3c: {  	s31 =	simm.s32 $0x3900  }
0x3d: {  	[hbm4b:s6+s1] =	stream.indirect_vreg.scatter [tilespmem:s31], [sflag:$0x1], $0x80, v3, vm0, $0xb8;
	[tilespmem:$0x10100] =	vst v63  }
0x3e: {  	v3 =	vld [tilespmem:$0x10];
	_ =	sdelay $0x4  }
0x3f: {  	v49 =	vshll.u32 v3, $0x3  }
0x40: {  	v3 =	vand.u32 $0x7, v3;
	v4 =	vand.u32 $0xFFFFFFC0, v49  }
0x41: {  	v3 =	vor.u32 v3, v4  }
0x42: {  	v4 =	vperm.xlane v3, v0;
	_ =	sdelay $0x1  }
0x43: {  	v4 =	vadd.s32 v1, v4;
	_ =	sdelay $0x3  }
0x44: {  	s11 =	simm.s32 $0x4100  }
0x45: {  	[hbm4b:s3+s1] =	stream.indirect_vreg.scatter [tilespmem:s11], [sflag:$0x1], $0x80, v4, vm0, $0xb8;
	[tilespmem:$0x10100] =	vst v63  }
0x46: {  	s12 =	simm.s32 $0x4900;
	v3 =	vperm.xlane v3, v2  }
0x47: {  	[hbm4b:s4+s1] =	stream.indirect_vreg.scatter [tilespmem:s12], [sflag:$0x1], $0x80, v4, vm0, $0xb8;
	[tilespmem:$0x10100] =	vst v63  }
0x48: {  	s15 =	simm.s32 $0x5100;
	v3 =	vadd.s32 v1, v3  }
0x49: {  	[hbm4b:s5+s1] =	stream.indirect_vreg.scatter [tilespmem:s15], [sflag:$0x1], $0x80, v4, vm0, $0xb8;
	[tilespmem:$0x10100] =	vst v63  }
0x4a: {  	s16 =	simm.s32 $0x5900  }
0x4b: {  	[hbm4b:s6+s1] =	stream.indirect_vreg.scatter [tilespmem:s16], [sflag:$0x1], $0x80, v4, vm0, $0xb8;
	[tilespmem:$0x10100] =	vst v63  }
0x4c: {  	s17 =	simm.s32 $0x6100  }
0x4d: {  	[hbm4b:s3+s1] =	stream.indirect_vreg.scatter [tilespmem:s17], [sflag:$0x1], $0x80, v3, vm0, $0xb8;
	[tilespmem:$0x10100] =	vst v63  }
0x4e: {  	s18 =	simm.s32 $0x6900  }
0x4f: {  	[hbm4b:s4+s1] =	stream.indirect_vreg.scatter [tilespmem:s18], [sflag:$0x1], $0x80, v3, vm0, $0xb8;
	[tilespmem:$0x10100] =	vst v63  }
0x50: {  	s21 =	simm.s32 $0x7100  }
0x51: {  	[hbm4b:s5+s1] =	stream.indirect_vreg.scatter [tilespmem:s21], [sflag:$0x1], $0x80, v3, vm0, $0xb8;
	[tilespmem:$0x10100] =	vst v63  }
0x52: {  	s23 =	simm.s32 $0x7900  }
0x53: {  	[hbm4b:s6+s1] =	stream.indirect_vreg.scatter [tilespmem:s23], [sflag:$0x1], $0x80, v3, vm0, $0xb8;
	[tilespmem:$0x10100] =	vst v63  }
0x54: {  	s22 =	rddreg [dreg:$0x5];
	s24 =	simm.s32 $0x80  }
0x55: {  	[tilespmem:s24], [sflag:$0x3] =	stream.linear.gather [hbm4b:s22+s1], $0x20, $0x38;
	[tilespmem:$0x10100] =	vst v63  }
0x56: {  	_ =	swait.ge [sflag:s8], $0x20  }
0x57: {  	[sflag:s8] =	ssyncset.done $0x0  }
0x58: {  	s25 =	rddreg [dreg:$0x6];
	[sflag:s8] =	ssyncadd.s32 $0xFFFFFFE0  }
0x59: {  	[tilespmem:s26], [sflag:$0x3] =	stream.linear.gather [hbm4b:s25+s1], $0x8000, $0x38;
	[tilespmem:$0x10100] =	vst v63  }
0x5a: {  	_ =	swait.ge [sflag:s8], $0x8000  }
0x5b: {  	[sflag:s8] =	ssyncset.done $0x0  }
0x5c: {  	[sflag:s8] =	ssyncadd.s32 $0xFFFF8000  }
0x5d: {  	v3 =	vld [tilespmem:$0x80];
	_ =	sdelay $0x4  }
0x5e: {  	v50 =	vshll.u32 v3, $0x3  }
0x5f: {  	v3 =	vand.u32 $0x7, v3;
	v4 =	vand.u32 $0xFFFFFFC0, v50  }
0x60: {  	v3 =	vor.u32 v3, v4  }
0x61: {  	v4 =	vperm.xlane v3, v0;
	_ =	sdelay $0x1  }
0x62: {  	v4 =	vadd.s32 v1, v4;
	_ =	sdelay $0x4  }
0x63: {  	[hbm4b:s3+s1] =	stream.indirect_vreg.scatter [tilespmem:s26], [sflag:$0x2], $0x80, v4, vm0, $0xb8;
	[tilespmem:$0x10100] =	vst v63  }
0x64: {  	s28 =	simm.s32 $0x8900;
	v3 =	vperm.xlane v3, v2  }
0x65: {  	[hbm4b:s4+s1] =	stream.indirect_vreg.scatter [tilespmem:s28], [sflag:$0x2], $0x80, v4, vm0, $0xb8;
	[tilespmem:$0x10100] =	vst v63  }
0x66: {  	s29 =	simm.s32 $0x9100;
	v3 =	vadd.s32 v1, v3  }
0x67: {  	[hbm4b:s5+s1] =	stream.indirect_vreg.scatter [tilespmem:s29], [sflag:$0x2], $0x80, v4, vm0, $0xb8;
	[tilespmem:$0x10100] =	vst v63  }
0x68: {  	s31 =	simm.s32 $0x9900  }
0x69: {  	[hbm4b:s6+s1] =	stream.indirect_vreg.scatter [tilespmem:s31], [sflag:$0x2], $0x80, v4, vm0, $0xb8;
	[tilespmem:$0x10100] =	vst v63  }
0x6a: {  	s11 =	simm.s32 $0xA100  }
0x6b: {  	[hbm4b:s3+s1] =	stream.indirect_vreg.scatter [tilespmem:s11], [sflag:$0x2], $0x80, v3, vm0, $0xb8;
	[tilespmem:$0x10100] =	vst v63  }
0x6c: {  	s15 =	simm.s32 $0xA900  }
0x6d: {  	[hbm4b:s4+s1] =	stream.indirect_vreg.scatter [tilespmem:s15], [sflag:$0x2], $0x80, v3, vm0, $0xb8;
	[tilespmem:$0x10100] =	vst v63  }
0x6e: {  	s16 =	simm.s32 $0xB100  }
0x6f: {  	[hbm4b:s5+s1] =	stream.indirect_vreg.scatter [tilespmem:s16], [sflag:$0x2], $0x80, v3, vm0, $0xb8;
	[tilespmem:$0x10100] =	vst v63  }
0x70: {  	s17 =	simm.s32 $0xB900  }
0x71: {  	[hbm4b:s6+s1] =	stream.indirect_vreg.scatter [tilespmem:s17], [sflag:$0x2], $0x80, v3, vm0, $0xb8;
	[tilespmem:$0x10100] =	vst v63  }
0x72: {  	v3 =	vld [tilespmem:$0x90];
	_ =	sdelay $0x4  }
0x73: {  	v51 =	vshll.u32 v3, $0x3  }
0x74: {  	v3 =	vand.u32 $0x7, v3;
	v4 =	vand.u32 $0xFFFFFFC0, v51  }
0x75: {  	v3 =	vor.u32 v3, v4  }
0x76: {  	v4 =	vperm.xlane v3, v0;
	_ =	sdelay $0x1  }
0x77: {  	v4 =	vadd.s32 v1, v4;
	_ =	sdelay $0x3  }
0x78: {  	s18 =	simm.s32 $0xC100  }
0x79: {  	[hbm4b:s3+s1] =	stream.indirect_vreg.scatter [tilespmem:s18], [sflag:$0x2], $0x80, v4, vm0, $0xb8;
	[tilespmem:$0x10100] =	vst v63  }
0x7a: {  	s22 =	simm.s32 $0xC900;
	v3 =	vperm.xlane v3, v2  }
0x7b: {  	[hbm4b:s4+s1] =	stream.indirect_vreg.scatter [tilespmem:s22], [sflag:$0x2], $0x80, v4, vm0, $0xb8;
	[tilespmem:$0x10100] =	vst v63  }
0x7c: {  	s23 =	simm.s32 $0xD100;
	v3 =	vadd.s32 v1, v3  }
0x7d: {  	[hbm4b:s5+s1] =	stream.indirect_vreg.scatter [tilespmem:s23], [sflag:$0x2], $0x80, v4, vm0, $0xb8;
	[tilespmem:$0x10100] =	vst v63  }
0x7e: {  	s29 =	simm.s32 $0xD900  }
0x7f: {  	[hbm4b:s6+s1] =	stream.indirect_vreg.scatter [tilespmem:s29], [sflag:$0x2], $0x80, v4, vm0, $0xb8;
	[tilespmem:$0x10100] =	vst v63  }
0x80: {  	s0 =	simm.s32 $0xE100  }
0x81: {  	[hbm4b:s3+s1] =	stream.indirect_vreg.scatter [tilespmem:s0], [sflag:$0x2], $0x80, v3, vm0, $0xb8;
	[tilespmem:$0x10100] =	vst v63  }
0x82: {  	s11 =	simm.s32 $0xE900  }
0x83: {  	[hbm4b:s4+s1] =	stream.indirect_vreg.scatter [tilespmem:s11], [sflag:$0x2], $0x80, v3, vm0, $0xb8;
	[tilespmem:$0x10100] =	vst v63  }
0x84: {  	s15 =	simm.s32 $0xF100  }
0x85: {  	[hbm4b:s5+s1] =	stream.indirect_vreg.scatter [tilespmem:s15], [sflag:$0x2], $0x80, v3, vm0, $0xb8;
	[tilespmem:$0x10100] =	vst v63  }
0x86: {  	s16 =	simm.s32 $0xF900  }
0x87: {  	[hbm4b:s6+s1] =	stream.indirect_vreg.scatter [tilespmem:s16], [sflag:$0x2], $0x80, v3, vm0, $0xb8;
	[tilespmem:$0x10100] =	vst v63  }
0x88: {  	_ =	swait.ge [sflag:s19], $0x8000  }
0x89: {  	[sflag:s19] =	ssyncset.done $0x0  }
0x8a: {  	s17 =	rddreg [dreg:$0x7];
	[sflag:s19] =	ssyncadd.s32 $0xFFFF8000  }
0x8b: {  	[tilespmem:s1], [sflag:$0x3] =	stream.linear.gather [hbm4b:s17+s1], $0x20, $0x38;
	[tilespmem:$0x10100] =	vst v63  }
0x8c: {  	_ =	swait.ge [sflag:s8], $0x20  }
0x8d: {  	[sflag:s8] =	ssyncset.done $0x0  }
0x8e: {  	s29 =	rddreg [dreg:$0x8];
	[sflag:s8] =	ssyncadd.s32 $0xFFFFFFE0  }
0x8f: {  	[tilespmem:s30], [sflag:$0x3] =	stream.linear.gather [hbm4b:s29+s1], $0x8000, $0x38;
	[tilespmem:$0x10100] =	vst v63  }
0x90: {  	_ =	swait.ge [sflag:s8], $0x8000  }
0x91: {  	[sflag:s8] =	ssyncset.done $0x0  }
0x92: {  	[sflag:s8] =	ssyncadd.s32 $0xFFFF8000  }
0x93: {  	v3 =	vld [tilespmem:$0x0];
	_ =	sdelay $0x4  }
0x94: {  	v52 =	vshll.u32 v3, $0x3  }
0x95: {  	v3 =	vand.u32 $0x7, v3;
	v4 =	vand.u32 $0xFFFFFFC0, v52  }
0x96: {  	v3 =	vor.u32 v3, v4  }
0x97: {  	v4 =	vperm.xlane v3, v0;
	_ =	sdelay $0x1  }
0x98: {  	v4 =	vadd.s32 v1, v4;
	_ =	sdelay $0x4  }
0x99: {  	[hbm4b:s3+s1] =	stream.indirect_vreg.scatter [tilespmem:s30], [sflag:$0x1], $0x80, v4, vm0, $0xb8;
	[tilespmem:$0x10100] =	vst v63  }
0x9a: {  	s10 =	simm.s32 $0x900;
	v3 =	vperm.xlane v3, v2  }
0x9b: {  	[hbm4b:s4+s1] =	stream.indirect_vreg.scatter [tilespmem:s10], [sflag:$0x1], $0x80, v4, vm0, $0xb8;
	[tilespmem:$0x10100] =	vst v63  }
0x9c: {  	s2 =	simm.s32 $0x1100;
	v3 =	vadd.s32 v1, v3  }
0x9d: {  	[hbm4b:s5+s1] =	stream.indirect_vreg.scatter [tilespmem:s2], [sflag:$0x1], $0x80, v4, vm0, $0xb8;
	[tilespmem:$0x10100] =	vst v63  }
0x9e: {  	s9 =	simm.s32 $0x1900  }
0x9f: {  	[hbm4b:s6+s1] =	stream.indirect_vreg.scatter [tilespmem:s9], [sflag:$0x1], $0x80, v4, vm0, $0xb8;
	[tilespmem:$0x10100] =	vst v63  }
0xa0: {  	s29 =	simm.s32 $0x2100  }
0xa1: {  	[hbm4b:s3+s1] =	stream.indirect_vreg.scatter [tilespmem:s29], [sflag:$0x1], $0x80, v3, vm0, $0xb8;
	[tilespmem:$0x10100] =	vst v63  }
0xa2: {  	s10 =	simm.s32 $0x2900  }
0xa3: {  	[hbm4b:s4+s1] =	stream.indirect_vreg.scatter [tilespmem:s10], [sflag:$0x1], $0x80, v3, vm0, $0xb8;
	[tilespmem:$0x10100] =	vst v63  }
0xa4: {  	s11 =	simm.s32 $0x3100  }
0xa5: {  	[hbm4b:s5+s1] =	stream.indirect_vreg.scatter [tilespmem:s11], [sflag:$0x1], $0x80, v3, vm0, $0xb8;
	[tilespmem:$0x10100] =	vst v63  }
0xa6: {  	s13 =	simm.s32 $0x3900  }
0xa7: {  	[hbm4b:s6+s1] =	stream.indirect_vreg.scatter [tilespmem:s13], [sflag:$0x1], $0x80, v3, vm0, $0xb8;
	[tilespmem:$0x10100] =	vst v63  }
0xa8: {  	v3 =	vld [tilespmem:$0x10];
	_ =	sdelay $0x4  }
0xa9: {  	v53 =	vshll.u32 v3, $0x3  }
0xaa: {  	v3 =	vand.u32 $0x7, v3;
	v4 =	vand.u32 $0xFFFFFFC0, v53  }
0xab: {  	v3 =	vor.u32 v3, v4  }
0xac: {  	v4 =	vperm.xlane v3, v0;
	_ =	sdelay $0x1  }
0xad: {  	v4 =	vadd.s32 v1, v4;
	_ =	sdelay $0x3  }
0xae: {  	s14 =	simm.s32 $0x4100  }
0xaf: {  	[hbm4b:s3+s1] =	stream.indirect_vreg.scatter [tilespmem:s14], [sflag:$0x1], $0x80, v4, vm0, $0xb8;
	[tilespmem:$0x10100] =	vst v63  }
0xb0: {  	s12 =	simm.s32 $0x4900;
	v3 =	vperm.xlane v3, v2  }
0xb1: {  	[hbm4b:s4+s1] =	stream.indirect_vreg.scatter [tilespmem:s12], [sflag:$0x1], $0x80, v4, vm0, $0xb8;
	[tilespmem:$0x10100] =	vst v63  }
0xb2: {  	v3 =	vadd.s32 v1, v3;
	s12 =	simm.s32 $0x5100  }
0xb3: {  	[hbm4b:s5+s1] =	stream.indirect_vreg.scatter [tilespmem:s12], [sflag:$0x1], $0x80, v4, vm0, $0xb8;
	[tilespmem:$0x10100] =	vst v63  }
0xb4: {  	s13 =	simm.s32 $0x5900  }
0xb5: {  	[hbm4b:s6+s1] =	stream.indirect_vreg.scatter [tilespmem:s13], [sflag:$0x1], $0x80, v4, vm0, $0xb8;
	[tilespmem:$0x10100] =	vst v63  }
0xb6: {  	s14 =	simm.s32 $0x6100  }
0xb7: {  	[hbm4b:s3+s1] =	stream.indirect_vreg.scatter [tilespmem:s14], [sflag:$0x1], $0x80, v3, vm0, $0xb8;
	[tilespmem:$0x10100] =	vst v63  }
0xb8: {  	s15 =	simm.s32 $0x6900  }
0xb9: {  	[hbm4b:s4+s1] =	stream.indirect_vreg.scatter [tilespmem:s15], [sflag:$0x1], $0x80, v3, vm0, $0xb8;
	[tilespmem:$0x10100] =	vst v63  }
0xba: {  	s16 =	simm.s32 $0x7100  }
0xbb: {  	[hbm4b:s5+s1] =	stream.indirect_vreg.scatter [tilespmem:s16], [sflag:$0x1], $0x80, v3, vm0, $0xb8;
	[tilespmem:$0x10100] =	vst v63  }
0xbc: {  	s17 =	simm.s32 $0x7900  }
0xbd: {  	[hbm4b:s6+s1] =	stream.indirect_vreg.scatter [tilespmem:s17], [sflag:$0x1], $0x80, v3, vm0, $0xb8;
	[tilespmem:$0x10100] =	vst v63  }
0xbe: {  	_ =	swait.ge [sflag:s20], $0x8000  }
0xbf: {  	[sflag:s20] =	ssyncset.done $0x0  }
0xc0: {  	s2 =	simm.s32 $0x80;
	s0 =	rddreg [dreg:$0x9];
	[sflag:s20] =	ssyncadd.s32 $0xFFFF8000  }
0xc1: {  	[tilespmem:s2], [sflag:$0x3] =	stream.linear.gather [hbm4b:s0+s1], $0x20, $0x38;
	[tilespmem:$0x10100] =	vst v63  }
0xc2: {  	_ =	swait.ge [sflag:s8], $0x20  }
0xc3: {  	[sflag:s8] =	ssyncset.done $0x0  }
0xc4: {  	s9 =	rddreg [dreg:$0xa];
	[sflag:s8] =	ssyncadd.s32 $0xFFFFFFE0  }
0xc5: {  	[tilespmem:s26], [sflag:$0x3] =	stream.linear.gather [hbm4b:s9+s1], $0x8000, $0x38;
	[tilespmem:$0x10100] =	vst v63  }
0xc6: {  	_ =	swait.ge [sflag:s8], $0x8000  }
0xc7: {  	[sflag:s8] =	ssyncset.done $0x0  }
0xc8: {  	[sflag:s8] =	ssyncadd.s32 $0xFFFF8000  }
0xc9: {  	v3 =	vld [tilespmem:$0x80];
	_ =	sdelay $0x4  }
0xca: {  	v54 =	vshll.u32 v3, $0x3  }
0xcb: {  	v3 =	vand.u32 $0x7, v3;
	v4 =	vand.u32 $0xFFFFFFC0, v54  }
0xcc: {  	v3 =	vor.u32 v3, v4  }
0xcd: {  	v4 =	vperm.xlane v3, v0;
	_ =	sdelay $0x1  }
0xce: {  	v4 =	vadd.s32 v1, v4;
	_ =	sdelay $0x4  }
0xcf: {  	[hbm4b:s3+s1] =	stream.indirect_vreg.scatter [tilespmem:s26], [sflag:$0x2], $0x80, v4, vm0, $0xb8;
	[tilespmem:$0x10100] =	vst v63  }
0xd0: {  	s9 =	simm.s32 $0x8900;
	v3 =	vperm.xlane v3, v2  }
0xd1: {  	[hbm4b:s4+s1] =	stream.indirect_vreg.scatter [tilespmem:s9], [sflag:$0x2], $0x80, v4, vm0, $0xb8;
	[tilespmem:$0x10100] =	vst v63  }
0xd2: {  	s0 =	simm.s32 $0x9100;
	v3 =	vadd.s32 v1, v3  }
0xd3: {  	[hbm4b:s5+s1] =	stream.indirect_vreg.scatter [tilespmem:s0], [sflag:$0x2], $0x80, v4, vm0, $0xb8;
	[tilespmem:$0x10100] =	vst v63  }
0xd4: {  	s21 =	simm.s32 $0x9900  }
0xd5: {  	[hbm4b:s6+s1] =	stream.indirect_vreg.scatter [tilespmem:s21], [sflag:$0x2], $0x80, v4, vm0, $0xb8;
	[tilespmem:$0x10100] =	vst v63  }
0xd6: {  	s25 =	simm.s32 $0xA100  }
0xd7: {  	[hbm4b:s3+s1] =	stream.indirect_vreg.scatter [tilespmem:s25], [sflag:$0x2], $0x80, v3, vm0, $0xb8;
	[tilespmem:$0x10100] =	vst v63  }
0xd8: {  	s28 =	simm.s32 $0xA900  }
0xd9: {  	[hbm4b:s4+s1] =	stream.indirect_vreg.scatter [tilespmem:s28], [sflag:$0x2], $0x80, v3, vm0, $0xb8;
	[tilespmem:$0x10100] =	vst v63  }
0xda: {  	s31 =	simm.s32 $0xB100  }
0xdb: {  	[hbm4b:s5+s1] =	stream.indirect_vreg.scatter [tilespmem:s31], [sflag:$0x2], $0x80, v3, vm0, $0xb8;
	[tilespmem:$0x10100] =	vst v63  }
0xdc: {  	s24 =	simm.s32 $0xB900  }
0xdd: {  	[hbm4b:s6+s1] =	stream.indirect_vreg.scatter [tilespmem:s24], [sflag:$0x2], $0x80, v3, vm0, $0xb8;
	[tilespmem:$0x10100] =	vst v63  }
0xde: {  	v3 =	vld [tilespmem:$0x90];
	_ =	sdelay $0x4  }
0xdf: {  	v55 =	vshll.u32 v3, $0x3  }
0xe0: {  	v3 =	vand.u32 $0x7, v3;
	v4 =	vand.u32 $0xFFFFFFC0, v55  }
0xe1: {  	v3 =	vor.u32 v3, v4  }
0xe2: {  	v4 =	vperm.xlane v3, v0;
	_ =	sdelay $0x1  }
0xe3: {  	v4 =	vadd.s32 v1, v4;
	_ =	sdelay $0x3  }
0xe4: {  	s18 =	simm.s32 $0xC100  }
0xe5: {  	[hbm4b:s3+s1] =	stream.indirect_vreg.scatter [tilespmem:s18], [sflag:$0x2], $0x80, v4, vm0, $0xb8;
	[tilespmem:$0x10100] =	vst v63  }
0xe6: {  	s22 =	simm.s32 $0xC900;
	v3 =	vperm.xlane v3, v2  }
0xe7: {  	[hbm4b:s4+s1] =	stream.indirect_vreg.scatter [tilespmem:s22], [sflag:$0x2], $0x80, v4, vm0, $0xb8;
	[tilespmem:$0x10100] =	vst v63  }
0xe8: {  	s21 =	simm.s32 $0xD100;
	v3 =	vadd.s32 v1, v3  }
0xe9: {  	[hbm4b:s5+s1] =	stream.indirect_vreg.scatter [tilespmem:s21], [sflag:$0x2], $0x80, v4, vm0, $0xb8;
	[tilespmem:$0x10100] =	vst v63  }
0xea: {  	s22 =	simm.s32 $0xD900  }
0xeb: {  	[hbm4b:s6+s1] =	stream.indirect_vreg.scatter [tilespmem:s22], [sflag:$0x2], $0x80, v4, vm0, $0xb8;
	[tilespmem:$0x10100] =	vst v63  }
0xec: {  	s24 =	simm.s32 $0xE100  }
0xed: {  	[hbm4b:s3+s1] =	stream.indirect_vreg.scatter [tilespmem:s24], [sflag:$0x2], $0x80, v3, vm0, $0xb8;
	[tilespmem:$0x10100] =	vst v63  }
0xee: {  	s22 =	simm.s32 $0xE900  }
0xef: {  	[hbm4b:s4+s1] =	stream.indirect_vreg.scatter [tilespmem:s22], [sflag:$0x2], $0x80, v3, vm0, $0xb8;
	[tilespmem:$0x10100] =	vst v63  }
0xf0: {  	s21 =	simm.s32 $0xF100  }
0xf1: {  	[hbm4b:s5+s1] =	stream.indirect_vreg.scatter [tilespmem:s21], [sflag:$0x2], $0x80, v3, vm0, $0xb8;
	[tilespmem:$0x10100] =	vst v63  }
0xf2: {  	s23 =	simm.s32 $0xF900  }
0xf3: {  	[hbm4b:s6+s1] =	stream.indirect_vreg.scatter [tilespmem:s23], [sflag:$0x2], $0x80, v3, vm0, $0xb8;
	[tilespmem:$0x10100] =	vst v63  }
0xf4: {  	_ =	swait.ge [sflag:s19], $0x8000  }
0xf5: {  	[sflag:s19] =	ssyncset.done $0x0  }
0xf6: {  	s23 =	rddreg [dreg:$0xb];
	[sflag:s19] =	ssyncadd.s32 $0xFFFF8000  }
0xf7: {  	[tilespmem:s1], [sflag:$0x3] =	stream.linear.gather [hbm4b:s23+s1], $0x20, $0x38;
	[tilespmem:$0x10100] =	vst v63  }
0xf8: {  	_ =	swait.ge [sflag:s8], $0x20  }
0xf9: {  	[sflag:s8] =	ssyncset.done $0x0  }
0xfa: {  	s23 =	rddreg [dreg:$0xc];
	[sflag:s8] =	ssyncadd.s32 $0xFFFFFFE0  }
0xfb: {  	[tilespmem:s30], [sflag:$0x3] =	stream.linear.gather [hbm4b:s23+s1], $0x8000, $0x38;
	[tilespmem:$0x10100] =	vst v63  }
0xfc: {  	_ =	swait.ge [sflag:s8], $0x8000  }
0xfd: {  	[sflag:s8] =	ssyncset.done $0x0  }
0xfe: {  	[sflag:s8] =	ssyncadd.s32 $0xFFFF8000  }
0xff: {  	v3 =	vld [tilespmem:$0x0];
	_ =	sdelay $0x4  }
0x100: {  	v56 =	vshll.u32 v3, $0x3  }
0x101: {  	v3 =	vand.u32 $0x7, v3;
	v4 =	vand.u32 $0xFFFFFFC0, v56  }
0x102: {  	v3 =	vor.u32 v3, v4  }
0x103: {  	v4 =	vperm.xlane v3, v0;
	_ =	sdelay $0x1  }
0x104: {  	v4 =	vadd.s32 v1, v4;
	_ =	sdelay $0x4  }
0x105: {  	[hbm4b:s3+s1] =	stream.indirect_vreg.scatter [tilespmem:s30], [sflag:$0x1], $0x80, v4, vm0, $0xb8;
	[tilespmem:$0x10100] =	vst v63  }
0x106: {  	s23 =	simm.s32 $0x900;
	v3 =	vperm.xlane v3, v2  }
0x107: {  	[hbm4b:s4+s1] =	stream.indirect_vreg.scatter [tilespmem:s23], [sflag:$0x1], $0x80, v4, vm0, $0xb8;
	[tilespmem:$0x10100] =	vst v63  }
0x108: {  	v3 =	vadd.s32 v1, v3;
	s23 =	simm.s32 $0x1100  }
0x109: {  	[hbm4b:s5+s1] =	stream.indirect_vreg.scatter [tilespmem:s23], [sflag:$0x1], $0x80, v4, vm0, $0xb8;
	[tilespmem:$0x10100] =	vst v63  }
0x10a: {  	s23 =	simm.s32 $0x1900  }
0x10b: {  	[hbm4b:s6+s1] =	stream.indirect_vreg.scatter [tilespmem:s23], [sflag:$0x1], $0x80, v4, vm0, $0xb8;
	[tilespmem:$0x10100] =	vst v63  }
0x10c: {  	_ = 	snop  }
0x10d: {  	[hbm4b:s3+s1] =	stream.indirect_vreg.scatter [tilespmem:s29], [sflag:$0x1], $0x80, v3, vm0, $0xb8;
	[tilespmem:$0x10100] =	vst v63  }
0x10e: {  	_ = 	snop  }
0x10f: {  	[hbm4b:s4+s1] =	stream.indirect_vreg.scatter [tilespmem:s10], [sflag:$0x1], $0x80, v3, vm0, $0xb8;
	[tilespmem:$0x10100] =	vst v63  }
0x110: {  	_ = 	snop  }
0x111: {  	[hbm4b:s5+s1] =	stream.indirect_vreg.scatter [tilespmem:s11], [sflag:$0x1], $0x80, v3, vm0, $0xb8;
	[tilespmem:$0x10100] =	vst v63  }
0x112: {  	s29 =	simm.s32 $0x3900  }
0x113: {  	[hbm4b:s6+s1] =	stream.indirect_vreg.scatter [tilespmem:s29], [sflag:$0x1], $0x80, v3, vm0, $0xb8;
	[tilespmem:$0x10100] =	vst v63  }
0x114: {  	v3 =	vld [tilespmem:$0x10];
	_ =	sdelay $0x4  }
0x115: {  	v57 =	vshll.u32 v3, $0x3  }
0x116: {  	v3 =	vand.u32 $0x7, v3;
	v4 =	vand.u32 $0xFFFFFFC0, v57  }
0x117: {  	v3 =	vor.u32 v3, v4  }
0x118: {  	v4 =	vperm.xlane v3, v0;
	_ =	sdelay $0x1  }
0x119: {  	v4 =	vadd.s32 v1, v4;
	_ =	sdelay $0x3  }
0x11a: {  	s29 =	simm.s32 $0x4100  }
0x11b: {  	[hbm4b:s3+s1] =	stream.indirect_vreg.scatter [tilespmem:s29], [sflag:$0x1], $0x80, v4, vm0, $0xb8;
	[tilespmem:$0x10100] =	vst v63  }
0x11c: {  	v3 =	vperm.xlane v3, v2;
	s29 =	simm.s32 $0x4900  }
0x11d: {  	[hbm4b:s4+s1] =	stream.indirect_vreg.scatter [tilespmem:s29], [sflag:$0x1], $0x80, v4, vm0, $0xb8;
	[tilespmem:$0x10100] =	vst v63  }
0x11e: {  	v3 =	vadd.s32 v1, v3  }
0x11f: {  	[hbm4b:s5+s1] =	stream.indirect_vreg.scatter [tilespmem:s12], [sflag:$0x1], $0x80, v4, vm0, $0xb8;
	[tilespmem:$0x10100] =	vst v63  }
0x120: {  	_ = 	snop  }
0x121: {  	[hbm4b:s6+s1] =	stream.indirect_vreg.scatter [tilespmem:s13], [sflag:$0x1], $0x80, v4, vm0, $0xb8;
	[tilespmem:$0x10100] =	vst v63  }
0x122: {  	_ = 	snop  }
0x123: {  	[hbm4b:s3+s1] =	stream.indirect_vreg.scatter [tilespmem:s14], [sflag:$0x1], $0x80, v3, vm0, $0xb8;
	[tilespmem:$0x10100] =	vst v63  }
0x124: {  	_ = 	snop  }
0x125: {  	[hbm4b:s4+s1] =	stream.indirect_vreg.scatter [tilespmem:s15], [sflag:$0x1], $0x80, v3, vm0, $0xb8;
	[tilespmem:$0x10100] =	vst v63  }
0x126: {  	_ = 	snop  }
0x127: {  	[hbm4b:s5+s1] =	stream.indirect_vreg.scatter [tilespmem:s16], [sflag:$0x1], $0x80, v3, vm0, $0xb8;
	[tilespmem:$0x10100] =	vst v63  }
0x128: {  	_ = 	snop  }
0x129: {  	[hbm4b:s6+s1] =	stream.indirect_vreg.scatter [tilespmem:s17], [sflag:$0x1], $0x80, v3, vm0, $0xb8;
	[tilespmem:$0x10100] =	vst v63  }
0x12a: {  	_ =	swait.ge [sflag:s20], $0x8000  }
0x12b: {  	[sflag:s20] =	ssyncset.done $0x0  }
0x12c: {  	s29 =	rddreg [dreg:$0xd];
	[sflag:s20] =	ssyncadd.s32 $0xFFFF8000  }
0x12d: {  	[tilespmem:s2], [sflag:$0x3] =	stream.linear.gather [hbm4b:s29+s1], $0x20, $0x38;
	[tilespmem:$0x10100] =	vst v63  }
0x12e: {  	_ =	swait.ge [sflag:s8], $0x20  }
0x12f: {  	[sflag:s8] =	ssyncset.done $0x0  }
0x130: {  	s29 =	rddreg [dreg:$0xe];
	[sflag:s8] =	ssyncadd.s32 $0xFFFFFFE0  }
0x131: {  	[tilespmem:s26], [sflag:$0x3] =	stream.linear.gather [hbm4b:s29+s1], $0x8000, $0x38;
	[tilespmem:$0x10100] =	vst v63  }
0x132: {  	_ =	swait.ge [sflag:s8], $0x8000  }
0x133: {  	[sflag:s8] =	ssyncset.done $0x0  }
0x134: {  	[sflag:s8] =	ssyncadd.s32 $0xFFFF8000  }
0x135: {  	v3 =	vld [tilespmem:$0x80];
	_ =	sdelay $0x4  }
0x136: {  	v58 =	vshll.u32 v3, $0x3  }
0x137: {  	v3 =	vand.u32 $0x7, v3;
	v4 =	vand.u32 $0xFFFFFFC0, v58  }
0x138: {  	v3 =	vor.u32 v3, v4  }
0x139: {  	v4 =	vperm.xlane v3, v0;
	_ =	sdelay $0x1  }
0x13a: {  	v4 =	vadd.s32 v1, v4;
	_ =	sdelay $0x4  }
0x13b: {  	[hbm4b:s3+s1] =	stream.indirect_vreg.scatter [tilespmem:s26], [sflag:$0x2], $0x80, v4, vm0, $0xb8;
	[tilespmem:$0x10100] =	vst v63  }
0x13c: {  	v3 =	vperm.xlane v3, v2  }
0x13d: {  	[hbm4b:s4+s1] =	stream.indirect_vreg.scatter [tilespmem:s9], [sflag:$0x2], $0x80, v4, vm0, $0xb8;
	[tilespmem:$0x10100] =	vst v63  }
0x13e: {  	v3 =	vadd.s32 v1, v3  }
0x13f: {  	[hbm4b:s5+s1] =	stream.indirect_vreg.scatter [tilespmem:s0], [sflag:$0x2], $0x80, v4, vm0, $0xb8;
	[tilespmem:$0x10100] =	vst v63  }
0x140: {  	s29 =	simm.s32 $0x9900  }
0x141: {  	[hbm4b:s6+s1] =	stream.indirect_vreg.scatter [tilespmem:s29], [sflag:$0x2], $0x80, v4, vm0, $0xb8;
	[tilespmem:$0x10100] =	vst v63  }
0x142: {  	s25 =	simm.s32 $0xA100  }
0x143: {  	[hbm4b:s3+s1] =	stream.indirect_vreg.scatter [tilespmem:s25], [sflag:$0x2], $0x80, v3, vm0, $0xb8;
	[tilespmem:$0x10100] =	vst v63  }
0x144: {  	s28 =	simm.s32 $0xA900  }
0x145: {  	[hbm4b:s4+s1] =	stream.indirect_vreg.scatter [tilespmem:s28], [sflag:$0x2], $0x80, v3, vm0, $0xb8;
	[tilespmem:$0x10100] =	vst v63  }
0x146: {  	s31 =	simm.s32 $0xB100  }
0x147: {  	[hbm4b:s5+s1] =	stream.indirect_vreg.scatter [tilespmem:s31], [sflag:$0x2], $0x80, v3, vm0, $0xb8;
	[tilespmem:$0x10100] =	vst v63  }
0x148: {  	s31 =	simm.s32 $0xB900  }
0x149: {  	[hbm4b:s6+s1] =	stream.indirect_vreg.scatter [tilespmem:s31], [sflag:$0x2], $0x80, v3, vm0, $0xb8;
	[tilespmem:$0x10100] =	vst v63  }
0x14a: {  	v3 =	vld [tilespmem:$0x90];
	_ =	sdelay $0x4  }
0x14b: {  	v59 =	vshll.u32 v3, $0x3  }
0x14c: {  	v3 =	vand.u32 $0x7, v3;
	v4 =	vand.u32 $0xFFFFFFC0, v59  }
0x14d: {  	v3 =	vor.u32 v3, v4  }
0x14e: {  	v4 =	vperm.xlane v3, v0;
	_ =	sdelay $0x1  }
0x14f: {  	v4 =	vadd.s32 v1, v4;
	_ =	sdelay $0x3  }
0x150: {  	s31 =	simm.s32 $0xC100  }
0x151: {  	[hbm4b:s3+s1] =	stream.indirect_vreg.scatter [tilespmem:s31], [sflag:$0x2], $0x80, v4, vm0, $0xb8;
	[tilespmem:$0x10100] =	vst v63  }
0x152: {  	v3 =	vperm.xlane v3, v2;
	s31 =	simm.s32 $0xC900  }
0x153: {  	[hbm4b:s4+s1] =	stream.indirect_vreg.scatter [tilespmem:s31], [sflag:$0x2], $0x80, v4, vm0, $0xb8;
	[tilespmem:$0x10100] =	vst v63  }
0x154: {  	s18 =	simm.s32 $0xD100;
	v3 =	vadd.s32 v1, v3  }
0x155: {  	[hbm4b:s5+s1] =	stream.indirect_vreg.scatter [tilespmem:s18], [sflag:$0x2], $0x80, v4, vm0, $0xb8;
	[tilespmem:$0x10100] =	vst v63  }
0x156: {  	s21 =	simm.s32 $0xD900  }
0x157: {  	[hbm4b:s6+s1] =	stream.indirect_vreg.scatter [tilespmem:s21], [sflag:$0x2], $0x80, v4, vm0, $0xb8;
	[tilespmem:$0x10100] =	vst v63  }
0x158: {  	s24 =	simm.s32 $0xE100  }
0x159: {  	[hbm4b:s3+s1] =	stream.indirect_vreg.scatter [tilespmem:s24], [sflag:$0x2], $0x80, v3, vm0, $0xb8;
	[tilespmem:$0x10100] =	vst v63  }
0x15a: {  	s22 =	simm.s32 $0xE900  }
0x15b: {  	[hbm4b:s4+s1] =	stream.indirect_vreg.scatter [tilespmem:s22], [sflag:$0x2], $0x80, v3, vm0, $0xb8;
	[tilespmem:$0x10100] =	vst v63  }
0x15c: {  	s22 =	simm.s32 $0xF100  }
0x15d: {  	[hbm4b:s5+s1] =	stream.indirect_vreg.scatter [tilespmem:s22], [sflag:$0x2], $0x80, v3, vm0, $0xb8;
	[tilespmem:$0x10100] =	vst v63  }
0x15e: {  	s21 =	simm.s32 $0xF900  }
0x15f: {  	[hbm4b:s6+s1] =	stream.indirect_vreg.scatter [tilespmem:s21], [sflag:$0x2], $0x80, v3, vm0, $0xb8;
	[tilespmem:$0x10100] =	vst v63  }
0x160: {  	_ =	swait.ge [sflag:s19], $0x8000  }
0x161: {  	[sflag:s19] =	ssyncset.done $0x0  }
0x162: {  	s21 =	rddreg [dreg:$0xf];
	[sflag:s19] =	ssyncadd.s32 $0xFFFF8000  }
0x163: {  	[tilespmem:s1], [sflag:$0x3] =	stream.linear.gather [hbm4b:s21+s1], $0x20, $0x38;
	[tilespmem:$0x10100] =	vst v63  }
0x164: {  	_ =	swait.ge [sflag:s8], $0x20  }
0x165: {  	[sflag:s8] =	ssyncset.done $0x0  }
0x166: {  	s21 =	rddreg [dreg:$0x10];
	[sflag:s8] =	ssyncadd.s32 $0xFFFFFFE0  }
0x167: {  	[tilespmem:s30], [sflag:$0x3] =	stream.linear.gather [hbm4b:s21+s1], $0x8000, $0x38;
	[tilespmem:$0x10100] =	vst v63  }
0x168: {  	_ =	swait.ge [sflag:s8], $0x8000  }
0x169: {  	[sflag:s8] =	ssyncset.done $0x0  }
0x16a: {  	[sflag:s8] =	ssyncadd.s32 $0xFFFF8000  }
0x16b: {  	v3 =	vld [tilespmem:$0x0];
	_ =	sdelay $0x4  }
0x16c: {  	v60 =	vshll.u32 v3, $0x3  }
0x16d: {  	v3 =	vand.u32 $0x7, v3;
	v4 =	vand.u32 $0xFFFFFFC0, v60  }
0x16e: {  	v3 =	vor.u32 v3, v4  }
0x16f: {  	v4 =	vperm.xlane v3, v0;
	_ =	sdelay $0x1  }
0x170: {  	v4 =	vadd.s32 v1, v4;
	_ =	sdelay $0x4  }
0x171: {  	[hbm4b:s3+s1] =	stream.indirect_vreg.scatter [tilespmem:s30], [sflag:$0x1], $0x80, v4, vm0, $0xb8;
	[tilespmem:$0x10100] =	vst v63  }
0x172: {  	s21 =	simm.s32 $0x900;
	v3 =	vperm.xlane v3, v2  }
0x173: {  	[hbm4b:s4+s1] =	stream.indirect_vreg.scatter [tilespmem:s21], [sflag:$0x1], $0x80, v4, vm0, $0xb8;
	[tilespmem:$0x10100] =	vst v63  }
0x174: {  	v3 =	vadd.s32 v1, v3;
	s21 =	simm.s32 $0x1100  }
0x175: {  	[hbm4b:s5+s1] =	stream.indirect_vreg.scatter [tilespmem:s21], [sflag:$0x1], $0x80, v4, vm0, $0xb8;
	[tilespmem:$0x10100] =	vst v63  }
0x176: {  	s21 =	simm.s32 $0x1900  }
0x177: {  	[hbm4b:s6+s1] =	stream.indirect_vreg.scatter [tilespmem:s21], [sflag:$0x1], $0x80, v4, vm0, $0xb8;
	[tilespmem:$0x10100] =	vst v63  }
0x178: {  	s23 =	simm.s32 $0x2100  }
0x179: {  	[hbm4b:s3+s1] =	stream.indirect_vreg.scatter [tilespmem:s23], [sflag:$0x1], $0x80, v3, vm0, $0xb8;
	[tilespmem:$0x10100] =	vst v63  }
0x17a: {  	s10 =	simm.s32 $0x2900  }
0x17b: {  	[hbm4b:s4+s1] =	stream.indirect_vreg.scatter [tilespmem:s10], [sflag:$0x1], $0x80, v3, vm0, $0xb8;
	[tilespmem:$0x10100] =	vst v63  }
0x17c: {  	s11 =	simm.s32 $0x3100  }
0x17d: {  	[hbm4b:s5+s1] =	stream.indirect_vreg.scatter [tilespmem:s11], [sflag:$0x1], $0x80, v3, vm0, $0xb8;
	[tilespmem:$0x10100] =	vst v63  }
0x17e: {  	s21 =	simm.s32 $0x3900  }
0x17f: {  	[hbm4b:s6+s1] =	stream.indirect_vreg.scatter [tilespmem:s21], [sflag:$0x1], $0x80, v3, vm0, $0xb8;
	[tilespmem:$0x10100] =	vst v63  }
0x180: {  	v3 =	vld [tilespmem:$0x10];
	_ =	sdelay $0x4  }
0x181: {  	v61 =	vshll.u32 v3, $0x3  }
0x182: {  	v3 =	vand.u32 $0x7, v3;
	v4 =	vand.u32 $0xFFFFFFC0, v61  }
0x183: {  	v3 =	vor.u32 v3, v4  }
0x184: {  	v4 =	vperm.xlane v3, v0;
	_ =	sdelay $0x1  }
0x185: {  	v4 =	vadd.s32 v1, v4;
	_ =	sdelay $0x3  }
0x186: {  	s23 =	simm.s32 $0x4100  }
0x187: {  	[hbm4b:s3+s1] =	stream.indirect_vreg.scatter [tilespmem:s23], [sflag:$0x1], $0x80, v4, vm0, $0xb8;
	[tilespmem:$0x10100] =	vst v63  }
0x188: {  	s11 =	simm.s32 $0x4900;
	v3 =	vperm.xlane v3, v2  }
0x189: {  	[hbm4b:s4+s1] =	stream.indirect_vreg.scatter [tilespmem:s11], [sflag:$0x1], $0x80, v4, vm0, $0xb8;
	[tilespmem:$0x10100] =	vst v63  }
0x18a: {  	s12 =	simm.s32 $0x5100;
	v3 =	vadd.s32 v1, v3  }
0x18b: {  	[hbm4b:s5+s1] =	stream.indirect_vreg.scatter [tilespmem:s12], [sflag:$0x1], $0x80, v4, vm0, $0xb8;
	[tilespmem:$0x10100] =	vst v63  }
0x18c: {  	s13 =	simm.s32 $0x5900  }
0x18d: {  	[hbm4b:s6+s1] =	stream.indirect_vreg.scatter [tilespmem:s13], [sflag:$0x1], $0x80, v4, vm0, $0xb8;
	[tilespmem:$0x10100] =	vst v63  }
0x18e: {  	s14 =	simm.s32 $0x6100  }
0x18f: {  	[hbm4b:s3+s1] =	stream.indirect_vreg.scatter [tilespmem:s14], [sflag:$0x1], $0x80, v3, vm0, $0xb8;
	[tilespmem:$0x10100] =	vst v63  }
0x190: {  	s15 =	simm.s32 $0x6900  }
0x191: {  	[hbm4b:s4+s1] =	stream.indirect_vreg.scatter [tilespmem:s15], [sflag:$0x1], $0x80, v3, vm0, $0xb8;
	[tilespmem:$0x10100] =	vst v63  }
0x192: {  	s16 =	simm.s32 $0x7100  }
0x193: {  	[hbm4b:s5+s1] =	stream.indirect_vreg.scatter [tilespmem:s16], [sflag:$0x1], $0x80, v3, vm0, $0xb8;
	[tilespmem:$0x10100] =	vst v63  }
0x194: {  	s17 =	simm.s32 $0x7900  }
0x195: {  	[hbm4b:s6+s1] =	stream.indirect_vreg.scatter [tilespmem:s17], [sflag:$0x1], $0x80, v3, vm0, $0xb8;
	[tilespmem:$0x10100] =	vst v63  }
0x196: {  	_ =	swait.ge [sflag:s20], $0x8000  }
0x197: {  	[sflag:s20] =	ssyncset.done $0x0  }
0x198: {  	s2 =	simm.s32 $0x80;
	s16 =	rddreg [dreg:$0x11];
	[sflag:s20] =	ssyncadd.s32 $0xFFFF8000  }
0x199: {  	[tilespmem:s2], [sflag:$0x3] =	stream.linear.gather [hbm4b:s16+s1], $0x20, $0x38;
	[tilespmem:$0x10100] =	vst v63  }
0x19a: {  	_ =	swait.ge [sflag:s8], $0x20  }
0x19b: {  	[sflag:s8] =	ssyncset.done $0x0  }
0x19c: {  	s17 =	rddreg [dreg:$0x12];
	[sflag:s8] =	ssyncadd.s32 $0xFFFFFFE0  }
0x19d: {  	[tilespmem:s26], [sflag:$0x3] =	stream.linear.gather [hbm4b:s17+s1], $0x8000, $0x38;
	[tilespmem:$0x10100] =	vst v63  }
0x19e: {  	_ =	swait.ge [sflag:s8], $0x8000  }
0x19f: {  	[sflag:s8] =	ssyncset.done $0x0  }
0x1a0: {  	[sflag:s8] =	ssyncadd.s32 $0xFFFF8000  }
0x1a1: {  	v3 =	vld [tilespmem:$0x80];
	_ =	sdelay $0x4  }
0x1a2: {  	v62 =	vshll.u32 v3, $0x3  }
0x1a3: {  	v3 =	vand.u32 $0x7, v3;
	v4 =	vand.u32 $0xFFFFFFC0, v62  }
0x1a4: {  	v3 =	vor.u32 v3, v4  }
0x1a5: {  	v4 =	vperm.xlane v3, v0;
	_ =	sdelay $0x1  }
0x1a6: {  	v4 =	vadd.s32 v1, v4;
	_ =	sdelay $0x4  }
0x1a7: {  	[hbm4b:s3+s1] =	stream.indirect_vreg.scatter [tilespmem:s26], [sflag:$0x2], $0x80, v4, vm0, $0xb8;
	[tilespmem:$0x10100] =	vst v63  }
0x1a8: {  	s9 =	simm.s32 $0x8900;
	v3 =	vperm.xlane v3, v2  }
0x1a9: {  	[hbm4b:s4+s1] =	stream.indirect_vreg.scatter [tilespmem:s9], [sflag:$0x2], $0x80, v4, vm0, $0xb8;
	[tilespmem:$0x10100] =	vst v63  }
0x1aa: {  	s0 =	simm.s32 $0x9100;
	v3 =	vadd.s32 v1, v3  }
0x1ab: {  	[hbm4b:s5+s1] =	stream.indirect_vreg.scatter [tilespmem:s0], [sflag:$0x2], $0x80, v4, vm0, $0xb8;
	[tilespmem:$0x10100] =	vst v63  }
0x1ac: {  	s21 =	simm.s32 $0x9900  }
0x1ad: {  	[hbm4b:s6+s1] =	stream.indirect_vreg.scatter [tilespmem:s21], [sflag:$0x2], $0x80, v4, vm0, $0xb8;
	[tilespmem:$0x10100] =	vst v63  }
0x1ae: {  	s29 =	simm.s32 $0xA100  }
0x1af: {  	[hbm4b:s3+s1] =	stream.indirect_vreg.scatter [tilespmem:s29], [sflag:$0x2], $0x80, v3, vm0, $0xb8;
	[tilespmem:$0x10100] =	vst v63  }
0x1b0: {  	s25 =	simm.s32 $0xA900  }
0x1b1: {  	[hbm4b:s4+s1] =	stream.indirect_vreg.scatter [tilespmem:s25], [sflag:$0x2], $0x80, v3, vm0, $0xb8;
	[tilespmem:$0x10100] =	vst v63  }
0x1b2: {  	s28 =	simm.s32 $0xB100  }
0x1b3: {  	[hbm4b:s5+s1] =	stream.indirect_vreg.scatter [tilespmem:s28], [sflag:$0x2], $0x80, v3, vm0, $0xb8;
	[tilespmem:$0x10100] =	vst v63  }
0x1b4: {  	s23 =	simm.s32 $0xB900  }
0x1b5: {  	[hbm4b:s6+s1] =	stream.indirect_vreg.scatter [tilespmem:s23], [sflag:$0x2], $0x80, v3, vm0, $0xb8;
	[tilespmem:$0x10100] =	vst v63  }
0x1b6: {  	v3 =	vld [tilespmem:$0x90];
	_ =	sdelay $0x4  }
0x1b7: {  	v63 =	vshll.u32 v3, $0x3  }
0x1b8: {  	v3 =	vand.u32 $0x7, v3;
	v4 =	vand.u32 $0xFFFFFFC0, v63  }
0x1b9: {  	v3 =	vor.u32 v3, v4  }
0x1ba: {  	v4 =	vperm.xlane v3, v0;
	_ =	sdelay $0x1  }
0x1bb: {  	v4 =	vadd.s32 v1, v4;
	_ =	sdelay $0x3  }
0x1bc: {  	s25 =	simm.s32 $0xC100  }
0x1bd: {  	[hbm4b:s3+s1] =	stream.indirect_vreg.scatter [tilespmem:s25], [sflag:$0x2], $0x80, v4, vm0, $0xb8;
	[tilespmem:$0x10100] =	vst v63  }
0x1be: {  	s28 =	simm.s32 $0xC900;
	v3 =	vperm.xlane v3, v2  }
0x1bf: {  	[hbm4b:s4+s1] =	stream.indirect_vreg.scatter [tilespmem:s28], [sflag:$0x2], $0x80, v4, vm0, $0xb8;
	[tilespmem:$0x10100] =	vst v63  }
0x1c0: {  	s31 =	simm.s32 $0xD100;
	v3 =	vadd.s32 v1, v3  }
0x1c1: {  	[hbm4b:s5+s1] =	stream.indirect_vreg.scatter [tilespmem:s31], [sflag:$0x2], $0x80, v4, vm0, $0xb8;
	[tilespmem:$0x10100] =	vst v63  }
0x1c2: {  	s29 =	simm.s32 $0xD900  }
0x1c3: {  	[hbm4b:s6+s1] =	stream.indirect_vreg.scatter [tilespmem:s29], [sflag:$0x2], $0x80, v4, vm0, $0xb8;
	[tilespmem:$0x10100] =	vst v63  }
0x1c4: {  	s24 =	simm.s32 $0xE100  }
0x1c5: {  	[hbm4b:s3+s1] =	stream.indirect_vreg.scatter [tilespmem:s24], [sflag:$0x2], $0x80, v3, vm0, $0xb8;
	[tilespmem:$0x10100] =	vst v63  }
0x1c6: {  	s18 =	simm.s32 $0xE900  }
0x1c7: {  	[hbm4b:s4+s1] =	stream.indirect_vreg.scatter [tilespmem:s18], [sflag:$0x2], $0x80, v3, vm0, $0xb8;
	[tilespmem:$0x10100] =	vst v63  }
0x1c8: {  	s22 =	simm.s32 $0xF100  }
0x1c9: {  	[hbm4b:s5+s1] =	stream.indirect_vreg.scatter [tilespmem:s22], [sflag:$0x2], $0x80, v3, vm0, $0xb8;
	[tilespmem:$0x10100] =	vst v63  }
0x1ca: {  	s31 =	simm.s32 $0xF900  }
0x1cb: {  	[hbm4b:s6+s1] =	stream.indirect_vreg.scatter [tilespmem:s31], [sflag:$0x2], $0x80, v3, vm0, $0xb8;
	[tilespmem:$0x10100] =	vst v63  }
0x1cc: {  	p0 =	sne.s32 s7, $0x1;
	_ =	swait.ge [sflag:s19], $0x8000  }
.Ltmp0:
0x1cd: {  	[sflag:s19] =	ssyncset.done $0x0;
	(pc) =	sbr.rel @p0 .LBB2_1-.Ltmp0, $4  }
0x1ce: {  	[sflag:s19] =	ssyncadd.s32 $0xFFFF8000  }
0x1cf: {  	_ =	swait.ge [sflag:s20], $0x8000  }
0x1d0: {  	[sflag:s20] =	ssyncset.done $0x0  }
0x1d1: {  	s7 =	sadd.s32 $0xFFFFFFFF, s7;
	[sflag:s20] =	ssyncadd.s32 $0xFFFF8000  }
0x1d2: {  	_ =	sfence.sel $0x180000  }
0x1d3: {  	[bflag:$0x0] =	sbarrier.arrive $0xFFFF  }
0x1d4: {  	_ =	strace $0x90000047  }
0x1d5: {  	s0 =	stileid.u32;
	[bflag:$0x2] =	sbarrier.arrive $0xFFFF  }
0x1d6: {  	p0 =	sne.s32 s0, $0x0;
	s0 =	rddreg [dreg:$0x2]  }
0x1d7: {  	s0 =	sadd.s32 @!p0 $0x100000, s0  }
0x1d8: {  	[sflag:s0] =	ssyncadd.tile.s32 @!p0 $0x1;
	_ =	shalt  }
.Lfunc_end2:
_tile_overlayer_lowered:
.L_overlay_start_2:
0x1d9: {  	(tag) =	ssettag $0x2  }
0x1da: {  	s0 =	rddreg [dreg:$0x0];
	s2 =	stileid.u32  }
0x1db: {  	s1 =	rddreg [dreg:$0x1];
	p0 =	sne.s32 s2, $0x0  }
0x1dc: {  	s3 =	rddreg [dreg:$0x2];
	[bflag:$0x3] =	sbarrier.arrive $0xFFFF;
	s2 =	simm.s32 @!p0 $0x1C03  }
0x1dd: {  	[timem:s3], [sflag:s2] =	dma.local @!p0 [hbm:s0], s1  }
0x1de: {  	s0 =	simm.s32 @!p0 $0x3  }
0x1df: {  	_ =	swait.ge @!p0 [sflag:s0], s1  }
0x1e0: {  	s1 =	ssub.s32 @!p0 $0x0, s1;
	[sflag:s0] =	ssyncset.done @!p0 $0x0  }
0x1e1: {  	[sflag:s0] =	ssyncadd.s32 @!p0 s1  }
0x1e2: {  	[bflag:$0x3] =	sbarrier.arrive $0xFFFF  }
0x1e3: {  	_ =	shalt  }

</sc_bundles>
